<compile_context>
chip_gen: v7x
topology: tpu7x:2x2x1
jax: 0.10.2.dev20260603
libtpu: 0.0.44.dev20260713+nightly
codegen_flags: <defaults>
</compile_context>

<pallas_src>
import jax
import jax.numpy as jnp
from jax import lax
from jax.experimental import pallas as pl
from jax.experimental.pallas import tpu as pltpu
from jax.experimental.pallas import tpu_sc as plsc

_NC = 2
_NS = 16
_NW = _NC * _NS
_L = 16

_W = 1024
_RPW = 1024 // _NW
_CR = 8
_KPW = _RPW // _CR
_NIN = 3
_NOUT = 2

_SRC = ((2, 0), (1, 3), (2, 2), (2, 1), (1, 2), (0, 1), (1, 0), (0, 0), (1, 1))

_CHUNKS = tuple(
    (a, r, i, k)
    for i, (a, r) in enumerate(_SRC)
    for k in range(_KPW)
)


def _sc_body(x1_hbm, x2_hbm, x3_hbm, out_hbm, *scratch):
    ins = scratch[:_NIN]
    outs = scratch[_NIN:_NIN + _NOUT]
    isems = scratch[_NIN + _NOUT:2 * _NIN + _NOUT]
    osems = scratch[2 * _NIN + _NOUT:2 * _NIN + 2 * _NOUT]
    c = lax.axis_index("c")
    s = lax.axis_index("s")
    wid = s * _NC + c
    row0 = wid * _RPW
    srcs = (x1_hbm, x2_hbm, x3_hbm)
    n = len(_CHUNKS)

    def in_desc(t):
        a, r, _, k = _CHUNKS[t]
        b = t % _NIN
        return pltpu.make_async_copy(
            srcs[a].at[r, :, pl.ds(row0 + k * _CR, _CR), :], ins[b], isems[b])

    def out_desc(t):
        _, _, i, k = _CHUNKS[t]
        b = t % _NOUT
        return pltpu.make_async_copy(
            outs[b], out_hbm.at[i, :, pl.ds(row0 + k * _CR, _CR), :], osems[b])

    for t in range(_NIN):
        in_desc(t).start()
    for t in range(n):
        bi = t % _NIN
        bo = t % _NOUT
        in_desc(t).wait()
        if t >= _NOUT:
            out_desc(t - _NOUT).wait()

        @plsc.parallel_loop(0, 3 * _CR * (_W // _L), unroll=8)
        def _(j):
            ch2 = j >> 9
            i2 = (j >> 6) & (_CR - 1)
            jj = (j & 63) * _L
            v = ins[bi][ch2, i2, pl.ds(jj, _L)]
            outs[bo][ch2, i2, pl.ds(jj, _L)] = v * v

        out_desc(t).start()
        if t + _NIN < n:
            in_desc(t + _NIN).start()
    for t in range(n - _NOUT, n):
        out_desc(t).wait()


def kernel(x1, x2, x3):
    mesh = plsc.VectorSubcoreMesh(
        core_axis_name="c", subcore_axis_name="s",
        num_cores=_NC, num_subcores=_NS)
    f = pl.kernel(
        _sc_body,
        out_type=jax.ShapeDtypeStruct((9, 3, 1024, 1024), jnp.float32),
        mesh=mesh,
        scratch_types=(
            [pltpu.VMEM((3, _CR, _W), jnp.float32)] * (_NIN + _NOUT)
            + [pltpu.SemaphoreType.DMA] * (_NIN + _NOUT)
        ),
    )
    return f(x1, x2, x3)

# --- scband reference (transcript-rebuilt; emitter-appended) ---
"""Pipeline reference for scband-model-39676907883741 (READ-ONLY COPY).

The authoritative reference and input builder live on the scoring server;
editing this copy changes nothing except your own understanding.
"""

import jax, jax.numpy as jnp
import numpy as np


def setup_inputs(seed: int = 0) -> dict:
    key = jax.random.key(seed)
    k1, k2, k3 = jax.random.split(key, 3)
    x1 = jax.random.normal(k1, (2, 3, 1024, 1024), dtype=jnp.float32)
    x2 = jax.random.normal(k2, (4, 3, 1024, 1024), dtype=jnp.float32)
    x3 = jax.random.normal(k3, (3, 3, 1024, 1024), dtype=jnp.float32)
    return {"x1": x1, "x2": x2, "x3": x3}


def reference(x1, x2, x3):
    # t1 = torch.cat([x1, x2, x3], dim=0)
    t1 = jnp.concatenate([x1, x2, x3], axis=0)
    # t2/t3/t4 in the original torch code are dead (and t3's 5-index slice on a
    # 4-D tensor is invalid torch); the output-producing path is:
    # in-place loop `out[x] *= t1[x]` with out aliasing t1 -> elementwise square of t1
    t1 = t1 * t1
    # out = torch.index_select(t1, dim=0, index=p) on the (mutated) t1
    p = jnp.array([6, 5, 8, 7, 4, 1, 2, 0, 3], dtype=jnp.int32)
    out = jnp.take(t1, p, axis=0)
    return out

if __name__ == "__main__":
    import jax
    _d = setup_inputs()
    print(jax.jit(kernel)(*tuple(_d.values())))

</pallas_src>

<mosaic_0001>
#map = affine_map<(d0, d1) -> (0, 0, 0, 0)>
module attributes {stable_mosaic.version = 14 : i64} {
  func.func @_sc_body(%arg0: i32, %arg1: i32, %arg2: memref<2x3x1024x1024xf32, #tpu.memory_space<hbm>>, %arg3: memref<4x3x1024x1024xf32, #tpu.memory_space<hbm>>, %arg4: memref<3x3x1024x1024xf32, #tpu.memory_space<hbm>>, %arg5: memref<9x3x1024x1024xf32, #tpu.memory_space<hbm>>, %arg6: memref<3x8x1024xf32, #tpu.memory_space<vmem>>, %arg7: memref<3x8x1024xf32, #tpu.memory_space<vmem>>, %arg8: memref<3x8x1024xf32, #tpu.memory_space<vmem>>, %arg9: memref<3x8x1024xf32, #tpu.memory_space<vmem>>, %arg10: memref<3x8x1024xf32, #tpu.memory_space<vmem>>, %arg11: memref<!tpu.dma_semaphore, #tpu.memory_space<semaphore_mem>>, %arg12: memref<!tpu.dma_semaphore, #tpu.memory_space<semaphore_mem>>, %arg13: memref<!tpu.dma_semaphore, #tpu.memory_space<semaphore_mem>>, %arg14: memref<!tpu.dma_semaphore, #tpu.memory_space<semaphore_mem>>, %arg15: memref<!tpu.dma_semaphore, #tpu.memory_space<semaphore_mem>>) attributes {dimension_semantics = [#tpu.dimension_semantics<core_parallel>, #tpu.dimension_semantics<subcore_parallel>], iteration_bounds = array<i64: 2, 16>, scalar_prefetch = 0 : i64, scratch_operands = 10 : i64, tpu.core_type = #tpu.core_type<sc_vector_subcore>, window_params = [{transform_indices = #map}, {transform_indices = #map}, {transform_indices = #map}, {transform_indices = #map}]} {
    %mul3A = arith.constant 2 : i32
    %mul3A_0 = arith.muli %arg1, %mul3A : i32
    %add3A = arith.addi %mul3A_0, %arg0 : i32
    %mul3A_1 = arith.constant 32 : i32
    %mul3A_2 = arith.muli %add3A, %mul3A_1 : i32
    %add3A_3 = arith.constant 0 : i32
    %add3A_4 = arith.addi %mul3A_2, %add3A_3 : i32
    %dma_start3A = arith.constant 0 : i32
    %dma_start3A_5 = arith.constant 0 : i32
    %dma_start3A_6 = arith.constant 0 : i32
    %dma_start3A_7 = tpu.memref_slice %arg4[%dma_start3A, %dma_start3A_5, %add3A_4, %dma_start3A_6] : memref<3x3x1024x1024xf32, #tpu.memory_space<hbm>> -> memref<1x3x8x1024xf32, #tpu.memory_space<hbm>>
    %dma_start3A_8 = tpu.memref_squeeze %dma_start3A_7 : memref<1x3x8x1024xf32, #tpu.memory_space<hbm>> -> memref<3x8x1024xf32, #tpu.memory_space<hbm>>
    %dma_start3A_9 = arith.constant 0 : i32
    %dma_start3A_10 = arith.constant 0 : i32
    %dma_start3A_11 = tpu.memref_slice %arg4[%dma_start3A, %dma_start3A_9, %add3A_4, %dma_start3A_10] : memref<3x3x1024x1024xf32, #tpu.memory_space<hbm>> -> memref<1x3x8x1024xf32, #tpu.memory_space<hbm>>
    %dma_start3A_12 = tpu.memref_squeeze %dma_start3A_11 : memref<1x3x8x1024xf32, #tpu.memory_space<hbm>> -> memref<3x8x1024xf32, #tpu.memory_space<hbm>>
    tpu.enqueue_dma source(%dma_start3A_12 : memref<3x8x1024xf32, #tpu.memory_space<hbm>>) target(%arg6 : memref<3x8x1024xf32, #tpu.memory_space<vmem>>) target_semaphore(%arg11 : memref<!tpu.dma_semaphore, #tpu.memory_space<semaphore_mem>>)
    %add3A_13 = arith.constant 8 : i32
    %add3A_14 = arith.addi %mul3A_2, %add3A_13 : i32
    %dma_start3A_15 = arith.constant 0 : i32
    %dma_start3A_16 = arith.constant 0 : i32
    %dma_start3A_17 = arith.constant 0 : i32
    %dma_start3A_18 = tpu.memref_slice %arg4[%dma_start3A_15, %dma_start3A_16, %add3A_14, %dma_start3A_17] : memref<3x3x1024x1024xf32, #tpu.memory_space<hbm>> -> memref<1x3x8x1024xf32, #tpu.memory_space<hbm>>
    %dma_start3A_19 = tpu.memref_squeeze %dma_start3A_18 : memref<1x3x8x1024xf32, #tpu.memory_space<hbm>> -> memref<3x8x1024xf32, #tpu.memory_space<hbm>>
    %dma_start3A_20 = arith.constant 0 : i32
    %dma_start3A_21 = arith.constant 0 : i32
    %dma_start3A_22 = tpu.memref_slice %arg4[%dma_start3A_15, %dma_start3A_20, %add3A_14, %dma_start3A_21] : memref<3x3x1024x1024xf32, #tpu.memory_space<hbm>> -> memref<1x3x8x1024xf32, #tpu.memory_space<hbm>>
    %dma_start3A_23 = tpu.memref_squeeze %dma_start3A_22 : memref<1x3x8x1024xf32, #tpu.memory_space<hbm>> -> memref<3x8x1024xf32, #tpu.memory_space<hbm>>
    tpu.enqueue_dma source(%dma_start3A_23 : memref<3x8x1024xf32, #tpu.memory_space<hbm>>) target(%arg7 : memref<3x8x1024xf32, #tpu.memory_space<vmem>>) target_semaphore(%arg12 : memref<!tpu.dma_semaphore, #tpu.memory_space<semaphore_mem>>)
    %add3A_24 = arith.constant 16 : i32
    %add3A_25 = arith.addi %mul3A_2, %add3A_24 : i32
    %dma_start3A_26 = arith.constant 0 : i32
    %dma_start3A_27 = arith.constant 0 : i32
    %dma_start3A_28 = arith.constant 0 : i32
    %dma_start3A_29 = tpu.memref_slice %arg4[%dma_start3A_26, %dma_start3A_27, %add3A_25, %dma_start3A_28] : memref<3x3x1024x1024xf32, #tpu.memory_space<hbm>> -> memref<1x3x8x1024xf32, #tpu.memory_space<hbm>>
    %dma_start3A_30 = tpu.memref_squeeze %dma_start3A_29 : memref<1x3x8x1024xf32, #tpu.memory_space<hbm>> -> memref<3x8x1024xf32, #tpu.memory_space<hbm>>
    %dma_start3A_31 = arith.constant 0 : i32
    %dma_start3A_32 = arith.constant 0 : i32
    %dma_start3A_33 = tpu.memref_slice %arg4[%dma_start3A_26, %dma_start3A_31, %add3A_25, %dma_start3A_32] : memref<3x3x1024x1024xf32, #tpu.memory_space<hbm>> -> memref<1x3x8x1024xf32, #tpu.memory_space<hbm>>
    %dma_start3A_34 = tpu.memref_squeeze %dma_start3A_33 : memref<1x3x8x1024xf32, #tpu.memory_space<hbm>> -> memref<3x8x1024xf32, #tpu.memory_space<hbm>>
    tpu.enqueue_dma source(%dma_start3A_34 : memref<3x8x1024xf32, #tpu.memory_space<hbm>>) target(%arg8 : memref<3x8x1024xf32, #tpu.memory_space<vmem>>) target_semaphore(%arg13 : memref<!tpu.dma_semaphore, #tpu.memory_space<semaphore_mem>>)
    %add3A_35 = arith.constant 0 : i32
    %add3A_36 = arith.addi %mul3A_2, %add3A_35 : i32
    %dma_wait3A = arith.constant 0 : i32
    %dma_wait3A_37 = arith.constant 0 : i32
    %dma_wait3A_38 = arith.constant 0 : i32
    %dma_wait3A_39 = tpu.memref_slice %arg4[%dma_wait3A, %dma_wait3A_37, %add3A_36, %dma_wait3A_38] : memref<3x3x1024x1024xf32, #tpu.memory_space<hbm>> -> memref<1x3x8x1024xf32, #tpu.memory_space<hbm>>
    %dma_wait3A_40 = tpu.memref_squeeze %dma_wait3A_39 : memref<1x3x8x1024xf32, #tpu.memory_space<hbm>> -> memref<3x8x1024xf32, #tpu.memory_space<hbm>>
    %dma_wait3A_41 = arith.constant 0 : i32
    %dma_wait3A_42 = arith.constant 0 : i32
    %dma_wait3A_43 = tpu.memref_slice %arg4[%dma_wait3A, %dma_wait3A_41, %add3A_36, %dma_wait3A_42] : memref<3x3x1024x1024xf32, #tpu.memory_space<hbm>> -> memref<1x3x8x1024xf32, #tpu.memory_space<hbm>>
    %dma_wait3A_44 = tpu.memref_squeeze %dma_wait3A_43 : memref<1x3x8x1024xf32, #tpu.memory_space<hbm>> -> memref<3x8x1024xf32, #tpu.memory_space<hbm>>
    tpu.wait_dma2 semaphore(%arg11 : memref<!tpu.dma_semaphore, #tpu.memory_space<semaphore_mem>>) src(%dma_wait3A_44 : memref<3x8x1024xf32, #tpu.memory_space<hbm>>) dst(%arg6 : memref<3x8x1024xf32, #tpu.memory_space<vmem>>)
    %parallel_loop3A = arith.constant 0 : i32
    %parallel_loop3A_45 = arith.constant 1536 : i32
    %parallel_loop3A_46 = arith.constant 1 : i32
    scf.for %parallel_loop3A_1692 = %parallel_loop3A to %parallel_loop3A_45 step %parallel_loop3A_46  : i32 {
      %parallel_loop3A_1693 = arith.constant 9 : i32
      %parallel_loop3A_1694 = arith.shrsi %parallel_loop3A_1692, %parallel_loop3A_1693 : i32
      %parallel_loop3A_1695 = arith.constant 6 : i32
      %parallel_loop3A_1696 = arith.shrsi %parallel_loop3A_1692, %parallel_loop3A_1695 : i32
      %parallel_loop3A_1697 = arith.constant 7 : i32
      %parallel_loop3A_1698 = arith.andi %parallel_loop3A_1696, %parallel_loop3A_1697 : i32
      %parallel_loop3A_1699 = arith.constant 63 : i32
      %parallel_loop3A_1700 = arith.andi %parallel_loop3A_1692, %parallel_loop3A_1699 : i32
      %parallel_loop3A_1701 = arith.constant 16 : i32
      %parallel_loop3A_1702 = arith.muli %parallel_loop3A_1700, %parallel_loop3A_1701 : i32
      %parallel_loop3A_1703 = arith.index_cast %parallel_loop3A_1694 : i32 to index
      %parallel_loop3A_1704 = arith.index_cast %parallel_loop3A_1698 : i32 to index
      %parallel_loop3A_1705 = arith.index_cast %parallel_loop3A_1702 : i32 to index
      %parallel_loop3A_1706 = tpu.vector_load %arg6[%parallel_loop3A_1703, %parallel_loop3A_1704, %parallel_loop3A_1705] {strides = array<i32>} : memref<3x8x1024xf32, #tpu.memory_space<vmem>>, vector<1x1x16xf32>,
      %parallel_loop3A_1707 = vector.shape_cast %parallel_loop3A_1706 : vector<1x1x16xf32> to vector<16xf32>
      %parallel_loop3A_1708 = arith.mulf %parallel_loop3A_1707, %parallel_loop3A_1707 : vector<16xf32>
      %parallel_loop3A_1709 = arith.index_cast %parallel_loop3A_1694 : i32 to index
      %parallel_loop3A_1710 = arith.index_cast %parallel_loop3A_1698 : i32 to index
      %parallel_loop3A_1711 = arith.index_cast %parallel_loop3A_1702 : i32 to index
      %parallel_loop3A_1712 = tpu.vector_load %arg9[%parallel_loop3A_1709, %parallel_loop3A_1710, %parallel_loop3A_1711] {strides = array<i32>} : memref<3x8x1024xf32, #tpu.memory_space<vmem>>, vector<1x1x16xf32>,
      %parallel_loop3A_1713 = vector.shape_cast %parallel_loop3A_1712 : vector<1x1x16xf32> to vector<16xf32>
      %parallel_loop3A_1714 = vector.shape_cast %parallel_loop3A_1708 : vector<16xf32> to vector<1x1x16xf32>
      tpu.vector_store %arg9[%parallel_loop3A_1709, %parallel_loop3A_1710, %parallel_loop3A_1711], %parallel_loop3A_1714 {strides = array<i32>} : memref<3x8x1024xf32, #tpu.memory_space<vmem>>, vector<1x1x16xf32>,
    } {sc.loop_unroll_factor = 8 : i64, sc.parallel_access}
    %add3A_47 = arith.constant 0 : i32
    %add3A_48 = arith.addi %mul3A_2, %add3A_47 : i32
    %dma_start3A_49 = arith.constant 0 : i32
    %dma_start3A_50 = arith.constant 0 : i32
    %dma_start3A_51 = arith.constant 0 : i32
    %dma_start3A_52 = tpu.memref_slice %arg5[%dma_start3A_49, %dma_start3A_50, %add3A_48, %dma_start3A_51] : memref<9x3x1024x1024xf32, #tpu.memory_space<hbm>> -> memref<1x3x8x1024xf32, #tpu.memory_space<hbm>>
    %dma_start3A_53 = tpu.memref_squeeze %dma_start3A_52 : memref<1x3x8x1024xf32, #tpu.memory_space<hbm>> -> memref<3x8x1024xf32, #tpu.memory_space<hbm>>
    %dma_start3A_54 = arith.constant 0 : i32
    %dma_start3A_55 = arith.constant 0 : i32
    %dma_start3A_56 = tpu.memref_slice %arg5[%dma_start3A_49, %dma_start3A_54, %add3A_48, %dma_start3A_55] : memref<9x3x1024x1024xf32, #tpu.memory_space<hbm>> -> memref<1x3x8x1024xf32, #tpu.memory_space<hbm>>
    %dma_start3A_57 = tpu.memref_squeeze %dma_start3A_56 : memref<1x3x8x1024xf32, #tpu.memory_space<hbm>> -> memref<3x8x1024xf32, #tpu.memory_space<hbm>>
    tpu.enqueue_dma source(%arg9 : memref<3x8x1024xf32, #tpu.memory_space<vmem>>) target(%dma_start3A_57 : memref<3x8x1024xf32, #tpu.memory_space<hbm>>) target_semaphore(%arg14 : memref<!tpu.dma_semaphore, #tpu.memory_space<semaphore_mem>>)
    %add3A_58 = arith.constant 24 : i32
    %add3A_59 = arith.addi %mul3A_2, %add3A_58 : i32
    %dma_start3A_60 = arith.constant 0 : i32
    %dma_start3A_61 = arith.constant 0 : i32
    %dma_start3A_62 = arith.constant 0 : i32
    %dma_start3A_63 = tpu.memref_slice %arg4[%dma_start3A_60, %dma_start3A_61, %add3A_59, %dma_start3A_62] : memref<3x3x1024x1024xf32, #tpu.memory_space<hbm>> -> memref<1x3x8x1024xf32, #tpu.memory_space<hbm>>
    %dma_start3A_64 = tpu.memref_squeeze %dma_start3A_63 : memref<1x3x8x1024xf32, #tpu.memory_space<hbm>> -> memref<3x8x1024xf32, #tpu.memory_space<hbm>>
    %dma_start3A_65 = arith.constant 0 : i32
    %dma_start3A_66 = arith.constant 0 : i32
    %dma_start3A_67 = tpu.memref_slice %arg4[%dma_start3A_60, %dma_start3A_65, %add3A_59, %dma_start3A_66] : memref<3x3x1024x1024xf32, #tpu.memory_space<hbm>> -> memref<1x3x8x1024xf32, #tpu.memory_space<hbm>>
    %dma_start3A_68 = tpu.memref_squeeze %dma_start3A_67 : memref<1x3x8x1024xf32, #tpu.memory_space<hbm>> -> memref<3x8x1024xf32, #tpu.memory_space<hbm>>
    tpu.enqueue_dma source(%dma_start3A_68 : memref<3x8x1024xf32, #tpu.memory_space<hbm>>) target(%arg6 : memref<3x8x1024xf32, #tpu.memory_space<vmem>>) target_semaphore(%arg11 : memref<!tpu.dma_semaphore, #tpu.memory_space<semaphore_mem>>)
    %add3A_69 = arith.constant 8 : i32
    %add3A_70 = arith.addi %mul3A_2, %add3A_69 : i32
    %dma_wait3A_71 = arith.constant 0 : i32
    %dma_wait3A_72 = arith.constant 0 : i32
    %dma_wait3A_73 = arith.constant 0 : i32
    %dma_wait3A_74 = tpu.memref_slice %arg4[%dma_wait3A_71, %dma_wait3A_72, %add3A_70, %dma_wait3A_73] : memref<3x3x1024x1024xf32, #tpu.memory_space<hbm>> -> memref<1x3x8x1024xf32, #tpu.memory_space<hbm>>
    %dma_wait3A_75 = tpu.memref_squeeze %dma_wait3A_74 : memref<1x3x8x1024xf32, #tpu.memory_space<hbm>> -> memref<3x8x1024xf32, #tpu.memory_space<hbm>>
    %dma_wait3A_76 = arith.constant 0 : i32
    %dma_wait3A_77 = arith.constant 0 : i32
    %dma_wait3A_78 = tpu.memref_slice %arg4[%dma_wait3A_71, %dma_wait3A_76, %add3A_70, %dma_wait3A_77] : memref<3x3x1024x1024xf32, #tpu.memory_space<hbm>> -> memref<1x3x8x1024xf32, #tpu.memory_space<hbm>>
    %dma_wait3A_79 = tpu.memref_squeeze %dma_wait3A_78 : memref<1x3x8x1024xf32, #tpu.memory_space<hbm>> -> memref<3x8x1024xf32, #tpu.memory_space<hbm>>
    tpu.wait_dma2 semaphore(%arg12 : memref<!tpu.dma_semaphore, #tpu.memory_space<semaphore_mem>>) src(%dma_wait3A_79 : memref<3x8x1024xf32, #tpu.memory_space<hbm>>) dst(%arg7 : memref<3x8x1024xf32, #tpu.memory_space<vmem>>)
    %parallel_loop3A_80 = arith.constant 0 : i32
    %parallel_loop3A_81 = arith.constant 1536 : i32
    %parallel_loop3A_82 = arith.constant 1 : i32
    scf.for %parallel_loop3A_1692 = %parallel_loop3A_80 to %parallel_loop3A_81 step %parallel_loop3A_82  : i32 {
      %parallel_loop3A_1693 = arith.constant 9 : i32
      %parallel_loop3A_1694 = arith.shrsi %parallel_loop3A_1692, %parallel_loop3A_1693 : i32
      %parallel_loop3A_1695 = arith.constant 6 : i32
      %parallel_loop3A_1696 = arith.shrsi %parallel_loop3A_1692, %parallel_loop3A_1695 : i32
      %parallel_loop3A_1697 = arith.constant 7 : i32
      %parallel_loop3A_1698 = arith.andi %parallel_loop3A_1696, %parallel_loop3A_1697 : i32
      %parallel_loop3A_1699 = arith.constant 63 : i32
      %parallel_loop3A_1700 = arith.andi %parallel_loop3A_1692, %parallel_loop3A_1699 : i32
      %parallel_loop3A_1701 = arith.constant 16 : i32
      %parallel_loop3A_1702 = arith.muli %parallel_loop3A_1700, %parallel_loop3A_1701 : i32
      %parallel_loop3A_1703 = arith.index_cast %parallel_loop3A_1694 : i32 to index
      %parallel_loop3A_1704 = arith.index_cast %parallel_loop3A_1698 : i32 to index
      %parallel_loop3A_1705 = arith.index_cast %parallel_loop3A_1702 : i32 to index
      %parallel_loop3A_1706 = tpu.vector_load %arg7[%parallel_loop3A_1703, %parallel_loop3A_1704, %parallel_loop3A_1705] {strides = array<i32>} : memref<3x8x1024xf32, #tpu.memory_space<vmem>>, vector<1x1x16xf32>,
      %parallel_loop3A_1707 = vector.shape_cast %parallel_loop3A_1706 : vector<1x1x16xf32> to vector<16xf32>
      %parallel_loop3A_1708 = arith.mulf %parallel_loop3A_1707, %parallel_loop3A_1707 : vector<16xf32>
      %parallel_loop3A_1709 = arith.index_cast %parallel_loop3A_1694 : i32 to index
      %parallel_loop3A_1710 = arith.index_cast %parallel_loop3A_1698 : i32 to index
      %parallel_loop3A_1711 = arith.index_cast %parallel_loop3A_1702 : i32 to index
      %parallel_loop3A_1712 = tpu.vector_load %arg10[%parallel_loop3A_1709, %parallel_loop3A_1710, %parallel_loop3A_1711] {strides = array<i32>} : memref<3x8x1024xf32, #tpu.memory_space<vmem>>, vector<1x1x16xf32>,
      %parallel_loop3A_1713 = vector.shape_cast %parallel_loop3A_1712 : vector<1x1x16xf32> to vector<16xf32>
      %parallel_loop3A_1714 = vector.shape_cast %parallel_loop3A_1708 : vector<16xf32> to vector<1x1x16xf32>
      tpu.vector_store %arg10[%parallel_loop3A_1709, %parallel_loop3A_1710, %parallel_loop3A_1711], %parallel_loop3A_1714 {strides = array<i32>} : memref<3x8x1024xf32, #tpu.memory_space<vmem>>, vector<1x1x16xf32>,
    } {sc.loop_unroll_factor = 8 : i64, sc.parallel_access}
    %add3A_83 = arith.constant 8 : i32
    %add3A_84 = arith.addi %mul3A_2, %add3A_83 : i32
    %dma_start3A_85 = arith.constant 0 : i32
    %dma_start3A_86 = arith.constant 0 : i32
    %dma_start3A_87 = arith.constant 0 : i32
    %dma_start3A_88 = tpu.memref_slice %arg5[%dma_start3A_85, %dma_start3A_86, %add3A_84, %dma_start3A_87] : memref<9x3x1024x1024xf32, #tpu.memory_space<hbm>> -> memref<1x3x8x1024xf32, #tpu.memory_space<hbm>>
    %dma_start3A_89 = tpu.memref_squeeze %dma_start3A_88 : memref<1x3x8x1024xf32, #tpu.memory_space<hbm>> -> memref<3x8x1024xf32, #tpu.memory_space<hbm>>
    %dma_start3A_90 = arith.constant 0 : i32
    %dma_start3A_91 = arith.constant 0 : i32
    %dma_start3A_92 = tpu.memref_slice %arg5[%dma_start3A_85, %dma_start3A_90, %add3A_84, %dma_start3A_91] : memref<9x3x1024x1024xf32, #tpu.memory_space<hbm>> -> memref<1x3x8x1024xf32, #tpu.memory_space<hbm>>
    %dma_start3A_93 = tpu.memref_squeeze %dma_start3A_92 : memref<1x3x8x1024xf32, #tpu.memory_space<hbm>> -> memref<3x8x1024xf32, #tpu.memory_space<hbm>>
    tpu.enqueue_dma source(%arg10 : memref<3x8x1024xf32, #tpu.memory_space<vmem>>) target(%dma_start3A_93 : memref<3x8x1024xf32, #tpu.memory_space<hbm>>) target_semaphore(%arg15 : memref<!tpu.dma_semaphore, #tpu.memory_space<semaphore_mem>>)
    %add3A_94 = arith.constant 0 : i32
    %add3A_95 = arith.addi %mul3A_2, %add3A_94 : i32
    %dma_start3A_96 = arith.constant 3 : i32
    %dma_start3A_97 = arith.constant 0 : i32
    %dma_start3A_98 = arith.constant 0 : i32
    %dma_start3A_99 = tpu.memref_slice %arg3[%dma_start3A_96, %dma_start3A_97, %add3A_95, %dma_start3A_98] : memref<4x3x1024x1024xf32, #tpu.memory_space<hbm>> -> memref<1x3x8x1024xf32, #tpu.memory_space<hbm>>
    %dma_start3A_100 = tpu.memref_squeeze %dma_start3A_99 : memref<1x3x8x1024xf32, #tpu.memory_space<hbm>> -> memref<3x8x1024xf32, #tpu.memory_space<hbm>>
    %dma_start3A_101 = arith.constant 0 : i32
    %dma_start3A_102 = arith.constant 0 : i32
    %dma_start3A_103 = tpu.memref_slice %arg3[%dma_start3A_96, %dma_start3A_101, %add3A_95, %dma_start3A_102] : memref<4x3x1024x1024xf32, #tpu.memory_space<hbm>> -> memref<1x3x8x1024xf32, #tpu.memory_space<hbm>>
    %dma_start3A_104 = tpu.memref_squeeze %dma_start3A_103 : memref<1x3x8x1024xf32, #tpu.memory_space<hbm>> -> memref<3x8x1024xf32, #tpu.memory_space<hbm>>
    tpu.enqueue_dma source(%dma_start3A_104 : memref<3x8x1024xf32, #tpu.memory_space<hbm>>) target(%arg7 : memref<3x8x1024xf32, #tpu.memory_space<vmem>>) target_semaphore(%arg12 : memref<!tpu.dma_semaphore, #tpu.memory_space<semaphore_mem>>)
    %add3A_105 = arith.constant 16 : i32
    %add3A_106 = arith.addi %mul3A_2, %add3A_105 : i32
    %dma_wait3A_107 = arith.constant 0 : i32
    %dma_wait3A_108 = arith.constant 0 : i32
    %dma_wait3A_109 = arith.constant 0 : i32
    %dma_wait3A_110 = tpu.memref_slice %arg4[%dma_wait3A_107, %dma_wait3A_108, %add3A_106, %dma_wait3A_109] : memref<3x3x1024x1024xf32, #tpu.memory_space<hbm>> -> memref<1x3x8x1024xf32, #tpu.memory_space<hbm>>
    %dma_wait3A_111 = tpu.memref_squeeze %dma_wait3A_110 : memref<1x3x8x1024xf32, #tpu.memory_space<hbm>> -> memref<3x8x1024xf32, #tpu.memory_space<hbm>>
    %dma_wait3A_112 = arith.constant 0 : i32
    %dma_wait3A_113 = arith.constant 0 : i32
    %dma_wait3A_114 = tpu.memref_slice %arg4[%dma_wait3A_107, %dma_wait3A_112, %add3A_106, %dma_wait3A_113] : memref<3x3x1024x1024xf32, #tpu.memory_space<hbm>> -> memref<1x3x8x1024xf32, #tpu.memory_space<hbm>>
    %dma_wait3A_115 = tpu.memref_squeeze %dma_wait3A_114 : memref<1x3x8x1024xf32, #tpu.memory_space<hbm>> -> memref<3x8x1024xf32, #tpu.memory_space<hbm>>
    tpu.wait_dma2 semaphore(%arg13 : memref<!tpu.dma_semaphore, #tpu.memory_space<semaphore_mem>>) src(%dma_wait3A_115 : memref<3x8x1024xf32, #tpu.memory_space<hbm>>) dst(%arg8 : memref<3x8x1024xf32, #tpu.memory_space<vmem>>)
    %add3A_116 = arith.constant 0 : i32
    %add3A_117 = arith.addi %mul3A_2, %add3A_116 : i32
    %dma_wait3A_118 = arith.constant 0 : i32
    %dma_wait3A_119 = arith.constant 0 : i32
    %dma_wait3A_120 = arith.constant 0 : i32
    %dma_wait3A_121 = tpu.memref_slice %arg5[%dma_wait3A_118, %dma_wait3A_119, %add3A_117, %dma_wait3A_120] : memref<9x3x1024x1024xf32, #tpu.memory_space<hbm>> -> memref<1x3x8x1024xf32, #tpu.memory_space<hbm>>
    %dma_wait3A_122 = tpu.memref_squeeze %dma_wait3A_121 : memref<1x3x8x1024xf32, #tpu.memory_space<hbm>> -> memref<3x8x1024xf32, #tpu.memory_space<hbm>>
    %dma_wait3A_123 = arith.constant 0 : i32
    %dma_wait3A_124 = arith.constant 0 : i32
    %dma_wait3A_125 = tpu.memref_slice %arg5[%dma_wait3A_118, %dma_wait3A_123, %add3A_117, %dma_wait3A_124] : memref<9x3x1024x1024xf32, #tpu.memory_space<hbm>> -> memref<1x3x8x1024xf32, #tpu.memory_space<hbm>>
    %dma_wait3A_126 = tpu.memref_squeeze %dma_wait3A_125 : memref<1x3x8x1024xf32, #tpu.memory_space<hbm>> -> memref<3x8x1024xf32, #tpu.memory_space<hbm>>
    tpu.wait_dma2 semaphore(%arg14 : memref<!tpu.dma_semaphore, #tpu.memory_space<semaphore_mem>>) src(%arg9 : memref<3x8x1024xf32, #tpu.memory_space<vmem>>) dst(%dma_wait3A_126 : memref<3x8x1024xf32, #tpu.memory_space<hbm>>)
    %parallel_loop3A_127 = arith.constant 0 : i32
    %parallel_loop3A_128 = arith.constant 1536 : i32
    %parallel_loop3A_129 = arith.constant 1 : i32
    scf.for %parallel_loop3A_1692 = %parallel_loop3A_127 to %parallel_loop3A_128 step %parallel_loop3A_129  : i32 {
      %parallel_loop3A_1693 = arith.constant 9 : i32
      %parallel_loop3A_1694 = arith.shrsi %parallel_loop3A_1692, %parallel_loop3A_1693 : i32
      %parallel_loop3A_1695 = arith.constant 6 : i32
      %parallel_loop3A_1696 = arith.shrsi %parallel_loop3A_1692, %parallel_loop3A_1695 : i32
      %parallel_loop3A_1697 = arith.constant 7 : i32
      %parallel_loop3A_1698 = arith.andi %parallel_loop3A_1696, %parallel_loop3A_1697 : i32
      %parallel_loop3A_1699 = arith.constant 63 : i32
      %parallel_loop3A_1700 = arith.andi %parallel_loop3A_1692, %parallel_loop3A_1699 : i32
      %parallel_loop3A_1701 = arith.constant 16 : i32
      %parallel_loop3A_1702 = arith.muli %parallel_loop3A_1700, %parallel_loop3A_1701 : i32
      %parallel_loop3A_1703 = arith.index_cast %parallel_loop3A_1694 : i32 to index
      %parallel_loop3A_1704 = arith.index_cast %parallel_loop3A_1698 : i32 to index
      %parallel_loop3A_1705 = arith.index_cast %parallel_loop3A_1702 : i32 to index
      %parallel_loop3A_1706 = tpu.vector_load %arg8[%parallel_loop3A_1703, %parallel_loop3A_1704, %parallel_loop3A_1705] {strides = array<i32>} : memref<3x8x1024xf32, #tpu.memory_space<vmem>>, vector<1x1x16xf32>,
      %parallel_loop3A_1707 = vector.shape_cast %parallel_loop3A_1706 : vector<1x1x16xf32> to vector<16xf32>
      %parallel_loop3A_1708 = arith.mulf %parallel_loop3A_1707, %parallel_loop3A_1707 : vector<16xf32>
      %parallel_loop3A_1709 = arith.index_cast %parallel_loop3A_1694 : i32 to index
      %parallel_loop3A_1710 = arith.index_cast %parallel_loop3A_1698 : i32 to index
      %parallel_loop3A_1711 = arith.index_cast %parallel_loop3A_1702 : i32 to index
      %parallel_loop3A_1712 = tpu.vector_load %arg9[%parallel_loop3A_1709, %parallel_loop3A_1710, %parallel_loop3A_1711] {strides = array<i32>} : memref<3x8x1024xf32, #tpu.memory_space<vmem>>, vector<1x1x16xf32>,
      %parallel_loop3A_1713 = vector.shape_cast %parallel_loop3A_1712 : vector<1x1x16xf32> to vector<16xf32>
      %parallel_loop3A_1714 = vector.shape_cast %parallel_loop3A_1708 : vector<16xf32> to vector<1x1x16xf32>
      tpu.vector_store %arg9[%parallel_loop3A_1709, %parallel_loop3A_1710, %parallel_loop3A_1711], %parallel_loop3A_1714 {strides = array<i32>} : memref<3x8x1024xf32, #tpu.memory_space<vmem>>, vector<1x1x16xf32>,
    } {sc.loop_unroll_factor = 8 : i64, sc.parallel_access}
    %add3A_130 = arith.constant 16 : i32
    %add3A_131 = arith.addi %mul3A_2, %add3A_130 : i32
    %dma_start3A_132 = arith.constant 0 : i32
    %dma_start3A_133 = arith.constant 0 : i32
    %dma_start3A_134 = arith.constant 0 : i32
    %dma_start3A_135 = tpu.memref_slice %arg5[%dma_start3A_132, %dma_start3A_133, %add3A_131, %dma_start3A_134] : memref<9x3x1024x1024xf32, #tpu.memory_space<hbm>> -> memref<1x3x8x1024xf32, #tpu.memory_space<hbm>>
    %dma_start3A_136 = tpu.memref_squeeze %dma_start3A_135 : memref<1x3x8x1024xf32, #tpu.memory_space<hbm>> -> memref<3x8x1024xf32, #tpu.memory_space<hbm>>
    %dma_start3A_137 = arith.constant 0 : i32
    %dma_start3A_138 = arith.constant 0 : i32
    %dma_start3A_139 = tpu.memref_slice %arg5[%dma_start3A_132, %dma_start3A_137, %add3A_131, %dma_start3A_138] : memref<9x3x1024x1024xf32, #tpu.memory_space<hbm>> -> memref<1x3x8x1024xf32, #tpu.memory_space<hbm>>
    %dma_start3A_140 = tpu.memref_squeeze %dma_start3A_139 : memref<1x3x8x1024xf32, #tpu.memory_space<hbm>> -> memref<3x8x1024xf32, #tpu.memory_space<hbm>>
    tpu.enqueue_dma source(%arg9 : memref<3x8x1024xf32, #tpu.memory_space<vmem>>) target(%dma_start3A_140 : memref<3x8x1024xf32, #tpu.memory_space<hbm>>) target_semaphore(%arg14 : memref<!tpu.dma_semaphore, #tpu.memory_space<semaphore_mem>>)
    %add3A_141 = arith.constant 8 : i32
    %add3A_142 = arith.addi %mul3A_2, %add3A_141 : i32
    %dma_start3A_143 = arith.constant 3 : i32
    %dma_start3A_144 = arith.constant 0 : i32
    %dma_start3A_145 = arith.constant 0 : i32
    %dma_start3A_146 = tpu.memref_slice %arg3[%dma_start3A_143, %dma_start3A_144, %add3A_142, %dma_start3A_145] : memref<4x3x1024x1024xf32, #tpu.memory_space<hbm>> -> memref<1x3x8x1024xf32, #tpu.memory_space<hbm>>
    %dma_start3A_147 = tpu.memref_squeeze %dma_start3A_146 : memref<1x3x8x1024xf32, #tpu.memory_space<hbm>> -> memref<3x8x1024xf32, #tpu.memory_space<hbm>>
    %dma_start3A_148 = arith.constant 0 : i32
    %dma_start3A_149 = arith.constant 0 : i32
    %dma_start3A_150 = tpu.memref_slice %arg3[%dma_start3A_143, %dma_start3A_148, %add3A_142, %dma_start3A_149] : memref<4x3x1024x1024xf32, #tpu.memory_space<hbm>> -> memref<1x3x8x1024xf32, #tpu.memory_space<hbm>>
    %dma_start3A_151 = tpu.memref_squeeze %dma_start3A_150 : memref<1x3x8x1024xf32, #tpu.memory_space<hbm>> -> memref<3x8x1024xf32, #tpu.memory_space<hbm>>
    tpu.enqueue_dma source(%dma_start3A_151 : memref<3x8x1024xf32, #tpu.memory_space<hbm>>) target(%arg8 : memref<3x8x1024xf32, #tpu.memory_space<vmem>>) target_semaphore(%arg13 : memref<!tpu.dma_semaphore, #tpu.memory_space<semaphore_mem>>)
    %add3A_152 = arith.constant 24 : i32
    %add3A_153 = arith.addi %mul3A_2, %add3A_152 : i32
    %dma_wait3A_154 = arith.constant 0 : i32
    %dma_wait3A_155 = arith.constant 0 : i32
    %dma_wait3A_156 = arith.constant 0 : i32
    %dma_wait3A_157 = tpu.memref_slice %arg4[%dma_wait3A_154, %dma_wait3A_155, %add3A_153, %dma_wait3A_156] : memref<3x3x1024x1024xf32, #tpu.memory_space<hbm>> -> memref<1x3x8x1024xf32, #tpu.memory_space<hbm>>
    %dma_wait3A_158 = tpu.memref_squeeze %dma_wait3A_157 : memref<1x3x8x1024xf32, #tpu.memory_space<hbm>> -> memref<3x8x1024xf32, #tpu.memory_space<hbm>>
    %dma_wait3A_159 = arith.constant 0 : i32
    %dma_wait3A_160 = arith.constant 0 : i32
    %dma_wait3A_161 = tpu.memref_slice %arg4[%dma_wait3A_154, %dma_wait3A_159, %add3A_153, %dma_wait3A_160] : memref<3x3x1024x1024xf32, #tpu.memory_space<hbm>> -> memref<1x3x8x1024xf32, #tpu.memory_space<hbm>>
    %dma_wait3A_162 = tpu.memref_squeeze %dma_wait3A_161 : memref<1x3x8x1024xf32, #tpu.memory_space<hbm>> -> memref<3x8x1024xf32, #tpu.memory_space<hbm>>
    tpu.wait_dma2 semaphore(%arg11 : memref<!tpu.dma_semaphore, #tpu.memory_space<semaphore_mem>>) src(%dma_wait3A_162 : memref<3x8x1024xf32, #tpu.memory_space<hbm>>) dst(%arg6 : memref<3x8x1024xf32, #tpu.memory_space<vmem>>)
    %add3A_163 = arith.constant 8 : i32
    %add3A_164 = arith.addi %mul3A_2, %add3A_163 : i32
    %dma_wait3A_165 = arith.constant 0 : i32
    %dma_wait3A_166 = arith.constant 0 : i32
    %dma_wait3A_167 = arith.constant 0 : i32
    %dma_wait3A_168 = tpu.memref_slice %arg5[%dma_wait3A_165, %dma_wait3A_166, %add3A_164, %dma_wait3A_167] : memref<9x3x1024x1024xf32, #tpu.memory_space<hbm>> -> memref<1x3x8x1024xf32, #tpu.memory_space<hbm>>
    %dma_wait3A_169 = tpu.memref_squeeze %dma_wait3A_168 : memref<1x3x8x1024xf32, #tpu.memory_space<hbm>> -> memref<3x8x1024xf32, #tpu.memory_space<hbm>>
    %dma_wait3A_170 = arith.constant 0 : i32
    %dma_wait3A_171 = arith.constant 0 : i32
    %dma_wait3A_172 = tpu.memref_slice %arg5[%dma_wait3A_165, %dma_wait3A_170, %add3A_164, %dma_wait3A_171] : memref<9x3x1024x1024xf32, #tpu.memory_space<hbm>> -> memref<1x3x8x1024xf32, #tpu.memory_space<hbm>>
    %dma_wait3A_173 = tpu.memref_squeeze %dma_wait3A_172 : memref<1x3x8x1024xf32, #tpu.memory_space<hbm>> -> memref<3x8x1024xf32, #tpu.memory_space<hbm>>
    tpu.wait_dma2 semaphore(%arg15 : memref<!tpu.dma_semaphore, #tpu.memory_space<semaphore_mem>>) src(%arg10 : memref<3x8x1024xf32, #tpu.memory_space<vmem>>) dst(%dma_wait3A_173 : memref<3x8x1024xf32, #tpu.memory_space<hbm>>)
    %parallel_loop3A_174 = arith.constant 0 : i32
    %parallel_loop3A_175 = arith.constant 1536 : i32
    %parallel_loop3A_176 = arith.constant 1 : i32
    scf.for %parallel_loop3A_1692 = %parallel_loop3A_174 to %parallel_loop3A_175 step %parallel_loop3A_176  : i32 {
      %parallel_loop3A_1693 = arith.constant 9 : i32
      %parallel_loop3A_1694 = arith.shrsi %parallel_loop3A_1692, %parallel_loop3A_1693 : i32
      %parallel_loop3A_1695 = arith.constant 6 : i32
      %parallel_loop3A_1696 = arith.shrsi %parallel_loop3A_1692, %parallel_loop3A_1695 : i32
      %parallel_loop3A_1697 = arith.constant 7 : i32
      %parallel_loop3A_1698 = arith.andi %parallel_loop3A_1696, %parallel_loop3A_1697 : i32
      %parallel_loop3A_1699 = arith.constant 63 : i32
      %parallel_loop3A_1700 = arith.andi %parallel_loop3A_1692, %parallel_loop3A_1699 : i32
      %parallel_loop3A_1701 = arith.constant 16 : i32
      %parallel_loop3A_1702 = arith.muli %parallel_loop3A_1700, %parallel_loop3A_1701 : i32
      %parallel_loop3A_1703 = arith.index_cast %parallel_loop3A_1694 : i32 to index
      %parallel_loop3A_1704 = arith.index_cast %parallel_loop3A_1698 : i32 to index
      %parallel_loop3A_1705 = arith.index_cast %parallel_loop3A_1702 : i32 to index
      %parallel_loop3A_1706 = tpu.vector_load %arg6[%parallel_loop3A_1703, %parallel_loop3A_1704, %parallel_loop3A_1705] {strides = array<i32>} : memref<3x8x1024xf32, #tpu.memory_space<vmem>>, vector<1x1x16xf32>,
      %parallel_loop3A_1707 = vector.shape_cast %parallel_loop3A_1706 : vector<1x1x16xf32> to vector<16xf32>
      %parallel_loop3A_1708 = arith.mulf %parallel_loop3A_1707, %parallel_loop3A_1707 : vector<16xf32>
      %parallel_loop3A_1709 = arith.index_cast %parallel_loop3A_1694 : i32 to index
      %parallel_loop3A_1710 = arith.index_cast %parallel_loop3A_1698 : i32 to index
      %parallel_loop3A_1711 = arith.index_cast %parallel_loop3A_1702 : i32 to index
      %parallel_loop3A_1712 = tpu.vector_load %arg10[%parallel_loop3A_1709, %parallel_loop3A_1710, %parallel_loop3A_1711] {strides = array<i32>} : memref<3x8x1024xf32, #tpu.memory_space<vmem>>, vector<1x1x16xf32>,
      %parallel_loop3A_1713 = vector.shape_cast %parallel_loop3A_1712 : vector<1x1x16xf32> to vector<16xf32>
      %parallel_loop3A_1714 = vector.shape_cast %parallel_loop3A_1708 : vector<16xf32> to vector<1x1x16xf32>
      tpu.vector_store %arg10[%parallel_loop3A_1709, %parallel_loop3A_1710, %parallel_loop3A_1711], %parallel_loop3A_1714 {strides = array<i32>} : memref<3x8x1024xf32, #tpu.memory_space<vmem>>, vector<1x1x16xf32>,
    } {sc.loop_unroll_factor = 8 : i64, sc.parallel_access}
    %add3A_177 = arith.constant 24 : i32
    %add3A_178 = arith.addi %mul3A_2, %add3A_177 : i32
    %dma_start3A_179 = arith.constant 0 : i32
    %dma_start3A_180 = arith.constant 0 : i32
    %dma_start3A_181 = arith.constant 0 : i32
    %dma_start3A_182 = tpu.memref_slice %arg5[%dma_start3A_179, %dma_start3A_180, %add3A_178, %dma_start3A_181] : memref<9x3x1024x1024xf32, #tpu.memory_space<hbm>> -> memref<1x3x8x1024xf32, #tpu.memory_space<hbm>>
    %dma_start3A_183 = tpu.memref_squeeze %dma_start3A_182 : memref<1x3x8x1024xf32, #tpu.memory_space<hbm>> -> memref<3x8x1024xf32, #tpu.memory_space<hbm>>
    %dma_start3A_184 = arith.constant 0 : i32
    %dma_start3A_185 = arith.constant 0 : i32
    %dma_start3A_186 = tpu.memref_slice %arg5[%dma_start3A_179, %dma_start3A_184, %add3A_178, %dma_start3A_185] : memref<9x3x1024x1024xf32, #tpu.memory_space<hbm>> -> memref<1x3x8x1024xf32, #tpu.memory_space<hbm>>
    %dma_start3A_187 = tpu.memref_squeeze %dma_start3A_186 : memref<1x3x8x1024xf32, #tpu.memory_space<hbm>> -> memref<3x8x1024xf32, #tpu.memory_space<hbm>>
    tpu.enqueue_dma source(%arg10 : memref<3x8x1024xf32, #tpu.memory_space<vmem>>) target(%dma_start3A_187 : memref<3x8x1024xf32, #tpu.memory_space<hbm>>) target_semaphore(%arg15 : memref<!tpu.dma_semaphore, #tpu.memory_space<semaphore_mem>>)
    %add3A_188 = arith.constant 16 : i32
    %add3A_189 = arith.addi %mul3A_2, %add3A_188 : i32
    %dma_start3A_190 = arith.constant 3 : i32
    %dma_start3A_191 = arith.constant 0 : i32
    %dma_start3A_192 = arith.constant 0 : i32
    %dma_start3A_193 = tpu.memref_slice %arg3[%dma_start3A_190, %dma_start3A_191, %add3A_189, %dma_start3A_192] : memref<4x3x1024x1024xf32, #tpu.memory_space<hbm>> -> memref<1x3x8x1024xf32, #tpu.memory_space<hbm>>
    %dma_start3A_194 = tpu.memref_squeeze %dma_start3A_193 : memref<1x3x8x1024xf32, #tpu.memory_space<hbm>> -> memref<3x8x1024xf32, #tpu.memory_space<hbm>>
    %dma_start3A_195 = arith.constant 0 : i32
    %dma_start3A_196 = arith.constant 0 : i32
    %dma_start3A_197 = tpu.memref_slice %arg3[%dma_start3A_190, %dma_start3A_195, %add3A_189, %dma_start3A_196] : memref<4x3x1024x1024xf32, #tpu.memory_space<hbm>> -> memref<1x3x8x1024xf32, #tpu.memory_space<hbm>>
    %dma_start3A_198 = tpu.memref_squeeze %dma_start3A_197 : memref<1x3x8x1024xf32, #tpu.memory_space<hbm>> -> memref<3x8x1024xf32, #tpu.memory_space<hbm>>
    tpu.enqueue_dma source(%dma_start3A_198 : memref<3x8x1024xf32, #tpu.memory_space<hbm>>) target(%arg6 : memref<3x8x1024xf32, #tpu.memory_space<vmem>>) target_semaphore(%arg11 : memref<!tpu.dma_semaphore, #tpu.memory_space<semaphore_mem>>)
    %add3A_199 = arith.constant 0 : i32
    %add3A_200 = arith.addi %mul3A_2, %add3A_199 : i32
    %dma_wait3A_201 = arith.constant 3 : i32
    %dma_wait3A_202 = arith.constant 0 : i32
    %dma_wait3A_203 = arith.constant 0 : i32
    %dma_wait3A_204 = tpu.memref_slice %arg3[%dma_wait3A_201, %dma_wait3A_202, %add3A_200, %dma_wait3A_203] : memref<4x3x1024x1024xf32, #tpu.memory_space<hbm>> -> memref<1x3x8x1024xf32, #tpu.memory_space<hbm>>
    %dma_wait3A_205 = tpu.memref_squeeze %dma_wait3A_204 : memref<1x3x8x1024xf32, #tpu.memory_space<hbm>> -> memref<3x8x1024xf32, #tpu.memory_space<hbm>>
    %dma_wait3A_206 = arith.constant 0 : i32
    %dma_wait3A_207 = arith.constant 0 : i32
    %dma_wait3A_208 = tpu.memref_slice %arg3[%dma_wait3A_201, %dma_wait3A_206, %add3A_200, %dma_wait3A_207] : memref<4x3x1024x1024xf32, #tpu.memory_space<hbm>> -> memref<1x3x8x1024xf32, #tpu.memory_space<hbm>>
    %dma_wait3A_209 = tpu.memref_squeeze %dma_wait3A_208 : memref<1x3x8x1024xf32, #tpu.memory_space<hbm>> -> memref<3x8x1024xf32, #tpu.memory_space<hbm>>
    tpu.wait_dma2 semaphore(%arg12 : memref<!tpu.dma_semaphore, #tpu.memory_space<semaphore_mem>>) src(%dma_wait3A_209 : memref<3x8x1024xf32, #tpu.memory_space<hbm>>) dst(%arg7 : memref<3x8x1024xf32, #tpu.memory_space<vmem>>)
    %add3A_210 = arith.constant 16 : i32
    %add3A_211 = arith.addi %mul3A_2, %add3A_210 : i32
    %dma_wait3A_212 = arith.constant 0 : i32
    %dma_wait3A_213 = arith.constant 0 : i32
    %dma_wait3A_214 = arith.constant 0 : i32
    %dma_wait3A_215 = tpu.memref_slice %arg5[%dma_wait3A_212, %dma_wait3A_213, %add3A_211, %dma_wait3A_214] : memref<9x3x1024x1024xf32, #tpu.memory_space<hbm>> -> memref<1x3x8x1024xf32, #tpu.memory_space<hbm>>
    %dma_wait3A_216 = tpu.memref_squeeze %dma_wait3A_215 : memref<1x3x8x1024xf32, #tpu.memory_space<hbm>> -> memref<3x8x1024xf32, #tpu.memory_space<hbm>>
    %dma_wait3A_217 = arith.constant 0 : i32
    %dma_wait3A_218 = arith.constant 0 : i32
    %dma_wait3A_219 = tpu.memref_slice %arg5[%dma_wait3A_212, %dma_wait3A_217, %add3A_211, %dma_wait3A_218] : memref<9x3x1024x1024xf32, #tpu.memory_space<hbm>> -> memref<1x3x8x1024xf32, #tpu.memory_space<hbm>>
    %dma_wait3A_220 = tpu.memref_squeeze %dma_wait3A_219 : memref<1x3x8x1024xf32, #tpu.memory_space<hbm>> -> memref<3x8x1024xf32, #tpu.memory_space<hbm>>
    tpu.wait_dma2 semaphore(%arg14 : memref<!tpu.dma_semaphore, #tpu.memory_space<semaphore_mem>>) src(%arg9 : memref<3x8x1024xf32, #tpu.memory_space<vmem>>) dst(%dma_wait3A_220 : memref<3x8x1024xf32, #tpu.memory_space<hbm>>)
    %parallel_loop3A_221 = arith.constant 0 : i32
    %parallel_loop3A_222 = arith.constant 1536 : i32
    %parallel_loop3A_223 = arith.constant 1 : i32
    scf.for %parallel_loop3A_1692 = %parallel_loop3A_221 to %parallel_loop3A_222 step %parallel_loop3A_223  : i32 {
      %parallel_loop3A_1693 = arith.constant 9 : i32
      %parallel_loop3A_1694 = arith.shrsi %parallel_loop3A_1692, %parallel_loop3A_1693 : i32
      %parallel_loop3A_1695 = arith.constant 6 : i32
      %parallel_loop3A_1696 = arith.shrsi %parallel_loop3A_1692, %parallel_loop3A_1695 : i32
      %parallel_loop3A_1697 = arith.constant 7 : i32
      %parallel_loop3A_1698 = arith.andi %parallel_loop3A_1696, %parallel_loop3A_1697 : i32
      %parallel_loop3A_1699 = arith.constant 63 : i32
      %parallel_loop3A_1700 = arith.andi %parallel_loop3A_1692, %parallel_loop3A_1699 : i32
      %parallel_loop3A_1701 = arith.constant 16 : i32
      %parallel_loop3A_1702 = arith.muli %parallel_loop3A_1700, %parallel_loop3A_1701 : i32
      %parallel_loop3A_1703 = arith.index_cast %parallel_loop3A_1694 : i32 to index
      %parallel_loop3A_1704 = arith.index_cast %parallel_loop3A_1698 : i32 to index
      %parallel_loop3A_1705 = arith.index_cast %parallel_loop3A_1702 : i32 to index
      %parallel_loop3A_1706 = tpu.vector_load %arg7[%parallel_loop3A_1703, %parallel_loop3A_1704, %parallel_loop3A_1705] {strides = array<i32>} : memref<3x8x1024xf32, #tpu.memory_space<vmem>>, vector<1x1x16xf32>,
      %parallel_loop3A_1707 = vector.shape_cast %parallel_loop3A_1706 : vector<1x1x16xf32> to vector<16xf32>
      %parallel_loop3A_1708 = arith.mulf %parallel_loop3A_1707, %parallel_loop3A_1707 : vector<16xf32>
      %parallel_loop3A_1709 = arith.index_cast %parallel_loop3A_1694 : i32 to index
      %parallel_loop3A_1710 = arith.index_cast %parallel_loop3A_1698 : i32 to index
      %parallel_loop3A_1711 = arith.index_cast %parallel_loop3A_1702 : i32 to index
      %parallel_loop3A_1712 = tpu.vector_load %arg9[%parallel_loop3A_1709, %parallel_loop3A_1710, %parallel_loop3A_1711] {strides = array<i32>} : memref<3x8x1024xf32, #tpu.memory_space<vmem>>, vector<1x1x16xf32>,
      %parallel_loop3A_1713 = vector.shape_cast %parallel_loop3A_1712 : vector<1x1x16xf32> to vector<16xf32>
      %parallel_loop3A_1714 = vector.shape_cast %parallel_loop3A_1708 : vector<16xf32> to vector<1x1x16xf32>
      tpu.vector_store %arg9[%parallel_loop3A_1709, %parallel_loop3A_1710, %parallel_loop3A_1711], %parallel_loop3A_1714 {strides = array<i32>} : memref<3x8x1024xf32, #tpu.memory_space<vmem>>, vector<1x1x16xf32>,
    } {sc.loop_unroll_factor = 8 : i64, sc.parallel_access}
    %add3A_224 = arith.constant 0 : i32
    %add3A_225 = arith.addi %mul3A_2, %add3A_224 : i32
    %dma_start3A_226 = arith.constant 1 : i32
    %dma_start3A_227 = arith.constant 0 : i32
    %dma_start3A_228 = arith.constant 0 : i32
    %dma_start3A_229 = tpu.memref_slice %arg5[%dma_start3A_226, %dma_start3A_227, %add3A_225, %dma_start3A_228] : memref<9x3x1024x1024xf32, #tpu.memory_space<hbm>> -> memref<1x3x8x1024xf32, #tpu.memory_space<hbm>>
    %dma_start3A_230 = tpu.memref_squeeze %dma_start3A_229 : memref<1x3x8x1024xf32, #tpu.memory_space<hbm>> -> memref<3x8x1024xf32, #tpu.memory_space<hbm>>
    %dma_start3A_231 = arith.constant 0 : i32
    %dma_start3A_232 = arith.constant 0 : i32
    %dma_start3A_233 = tpu.memref_slice %arg5[%dma_start3A_226, %dma_start3A_231, %add3A_225, %dma_start3A_232] : memref<9x3x1024x1024xf32, #tpu.memory_space<hbm>> -> memref<1x3x8x1024xf32, #tpu.memory_space<hbm>>
    %dma_start3A_234 = tpu.memref_squeeze %dma_start3A_233 : memref<1x3x8x1024xf32, #tpu.memory_space<hbm>> -> memref<3x8x1024xf32, #tpu.memory_space<hbm>>
    tpu.enqueue_dma source(%arg9 : memref<3x8x1024xf32, #tpu.memory_space<vmem>>) target(%dma_start3A_234 : memref<3x8x1024xf32, #tpu.memory_space<hbm>>) target_semaphore(%arg14 : memref<!tpu.dma_semaphore, #tpu.memory_space<semaphore_mem>>)
    %add3A_235 = arith.constant 24 : i32
    %add3A_236 = arith.addi %mul3A_2, %add3A_235 : i32
    %dma_start3A_237 = arith.constant 3 : i32
    %dma_start3A_238 = arith.constant 0 : i32
    %dma_start3A_239 = arith.constant 0 : i32
    %dma_start3A_240 = tpu.memref_slice %arg3[%dma_start3A_237, %dma_start3A_238, %add3A_236, %dma_start3A_239] : memref<4x3x1024x1024xf32, #tpu.memory_space<hbm>> -> memref<1x3x8x1024xf32, #tpu.memory_space<hbm>>
    %dma_start3A_241 = tpu.memref_squeeze %dma_start3A_240 : memref<1x3x8x1024xf32, #tpu.memory_space<hbm>> -> memref<3x8x1024xf32, #tpu.memory_space<hbm>>
    %dma_start3A_242 = arith.constant 0 : i32
    %dma_start3A_243 = arith.constant 0 : i32
    %dma_start3A_244 = tpu.memref_slice %arg3[%dma_start3A_237, %dma_start3A_242, %add3A_236, %dma_start3A_243] : memref<4x3x1024x1024xf32, #tpu.memory_space<hbm>> -> memref<1x3x8x1024xf32, #tpu.memory_space<hbm>>
    %dma_start3A_245 = tpu.memref_squeeze %dma_start3A_244 : memref<1x3x8x1024xf32, #tpu.memory_space<hbm>> -> memref<3x8x1024xf32, #tpu.memory_space<hbm>>
    tpu.enqueue_dma source(%dma_start3A_245 : memref<3x8x1024xf32, #tpu.memory_space<hbm>>) target(%arg7 : memref<3x8x1024xf32, #tpu.memory_space<vmem>>) target_semaphore(%arg12 : memref<!tpu.dma_semaphore, #tpu.memory_space<semaphore_mem>>)
    %add3A_246 = arith.constant 8 : i32
    %add3A_247 = arith.addi %mul3A_2, %add3A_246 : i32
    %dma_wait3A_248 = arith.constant 3 : i32
    %dma_wait3A_249 = arith.constant 0 : i32
    %dma_wait3A_250 = arith.constant 0 : i32
    %dma_wait3A_251 = tpu.memref_slice %arg3[%dma_wait3A_248, %dma_wait3A_249, %add3A_247, %dma_wait3A_250] : memref<4x3x1024x1024xf32, #tpu.memory_space<hbm>> -> memref<1x3x8x1024xf32, #tpu.memory_space<hbm>>
    %dma_wait3A_252 = tpu.memref_squeeze %dma_wait3A_251 : memref<1x3x8x1024xf32, #tpu.memory_space<hbm>> -> memref<3x8x1024xf32, #tpu.memory_space<hbm>>
    %dma_wait3A_253 = arith.constant 0 : i32
    %dma_wait3A_254 = arith.constant 0 : i32
    %dma_wait3A_255 = tpu.memref_slice %arg3[%dma_wait3A_248, %dma_wait3A_253, %add3A_247, %dma_wait3A_254] : memref<4x3x1024x1024xf32, #tpu.memory_space<hbm>> -> memref<1x3x8x1024xf32, #tpu.memory_space<hbm>>
    %dma_wait3A_256 = tpu.memref_squeeze %dma_wait3A_255 : memref<1x3x8x1024xf32, #tpu.memory_space<hbm>> -> memref<3x8x1024xf32, #tpu.memory_space<hbm>>
    tpu.wait_dma2 semaphore(%arg13 : memref<!tpu.dma_semaphore, #tpu.memory_space<semaphore_mem>>) src(%dma_wait3A_256 : memref<3x8x1024xf32, #tpu.memory_space<hbm>>) dst(%arg8 : memref<3x8x1024xf32, #tpu.memory_space<vmem>>)
    %add3A_257 = arith.constant 24 : i32
    %add3A_258 = arith.addi %mul3A_2, %add3A_257 : i32
    %dma_wait3A_259 = arith.constant 0 : i32
    %dma_wait3A_260 = arith.constant 0 : i32
    %dma_wait3A_261 = arith.constant 0 : i32
    %dma_wait3A_262 = tpu.memref_slice %arg5[%dma_wait3A_259, %dma_wait3A_260, %add3A_258, %dma_wait3A_261] : memref<9x3x1024x1024xf32, #tpu.memory_space<hbm>> -> memref<1x3x8x1024xf32, #tpu.memory_space<hbm>>
    %dma_wait3A_263 = tpu.memref_squeeze %dma_wait3A_262 : memref<1x3x8x1024xf32, #tpu.memory_space<hbm>> -> memref<3x8x1024xf32, #tpu.memory_space<hbm>>
    %dma_wait3A_264 = arith.constant 0 : i32
    %dma_wait3A_265 = arith.constant 0 : i32
    %dma_wait3A_266 = tpu.memref_slice %arg5[%dma_wait3A_259, %dma_wait3A_264, %add3A_258, %dma_wait3A_265] : memref<9x3x1024x1024xf32, #tpu.memory_space<hbm>> -> memref<1x3x8x1024xf32, #tpu.memory_space<hbm>>
    %dma_wait3A_267 = tpu.memref_squeeze %dma_wait3A_266 : memref<1x3x8x1024xf32, #tpu.memory_space<hbm>> -> memref<3x8x1024xf32, #tpu.memory_space<hbm>>
    tpu.wait_dma2 semaphore(%arg15 : memref<!tpu.dma_semaphore, #tpu.memory_space<semaphore_mem>>) src(%arg10 : memref<3x8x1024xf32, #tpu.memory_space<vmem>>) dst(%dma_wait3A_267 : memref<3x8x1024xf32, #tpu.memory_space<hbm>>)
    %parallel_loop3A_268 = arith.constant 0 : i32
    %parallel_loop3A_269 = arith.constant 1536 : i32
    %parallel_loop3A_270 = arith.constant 1 : i32
    scf.for %parallel_loop3A_1692 = %parallel_loop3A_268 to %parallel_loop3A_269 step %parallel_loop3A_270  : i32 {
      %parallel_loop3A_1693 = arith.constant 9 : i32
      %parallel_loop3A_1694 = arith.shrsi %parallel_loop3A_1692, %parallel_loop3A_1693 : i32
      %parallel_loop3A_1695 = arith.constant 6 : i32
      %parallel_loop3A_1696 = arith.shrsi %parallel_loop3A_1692, %parallel_loop3A_1695 : i32
      %parallel_loop3A_1697 = arith.constant 7 : i32
      %parallel_loop3A_1698 = arith.andi %parallel_loop3A_1696, %parallel_loop3A_1697 : i32
      %parallel_loop3A_1699 = arith.constant 63 : i32
      %parallel_loop3A_1700 = arith.andi %parallel_loop3A_1692, %parallel_loop3A_1699 : i32
      %parallel_loop3A_1701 = arith.constant 16 : i32
      %parallel_loop3A_1702 = arith.muli %parallel_loop3A_1700, %parallel_loop3A_1701 : i32
      %parallel_loop3A_1703 = arith.index_cast %parallel_loop3A_1694 : i32 to index
      %parallel_loop3A_1704 = arith.index_cast %parallel_loop3A_1698 : i32 to index
      %parallel_loop3A_1705 = arith.index_cast %parallel_loop3A_1702 : i32 to index
      %parallel_loop3A_1706 = tpu.vector_load %arg8[%parallel_loop3A_1703, %parallel_loop3A_1704, %parallel_loop3A_1705] {strides = array<i32>} : memref<3x8x1024xf32, #tpu.memory_space<vmem>>, vector<1x1x16xf32>,
      %parallel_loop3A_1707 = vector.shape_cast %parallel_loop3A_1706 : vector<1x1x16xf32> to vector<16xf32>
      %parallel_loop3A_1708 = arith.mulf %parallel_loop3A_1707, %parallel_loop3A_1707 : vector<16xf32>
      %parallel_loop3A_1709 = arith.index_cast %parallel_loop3A_1694 : i32 to index
      %parallel_loop3A_1710 = arith.index_cast %parallel_loop3A_1698 : i32 to index
      %parallel_loop3A_1711 = arith.index_cast %parallel_loop3A_1702 : i32 to index
      %parallel_loop3A_1712 = tpu.vector_load %arg10[%parallel_loop3A_1709, %parallel_loop3A_1710, %parallel_loop3A_1711] {strides = array<i32>} : memref<3x8x1024xf32, #tpu.memory_space<vmem>>, vector<1x1x16xf32>,
      %parallel_loop3A_1713 = vector.shape_cast %parallel_loop3A_1712 : vector<1x1x16xf32> to vector<16xf32>
      %parallel_loop3A_1714 = vector.shape_cast %parallel_loop3A_1708 : vector<16xf32> to vector<1x1x16xf32>
      tpu.vector_store %arg10[%parallel_loop3A_1709, %parallel_loop3A_1710, %parallel_loop3A_1711], %parallel_loop3A_1714 {strides = array<i32>} : memref<3x8x1024xf32, #tpu.memory_space<vmem>>, vector<1x1x16xf32>,
    } {sc.loop_unroll_factor = 8 : i64, sc.parallel_access}
    %add3A_271 = arith.constant 8 : i32
    %add3A_272 = arith.addi %mul3A_2, %add3A_271 : i32
    %dma_start3A_273 = arith.constant 1 : i32
    %dma_start3A_274 = arith.constant 0 : i32
    %dma_start3A_275 = arith.constant 0 : i32
    %dma_start3A_276 = tpu.memref_slice %arg5[%dma_start3A_273, %dma_start3A_274, %add3A_272, %dma_start3A_275] : memref<9x3x1024x1024xf32, #tpu.memory_space<hbm>> -> memref<1x3x8x1024xf32, #tpu.memory_space<hbm>>
    %dma_start3A_277 = tpu.memref_squeeze %dma_start3A_276 : memref<1x3x8x1024xf32, #tpu.memory_space<hbm>> -> memref<3x8x1024xf32, #tpu.memory_space<hbm>>
    %dma_start3A_278 = arith.constant 0 : i32
    %dma_start3A_279 = arith.constant 0 : i32
    %dma_start3A_280 = tpu.memref_slice %arg5[%dma_start3A_273, %dma_start3A_278, %add3A_272, %dma_start3A_279] : memref<9x3x1024x1024xf32, #tpu.memory_space<hbm>> -> memref<1x3x8x1024xf32, #tpu.memory_space<hbm>>
    %dma_start3A_281 = tpu.memref_squeeze %dma_start3A_280 : memref<1x3x8x1024xf32, #tpu.memory_space<hbm>> -> memref<3x8x1024xf32, #tpu.memory_space<hbm>>
    tpu.enqueue_dma source(%arg10 : memref<3x8x1024xf32, #tpu.memory_space<vmem>>) target(%dma_start3A_281 : memref<3x8x1024xf32, #tpu.memory_space<hbm>>) target_semaphore(%arg15 : memref<!tpu.dma_semaphore, #tpu.memory_space<semaphore_mem>>)
    %add3A_282 = arith.constant 0 : i32
    %add3A_283 = arith.addi %mul3A_2, %add3A_282 : i32
    %dma_start3A_284 = arith.constant 2 : i32
    %dma_start3A_285 = arith.constant 0 : i32
    %dma_start3A_286 = arith.constant 0 : i32
    %dma_start3A_287 = tpu.memref_slice %arg4[%dma_start3A_284, %dma_start3A_285, %add3A_283, %dma_start3A_286] : memref<3x3x1024x1024xf32, #tpu.memory_space<hbm>> -> memref<1x3x8x1024xf32, #tpu.memory_space<hbm>>
    %dma_start3A_288 = tpu.memref_squeeze %dma_start3A_287 : memref<1x3x8x1024xf32, #tpu.memory_space<hbm>> -> memref<3x8x1024xf32, #tpu.memory_space<hbm>>
    %dma_start3A_289 = arith.constant 0 : i32
    %dma_start3A_290 = arith.constant 0 : i32
    %dma_start3A_291 = tpu.memref_slice %arg4[%dma_start3A_284, %dma_start3A_289, %add3A_283, %dma_start3A_290] : memref<3x3x1024x1024xf32, #tpu.memory_space<hbm>> -> memref<1x3x8x1024xf32, #tpu.memory_space<hbm>>
    %dma_start3A_292 = tpu.memref_squeeze %dma_start3A_291 : memref<1x3x8x1024xf32, #tpu.memory_space<hbm>> -> memref<3x8x1024xf32, #tpu.memory_space<hbm>>
    tpu.enqueue_dma source(%dma_start3A_292 : memref<3x8x1024xf32, #tpu.memory_space<hbm>>) target(%arg8 : memref<3x8x1024xf32, #tpu.memory_space<vmem>>) target_semaphore(%arg13 : memref<!tpu.dma_semaphore, #tpu.memory_space<semaphore_mem>>)
    %add3A_293 = arith.constant 16 : i32
    %add3A_294 = arith.addi %mul3A_2, %add3A_293 : i32
    %dma_wait3A_295 = arith.constant 3 : i32
    %dma_wait3A_296 = arith.constant 0 : i32
    %dma_wait3A_297 = arith.constant 0 : i32
    %dma_wait3A_298 = tpu.memref_slice %arg3[%dma_wait3A_295, %dma_wait3A_296, %add3A_294, %dma_wait3A_297] : memref<4x3x1024x1024xf32, #tpu.memory_space<hbm>> -> memref<1x3x8x1024xf32, #tpu.memory_space<hbm>>
    %dma_wait3A_299 = tpu.memref_squeeze %dma_wait3A_298 : memref<1x3x8x1024xf32, #tpu.memory_space<hbm>> -> memref<3x8x1024xf32, #tpu.memory_space<hbm>>
    %dma_wait3A_300 = arith.constant 0 : i32
    %dma_wait3A_301 = arith.constant 0 : i32
    %dma_wait3A_302 = tpu.memref_slice %arg3[%dma_wait3A_295, %dma_wait3A_300, %add3A_294, %dma_wait3A_301] : memref<4x3x1024x1024xf32, #tpu.memory_space<hbm>> -> memref<1x3x8x1024xf32, #tpu.memory_space<hbm>>
    %dma_wait3A_303 = tpu.memref_squeeze %dma_wait3A_302 : memref<1x3x8x1024xf32, #tpu.memory_space<hbm>> -> memref<3x8x1024xf32, #tpu.memory_space<hbm>>
    tpu.wait_dma2 semaphore(%arg11 : memref<!tpu.dma_semaphore, #tpu.memory_space<semaphore_mem>>) src(%dma_wait3A_303 : memref<3x8x1024xf32, #tpu.memory_space<hbm>>) dst(%arg6 : memref<3x8x1024xf32, #tpu.memory_space<vmem>>)
    %add3A_304 = arith.constant 0 : i32
    %add3A_305 = arith.addi %mul3A_2, %add3A_304 : i32
    %dma_wait3A_306 = arith.constant 1 : i32
    %dma_wait3A_307 = arith.constant 0 : i32
    %dma_wait3A_308 = arith.constant 0 : i32
    %dma_wait3A_309 = tpu.memref_slice %arg5[%dma_wait3A_306, %dma_wait3A_307, %add3A_305, %dma_wait3A_308] : memref<9x3x1024x1024xf32, #tpu.memory_space<hbm>> -> memref<1x3x8x1024xf32, #tpu.memory_space<hbm>>
    %dma_wait3A_310 = tpu.memref_squeeze %dma_wait3A_309 : memref<1x3x8x1024xf32, #tpu.memory_space<hbm>> -> memref<3x8x1024xf32, #tpu.memory_space<hbm>>
    %dma_wait3A_311 = arith.constant 0 : i32
    %dma_wait3A_312 = arith.constant 0 : i32
    %dma_wait3A_313 = tpu.memref_slice %arg5[%dma_wait3A_306, %dma_wait3A_311, %add3A_305, %dma_wait3A_312] : memref<9x3x1024x1024xf32, #tpu.memory_space<hbm>> -> memref<1x3x8x1024xf32, #tpu.memory_space<hbm>>
    %dma_wait3A_314 = tpu.memref_squeeze %dma_wait3A_313 : memref<1x3x8x1024xf32, #tpu.memory_space<hbm>> -> memref<3x8x1024xf32, #tpu.memory_space<hbm>>
    tpu.wait_dma2 semaphore(%arg14 : memref<!tpu.dma_semaphore, #tpu.memory_space<semaphore_mem>>) src(%arg9 : memref<3x8x1024xf32, #tpu.memory_space<vmem>>) dst(%dma_wait3A_314 : memref<3x8x1024xf32, #tpu.memory_space<hbm>>)
    %parallel_loop3A_315 = arith.constant 0 : i32
    %parallel_loop3A_316 = arith.constant 1536 : i32
    %parallel_loop3A_317 = arith.constant 1 : i32
    scf.for %parallel_loop3A_1692 = %parallel_loop3A_315 to %parallel_loop3A_316 step %parallel_loop3A_317  : i32 {
      %parallel_loop3A_1693 = arith.constant 9 : i32
      %parallel_loop3A_1694 = arith.shrsi %parallel_loop3A_1692, %parallel_loop3A_1693 : i32
      %parallel_loop3A_1695 = arith.constant 6 : i32
      %parallel_loop3A_1696 = arith.shrsi %parallel_loop3A_1692, %parallel_loop3A_1695 : i32
      %parallel_loop3A_1697 = arith.constant 7 : i32
      %parallel_loop3A_1698 = arith.andi %parallel_loop3A_1696, %parallel_loop3A_1697 : i32
      %parallel_loop3A_1699 = arith.constant 63 : i32
      %parallel_loop3A_1700 = arith.andi %parallel_loop3A_1692, %parallel_loop3A_1699 : i32
      %parallel_loop3A_1701 = arith.constant 16 : i32
      %parallel_loop3A_1702 = arith.muli %parallel_loop3A_1700, %parallel_loop3A_1701 : i32
      %parallel_loop3A_1703 = arith.index_cast %parallel_loop3A_1694 : i32 to index
      %parallel_loop3A_1704 = arith.index_cast %parallel_loop3A_1698 : i32 to index
      %parallel_loop3A_1705 = arith.index_cast %parallel_loop3A_1702 : i32 to index
      %parallel_loop3A_1706 = tpu.vector_load %arg6[%parallel_loop3A_1703, %parallel_loop3A_1704, %parallel_loop3A_1705] {strides = array<i32>} : memref<3x8x1024xf32, #tpu.memory_space<vmem>>, vector<1x1x16xf32>,
      %parallel_loop3A_1707 = vector.shape_cast %parallel_loop3A_1706 : vector<1x1x16xf32> to vector<16xf32>
      %parallel_loop3A_1708 = arith.mulf %parallel_loop3A_1707, %parallel_loop3A_1707 : vector<16xf32>
      %parallel_loop3A_1709 = arith.index_cast %parallel_loop3A_1694 : i32 to index
      %parallel_loop3A_1710 = arith.index_cast %parallel_loop3A_1698 : i32 to index
      %parallel_loop3A_1711 = arith.index_cast %parallel_loop3A_1702 : i32 to index
      %parallel_loop3A_1712 = tpu.vector_load %arg9[%parallel_loop3A_1709, %parallel_loop3A_1710, %parallel_loop3A_1711] {strides = array<i32>} : memref<3x8x1024xf32, #tpu.memory_space<vmem>>, vector<1x1x16xf32>,
      %parallel_loop3A_1713 = vector.shape_cast %parallel_loop3A_1712 : vector<1x1x16xf32> to vector<16xf32>
      %parallel_loop3A_1714 = vector.shape_cast %parallel_loop3A_1708 : vector<16xf32> to vector<1x1x16xf32>
      tpu.vector_store %arg9[%parallel_loop3A_1709, %parallel_loop3A_1710, %parallel_loop3A_1711], %parallel_loop3A_1714 {strides = array<i32>} : memref<3x8x1024xf32, #tpu.memory_space<vmem>>, vector<1x1x16xf32>,
    } {sc.loop_unroll_factor = 8 : i64, sc.parallel_access}
    %add3A_318 = arith.constant 16 : i32
    %add3A_319 = arith.addi %mul3A_2, %add3A_318 : i32
    %dma_start3A_320 = arith.constant 1 : i32
    %dma_start3A_321 = arith.constant 0 : i32
    %dma_start3A_322 = arith.constant 0 : i32
    %dma_start3A_323 = tpu.memref_slice %arg5[%dma_start3A_320, %dma_start3A_321, %add3A_319, %dma_start3A_322] : memref<9x3x1024x1024xf32, #tpu.memory_space<hbm>> -> memref<1x3x8x1024xf32, #tpu.memory_space<hbm>>
    %dma_start3A_324 = tpu.memref_squeeze %dma_start3A_323 : memref<1x3x8x1024xf32, #tpu.memory_space<hbm>> -> memref<3x8x1024xf32, #tpu.memory_space<hbm>>
    %dma_start3A_325 = arith.constant 0 : i32
    %dma_start3A_326 = arith.constant 0 : i32
    %dma_start3A_327 = tpu.memref_slice %arg5[%dma_start3A_320, %dma_start3A_325, %add3A_319, %dma_start3A_326] : memref<9x3x1024x1024xf32, #tpu.memory_space<hbm>> -> memref<1x3x8x1024xf32, #tpu.memory_space<hbm>>
    %dma_start3A_328 = tpu.memref_squeeze %dma_start3A_327 : memref<1x3x8x1024xf32, #tpu.memory_space<hbm>> -> memref<3x8x1024xf32, #tpu.memory_space<hbm>>
    tpu.enqueue_dma source(%arg9 : memref<3x8x1024xf32, #tpu.memory_space<vmem>>) target(%dma_start3A_328 : memref<3x8x1024xf32, #tpu.memory_space<hbm>>) target_semaphore(%arg14 : memref<!tpu.dma_semaphore, #tpu.memory_space<semaphore_mem>>)
    %add3A_329 = arith.constant 8 : i32
    %add3A_330 = arith.addi %mul3A_2, %add3A_329 : i32
    %dma_start3A_331 = arith.constant 2 : i32
    %dma_start3A_332 = arith.constant 0 : i32
    %dma_start3A_333 = arith.constant 0 : i32
    %dma_start3A_334 = tpu.memref_slice %arg4[%dma_start3A_331, %dma_start3A_332, %add3A_330, %dma_start3A_333] : memref<3x3x1024x1024xf32, #tpu.memory_space<hbm>> -> memref<1x3x8x1024xf32, #tpu.memory_space<hbm>>
    %dma_start3A_335 = tpu.memref_squeeze %dma_start3A_334 : memref<1x3x8x1024xf32, #tpu.memory_space<hbm>> -> memref<3x8x1024xf32, #tpu.memory_space<hbm>>
    %dma_start3A_336 = arith.constant 0 : i32
    %dma_start3A_337 = arith.constant 0 : i32
    %dma_start3A_338 = tpu.memref_slice %arg4[%dma_start3A_331, %dma_start3A_336, %add3A_330, %dma_start3A_337] : memref<3x3x1024x1024xf32, #tpu.memory_space<hbm>> -> memref<1x3x8x1024xf32, #tpu.memory_space<hbm>>
    %dma_start3A_339 = tpu.memref_squeeze %dma_start3A_338 : memref<1x3x8x1024xf32, #tpu.memory_space<hbm>> -> memref<3x8x1024xf32, #tpu.memory_space<hbm>>
    tpu.enqueue_dma source(%dma_start3A_339 : memref<3x8x1024xf32, #tpu.memory_space<hbm>>) target(%arg6 : memref<3x8x1024xf32, #tpu.memory_space<vmem>>) target_semaphore(%arg11 : memref<!tpu.dma_semaphore, #tpu.memory_space<semaphore_mem>>)
    %add3A_340 = arith.constant 24 : i32
    %add3A_341 = arith.addi %mul3A_2, %add3A_340 : i32
    %dma_wait3A_342 = arith.constant 3 : i32
    %dma_wait3A_343 = arith.constant 0 : i32
    %dma_wait3A_344 = arith.constant 0 : i32
    %dma_wait3A_345 = tpu.memref_slice %arg3[%dma_wait3A_342, %dma_wait3A_343, %add3A_341, %dma_wait3A_344] : memref<4x3x1024x1024xf32, #tpu.memory_space<hbm>> -> memref<1x3x8x1024xf32, #tpu.memory_space<hbm>>
    %dma_wait3A_346 = tpu.memref_squeeze %dma_wait3A_345 : memref<1x3x8x1024xf32, #tpu.memory_space<hbm>> -> memref<3x8x1024xf32, #tpu.memory_space<hbm>>
    %dma_wait3A_347 = arith.constant 0 : i32
    %dma_wait3A_348 = arith.constant 0 : i32
    %dma_wait3A_349 = tpu.memref_slice %arg3[%dma_wait3A_342, %dma_wait3A_347, %add3A_341, %dma_wait3A_348] : memref<4x3x1024x1024xf32, #tpu.memory_space<hbm>> -> memref<1x3x8x1024xf32, #tpu.memory_space<hbm>>
    %dma_wait3A_350 = tpu.memref_squeeze %dma_wait3A_349 : memref<1x3x8x1024xf32, #tpu.memory_space<hbm>> -> memref<3x8x1024xf32, #tpu.memory_space<hbm>>
    tpu.wait_dma2 semaphore(%arg12 : memref<!tpu.dma_semaphore, #tpu.memory_space<semaphore_mem>>) src(%dma_wait3A_350 : memref<3x8x1024xf32, #tpu.memory_space<hbm>>) dst(%arg7 : memref<3x8x1024xf32, #tpu.memory_space<vmem>>)
    %add3A_351 = arith.constant 8 : i32
    %add3A_352 = arith.addi %mul3A_2, %add3A_351 : i32
    %dma_wait3A_353 = arith.constant 1 : i32
    %dma_wait3A_354 = arith.constant 0 : i32
    %dma_wait3A_355 = arith.constant 0 : i32
    %dma_wait3A_356 = tpu.memref_slice %arg5[%dma_wait3A_353, %dma_wait3A_354, %add3A_352, %dma_wait3A_355] : memref<9x3x1024x1024xf32, #tpu.memory_space<hbm>> -> memref<1x3x8x1024xf32, #tpu.memory_space<hbm>>
    %dma_wait3A_357 = tpu.memref_squeeze %dma_wait3A_356 : memref<1x3x8x1024xf32, #tpu.memory_space<hbm>> -> memref<3x8x1024xf32, #tpu.memory_space<hbm>>
    %dma_wait3A_358 = arith.constant 0 : i32
    %dma_wait3A_359 = arith.constant 0 : i32
    %dma_wait3A_360 = tpu.memref_slice %arg5[%dma_wait3A_353, %dma_wait3A_358, %add3A_352, %dma_wait3A_359] : memref<9x3x1024x1024xf32, #tpu.memory_space<hbm>> -> memref<1x3x8x1024xf32, #tpu.memory_space<hbm>>
    %dma_wait3A_361 = tpu.memref_squeeze %dma_wait3A_360 : memref<1x3x8x1024xf32, #tpu.memory_space<hbm>> -> memref<3x8x1024xf32, #tpu.memory_space<hbm>>
    tpu.wait_dma2 semaphore(%arg15 : memref<!tpu.dma_semaphore, #tpu.memory_space<semaphore_mem>>) src(%arg10 : memref<3x8x1024xf32, #tpu.memory_space<vmem>>) dst(%dma_wait3A_361 : memref<3x8x1024xf32, #tpu.memory_space<hbm>>)
    %parallel_loop3A_362 = arith.constant 0 : i32
    %parallel_loop3A_363 = arith.constant 1536 : i32
    %parallel_loop3A_364 = arith.constant 1 : i32
    scf.for %parallel_loop3A_1692 = %parallel_loop3A_362 to %parallel_loop3A_363 step %parallel_loop3A_364  : i32 {
      %parallel_loop3A_1693 = arith.constant 9 : i32
      %parallel_loop3A_1694 = arith.shrsi %parallel_loop3A_1692, %parallel_loop3A_1693 : i32
      %parallel_loop3A_1695 = arith.constant 6 : i32
      %parallel_loop3A_1696 = arith.shrsi %parallel_loop3A_1692, %parallel_loop3A_1695 : i32
      %parallel_loop3A_1697 = arith.constant 7 : i32
      %parallel_loop3A_1698 = arith.andi %parallel_loop3A_1696, %parallel_loop3A_1697 : i32
      %parallel_loop3A_1699 = arith.constant 63 : i32
      %parallel_loop3A_1700 = arith.andi %parallel_loop3A_1692, %parallel_loop3A_1699 : i32
      %parallel_loop3A_1701 = arith.constant 16 : i32
      %parallel_loop3A_1702 = arith.muli %parallel_loop3A_1700, %parallel_loop3A_1701 : i32
      %parallel_loop3A_1703 = arith.index_cast %parallel_loop3A_1694 : i32 to index
      %parallel_loop3A_1704 = arith.index_cast %parallel_loop3A_1698 : i32 to index
      %parallel_loop3A_1705 = arith.index_cast %parallel_loop3A_1702 : i32 to index
      %parallel_loop3A_1706 = tpu.vector_load %arg7[%parallel_loop3A_1703, %parallel_loop3A_1704, %parallel_loop3A_1705] {strides = array<i32>} : memref<3x8x1024xf32, #tpu.memory_space<vmem>>, vector<1x1x16xf32>,
      %parallel_loop3A_1707 = vector.shape_cast %parallel_loop3A_1706 : vector<1x1x16xf32> to vector<16xf32>
      %parallel_loop3A_1708 = arith.mulf %parallel_loop3A_1707, %parallel_loop3A_1707 : vector<16xf32>
      %parallel_loop3A_1709 = arith.index_cast %parallel_loop3A_1694 : i32 to index
      %parallel_loop3A_1710 = arith.index_cast %parallel_loop3A_1698 : i32 to index
      %parallel_loop3A_1711 = arith.index_cast %parallel_loop3A_1702 : i32 to index
      %parallel_loop3A_1712 = tpu.vector_load %arg10[%parallel_loop3A_1709, %parallel_loop3A_1710, %parallel_loop3A_1711] {strides = array<i32>} : memref<3x8x1024xf32, #tpu.memory_space<vmem>>, vector<1x1x16xf32>,
      %parallel_loop3A_1713 = vector.shape_cast %parallel_loop3A_1712 : vector<1x1x16xf32> to vector<16xf32>
      %parallel_loop3A_1714 = vector.shape_cast %parallel_loop3A_1708 : vector<16xf32> to vector<1x1x16xf32>
      tpu.vector_store %arg10[%parallel_loop3A_1709, %parallel_loop3A_1710, %parallel_loop3A_1711], %parallel_loop3A_1714 {strides = array<i32>} : memref<3x8x1024xf32, #tpu.memory_space<vmem>>, vector<1x1x16xf32>,
    } {sc.loop_unroll_factor = 8 : i64, sc.parallel_access}
    %add3A_365 = arith.constant 24 : i32
    %add3A_366 = arith.addi %mul3A_2, %add3A_365 : i32
    %dma_start3A_367 = arith.constant 1 : i32
    %dma_start3A_368 = arith.constant 0 : i32
    %dma_start3A_369 = arith.constant 0 : i32
    %dma_start3A_370 = tpu.memref_slice %arg5[%dma_start3A_367, %dma_start3A_368, %add3A_366, %dma_start3A_369] : memref<9x3x1024x1024xf32, #tpu.memory_space<hbm>> -> memref<1x3x8x1024xf32, #tpu.memory_space<hbm>>
    %dma_start3A_371 = tpu.memref_squeeze %dma_start3A_370 : memref<1x3x8x1024xf32, #tpu.memory_space<hbm>> -> memref<3x8x1024xf32, #tpu.memory_space<hbm>>
    %dma_start3A_372 = arith.constant 0 : i32
    %dma_start3A_373 = arith.constant 0 : i32
    %dma_start3A_374 = tpu.memref_slice %arg5[%dma_start3A_367, %dma_start3A_372, %add3A_366, %dma_start3A_373] : memref<9x3x1024x1024xf32, #tpu.memory_space<hbm>> -> memref<1x3x8x1024xf32, #tpu.memory_space<hbm>>
    %dma_start3A_375 = tpu.memref_squeeze %dma_start3A_374 : memref<1x3x8x1024xf32, #tpu.memory_space<hbm>> -> memref<3x8x1024xf32, #tpu.memory_space<hbm>>
    tpu.enqueue_dma source(%arg10 : memref<3x8x1024xf32, #tpu.memory_space<vmem>>) target(%dma_start3A_375 : memref<3x8x1024xf32, #tpu.memory_space<hbm>>) target_semaphore(%arg15 : memref<!tpu.dma_semaphore, #tpu.memory_space<semaphore_mem>>)
    %add3A_376 = arith.constant 16 : i32
    %add3A_377 = arith.addi %mul3A_2, %add3A_376 : i32
    %dma_start3A_378 = arith.constant 2 : i32
    %dma_start3A_379 = arith.constant 0 : i32
    %dma_start3A_380 = arith.constant 0 : i32
    %dma_start3A_381 = tpu.memref_slice %arg4[%dma_start3A_378, %dma_start3A_379, %add3A_377, %dma_start3A_380] : memref<3x3x1024x1024xf32, #tpu.memory_space<hbm>> -> memref<1x3x8x1024xf32, #tpu.memory_space<hbm>>
    %dma_start3A_382 = tpu.memref_squeeze %dma_start3A_381 : memref<1x3x8x1024xf32, #tpu.memory_space<hbm>> -> memref<3x8x1024xf32, #tpu.memory_space<hbm>>
    %dma_start3A_383 = arith.constant 0 : i32
    %dma_start3A_384 = arith.constant 0 : i32
    %dma_start3A_385 = tpu.memref_slice %arg4[%dma_start3A_378, %dma_start3A_383, %add3A_377, %dma_start3A_384] : memref<3x3x1024x1024xf32, #tpu.memory_space<hbm>> -> memref<1x3x8x1024xf32, #tpu.memory_space<hbm>>
    %dma_start3A_386 = tpu.memref_squeeze %dma_start3A_385 : memref<1x3x8x1024xf32, #tpu.memory_space<hbm>> -> memref<3x8x1024xf32, #tpu.memory_space<hbm>>
    tpu.enqueue_dma source(%dma_start3A_386 : memref<3x8x1024xf32, #tpu.memory_space<hbm>>) target(%arg7 : memref<3x8x1024xf32, #tpu.memory_space<vmem>>) target_semaphore(%arg12 : memref<!tpu.dma_semaphore, #tpu.memory_space<semaphore_mem>>)
    %add3A_387 = arith.constant 0 : i32
    %add3A_388 = arith.addi %mul3A_2, %add3A_387 : i32
    %dma_wait3A_389 = arith.constant 2 : i32
    %dma_wait3A_390 = arith.constant 0 : i32
    %dma_wait3A_391 = arith.constant 0 : i32
    %dma_wait3A_392 = tpu.memref_slice %arg4[%dma_wait3A_389, %dma_wait3A_390, %add3A_388, %dma_wait3A_391] : memref<3x3x1024x1024xf32, #tpu.memory_space<hbm>> -> memref<1x3x8x1024xf32, #tpu.memory_space<hbm>>
    %dma_wait3A_393 = tpu.memref_squeeze %dma_wait3A_392 : memref<1x3x8x1024xf32, #tpu.memory_space<hbm>> -> memref<3x8x1024xf32, #tpu.memory_space<hbm>>
    %dma_wait3A_394 = arith.constant 0 : i32
    %dma_wait3A_395 = arith.constant 0 : i32
    %dma_wait3A_396 = tpu.memref_slice %arg4[%dma_wait3A_389, %dma_wait3A_394, %add3A_388, %dma_wait3A_395] : memref<3x3x1024x1024xf32, #tpu.memory_space<hbm>> -> memref<1x3x8x1024xf32, #tpu.memory_space<hbm>>
    %dma_wait3A_397 = tpu.memref_squeeze %dma_wait3A_396 : memref<1x3x8x1024xf32, #tpu.memory_space<hbm>> -> memref<3x8x1024xf32, #tpu.memory_space<hbm>>
    tpu.wait_dma2 semaphore(%arg13 : memref<!tpu.dma_semaphore, #tpu.memory_space<semaphore_mem>>) src(%dma_wait3A_397 : memref<3x8x1024xf32, #tpu.memory_space<hbm>>) dst(%arg8 : memref<3x8x1024xf32, #tpu.memory_space<vmem>>)
    %add3A_398 = arith.constant 16 : i32
    %add3A_399 = arith.addi %mul3A_2, %add3A_398 : i32
    %dma_wait3A_400 = arith.constant 1 : i32
    %dma_wait3A_401 = arith.constant 0 : i32
    %dma_wait3A_402 = arith.constant 0 : i32
    %dma_wait3A_403 = tpu.memref_slice %arg5[%dma_wait3A_400, %dma_wait3A_401, %add3A_399, %dma_wait3A_402] : memref<9x3x1024x1024xf32, #tpu.memory_space<hbm>> -> memref<1x3x8x1024xf32, #tpu.memory_space<hbm>>
    %dma_wait3A_404 = tpu.memref_squeeze %dma_wait3A_403 : memref<1x3x8x1024xf32, #tpu.memory_space<hbm>> -> memref<3x8x1024xf32, #tpu.memory_space<hbm>>
    %dma_wait3A_405 = arith.constant 0 : i32
    %dma_wait3A_406 = arith.constant 0 : i32
    %dma_wait3A_407 = tpu.memref_slice %arg5[%dma_wait3A_400, %dma_wait3A_405, %add3A_399, %dma_wait3A_406] : memref<9x3x1024x1024xf32, #tpu.memory_space<hbm>> -> memref<1x3x8x1024xf32, #tpu.memory_space<hbm>>
    %dma_wait3A_408 = tpu.memref_squeeze %dma_wait3A_407 : memref<1x3x8x1024xf32, #tpu.memory_space<hbm>> -> memref<3x8x1024xf32, #tpu.memory_space<hbm>>
    tpu.wait_dma2 semaphore(%arg14 : memref<!tpu.dma_semaphore, #tpu.memory_space<semaphore_mem>>) src(%arg9 : memref<3x8x1024xf32, #tpu.memory_space<vmem>>) dst(%dma_wait3A_408 : memref<3x8x1024xf32, #tpu.memory_space<hbm>>)
    %parallel_loop3A_409 = arith.constant 0 : i32
    %parallel_loop3A_410 = arith.constant 1536 : i32
    %parallel_loop3A_411 = arith.constant 1 : i32
    scf.for %parallel_loop3A_1692 = %parallel_loop3A_409 to %parallel_loop3A_410 step %parallel_loop3A_411  : i32 {
      %parallel_loop3A_1693 = arith.constant 9 : i32
      %parallel_loop3A_1694 = arith.shrsi %parallel_loop3A_1692, %parallel_loop3A_1693 : i32
      %parallel_loop3A_1695 = arith.constant 6 : i32
      %parallel_loop3A_1696 = arith.shrsi %parallel_loop3A_1692, %parallel_loop3A_1695 : i32
      %parallel_loop3A_1697 = arith.constant 7 : i32
      %parallel_loop3A_1698 = arith.andi %parallel_loop3A_1696, %parallel_loop3A_1697 : i32
      %parallel_loop3A_1699 = arith.constant 63 : i32
      %parallel_loop3A_1700 = arith.andi %parallel_loop3A_1692, %parallel_loop3A_1699 : i32
      %parallel_loop3A_1701 = arith.constant 16 : i32
      %parallel_loop3A_1702 = arith.muli %parallel_loop3A_1700, %parallel_loop3A_1701 : i32
      %parallel_loop3A_1703 = arith.index_cast %parallel_loop3A_1694 : i32 to index
      %parallel_loop3A_1704 = arith.index_cast %parallel_loop3A_1698 : i32 to index
      %parallel_loop3A_1705 = arith.index_cast %parallel_loop3A_1702 : i32 to index
      %parallel_loop3A_1706 = tpu.vector_load %arg8[%parallel_loop3A_1703, %parallel_loop3A_1704, %parallel_loop3A_1705] {strides = array<i32>} : memref<3x8x1024xf32, #tpu.memory_space<vmem>>, vector<1x1x16xf32>,
      %parallel_loop3A_1707 = vector.shape_cast %parallel_loop3A_1706 : vector<1x1x16xf32> to vector<16xf32>
      %parallel_loop3A_1708 = arith.mulf %parallel_loop3A_1707, %parallel_loop3A_1707 : vector<16xf32>
      %parallel_loop3A_1709 = arith.index_cast %parallel_loop3A_1694 : i32 to index
      %parallel_loop3A_1710 = arith.index_cast %parallel_loop3A_1698 : i32 to index
      %parallel_loop3A_1711 = arith.index_cast %parallel_loop3A_1702 : i32 to index
      %parallel_loop3A_1712 = tpu.vector_load %arg9[%parallel_loop3A_1709, %parallel_loop3A_1710, %parallel_loop3A_1711] {strides = array<i32>} : memref<3x8x1024xf32, #tpu.memory_space<vmem>>, vector<1x1x16xf32>,
      %parallel_loop3A_1713 = vector.shape_cast %parallel_loop3A_1712 : vector<1x1x16xf32> to vector<16xf32>
      %parallel_loop3A_1714 = vector.shape_cast %parallel_loop3A_1708 : vector<16xf32> to vector<1x1x16xf32>
      tpu.vector_store %arg9[%parallel_loop3A_1709, %parallel_loop3A_1710, %parallel_loop3A_1711], %parallel_loop3A_1714 {strides = array<i32>} : memref<3x8x1024xf32, #tpu.memory_space<vmem>>, vector<1x1x16xf32>,
    } {sc.loop_unroll_factor = 8 : i64, sc.parallel_access}
    %add3A_412 = arith.constant 0 : i32
    %add3A_413 = arith.addi %mul3A_2, %add3A_412 : i32
    %dma_start3A_414 = arith.constant 2 : i32
    %dma_start3A_415 = arith.constant 0 : i32
    %dma_start3A_416 = arith.constant 0 : i32
    %dma_start3A_417 = tpu.memref_slice %arg5[%dma_start3A_414, %dma_start3A_415, %add3A_413, %dma_start3A_416] : memref<9x3x1024x1024xf32, #tpu.memory_space<hbm>> -> memref<1x3x8x1024xf32, #tpu.memory_space<hbm>>
    %dma_start3A_418 = tpu.memref_squeeze %dma_start3A_417 : memref<1x3x8x1024xf32, #tpu.memory_space<hbm>> -> memref<3x8x1024xf32, #tpu.memory_space<hbm>>
    %dma_start3A_419 = arith.constant 0 : i32
    %dma_start3A_420 = arith.constant 0 : i32
    %dma_start3A_421 = tpu.memref_slice %arg5[%dma_start3A_414, %dma_start3A_419, %add3A_413, %dma_start3A_420] : memref<9x3x1024x1024xf32, #tpu.memory_space<hbm>> -> memref<1x3x8x1024xf32, #tpu.memory_space<hbm>>
    %dma_start3A_422 = tpu.memref_squeeze %dma_start3A_421 : memref<1x3x8x1024xf32, #tpu.memory_space<hbm>> -> memref<3x8x1024xf32, #tpu.memory_space<hbm>>
    tpu.enqueue_dma source(%arg9 : memref<3x8x1024xf32, #tpu.memory_space<vmem>>) target(%dma_start3A_422 : memref<3x8x1024xf32, #tpu.memory_space<hbm>>) target_semaphore(%arg14 : memref<!tpu.dma_semaphore, #tpu.memory_space<semaphore_mem>>)
    %add3A_423 = arith.constant 24 : i32
    %add3A_424 = arith.addi %mul3A_2, %add3A_423 : i32
    %dma_start3A_425 = arith.constant 2 : i32
    %dma_start3A_426 = arith.constant 0 : i32
    %dma_start3A_427 = arith.constant 0 : i32
    %dma_start3A_428 = tpu.memref_slice %arg4[%dma_start3A_425, %dma_start3A_426, %add3A_424, %dma_start3A_427] : memref<3x3x1024x1024xf32, #tpu.memory_space<hbm>> -> memref<1x3x8x1024xf32, #tpu.memory_space<hbm>>
    %dma_start3A_429 = tpu.memref_squeeze %dma_start3A_428 : memref<1x3x8x1024xf32, #tpu.memory_space<hbm>> -> memref<3x8x1024xf32, #tpu.memory_space<hbm>>
    %dma_start3A_430 = arith.constant 0 : i32
    %dma_start3A_431 = arith.constant 0 : i32
    %dma_start3A_432 = tpu.memref_slice %arg4[%dma_start3A_425, %dma_start3A_430, %add3A_424, %dma_start3A_431] : memref<3x3x1024x1024xf32, #tpu.memory_space<hbm>> -> memref<1x3x8x1024xf32, #tpu.memory_space<hbm>>
    %dma_start3A_433 = tpu.memref_squeeze %dma_start3A_432 : memref<1x3x8x1024xf32, #tpu.memory_space<hbm>> -> memref<3x8x1024xf32, #tpu.memory_space<hbm>>
    tpu.enqueue_dma source(%dma_start3A_433 : memref<3x8x1024xf32, #tpu.memory_space<hbm>>) target(%arg8 : memref<3x8x1024xf32, #tpu.memory_space<vmem>>) target_semaphore(%arg13 : memref<!tpu.dma_semaphore, #tpu.memory_space<semaphore_mem>>)
    %add3A_434 = arith.constant 8 : i32
    %add3A_435 = arith.addi %mul3A_2, %add3A_434 : i32
    %dma_wait3A_436 = arith.constant 2 : i32
    %dma_wait3A_437 = arith.constant 0 : i32
    %dma_wait3A_438 = arith.constant 0 : i32
    %dma_wait3A_439 = tpu.memref_slice %arg4[%dma_wait3A_436, %dma_wait3A_437, %add3A_435, %dma_wait3A_438] : memref<3x3x1024x1024xf32, #tpu.memory_space<hbm>> -> memref<1x3x8x1024xf32, #tpu.memory_space<hbm>>
    %dma_wait3A_440 = tpu.memref_squeeze %dma_wait3A_439 : memref<1x3x8x1024xf32, #tpu.memory_space<hbm>> -> memref<3x8x1024xf32, #tpu.memory_space<hbm>>
    %dma_wait3A_441 = arith.constant 0 : i32
    %dma_wait3A_442 = arith.constant 0 : i32
    %dma_wait3A_443 = tpu.memref_slice %arg4[%dma_wait3A_436, %dma_wait3A_441, %add3A_435, %dma_wait3A_442] : memref<3x3x1024x1024xf32, #tpu.memory_space<hbm>> -> memref<1x3x8x1024xf32, #tpu.memory_space<hbm>>
    %dma_wait3A_444 = tpu.memref_squeeze %dma_wait3A_443 : memref<1x3x8x1024xf32, #tpu.memory_space<hbm>> -> memref<3x8x1024xf32, #tpu.memory_space<hbm>>
    tpu.wait_dma2 semaphore(%arg11 : memref<!tpu.dma_semaphore, #tpu.memory_space<semaphore_mem>>) src(%dma_wait3A_444 : memref<3x8x1024xf32, #tpu.memory_space<hbm>>) dst(%arg6 : memref<3x8x1024xf32, #tpu.memory_space<vmem>>)
    %add3A_445 = arith.constant 24 : i32
    %add3A_446 = arith.addi %mul3A_2, %add3A_445 : i32
    %dma_wait3A_447 = arith.constant 1 : i32
    %dma_wait3A_448 = arith.constant 0 : i32
    %dma_wait3A_449 = arith.constant 0 : i32
    %dma_wait3A_450 = tpu.memref_slice %arg5[%dma_wait3A_447, %dma_wait3A_448, %add3A_446, %dma_wait3A_449] : memref<9x3x1024x1024xf32, #tpu.memory_space<hbm>> -> memref<1x3x8x1024xf32, #tpu.memory_space<hbm>>
    %dma_wait3A_451 = tpu.memref_squeeze %dma_wait3A_450 : memref<1x3x8x1024xf32, #tpu.memory_space<hbm>> -> memref<3x8x1024xf32, #tpu.memory_space<hbm>>
    %dma_wait3A_452 = arith.constant 0 : i32
    %dma_wait3A_453 = arith.constant 0 : i32
    %dma_wait3A_454 = tpu.memref_slice %arg5[%dma_wait3A_447, %dma_wait3A_452, %add3A_446, %dma_wait3A_453] : memref<9x3x1024x1024xf32, #tpu.memory_space<hbm>> -> memref<1x3x8x1024xf32, #tpu.memory_space<hbm>>
    %dma_wait3A_455 = tpu.memref_squeeze %dma_wait3A_454 : memref<1x3x8x1024xf32, #tpu.memory_space<hbm>> -> memref<3x8x1024xf32, #tpu.memory_space<hbm>>
    tpu.wait_dma2 semaphore(%arg15 : memref<!tpu.dma_semaphore, #tpu.memory_space<semaphore_mem>>) src(%arg10 : memref<3x8x1024xf32, #tpu.memory_space<vmem>>) dst(%dma_wait3A_455 : memref<3x8x1024xf32, #tpu.memory_space<hbm>>)
    %parallel_loop3A_456 = arith.constant 0 : i32
    %parallel_loop3A_457 = arith.constant 1536 : i32
    %parallel_loop3A_458 = arith.constant 1 : i32
    scf.for %parallel_loop3A_1692 = %parallel_loop3A_456 to %parallel_loop3A_457 step %parallel_loop3A_458  : i32 {
      %parallel_loop3A_1693 = arith.constant 9 : i32
      %parallel_loop3A_1694 = arith.shrsi %parallel_loop3A_1692, %parallel_loop3A_1693 : i32
      %parallel_loop3A_1695 = arith.constant 6 : i32
      %parallel_loop3A_1696 = arith.shrsi %parallel_loop3A_1692, %parallel_loop3A_1695 : i32
      %parallel_loop3A_1697 = arith.constant 7 : i32
      %parallel_loop3A_1698 = arith.andi %parallel_loop3A_1696, %parallel_loop3A_1697 : i32
      %parallel_loop3A_1699 = arith.constant 63 : i32
      %parallel_loop3A_1700 = arith.andi %parallel_loop3A_1692, %parallel_loop3A_1699 : i32
      %parallel_loop3A_1701 = arith.constant 16 : i32
      %parallel_loop3A_1702 = arith.muli %parallel_loop3A_1700, %parallel_loop3A_1701 : i32
      %parallel_loop3A_1703 = arith.index_cast %parallel_loop3A_1694 : i32 to index
      %parallel_loop3A_1704 = arith.index_cast %parallel_loop3A_1698 : i32 to index
      %parallel_loop3A_1705 = arith.index_cast %parallel_loop3A_1702 : i32 to index
      %parallel_loop3A_1706 = tpu.vector_load %arg6[%parallel_loop3A_1703, %parallel_loop3A_1704, %parallel_loop3A_1705] {strides = array<i32>} : memref<3x8x1024xf32, #tpu.memory_space<vmem>>, vector<1x1x16xf32>,
      %parallel_loop3A_1707 = vector.shape_cast %parallel_loop3A_1706 : vector<1x1x16xf32> to vector<16xf32>
      %parallel_loop3A_1708 = arith.mulf %parallel_loop3A_1707, %parallel_loop3A_1707 : vector<16xf32>
      %parallel_loop3A_1709 = arith.index_cast %parallel_loop3A_1694 : i32 to index
      %parallel_loop3A_1710 = arith.index_cast %parallel_loop3A_1698 : i32 to index
      %parallel_loop3A_1711 = arith.index_cast %parallel_loop3A_1702 : i32 to index
      %parallel_loop3A_1712 = tpu.vector_load %arg10[%parallel_loop3A_1709, %parallel_loop3A_1710, %parallel_loop3A_1711] {strides = array<i32>} : memref<3x8x1024xf32, #tpu.memory_space<vmem>>, vector<1x1x16xf32>,
      %parallel_loop3A_1713 = vector.shape_cast %parallel_loop3A_1712 : vector<1x1x16xf32> to vector<16xf32>
      %parallel_loop3A_1714 = vector.shape_cast %parallel_loop3A_1708 : vector<16xf32> to vector<1x1x16xf32>
      tpu.vector_store %arg10[%parallel_loop3A_1709, %parallel_loop3A_1710, %parallel_loop3A_1711], %parallel_loop3A_1714 {strides = array<i32>} : memref<3x8x1024xf32, #tpu.memory_space<vmem>>, vector<1x1x16xf32>,
    } {sc.loop_unroll_factor = 8 : i64, sc.parallel_access}
    %add3A_459 = arith.constant 8 : i32
    %add3A_460 = arith.addi %mul3A_2, %add3A_459 : i32
    %dma_start3A_461 = arith.constant 2 : i32
    %dma_start3A_462 = arith.constant 0 : i32
    %dma_start3A_463 = arith.constant 0 : i32
    %dma_start3A_464 = tpu.memref_slice %arg5[%dma_start3A_461, %dma_start3A_462, %add3A_460, %dma_start3A_463] : memref<9x3x1024x1024xf32, #tpu.memory_space<hbm>> -> memref<1x3x8x1024xf32, #tpu.memory_space<hbm>>
    %dma_start3A_465 = tpu.memref_squeeze %dma_start3A_464 : memref<1x3x8x1024xf32, #tpu.memory_space<hbm>> -> memref<3x8x1024xf32, #tpu.memory_space<hbm>>
    %dma_start3A_466 = arith.constant 0 : i32
    %dma_start3A_467 = arith.constant 0 : i32
    %dma_start3A_468 = tpu.memref_slice %arg5[%dma_start3A_461, %dma_start3A_466, %add3A_460, %dma_start3A_467] : memref<9x3x1024x1024xf32, #tpu.memory_space<hbm>> -> memref<1x3x8x1024xf32, #tpu.memory_space<hbm>>
    %dma_start3A_469 = tpu.memref_squeeze %dma_start3A_468 : memref<1x3x8x1024xf32, #tpu.memory_space<hbm>> -> memref<3x8x1024xf32, #tpu.memory_space<hbm>>
    tpu.enqueue_dma source(%arg10 : memref<3x8x1024xf32, #tpu.memory_space<vmem>>) target(%dma_start3A_469 : memref<3x8x1024xf32, #tpu.memory_space<hbm>>) target_semaphore(%arg15 : memref<!tpu.dma_semaphore, #tpu.memory_space<semaphore_mem>>)
    %add3A_470 = arith.constant 0 : i32
    %add3A_471 = arith.addi %mul3A_2, %add3A_470 : i32
    %dma_start3A_472 = arith.constant 1 : i32
    %dma_start3A_473 = arith.constant 0 : i32
    %dma_start3A_474 = arith.constant 0 : i32
    %dma_start3A_475 = tpu.memref_slice %arg4[%dma_start3A_472, %dma_start3A_473, %add3A_471, %dma_start3A_474] : memref<3x3x1024x1024xf32, #tpu.memory_space<hbm>> -> memref<1x3x8x1024xf32, #tpu.memory_space<hbm>>
    %dma_start3A_476 = tpu.memref_squeeze %dma_start3A_475 : memref<1x3x8x1024xf32, #tpu.memory_space<hbm>> -> memref<3x8x1024xf32, #tpu.memory_space<hbm>>
    %dma_start3A_477 = arith.constant 0 : i32
    %dma_start3A_478 = arith.constant 0 : i32
    %dma_start3A_479 = tpu.memref_slice %arg4[%dma_start3A_472, %dma_start3A_477, %add3A_471, %dma_start3A_478] : memref<3x3x1024x1024xf32, #tpu.memory_space<hbm>> -> memref<1x3x8x1024xf32, #tpu.memory_space<hbm>>
    %dma_start3A_480 = tpu.memref_squeeze %dma_start3A_479 : memref<1x3x8x1024xf32, #tpu.memory_space<hbm>> -> memref<3x8x1024xf32, #tpu.memory_space<hbm>>
    tpu.enqueue_dma source(%dma_start3A_480 : memref<3x8x1024xf32, #tpu.memory_space<hbm>>) target(%arg6 : memref<3x8x1024xf32, #tpu.memory_space<vmem>>) target_semaphore(%arg11 : memref<!tpu.dma_semaphore, #tpu.memory_space<semaphore_mem>>)
    %add3A_481 = arith.constant 16 : i32
    %add3A_482 = arith.addi %mul3A_2, %add3A_481 : i32
    %dma_wait3A_483 = arith.constant 2 : i32
    %dma_wait3A_484 = arith.constant 0 : i32
    %dma_wait3A_485 = arith.constant 0 : i32
    %dma_wait3A_486 = tpu.memref_slice %arg4[%dma_wait3A_483, %dma_wait3A_484, %add3A_482, %dma_wait3A_485] : memref<3x3x1024x1024xf32, #tpu.memory_space<hbm>> -> memref<1x3x8x1024xf32, #tpu.memory_space<hbm>>
    %dma_wait3A_487 = tpu.memref_squeeze %dma_wait3A_486 : memref<1x3x8x1024xf32, #tpu.memory_space<hbm>> -> memref<3x8x1024xf32, #tpu.memory_space<hbm>>
    %dma_wait3A_488 = arith.constant 0 : i32
    %dma_wait3A_489 = arith.constant 0 : i32
    %dma_wait3A_490 = tpu.memref_slice %arg4[%dma_wait3A_483, %dma_wait3A_488, %add3A_482, %dma_wait3A_489] : memref<3x3x1024x1024xf32, #tpu.memory_space<hbm>> -> memref<1x3x8x1024xf32, #tpu.memory_space<hbm>>
    %dma_wait3A_491 = tpu.memref_squeeze %dma_wait3A_490 : memref<1x3x8x1024xf32, #tpu.memory_space<hbm>> -> memref<3x8x1024xf32, #tpu.memory_space<hbm>>
    tpu.wait_dma2 semaphore(%arg12 : memref<!tpu.dma_semaphore, #tpu.memory_space<semaphore_mem>>) src(%dma_wait3A_491 : memref<3x8x1024xf32, #tpu.memory_space<hbm>>) dst(%arg7 : memref<3x8x1024xf32, #tpu.memory_space<vmem>>)
    %add3A_492 = arith.constant 0 : i32
    %add3A_493 = arith.addi %mul3A_2, %add3A_492 : i32
    %dma_wait3A_494 = arith.constant 2 : i32
    %dma_wait3A_495 = arith.constant 0 : i32
    %dma_wait3A_496 = arith.constant 0 : i32
    %dma_wait3A_497 = tpu.memref_slice %arg5[%dma_wait3A_494, %dma_wait3A_495, %add3A_493, %dma_wait3A_496] : memref<9x3x1024x1024xf32, #tpu.memory_space<hbm>> -> memref<1x3x8x1024xf32, #tpu.memory_space<hbm>>
    %dma_wait3A_498 = tpu.memref_squeeze %dma_wait3A_497 : memref<1x3x8x1024xf32, #tpu.memory_space<hbm>> -> memref<3x8x1024xf32, #tpu.memory_space<hbm>>
    %dma_wait3A_499 = arith.constant 0 : i32
    %dma_wait3A_500 = arith.constant 0 : i32
    %dma_wait3A_501 = tpu.memref_slice %arg5[%dma_wait3A_494, %dma_wait3A_499, %add3A_493, %dma_wait3A_500] : memref<9x3x1024x1024xf32, #tpu.memory_space<hbm>> -> memref<1x3x8x1024xf32, #tpu.memory_space<hbm>>
    %dma_wait3A_502 = tpu.memref_squeeze %dma_wait3A_501 : memref<1x3x8x1024xf32, #tpu.memory_space<hbm>> -> memref<3x8x1024xf32, #tpu.memory_space<hbm>>
    tpu.wait_dma2 semaphore(%arg14 : memref<!tpu.dma_semaphore, #tpu.memory_space<semaphore_mem>>) src(%arg9 : memref<3x8x1024xf32, #tpu.memory_space<vmem>>) dst(%dma_wait3A_502 : memref<3x8x1024xf32, #tpu.memory_space<hbm>>)
    %parallel_loop3A_503 = arith.constant 0 : i32
    %parallel_loop3A_504 = arith.constant 1536 : i32
    %parallel_loop3A_505 = arith.constant 1 : i32
    scf.for %parallel_loop3A_1692 = %parallel_loop3A_503 to %parallel_loop3A_504 step %parallel_loop3A_505  : i32 {
      %parallel_loop3A_1693 = arith.constant 9 : i32
      %parallel_loop3A_1694 = arith.shrsi %parallel_loop3A_1692, %parallel_loop3A_1693 : i32
      %parallel_loop3A_1695 = arith.constant 6 : i32
      %parallel_loop3A_1696 = arith.shrsi %parallel_loop3A_1692, %parallel_loop3A_1695 : i32
      %parallel_loop3A_1697 = arith.constant 7 : i32
      %parallel_loop3A_1698 = arith.andi %parallel_loop3A_1696, %parallel_loop3A_1697 : i32
      %parallel_loop3A_1699 = arith.constant 63 : i32
      %parallel_loop3A_1700 = arith.andi %parallel_loop3A_1692, %parallel_loop3A_1699 : i32
      %parallel_loop3A_1701 = arith.constant 16 : i32
      %parallel_loop3A_1702 = arith.muli %parallel_loop3A_1700, %parallel_loop3A_1701 : i32
      %parallel_loop3A_1703 = arith.index_cast %parallel_loop3A_1694 : i32 to index
      %parallel_loop3A_1704 = arith.index_cast %parallel_loop3A_1698 : i32 to index
      %parallel_loop3A_1705 = arith.index_cast %parallel_loop3A_1702 : i32 to index
      %parallel_loop3A_1706 = tpu.vector_load %arg7[%parallel_loop3A_1703, %parallel_loop3A_1704, %parallel_loop3A_1705] {strides = array<i32>} : memref<3x8x1024xf32, #tpu.memory_space<vmem>>, vector<1x1x16xf32>,
      %parallel_loop3A_1707 = vector.shape_cast %parallel_loop3A_1706 : vector<1x1x16xf32> to vector<16xf32>
      %parallel_loop3A_1708 = arith.mulf %parallel_loop3A_1707, %parallel_loop3A_1707 : vector<16xf32>
      %parallel_loop3A_1709 = arith.index_cast %parallel_loop3A_1694 : i32 to index
      %parallel_loop3A_1710 = arith.index_cast %parallel_loop3A_1698 : i32 to index
      %parallel_loop3A_1711 = arith.index_cast %parallel_loop3A_1702 : i32 to index
      %parallel_loop3A_1712 = tpu.vector_load %arg9[%parallel_loop3A_1709, %parallel_loop3A_1710, %parallel_loop3A_1711] {strides = array<i32>} : memref<3x8x1024xf32, #tpu.memory_space<vmem>>, vector<1x1x16xf32>,
      %parallel_loop3A_1713 = vector.shape_cast %parallel_loop3A_1712 : vector<1x1x16xf32> to vector<16xf32>
      %parallel_loop3A_1714 = vector.shape_cast %parallel_loop3A_1708 : vector<16xf32> to vector<1x1x16xf32>
      tpu.vector_store %arg9[%parallel_loop3A_1709, %parallel_loop3A_1710, %parallel_loop3A_1711], %parallel_loop3A_1714 {strides = array<i32>} : memref<3x8x1024xf32, #tpu.memory_space<vmem>>, vector<1x1x16xf32>,
    } {sc.loop_unroll_factor = 8 : i64, sc.parallel_access}
    %add3A_506 = arith.constant 16 : i32
    %add3A_507 = arith.addi %mul3A_2, %add3A_506 : i32
    %dma_start3A_508 = arith.constant 2 : i32
    %dma_start3A_509 = arith.constant 0 : i32
    %dma_start3A_510 = arith.constant 0 : i32
    %dma_start3A_511 = tpu.memref_slice %arg5[%dma_start3A_508, %dma_start3A_509, %add3A_507, %dma_start3A_510] : memref<9x3x1024x1024xf32, #tpu.memory_space<hbm>> -> memref<1x3x8x1024xf32, #tpu.memory_space<hbm>>
    %dma_start3A_512 = tpu.memref_squeeze %dma_start3A_511 : memref<1x3x8x1024xf32, #tpu.memory_space<hbm>> -> memref<3x8x1024xf32, #tpu.memory_space<hbm>>
    %dma_start3A_513 = arith.constant 0 : i32
    %dma_start3A_514 = arith.constant 0 : i32
    %dma_start3A_515 = tpu.memref_slice %arg5[%dma_start3A_508, %dma_start3A_513, %add3A_507, %dma_start3A_514] : memref<9x3x1024x1024xf32, #tpu.memory_space<hbm>> -> memref<1x3x8x1024xf32, #tpu.memory_space<hbm>>
    %dma_start3A_516 = tpu.memref_squeeze %dma_start3A_515 : memref<1x3x8x1024xf32, #tpu.memory_space<hbm>> -> memref<3x8x1024xf32, #tpu.memory_space<hbm>>
    tpu.enqueue_dma source(%arg9 : memref<3x8x1024xf32, #tpu.memory_space<vmem>>) target(%dma_start3A_516 : memref<3x8x1024xf32, #tpu.memory_space<hbm>>) target_semaphore(%arg14 : memref<!tpu.dma_semaphore, #tpu.memory_space<semaphore_mem>>)
    %add3A_517 = arith.constant 8 : i32
    %add3A_518 = arith.addi %mul3A_2, %add3A_517 : i32
    %dma_start3A_519 = arith.constant 1 : i32
    %dma_start3A_520 = arith.constant 0 : i32
    %dma_start3A_521 = arith.constant 0 : i32
    %dma_start3A_522 = tpu.memref_slice %arg4[%dma_start3A_519, %dma_start3A_520, %add3A_518, %dma_start3A_521] : memref<3x3x1024x1024xf32, #tpu.memory_space<hbm>> -> memref<1x3x8x1024xf32, #tpu.memory_space<hbm>>
    %dma_start3A_523 = tpu.memref_squeeze %dma_start3A_522 : memref<1x3x8x1024xf32, #tpu.memory_space<hbm>> -> memref<3x8x1024xf32, #tpu.memory_space<hbm>>
    %dma_start3A_524 = arith.constant 0 : i32
    %dma_start3A_525 = arith.constant 0 : i32
    %dma_start3A_526 = tpu.memref_slice %arg4[%dma_start3A_519, %dma_start3A_524, %add3A_518, %dma_start3A_525] : memref<3x3x1024x1024xf32, #tpu.memory_space<hbm>> -> memref<1x3x8x1024xf32, #tpu.memory_space<hbm>>
    %dma_start3A_527 = tpu.memref_squeeze %dma_start3A_526 : memref<1x3x8x1024xf32, #tpu.memory_space<hbm>> -> memref<3x8x1024xf32, #tpu.memory_space<hbm>>
    tpu.enqueue_dma source(%dma_start3A_527 : memref<3x8x1024xf32, #tpu.memory_space<hbm>>) target(%arg7 : memref<3x8x1024xf32, #tpu.memory_space<vmem>>) target_semaphore(%arg12 : memref<!tpu.dma_semaphore, #tpu.memory_space<semaphore_mem>>)
    %add3A_528 = arith.constant 24 : i32
    %add3A_529 = arith.addi %mul3A_2, %add3A_528 : i32
    %dma_wait3A_530 = arith.constant 2 : i32
    %dma_wait3A_531 = arith.constant 0 : i32
    %dma_wait3A_532 = arith.constant 0 : i32
    %dma_wait3A_533 = tpu.memref_slice %arg4[%dma_wait3A_530, %dma_wait3A_531, %add3A_529, %dma_wait3A_532] : memref<3x3x1024x1024xf32, #tpu.memory_space<hbm>> -> memref<1x3x8x1024xf32, #tpu.memory_space<hbm>>
    %dma_wait3A_534 = tpu.memref_squeeze %dma_wait3A_533 : memref<1x3x8x1024xf32, #tpu.memory_space<hbm>> -> memref<3x8x1024xf32, #tpu.memory_space<hbm>>
    %dma_wait3A_535 = arith.constant 0 : i32
    %dma_wait3A_536 = arith.constant 0 : i32
    %dma_wait3A_537 = tpu.memref_slice %arg4[%dma_wait3A_530, %dma_wait3A_535, %add3A_529, %dma_wait3A_536] : memref<3x3x1024x1024xf32, #tpu.memory_space<hbm>> -> memref<1x3x8x1024xf32, #tpu.memory_space<hbm>>
    %dma_wait3A_538 = tpu.memref_squeeze %dma_wait3A_537 : memref<1x3x8x1024xf32, #tpu.memory_space<hbm>> -> memref<3x8x1024xf32, #tpu.memory_space<hbm>>
    tpu.wait_dma2 semaphore(%arg13 : memref<!tpu.dma_semaphore, #tpu.memory_space<semaphore_mem>>) src(%dma_wait3A_538 : memref<3x8x1024xf32, #tpu.memory_space<hbm>>) dst(%arg8 : memref<3x8x1024xf32, #tpu.memory_space<vmem>>)
    %add3A_539 = arith.constant 8 : i32
    %add3A_540 = arith.addi %mul3A_2, %add3A_539 : i32
    %dma_wait3A_541 = arith.constant 2 : i32
    %dma_wait3A_542 = arith.constant 0 : i32
    %dma_wait3A_543 = arith.constant 0 : i32
    %dma_wait3A_544 = tpu.memref_slice %arg5[%dma_wait3A_541, %dma_wait3A_542, %add3A_540, %dma_wait3A_543] : memref<9x3x1024x1024xf32, #tpu.memory_space<hbm>> -> memref<1x3x8x1024xf32, #tpu.memory_space<hbm>>
    %dma_wait3A_545 = tpu.memref_squeeze %dma_wait3A_544 : memref<1x3x8x1024xf32, #tpu.memory_space<hbm>> -> memref<3x8x1024xf32, #tpu.memory_space<hbm>>
    %dma_wait3A_546 = arith.constant 0 : i32
    %dma_wait3A_547 = arith.constant 0 : i32
    %dma_wait3A_548 = tpu.memref_slice %arg5[%dma_wait3A_541, %dma_wait3A_546, %add3A_540, %dma_wait3A_547] : memref<9x3x1024x1024xf32, #tpu.memory_space<hbm>> -> memref<1x3x8x1024xf32, #tpu.memory_space<hbm>>
    %dma_wait3A_549 = tpu.memref_squeeze %dma_wait3A_548 : memref<1x3x8x1024xf32, #tpu.memory_space<hbm>> -> memref<3x8x1024xf32, #tpu.memory_space<hbm>>
    tpu.wait_dma2 semaphore(%arg15 : memref<!tpu.dma_semaphore, #tpu.memory_space<semaphore_mem>>) src(%arg10 : memref<3x8x1024xf32, #tpu.memory_space<vmem>>) dst(%dma_wait3A_549 : memref<3x8x1024xf32, #tpu.memory_space<hbm>>)
    %parallel_loop3A_550 = arith.constant 0 : i32
    %parallel_loop3A_551 = arith.constant 1536 : i32
    %parallel_loop3A_552 = arith.constant 1 : i32
    scf.for %parallel_loop3A_1692 = %parallel_loop3A_550 to %parallel_loop3A_551 step %parallel_loop3A_552  : i32 {
      %parallel_loop3A_1693 = arith.constant 9 : i32
      %parallel_loop3A_1694 = arith.shrsi %parallel_loop3A_1692, %parallel_loop3A_1693 : i32
      %parallel_loop3A_1695 = arith.constant 6 : i32
      %parallel_loop3A_1696 = arith.shrsi %parallel_loop3A_1692, %parallel_loop3A_1695 : i32
      %parallel_loop3A_1697 = arith.constant 7 : i32
      %parallel_loop3A_1698 = arith.andi %parallel_loop3A_1696, %parallel_loop3A_1697 : i32
      %parallel_loop3A_1699 = arith.constant 63 : i32
      %parallel_loop3A_1700 = arith.andi %parallel_loop3A_1692, %parallel_loop3A_1699 : i32
      %parallel_loop3A_1701 = arith.constant 16 : i32
      %parallel_loop3A_1702 = arith.muli %parallel_loop3A_1700, %parallel_loop3A_1701 : i32
      %parallel_loop3A_1703 = arith.index_cast %parallel_loop3A_1694 : i32 to index
      %parallel_loop3A_1704 = arith.index_cast %parallel_loop3A_1698 : i32 to index
      %parallel_loop3A_1705 = arith.index_cast %parallel_loop3A_1702 : i32 to index
      %parallel_loop3A_1706 = tpu.vector_load %arg8[%parallel_loop3A_1703, %parallel_loop3A_1704, %parallel_loop3A_1705] {strides = array<i32>} : memref<3x8x1024xf32, #tpu.memory_space<vmem>>, vector<1x1x16xf32>,
      %parallel_loop3A_1707 = vector.shape_cast %parallel_loop3A_1706 : vector<1x1x16xf32> to vector<16xf32>
      %parallel_loop3A_1708 = arith.mulf %parallel_loop3A_1707, %parallel_loop3A_1707 : vector<16xf32>
      %parallel_loop3A_1709 = arith.index_cast %parallel_loop3A_1694 : i32 to index
      %parallel_loop3A_1710 = arith.index_cast %parallel_loop3A_1698 : i32 to index
      %parallel_loop3A_1711 = arith.index_cast %parallel_loop3A_1702 : i32 to index
      %parallel_loop3A_1712 = tpu.vector_load %arg10[%parallel_loop3A_1709, %parallel_loop3A_1710, %parallel_loop3A_1711] {strides = array<i32>} : memref<3x8x1024xf32, #tpu.memory_space<vmem>>, vector<1x1x16xf32>,
      %parallel_loop3A_1713 = vector.shape_cast %parallel_loop3A_1712 : vector<1x1x16xf32> to vector<16xf32>
      %parallel_loop3A_1714 = vector.shape_cast %parallel_loop3A_1708 : vector<16xf32> to vector<1x1x16xf32>
      tpu.vector_store %arg10[%parallel_loop3A_1709, %parallel_loop3A_1710, %parallel_loop3A_1711], %parallel_loop3A_1714 {strides = array<i32>} : memref<3x8x1024xf32, #tpu.memory_space<vmem>>, vector<1x1x16xf32>,
    } {sc.loop_unroll_factor = 8 : i64, sc.parallel_access}
    %add3A_553 = arith.constant 24 : i32
    %add3A_554 = arith.addi %mul3A_2, %add3A_553 : i32
    %dma_start3A_555 = arith.constant 2 : i32
    %dma_start3A_556 = arith.constant 0 : i32
    %dma_start3A_557 = arith.constant 0 : i32
    %dma_start3A_558 = tpu.memref_slice %arg5[%dma_start3A_555, %dma_start3A_556, %add3A_554, %dma_start3A_557] : memref<9x3x1024x1024xf32, #tpu.memory_space<hbm>> -> memref<1x3x8x1024xf32, #tpu.memory_space<hbm>>
    %dma_start3A_559 = tpu.memref_squeeze %dma_start3A_558 : memref<1x3x8x1024xf32, #tpu.memory_space<hbm>> -> memref<3x8x1024xf32, #tpu.memory_space<hbm>>
    %dma_start3A_560 = arith.constant 0 : i32
    %dma_start3A_561 = arith.constant 0 : i32
    %dma_start3A_562 = tpu.memref_slice %arg5[%dma_start3A_555, %dma_start3A_560, %add3A_554, %dma_start3A_561] : memref<9x3x1024x1024xf32, #tpu.memory_space<hbm>> -> memref<1x3x8x1024xf32, #tpu.memory_space<hbm>>
    %dma_start3A_563 = tpu.memref_squeeze %dma_start3A_562 : memref<1x3x8x1024xf32, #tpu.memory_space<hbm>> -> memref<3x8x1024xf32, #tpu.memory_space<hbm>>
    tpu.enqueue_dma source(%arg10 : memref<3x8x1024xf32, #tpu.memory_space<vmem>>) target(%dma_start3A_563 : memref<3x8x1024xf32, #tpu.memory_space<hbm>>) target_semaphore(%arg15 : memref<!tpu.dma_semaphore, #tpu.memory_space<semaphore_mem>>)
    %add3A_564 = arith.constant 16 : i32
    %add3A_565 = arith.addi %mul3A_2, %add3A_564 : i32
    %dma_start3A_566 = arith.constant 1 : i32
    %dma_start3A_567 = arith.constant 0 : i32
    %dma_start3A_568 = arith.constant 0 : i32
    %dma_start3A_569 = tpu.memref_slice %arg4[%dma_start3A_566, %dma_start3A_567, %add3A_565, %dma_start3A_568] : memref<3x3x1024x1024xf32, #tpu.memory_space<hbm>> -> memref<1x3x8x1024xf32, #tpu.memory_space<hbm>>
    %dma_start3A_570 = tpu.memref_squeeze %dma_start3A_569 : memref<1x3x8x1024xf32, #tpu.memory_space<hbm>> -> memref<3x8x1024xf32, #tpu.memory_space<hbm>>
    %dma_start3A_571 = arith.constant 0 : i32
    %dma_start3A_572 = arith.constant 0 : i32
    %dma_start3A_573 = tpu.memref_slice %arg4[%dma_start3A_566, %dma_start3A_571, %add3A_565, %dma_start3A_572] : memref<3x3x1024x1024xf32, #tpu.memory_space<hbm>> -> memref<1x3x8x1024xf32, #tpu.memory_space<hbm>>
    %dma_start3A_574 = tpu.memref_squeeze %dma_start3A_573 : memref<1x3x8x1024xf32, #tpu.memory_space<hbm>> -> memref<3x8x1024xf32, #tpu.memory_space<hbm>>
    tpu.enqueue_dma source(%dma_start3A_574 : memref<3x8x1024xf32, #tpu.memory_space<hbm>>) target(%arg8 : memref<3x8x1024xf32, #tpu.memory_space<vmem>>) target_semaphore(%arg13 : memref<!tpu.dma_semaphore, #tpu.memory_space<semaphore_mem>>)
    %add3A_575 = arith.constant 0 : i32
    %add3A_576 = arith.addi %mul3A_2, %add3A_575 : i32
    %dma_wait3A_577 = arith.constant 1 : i32
    %dma_wait3A_578 = arith.constant 0 : i32
    %dma_wait3A_579 = arith.constant 0 : i32
    %dma_wait3A_580 = tpu.memref_slice %arg4[%dma_wait3A_577, %dma_wait3A_578, %add3A_576, %dma_wait3A_579] : memref<3x3x1024x1024xf32, #tpu.memory_space<hbm>> -> memref<1x3x8x1024xf32, #tpu.memory_space<hbm>>
    %dma_wait3A_581 = tpu.memref_squeeze %dma_wait3A_580 : memref<1x3x8x1024xf32, #tpu.memory_space<hbm>> -> memref<3x8x1024xf32, #tpu.memory_space<hbm>>
    %dma_wait3A_582 = arith.constant 0 : i32
    %dma_wait3A_583 = arith.constant 0 : i32
    %dma_wait3A_584 = tpu.memref_slice %arg4[%dma_wait3A_577, %dma_wait3A_582, %add3A_576, %dma_wait3A_583] : memref<3x3x1024x1024xf32, #tpu.memory_space<hbm>> -> memref<1x3x8x1024xf32, #tpu.memory_space<hbm>>
    %dma_wait3A_585 = tpu.memref_squeeze %dma_wait3A_584 : memref<1x3x8x1024xf32, #tpu.memory_space<hbm>> -> memref<3x8x1024xf32, #tpu.memory_space<hbm>>
    tpu.wait_dma2 semaphore(%arg11 : memref<!tpu.dma_semaphore, #tpu.memory_space<semaphore_mem>>) src(%dma_wait3A_585 : memref<3x8x1024xf32, #tpu.memory_space<hbm>>) dst(%arg6 : memref<3x8x1024xf32, #tpu.memory_space<vmem>>)
    %add3A_586 = arith.constant 16 : i32
    %add3A_587 = arith.addi %mul3A_2, %add3A_586 : i32
    %dma_wait3A_588 = arith.constant 2 : i32
    %dma_wait3A_589 = arith.constant 0 : i32
    %dma_wait3A_590 = arith.constant 0 : i32
    %dma_wait3A_591 = tpu.memref_slice %arg5[%dma_wait3A_588, %dma_wait3A_589, %add3A_587, %dma_wait3A_590] : memref<9x3x1024x1024xf32, #tpu.memory_space<hbm>> -> memref<1x3x8x1024xf32, #tpu.memory_space<hbm>>
    %dma_wait3A_592 = tpu.memref_squeeze %dma_wait3A_591 : memref<1x3x8x1024xf32, #tpu.memory_space<hbm>> -> memref<3x8x1024xf32, #tpu.memory_space<hbm>>
    %dma_wait3A_593 = arith.constant 0 : i32
    %dma_wait3A_594 = arith.constant 0 : i32
    %dma_wait3A_595 = tpu.memref_slice %arg5[%dma_wait3A_588, %dma_wait3A_593, %add3A_587, %dma_wait3A_594] : memref<9x3x1024x1024xf32, #tpu.memory_space<hbm>> -> memref<1x3x8x1024xf32, #tpu.memory_space<hbm>>
    %dma_wait3A_596 = tpu.memref_squeeze %dma_wait3A_595 : memref<1x3x8x1024xf32, #tpu.memory_space<hbm>> -> memref<3x8x1024xf32, #tpu.memory_space<hbm>>
    tpu.wait_dma2 semaphore(%arg14 : memref<!tpu.dma_semaphore, #tpu.memory_space<semaphore_mem>>) src(%arg9 : memref<3x8x1024xf32, #tpu.memory_space<vmem>>) dst(%dma_wait3A_596 : memref<3x8x1024xf32, #tpu.memory_space<hbm>>)
    %parallel_loop3A_597 = arith.constant 0 : i32
    %parallel_loop3A_598 = arith.constant 1536 : i32
    %parallel_loop3A_599 = arith.constant 1 : i32
    scf.for %parallel_loop3A_1692 = %parallel_loop3A_597 to %parallel_loop3A_598 step %parallel_loop3A_599  : i32 {
      %parallel_loop3A_1693 = arith.constant 9 : i32
      %parallel_loop3A_1694 = arith.shrsi %parallel_loop3A_1692, %parallel_loop3A_1693 : i32
      %parallel_loop3A_1695 = arith.constant 6 : i32
      %parallel_loop3A_1696 = arith.shrsi %parallel_loop3A_1692, %parallel_loop3A_1695 : i32
      %parallel_loop3A_1697 = arith.constant 7 : i32
      %parallel_loop3A_1698 = arith.andi %parallel_loop3A_1696, %parallel_loop3A_1697 : i32
      %parallel_loop3A_1699 = arith.constant 63 : i32
      %parallel_loop3A_1700 = arith.andi %parallel_loop3A_1692, %parallel_loop3A_1699 : i32
      %parallel_loop3A_1701 = arith.constant 16 : i32
      %parallel_loop3A_1702 = arith.muli %parallel_loop3A_1700, %parallel_loop3A_1701 : i32
      %parallel_loop3A_1703 = arith.index_cast %parallel_loop3A_1694 : i32 to index
      %parallel_loop3A_1704 = arith.index_cast %parallel_loop3A_1698 : i32 to index
      %parallel_loop3A_1705 = arith.index_cast %parallel_loop3A_1702 : i32 to index
      %parallel_loop3A_1706 = tpu.vector_load %arg6[%parallel_loop3A_1703, %parallel_loop3A_1704, %parallel_loop3A_1705] {strides = array<i32>} : memref<3x8x1024xf32, #tpu.memory_space<vmem>>, vector<1x1x16xf32>,
      %parallel_loop3A_1707 = vector.shape_cast %parallel_loop3A_1706 : vector<1x1x16xf32> to vector<16xf32>
      %parallel_loop3A_1708 = arith.mulf %parallel_loop3A_1707, %parallel_loop3A_1707 : vector<16xf32>
      %parallel_loop3A_1709 = arith.index_cast %parallel_loop3A_1694 : i32 to index
      %parallel_loop3A_1710 = arith.index_cast %parallel_loop3A_1698 : i32 to index
      %parallel_loop3A_1711 = arith.index_cast %parallel_loop3A_1702 : i32 to index
      %parallel_loop3A_1712 = tpu.vector_load %arg9[%parallel_loop3A_1709, %parallel_loop3A_1710, %parallel_loop3A_1711] {strides = array<i32>} : memref<3x8x1024xf32, #tpu.memory_space<vmem>>, vector<1x1x16xf32>,
      %parallel_loop3A_1713 = vector.shape_cast %parallel_loop3A_1712 : vector<1x1x16xf32> to vector<16xf32>
      %parallel_loop3A_1714 = vector.shape_cast %parallel_loop3A_1708 : vector<16xf32> to vector<1x1x16xf32>
      tpu.vector_store %arg9[%parallel_loop3A_1709, %parallel_loop3A_1710, %parallel_loop3A_1711], %parallel_loop3A_1714 {strides = array<i32>} : memref<3x8x1024xf32, #tpu.memory_space<vmem>>, vector<1x1x16xf32>,
    } {sc.loop_unroll_factor = 8 : i64, sc.parallel_access}
    %add3A_600 = arith.constant 0 : i32
    %add3A_601 = arith.addi %mul3A_2, %add3A_600 : i32
    %dma_start3A_602 = arith.constant 3 : i32
    %dma_start3A_603 = arith.constant 0 : i32
    %dma_start3A_604 = arith.constant 0 : i32
    %dma_start3A_605 = tpu.memref_slice %arg5[%dma_start3A_602, %dma_start3A_603, %add3A_601, %dma_start3A_604] : memref<9x3x1024x1024xf32, #tpu.memory_space<hbm>> -> memref<1x3x8x1024xf32, #tpu.memory_space<hbm>>
    %dma_start3A_606 = tpu.memref_squeeze %dma_start3A_605 : memref<1x3x8x1024xf32, #tpu.memory_space<hbm>> -> memref<3x8x1024xf32, #tpu.memory_space<hbm>>
    %dma_start3A_607 = arith.constant 0 : i32
    %dma_start3A_608 = arith.constant 0 : i32
    %dma_start3A_609 = tpu.memref_slice %arg5[%dma_start3A_602, %dma_start3A_607, %add3A_601, %dma_start3A_608] : memref<9x3x1024x1024xf32, #tpu.memory_space<hbm>> -> memref<1x3x8x1024xf32, #tpu.memory_space<hbm>>
    %dma_start3A_610 = tpu.memref_squeeze %dma_start3A_609 : memref<1x3x8x1024xf32, #tpu.memory_space<hbm>> -> memref<3x8x1024xf32, #tpu.memory_space<hbm>>
    tpu.enqueue_dma source(%arg9 : memref<3x8x1024xf32, #tpu.memory_space<vmem>>) target(%dma_start3A_610 : memref<3x8x1024xf32, #tpu.memory_space<hbm>>) target_semaphore(%arg14 : memref<!tpu.dma_semaphore, #tpu.memory_space<semaphore_mem>>)
    %add3A_611 = arith.constant 24 : i32
    %add3A_612 = arith.addi %mul3A_2, %add3A_611 : i32
    %dma_start3A_613 = arith.constant 1 : i32
    %dma_start3A_614 = arith.constant 0 : i32
    %dma_start3A_615 = arith.constant 0 : i32
    %dma_start3A_616 = tpu.memref_slice %arg4[%dma_start3A_613, %dma_start3A_614, %add3A_612, %dma_start3A_615] : memref<3x3x1024x1024xf32, #tpu.memory_space<hbm>> -> memref<1x3x8x1024xf32, #tpu.memory_space<hbm>>
    %dma_start3A_617 = tpu.memref_squeeze %dma_start3A_616 : memref<1x3x8x1024xf32, #tpu.memory_space<hbm>> -> memref<3x8x1024xf32, #tpu.memory_space<hbm>>
    %dma_start3A_618 = arith.constant 0 : i32
    %dma_start3A_619 = arith.constant 0 : i32
    %dma_start3A_620 = tpu.memref_slice %arg4[%dma_start3A_613, %dma_start3A_618, %add3A_612, %dma_start3A_619] : memref<3x3x1024x1024xf32, #tpu.memory_space<hbm>> -> memref<1x3x8x1024xf32, #tpu.memory_space<hbm>>
    %dma_start3A_621 = tpu.memref_squeeze %dma_start3A_620 : memref<1x3x8x1024xf32, #tpu.memory_space<hbm>> -> memref<3x8x1024xf32, #tpu.memory_space<hbm>>
    tpu.enqueue_dma source(%dma_start3A_621 : memref<3x8x1024xf32, #tpu.memory_space<hbm>>) target(%arg6 : memref<3x8x1024xf32, #tpu.memory_space<vmem>>) target_semaphore(%arg11 : memref<!tpu.dma_semaphore, #tpu.memory_space<semaphore_mem>>)
    %add3A_622 = arith.constant 8 : i32
    %add3A_623 = arith.addi %mul3A_2, %add3A_622 : i32
    %dma_wait3A_624 = arith.constant 1 : i32
    %dma_wait3A_625 = arith.constant 0 : i32
    %dma_wait3A_626 = arith.constant 0 : i32
    %dma_wait3A_627 = tpu.memref_slice %arg4[%dma_wait3A_624, %dma_wait3A_625, %add3A_623, %dma_wait3A_626] : memref<3x3x1024x1024xf32, #tpu.memory_space<hbm>> -> memref<1x3x8x1024xf32, #tpu.memory_space<hbm>>
    %dma_wait3A_628 = tpu.memref_squeeze %dma_wait3A_627 : memref<1x3x8x1024xf32, #tpu.memory_space<hbm>> -> memref<3x8x1024xf32, #tpu.memory_space<hbm>>
    %dma_wait3A_629 = arith.constant 0 : i32
    %dma_wait3A_630 = arith.constant 0 : i32
    %dma_wait3A_631 = tpu.memref_slice %arg4[%dma_wait3A_624, %dma_wait3A_629, %add3A_623, %dma_wait3A_630] : memref<3x3x1024x1024xf32, #tpu.memory_space<hbm>> -> memref<1x3x8x1024xf32, #tpu.memory_space<hbm>>
    %dma_wait3A_632 = tpu.memref_squeeze %dma_wait3A_631 : memref<1x3x8x1024xf32, #tpu.memory_space<hbm>> -> memref<3x8x1024xf32, #tpu.memory_space<hbm>>
    tpu.wait_dma2 semaphore(%arg12 : memref<!tpu.dma_semaphore, #tpu.memory_space<semaphore_mem>>) src(%dma_wait3A_632 : memref<3x8x1024xf32, #tpu.memory_space<hbm>>) dst(%arg7 : memref<3x8x1024xf32, #tpu.memory_space<vmem>>)
    %add3A_633 = arith.constant 24 : i32
    %add3A_634 = arith.addi %mul3A_2, %add3A_633 : i32
    %dma_wait3A_635 = arith.constant 2 : i32
    %dma_wait3A_636 = arith.constant 0 : i32
    %dma_wait3A_637 = arith.constant 0 : i32
    %dma_wait3A_638 = tpu.memref_slice %arg5[%dma_wait3A_635, %dma_wait3A_636, %add3A_634, %dma_wait3A_637] : memref<9x3x1024x1024xf32, #tpu.memory_space<hbm>> -> memref<1x3x8x1024xf32, #tpu.memory_space<hbm>>
    %dma_wait3A_639 = tpu.memref_squeeze %dma_wait3A_638 : memref<1x3x8x1024xf32, #tpu.memory_space<hbm>> -> memref<3x8x1024xf32, #tpu.memory_space<hbm>>
    %dma_wait3A_640 = arith.constant 0 : i32
    %dma_wait3A_641 = arith.constant 0 : i32
    %dma_wait3A_642 = tpu.memref_slice %arg5[%dma_wait3A_635, %dma_wait3A_640, %add3A_634, %dma_wait3A_641] : memref<9x3x1024x1024xf32, #tpu.memory_space<hbm>> -> memref<1x3x8x1024xf32, #tpu.memory_space<hbm>>
    %dma_wait3A_643 = tpu.memref_squeeze %dma_wait3A_642 : memref<1x3x8x1024xf32, #tpu.memory_space<hbm>> -> memref<3x8x1024xf32, #tpu.memory_space<hbm>>
    tpu.wait_dma2 semaphore(%arg15 : memref<!tpu.dma_semaphore, #tpu.memory_space<semaphore_mem>>) src(%arg10 : memref<3x8x1024xf32, #tpu.memory_space<vmem>>) dst(%dma_wait3A_643 : memref<3x8x1024xf32, #tpu.memory_space<hbm>>)
    %parallel_loop3A_644 = arith.constant 0 : i32
    %parallel_loop3A_645 = arith.constant 1536 : i32
    %parallel_loop3A_646 = arith.constant 1 : i32
    scf.for %parallel_loop3A_1692 = %parallel_loop3A_644 to %parallel_loop3A_645 step %parallel_loop3A_646  : i32 {
      %parallel_loop3A_1693 = arith.constant 9 : i32
      %parallel_loop3A_1694 = arith.shrsi %parallel_loop3A_1692, %parallel_loop3A_1693 : i32
      %parallel_loop3A_1695 = arith.constant 6 : i32
      %parallel_loop3A_1696 = arith.shrsi %parallel_loop3A_1692, %parallel_loop3A_1695 : i32
      %parallel_loop3A_1697 = arith.constant 7 : i32
      %parallel_loop3A_1698 = arith.andi %parallel_loop3A_1696, %parallel_loop3A_1697 : i32
      %parallel_loop3A_1699 = arith.constant 63 : i32
      %parallel_loop3A_1700 = arith.andi %parallel_loop3A_1692, %parallel_loop3A_1699 : i32
      %parallel_loop3A_1701 = arith.constant 16 : i32
      %parallel_loop3A_1702 = arith.muli %parallel_loop3A_1700, %parallel_loop3A_1701 : i32
      %parallel_loop3A_1703 = arith.index_cast %parallel_loop3A_1694 : i32 to index
      %parallel_loop3A_1704 = arith.index_cast %parallel_loop3A_1698 : i32 to index
      %parallel_loop3A_1705 = arith.index_cast %parallel_loop3A_1702 : i32 to index
      %parallel_loop3A_1706 = tpu.vector_load %arg7[%parallel_loop3A_1703, %parallel_loop3A_1704, %parallel_loop3A_1705] {strides = array<i32>} : memref<3x8x1024xf32, #tpu.memory_space<vmem>>, vector<1x1x16xf32>,
      %parallel_loop3A_1707 = vector.shape_cast %parallel_loop3A_1706 : vector<1x1x16xf32> to vector<16xf32>
      %parallel_loop3A_1708 = arith.mulf %parallel_loop3A_1707, %parallel_loop3A_1707 : vector<16xf32>
      %parallel_loop3A_1709 = arith.index_cast %parallel_loop3A_1694 : i32 to index
      %parallel_loop3A_1710 = arith.index_cast %parallel_loop3A_1698 : i32 to index
      %parallel_loop3A_1711 = arith.index_cast %parallel_loop3A_1702 : i32 to index
      %parallel_loop3A_1712 = tpu.vector_load %arg10[%parallel_loop3A_1709, %parallel_loop3A_1710, %parallel_loop3A_1711] {strides = array<i32>} : memref<3x8x1024xf32, #tpu.memory_space<vmem>>, vector<1x1x16xf32>,
      %parallel_loop3A_1713 = vector.shape_cast %parallel_loop3A_1712 : vector<1x1x16xf32> to vector<16xf32>
      %parallel_loop3A_1714 = vector.shape_cast %parallel_loop3A_1708 : vector<16xf32> to vector<1x1x16xf32>
      tpu.vector_store %arg10[%parallel_loop3A_1709, %parallel_loop3A_1710, %parallel_loop3A_1711], %parallel_loop3A_1714 {strides = array<i32>} : memref<3x8x1024xf32, #tpu.memory_space<vmem>>, vector<1x1x16xf32>,
    } {sc.loop_unroll_factor = 8 : i64, sc.parallel_access}
    %add3A_647 = arith.constant 8 : i32
    %add3A_648 = arith.addi %mul3A_2, %add3A_647 : i32
    %dma_start3A_649 = arith.constant 3 : i32
    %dma_start3A_650 = arith.constant 0 : i32
    %dma_start3A_651 = arith.constant 0 : i32
    %dma_start3A_652 = tpu.memref_slice %arg5[%dma_start3A_649, %dma_start3A_650, %add3A_648, %dma_start3A_651] : memref<9x3x1024x1024xf32, #tpu.memory_space<hbm>> -> memref<1x3x8x1024xf32, #tpu.memory_space<hbm>>
    %dma_start3A_653 = tpu.memref_squeeze %dma_start3A_652 : memref<1x3x8x1024xf32, #tpu.memory_space<hbm>> -> memref<3x8x1024xf32, #tpu.memory_space<hbm>>
    %dma_start3A_654 = arith.constant 0 : i32
    %dma_start3A_655 = arith.constant 0 : i32
    %dma_start3A_656 = tpu.memref_slice %arg5[%dma_start3A_649, %dma_start3A_654, %add3A_648, %dma_start3A_655] : memref<9x3x1024x1024xf32, #tpu.memory_space<hbm>> -> memref<1x3x8x1024xf32, #tpu.memory_space<hbm>>
    %dma_start3A_657 = tpu.memref_squeeze %dma_start3A_656 : memref<1x3x8x1024xf32, #tpu.memory_space<hbm>> -> memref<3x8x1024xf32, #tpu.memory_space<hbm>>
    tpu.enqueue_dma source(%arg10 : memref<3x8x1024xf32, #tpu.memory_space<vmem>>) target(%dma_start3A_657 : memref<3x8x1024xf32, #tpu.memory_space<hbm>>) target_semaphore(%arg15 : memref<!tpu.dma_semaphore, #tpu.memory_space<semaphore_mem>>)
    %add3A_658 = arith.constant 0 : i32
    %add3A_659 = arith.addi %mul3A_2, %add3A_658 : i32
    %dma_start3A_660 = arith.constant 2 : i32
    %dma_start3A_661 = arith.constant 0 : i32
    %dma_start3A_662 = arith.constant 0 : i32
    %dma_start3A_663 = tpu.memref_slice %arg3[%dma_start3A_660, %dma_start3A_661, %add3A_659, %dma_start3A_662] : memref<4x3x1024x1024xf32, #tpu.memory_space<hbm>> -> memref<1x3x8x1024xf32, #tpu.memory_space<hbm>>
    %dma_start3A_664 = tpu.memref_squeeze %dma_start3A_663 : memref<1x3x8x1024xf32, #tpu.memory_space<hbm>> -> memref<3x8x1024xf32, #tpu.memory_space<hbm>>
    %dma_start3A_665 = arith.constant 0 : i32
    %dma_start3A_666 = arith.constant 0 : i32
    %dma_start3A_667 = tpu.memref_slice %arg3[%dma_start3A_660, %dma_start3A_665, %add3A_659, %dma_start3A_666] : memref<4x3x1024x1024xf32, #tpu.memory_space<hbm>> -> memref<1x3x8x1024xf32, #tpu.memory_space<hbm>>
    %dma_start3A_668 = tpu.memref_squeeze %dma_start3A_667 : memref<1x3x8x1024xf32, #tpu.memory_space<hbm>> -> memref<3x8x1024xf32, #tpu.memory_space<hbm>>
    tpu.enqueue_dma source(%dma_start3A_668 : memref<3x8x1024xf32, #tpu.memory_space<hbm>>) target(%arg7 : memref<3x8x1024xf32, #tpu.memory_space<vmem>>) target_semaphore(%arg12 : memref<!tpu.dma_semaphore, #tpu.memory_space<semaphore_mem>>)
    %add3A_669 = arith.constant 16 : i32
    %add3A_670 = arith.addi %mul3A_2, %add3A_669 : i32
    %dma_wait3A_671 = arith.constant 1 : i32
    %dma_wait3A_672 = arith.constant 0 : i32
    %dma_wait3A_673 = arith.constant 0 : i32
    %dma_wait3A_674 = tpu.memref_slice %arg4[%dma_wait3A_671, %dma_wait3A_672, %add3A_670, %dma_wait3A_673] : memref<3x3x1024x1024xf32, #tpu.memory_space<hbm>> -> memref<1x3x8x1024xf32, #tpu.memory_space<hbm>>
    %dma_wait3A_675 = tpu.memref_squeeze %dma_wait3A_674 : memref<1x3x8x1024xf32, #tpu.memory_space<hbm>> -> memref<3x8x1024xf32, #tpu.memory_space<hbm>>
    %dma_wait3A_676 = arith.constant 0 : i32
    %dma_wait3A_677 = arith.constant 0 : i32
    %dma_wait3A_678 = tpu.memref_slice %arg4[%dma_wait3A_671, %dma_wait3A_676, %add3A_670, %dma_wait3A_677] : memref<3x3x1024x1024xf32, #tpu.memory_space<hbm>> -> memref<1x3x8x1024xf32, #tpu.memory_space<hbm>>
    %dma_wait3A_679 = tpu.memref_squeeze %dma_wait3A_678 : memref<1x3x8x1024xf32, #tpu.memory_space<hbm>> -> memref<3x8x1024xf32, #tpu.memory_space<hbm>>
    tpu.wait_dma2 semaphore(%arg13 : memref<!tpu.dma_semaphore, #tpu.memory_space<semaphore_mem>>) src(%dma_wait3A_679 : memref<3x8x1024xf32, #tpu.memory_space<hbm>>) dst(%arg8 : memref<3x8x1024xf32, #tpu.memory_space<vmem>>)
    %add3A_680 = arith.constant 0 : i32
    %add3A_681 = arith.addi %mul3A_2, %add3A_680 : i32
    %dma_wait3A_682 = arith.constant 3 : i32
    %dma_wait3A_683 = arith.constant 0 : i32
    %dma_wait3A_684 = arith.constant 0 : i32
    %dma_wait3A_685 = tpu.memref_slice %arg5[%dma_wait3A_682, %dma_wait3A_683, %add3A_681, %dma_wait3A_684] : memref<9x3x1024x1024xf32, #tpu.memory_space<hbm>> -> memref<1x3x8x1024xf32, #tpu.memory_space<hbm>>
    %dma_wait3A_686 = tpu.memref_squeeze %dma_wait3A_685 : memref<1x3x8x1024xf32, #tpu.memory_space<hbm>> -> memref<3x8x1024xf32, #tpu.memory_space<hbm>>
    %dma_wait3A_687 = arith.constant 0 : i32
    %dma_wait3A_688 = arith.constant 0 : i32
    %dma_wait3A_689 = tpu.memref_slice %arg5[%dma_wait3A_682, %dma_wait3A_687, %add3A_681, %dma_wait3A_688] : memref<9x3x1024x1024xf32, #tpu.memory_space<hbm>> -> memref<1x3x8x1024xf32, #tpu.memory_space<hbm>>
    %dma_wait3A_690 = tpu.memref_squeeze %dma_wait3A_689 : memref<1x3x8x1024xf32, #tpu.memory_space<hbm>> -> memref<3x8x1024xf32, #tpu.memory_space<hbm>>
    tpu.wait_dma2 semaphore(%arg14 : memref<!tpu.dma_semaphore, #tpu.memory_space<semaphore_mem>>) src(%arg9 : memref<3x8x1024xf32, #tpu.memory_space<vmem>>) dst(%dma_wait3A_690 : memref<3x8x1024xf32, #tpu.memory_space<hbm>>)
    %parallel_loop3A_691 = arith.constant 0 : i32
    %parallel_loop3A_692 = arith.constant 1536 : i32
    %parallel_loop3A_693 = arith.constant 1 : i32
    scf.for %parallel_loop3A_1692 = %parallel_loop3A_691 to %parallel_loop3A_692 step %parallel_loop3A_693  : i32 {
      %parallel_loop3A_1693 = arith.constant 9 : i32
      %parallel_loop3A_1694 = arith.shrsi %parallel_loop3A_1692, %parallel_loop3A_1693 : i32
      %parallel_loop3A_1695 = arith.constant 6 : i32
      %parallel_loop3A_1696 = arith.shrsi %parallel_loop3A_1692, %parallel_loop3A_1695 : i32
      %parallel_loop3A_1697 = arith.constant 7 : i32
      %parallel_loop3A_1698 = arith.andi %parallel_loop3A_1696, %parallel_loop3A_1697 : i32
      %parallel_loop3A_1699 = arith.constant 63 : i32
      %parallel_loop3A_1700 = arith.andi %parallel_loop3A_1692, %parallel_loop3A_1699 : i32
      %parallel_loop3A_1701 = arith.constant 16 : i32
      %parallel_loop3A_1702 = arith.muli %parallel_loop3A_1700, %parallel_loop3A_1701 : i32
      %parallel_loop3A_1703 = arith.index_cast %parallel_loop3A_1694 : i32 to index
      %parallel_loop3A_1704 = arith.index_cast %parallel_loop3A_1698 : i32 to index
      %parallel_loop3A_1705 = arith.index_cast %parallel_loop3A_1702 : i32 to index
      %parallel_loop3A_1706 = tpu.vector_load %arg8[%parallel_loop3A_1703, %parallel_loop3A_1704, %parallel_loop3A_1705] {strides = array<i32>} : memref<3x8x1024xf32, #tpu.memory_space<vmem>>, vector<1x1x16xf32>,
      %parallel_loop3A_1707 = vector.shape_cast %parallel_loop3A_1706 : vector<1x1x16xf32> to vector<16xf32>
      %parallel_loop3A_1708 = arith.mulf %parallel_loop3A_1707, %parallel_loop3A_1707 : vector<16xf32>
      %parallel_loop3A_1709 = arith.index_cast %parallel_loop3A_1694 : i32 to index
      %parallel_loop3A_1710 = arith.index_cast %parallel_loop3A_1698 : i32 to index
      %parallel_loop3A_1711 = arith.index_cast %parallel_loop3A_1702 : i32 to index
      %parallel_loop3A_1712 = tpu.vector_load %arg9[%parallel_loop3A_1709, %parallel_loop3A_1710, %parallel_loop3A_1711] {strides = array<i32>} : memref<3x8x1024xf32, #tpu.memory_space<vmem>>, vector<1x1x16xf32>,
      %parallel_loop3A_1713 = vector.shape_cast %parallel_loop3A_1712 : vector<1x1x16xf32> to vector<16xf32>
      %parallel_loop3A_1714 = vector.shape_cast %parallel_loop3A_1708 : vector<16xf32> to vector<1x1x16xf32>
      tpu.vector_store %arg9[%parallel_loop3A_1709, %parallel_loop3A_1710, %parallel_loop3A_1711], %parallel_loop3A_1714 {strides = array<i32>} : memref<3x8x1024xf32, #tpu.memory_space<vmem>>, vector<1x1x16xf32>,
    } {sc.loop_unroll_factor = 8 : i64, sc.parallel_access}
    %add3A_694 = arith.constant 16 : i32
    %add3A_695 = arith.addi %mul3A_2, %add3A_694 : i32
    %dma_start3A_696 = arith.constant 3 : i32
    %dma_start3A_697 = arith.constant 0 : i32
    %dma_start3A_698 = arith.constant 0 : i32
    %dma_start3A_699 = tpu.memref_slice %arg5[%dma_start3A_696, %dma_start3A_697, %add3A_695, %dma_start3A_698] : memref<9x3x1024x1024xf32, #tpu.memory_space<hbm>> -> memref<1x3x8x1024xf32, #tpu.memory_space<hbm>>
    %dma_start3A_700 = tpu.memref_squeeze %dma_start3A_699 : memref<1x3x8x1024xf32, #tpu.memory_space<hbm>> -> memref<3x8x1024xf32, #tpu.memory_space<hbm>>
    %dma_start3A_701 = arith.constant 0 : i32
    %dma_start3A_702 = arith.constant 0 : i32
    %dma_start3A_703 = tpu.memref_slice %arg5[%dma_start3A_696, %dma_start3A_701, %add3A_695, %dma_start3A_702] : memref<9x3x1024x1024xf32, #tpu.memory_space<hbm>> -> memref<1x3x8x1024xf32, #tpu.memory_space<hbm>>
    %dma_start3A_704 = tpu.memref_squeeze %dma_start3A_703 : memref<1x3x8x1024xf32, #tpu.memory_space<hbm>> -> memref<3x8x1024xf32, #tpu.memory_space<hbm>>
    tpu.enqueue_dma source(%arg9 : memref<3x8x1024xf32, #tpu.memory_space<vmem>>) target(%dma_start3A_704 : memref<3x8x1024xf32, #tpu.memory_space<hbm>>) target_semaphore(%arg14 : memref<!tpu.dma_semaphore, #tpu.memory_space<semaphore_mem>>)
    %add3A_705 = arith.constant 8 : i32
    %add3A_706 = arith.addi %mul3A_2, %add3A_705 : i32
    %dma_start3A_707 = arith.constant 2 : i32
    %dma_start3A_708 = arith.constant 0 : i32
    %dma_start3A_709 = arith.constant 0 : i32
    %dma_start3A_710 = tpu.memref_slice %arg3[%dma_start3A_707, %dma_start3A_708, %add3A_706, %dma_start3A_709] : memref<4x3x1024x1024xf32, #tpu.memory_space<hbm>> -> memref<1x3x8x1024xf32, #tpu.memory_space<hbm>>
    %dma_start3A_711 = tpu.memref_squeeze %dma_start3A_710 : memref<1x3x8x1024xf32, #tpu.memory_space<hbm>> -> memref<3x8x1024xf32, #tpu.memory_space<hbm>>
    %dma_start3A_712 = arith.constant 0 : i32
    %dma_start3A_713 = arith.constant 0 : i32
    %dma_start3A_714 = tpu.memref_slice %arg3[%dma_start3A_707, %dma_start3A_712, %add3A_706, %dma_start3A_713] : memref<4x3x1024x1024xf32, #tpu.memory_space<hbm>> -> memref<1x3x8x1024xf32, #tpu.memory_space<hbm>>
    %dma_start3A_715 = tpu.memref_squeeze %dma_start3A_714 : memref<1x3x8x1024xf32, #tpu.memory_space<hbm>> -> memref<3x8x1024xf32, #tpu.memory_space<hbm>>
    tpu.enqueue_dma source(%dma_start3A_715 : memref<3x8x1024xf32, #tpu.memory_space<hbm>>) target(%arg8 : memref<3x8x1024xf32, #tpu.memory_space<vmem>>) target_semaphore(%arg13 : memref<!tpu.dma_semaphore, #tpu.memory_space<semaphore_mem>>)
    %add3A_716 = arith.constant 24 : i32
    %add3A_717 = arith.addi %mul3A_2, %add3A_716 : i32
    %dma_wait3A_718 = arith.constant 1 : i32
    %dma_wait3A_719 = arith.constant 0 : i32
    %dma_wait3A_720 = arith.constant 0 : i32
    %dma_wait3A_721 = tpu.memref_slice %arg4[%dma_wait3A_718, %dma_wait3A_719, %add3A_717, %dma_wait3A_720] : memref<3x3x1024x1024xf32, #tpu.memory_space<hbm>> -> memref<1x3x8x1024xf32, #tpu.memory_space<hbm>>
    %dma_wait3A_722 = tpu.memref_squeeze %dma_wait3A_721 : memref<1x3x8x1024xf32, #tpu.memory_space<hbm>> -> memref<3x8x1024xf32, #tpu.memory_space<hbm>>
    %dma_wait3A_723 = arith.constant 0 : i32
    %dma_wait3A_724 = arith.constant 0 : i32
    %dma_wait3A_725 = tpu.memref_slice %arg4[%dma_wait3A_718, %dma_wait3A_723, %add3A_717, %dma_wait3A_724] : memref<3x3x1024x1024xf32, #tpu.memory_space<hbm>> -> memref<1x3x8x1024xf32, #tpu.memory_space<hbm>>
    %dma_wait3A_726 = tpu.memref_squeeze %dma_wait3A_725 : memref<1x3x8x1024xf32, #tpu.memory_space<hbm>> -> memref<3x8x1024xf32, #tpu.memory_space<hbm>>
    tpu.wait_dma2 semaphore(%arg11 : memref<!tpu.dma_semaphore, #tpu.memory_space<semaphore_mem>>) src(%dma_wait3A_726 : memref<3x8x1024xf32, #tpu.memory_space<hbm>>) dst(%arg6 : memref<3x8x1024xf32, #tpu.memory_space<vmem>>)
    %add3A_727 = arith.constant 8 : i32
    %add3A_728 = arith.addi %mul3A_2, %add3A_727 : i32
    %dma_wait3A_729 = arith.constant 3 : i32
    %dma_wait3A_730 = arith.constant 0 : i32
    %dma_wait3A_731 = arith.constant 0 : i32
    %dma_wait3A_732 = tpu.memref_slice %arg5[%dma_wait3A_729, %dma_wait3A_730, %add3A_728, %dma_wait3A_731] : memref<9x3x1024x1024xf32, #tpu.memory_space<hbm>> -> memref<1x3x8x1024xf32, #tpu.memory_space<hbm>>
    %dma_wait3A_733 = tpu.memref_squeeze %dma_wait3A_732 : memref<1x3x8x1024xf32, #tpu.memory_space<hbm>> -> memref<3x8x1024xf32, #tpu.memory_space<hbm>>
    %dma_wait3A_734 = arith.constant 0 : i32
    %dma_wait3A_735 = arith.constant 0 : i32
    %dma_wait3A_736 = tpu.memref_slice %arg5[%dma_wait3A_729, %dma_wait3A_734, %add3A_728, %dma_wait3A_735] : memref<9x3x1024x1024xf32, #tpu.memory_space<hbm>> -> memref<1x3x8x1024xf32, #tpu.memory_space<hbm>>
    %dma_wait3A_737 = tpu.memref_squeeze %dma_wait3A_736 : memref<1x3x8x1024xf32, #tpu.memory_space<hbm>> -> memref<3x8x1024xf32, #tpu.memory_space<hbm>>
    tpu.wait_dma2 semaphore(%arg15 : memref<!tpu.dma_semaphore, #tpu.memory_space<semaphore_mem>>) src(%arg10 : memref<3x8x1024xf32, #tpu.memory_space<vmem>>) dst(%dma_wait3A_737 : memref<3x8x1024xf32, #tpu.memory_space<hbm>>)
    %parallel_loop3A_738 = arith.constant 0 : i32
    %parallel_loop3A_739 = arith.constant 1536 : i32
    %parallel_loop3A_740 = arith.constant 1 : i32
    scf.for %parallel_loop3A_1692 = %parallel_loop3A_738 to %parallel_loop3A_739 step %parallel_loop3A_740  : i32 {
      %parallel_loop3A_1693 = arith.constant 9 : i32
      %parallel_loop3A_1694 = arith.shrsi %parallel_loop3A_1692, %parallel_loop3A_1693 : i32
      %parallel_loop3A_1695 = arith.constant 6 : i32
      %parallel_loop3A_1696 = arith.shrsi %parallel_loop3A_1692, %parallel_loop3A_1695 : i32
      %parallel_loop3A_1697 = arith.constant 7 : i32
      %parallel_loop3A_1698 = arith.andi %parallel_loop3A_1696, %parallel_loop3A_1697 : i32
      %parallel_loop3A_1699 = arith.constant 63 : i32
      %parallel_loop3A_1700 = arith.andi %parallel_loop3A_1692, %parallel_loop3A_1699 : i32
      %parallel_loop3A_1701 = arith.constant 16 : i32
      %parallel_loop3A_1702 = arith.muli %parallel_loop3A_1700, %parallel_loop3A_1701 : i32
      %parallel_loop3A_1703 = arith.index_cast %parallel_loop3A_1694 : i32 to index
      %parallel_loop3A_1704 = arith.index_cast %parallel_loop3A_1698 : i32 to index
      %parallel_loop3A_1705 = arith.index_cast %parallel_loop3A_1702 : i32 to index
      %parallel_loop3A_1706 = tpu.vector_load %arg6[%parallel_loop3A_1703, %parallel_loop3A_1704, %parallel_loop3A_1705] {strides = array<i32>} : memref<3x8x1024xf32, #tpu.memory_space<vmem>>, vector<1x1x16xf32>,
      %parallel_loop3A_1707 = vector.shape_cast %parallel_loop3A_1706 : vector<1x1x16xf32> to vector<16xf32>
      %parallel_loop3A_1708 = arith.mulf %parallel_loop3A_1707, %parallel_loop3A_1707 : vector<16xf32>
      %parallel_loop3A_1709 = arith.index_cast %parallel_loop3A_1694 : i32 to index
      %parallel_loop3A_1710 = arith.index_cast %parallel_loop3A_1698 : i32 to index
      %parallel_loop3A_1711 = arith.index_cast %parallel_loop3A_1702 : i32 to index
      %parallel_loop3A_1712 = tpu.vector_load %arg10[%parallel_loop3A_1709, %parallel_loop3A_1710, %parallel_loop3A_1711] {strides = array<i32>} : memref<3x8x1024xf32, #tpu.memory_space<vmem>>, vector<1x1x16xf32>,
      %parallel_loop3A_1713 = vector.shape_cast %parallel_loop3A_1712 : vector<1x1x16xf32> to vector<16xf32>
      %parallel_loop3A_1714 = vector.shape_cast %parallel_loop3A_1708 : vector<16xf32> to vector<1x1x16xf32>
      tpu.vector_store %arg10[%parallel_loop3A_1709, %parallel_loop3A_1710, %parallel_loop3A_1711], %parallel_loop3A_1714 {strides = array<i32>} : memref<3x8x1024xf32, #tpu.memory_space<vmem>>, vector<1x1x16xf32>,
    } {sc.loop_unroll_factor = 8 : i64, sc.parallel_access}
    %add3A_741 = arith.constant 24 : i32
    %add3A_742 = arith.addi %mul3A_2, %add3A_741 : i32
    %dma_start3A_743 = arith.constant 3 : i32
    %dma_start3A_744 = arith.constant 0 : i32
    %dma_start3A_745 = arith.constant 0 : i32
    %dma_start3A_746 = tpu.memref_slice %arg5[%dma_start3A_743, %dma_start3A_744, %add3A_742, %dma_start3A_745] : memref<9x3x1024x1024xf32, #tpu.memory_space<hbm>> -> memref<1x3x8x1024xf32, #tpu.memory_space<hbm>>
    %dma_start3A_747 = tpu.memref_squeeze %dma_start3A_746 : memref<1x3x8x1024xf32, #tpu.memory_space<hbm>> -> memref<3x8x1024xf32, #tpu.memory_space<hbm>>
    %dma_start3A_748 = arith.constant 0 : i32
    %dma_start3A_749 = arith.constant 0 : i32
    %dma_start3A_750 = tpu.memref_slice %arg5[%dma_start3A_743, %dma_start3A_748, %add3A_742, %dma_start3A_749] : memref<9x3x1024x1024xf32, #tpu.memory_space<hbm>> -> memref<1x3x8x1024xf32, #tpu.memory_space<hbm>>
    %dma_start3A_751 = tpu.memref_squeeze %dma_start3A_750 : memref<1x3x8x1024xf32, #tpu.memory_space<hbm>> -> memref<3x8x1024xf32, #tpu.memory_space<hbm>>
    tpu.enqueue_dma source(%arg10 : memref<3x8x1024xf32, #tpu.memory_space<vmem>>) target(%dma_start3A_751 : memref<3x8x1024xf32, #tpu.memory_space<hbm>>) target_semaphore(%arg15 : memref<!tpu.dma_semaphore, #tpu.memory_space<semaphore_mem>>)
    %add3A_752 = arith.constant 16 : i32
    %add3A_753 = arith.addi %mul3A_2, %add3A_752 : i32
    %dma_start3A_754 = arith.constant 2 : i32
    %dma_start3A_755 = arith.constant 0 : i32
    %dma_start3A_756 = arith.constant 0 : i32
    %dma_start3A_757 = tpu.memref_slice %arg3[%dma_start3A_754, %dma_start3A_755, %add3A_753, %dma_start3A_756] : memref<4x3x1024x1024xf32, #tpu.memory_space<hbm>> -> memref<1x3x8x1024xf32, #tpu.memory_space<hbm>>
    %dma_start3A_758 = tpu.memref_squeeze %dma_start3A_757 : memref<1x3x8x1024xf32, #tpu.memory_space<hbm>> -> memref<3x8x1024xf32, #tpu.memory_space<hbm>>
    %dma_start3A_759 = arith.constant 0 : i32
    %dma_start3A_760 = arith.constant 0 : i32
    %dma_start3A_761 = tpu.memref_slice %arg3[%dma_start3A_754, %dma_start3A_759, %add3A_753, %dma_start3A_760] : memref<4x3x1024x1024xf32, #tpu.memory_space<hbm>> -> memref<1x3x8x1024xf32, #tpu.memory_space<hbm>>
    %dma_start3A_762 = tpu.memref_squeeze %dma_start3A_761 : memref<1x3x8x1024xf32, #tpu.memory_space<hbm>> -> memref<3x8x1024xf32, #tpu.memory_space<hbm>>
    tpu.enqueue_dma source(%dma_start3A_762 : memref<3x8x1024xf32, #tpu.memory_space<hbm>>) target(%arg6 : memref<3x8x1024xf32, #tpu.memory_space<vmem>>) target_semaphore(%arg11 : memref<!tpu.dma_semaphore, #tpu.memory_space<semaphore_mem>>)
    %add3A_763 = arith.constant 0 : i32
    %add3A_764 = arith.addi %mul3A_2, %add3A_763 : i32
    %dma_wait3A_765 = arith.constant 2 : i32
    %dma_wait3A_766 = arith.constant 0 : i32
    %dma_wait3A_767 = arith.constant 0 : i32
    %dma_wait3A_768 = tpu.memref_slice %arg3[%dma_wait3A_765, %dma_wait3A_766, %add3A_764, %dma_wait3A_767] : memref<4x3x1024x1024xf32, #tpu.memory_space<hbm>> -> memref<1x3x8x1024xf32, #tpu.memory_space<hbm>>
    %dma_wait3A_769 = tpu.memref_squeeze %dma_wait3A_768 : memref<1x3x8x1024xf32, #tpu.memory_space<hbm>> -> memref<3x8x1024xf32, #tpu.memory_space<hbm>>
    %dma_wait3A_770 = arith.constant 0 : i32
    %dma_wait3A_771 = arith.constant 0 : i32
    %dma_wait3A_772 = tpu.memref_slice %arg3[%dma_wait3A_765, %dma_wait3A_770, %add3A_764, %dma_wait3A_771] : memref<4x3x1024x1024xf32, #tpu.memory_space<hbm>> -> memref<1x3x8x1024xf32, #tpu.memory_space<hbm>>
    %dma_wait3A_773 = tpu.memref_squeeze %dma_wait3A_772 : memref<1x3x8x1024xf32, #tpu.memory_space<hbm>> -> memref<3x8x1024xf32, #tpu.memory_space<hbm>>
    tpu.wait_dma2 semaphore(%arg12 : memref<!tpu.dma_semaphore, #tpu.memory_space<semaphore_mem>>) src(%dma_wait3A_773 : memref<3x8x1024xf32, #tpu.memory_space<hbm>>) dst(%arg7 : memref<3x8x1024xf32, #tpu.memory_space<vmem>>)
    %add3A_774 = arith.constant 16 : i32
    %add3A_775 = arith.addi %mul3A_2, %add3A_774 : i32
    %dma_wait3A_776 = arith.constant 3 : i32
    %dma_wait3A_777 = arith.constant 0 : i32
    %dma_wait3A_778 = arith.constant 0 : i32
    %dma_wait3A_779 = tpu.memref_slice %arg5[%dma_wait3A_776, %dma_wait3A_777, %add3A_775, %dma_wait3A_778] : memref<9x3x1024x1024xf32, #tpu.memory_space<hbm>> -> memref<1x3x8x1024xf32, #tpu.memory_space<hbm>>
    %dma_wait3A_780 = tpu.memref_squeeze %dma_wait3A_779 : memref<1x3x8x1024xf32, #tpu.memory_space<hbm>> -> memref<3x8x1024xf32, #tpu.memory_space<hbm>>
    %dma_wait3A_781 = arith.constant 0 : i32
    %dma_wait3A_782 = arith.constant 0 : i32
    %dma_wait3A_783 = tpu.memref_slice %arg5[%dma_wait3A_776, %dma_wait3A_781, %add3A_775, %dma_wait3A_782] : memref<9x3x1024x1024xf32, #tpu.memory_space<hbm>> -> memref<1x3x8x1024xf32, #tpu.memory_space<hbm>>
    %dma_wait3A_784 = tpu.memref_squeeze %dma_wait3A_783 : memref<1x3x8x1024xf32, #tpu.memory_space<hbm>> -> memref<3x8x1024xf32, #tpu.memory_space<hbm>>
    tpu.wait_dma2 semaphore(%arg14 : memref<!tpu.dma_semaphore, #tpu.memory_space<semaphore_mem>>) src(%arg9 : memref<3x8x1024xf32, #tpu.memory_space<vmem>>) dst(%dma_wait3A_784 : memref<3x8x1024xf32, #tpu.memory_space<hbm>>)
    %parallel_loop3A_785 = arith.constant 0 : i32
    %parallel_loop3A_786 = arith.constant 1536 : i32
    %parallel_loop3A_787 = arith.constant 1 : i32
    scf.for %parallel_loop3A_1692 = %parallel_loop3A_785 to %parallel_loop3A_786 step %parallel_loop3A_787  : i32 {
      %parallel_loop3A_1693 = arith.constant 9 : i32
      %parallel_loop3A_1694 = arith.shrsi %parallel_loop3A_1692, %parallel_loop3A_1693 : i32
      %parallel_loop3A_1695 = arith.constant 6 : i32
      %parallel_loop3A_1696 = arith.shrsi %parallel_loop3A_1692, %parallel_loop3A_1695 : i32
      %parallel_loop3A_1697 = arith.constant 7 : i32
      %parallel_loop3A_1698 = arith.andi %parallel_loop3A_1696, %parallel_loop3A_1697 : i32
      %parallel_loop3A_1699 = arith.constant 63 : i32
      %parallel_loop3A_1700 = arith.andi %parallel_loop3A_1692, %parallel_loop3A_1699 : i32
      %parallel_loop3A_1701 = arith.constant 16 : i32
      %parallel_loop3A_1702 = arith.muli %parallel_loop3A_1700, %parallel_loop3A_1701 : i32
      %parallel_loop3A_1703 = arith.index_cast %parallel_loop3A_1694 : i32 to index
      %parallel_loop3A_1704 = arith.index_cast %parallel_loop3A_1698 : i32 to index
      %parallel_loop3A_1705 = arith.index_cast %parallel_loop3A_1702 : i32 to index
      %parallel_loop3A_1706 = tpu.vector_load %arg7[%parallel_loop3A_1703, %parallel_loop3A_1704, %parallel_loop3A_1705] {strides = array<i32>} : memref<3x8x1024xf32, #tpu.memory_space<vmem>>, vector<1x1x16xf32>,
      %parallel_loop3A_1707 = vector.shape_cast %parallel_loop3A_1706 : vector<1x1x16xf32> to vector<16xf32>
      %parallel_loop3A_1708 = arith.mulf %parallel_loop3A_1707, %parallel_loop3A_1707 : vector<16xf32>
      %parallel_loop3A_1709 = arith.index_cast %parallel_loop3A_1694 : i32 to index
      %parallel_loop3A_1710 = arith.index_cast %parallel_loop3A_1698 : i32 to index
      %parallel_loop3A_1711 = arith.index_cast %parallel_loop3A_1702 : i32 to index
      %parallel_loop3A_1712 = tpu.vector_load %arg9[%parallel_loop3A_1709, %parallel_loop3A_1710, %parallel_loop3A_1711] {strides = array<i32>} : memref<3x8x1024xf32, #tpu.memory_space<vmem>>, vector<1x1x16xf32>,
      %parallel_loop3A_1713 = vector.shape_cast %parallel_loop3A_1712 : vector<1x1x16xf32> to vector<16xf32>
      %parallel_loop3A_1714 = vector.shape_cast %parallel_loop3A_1708 : vector<16xf32> to vector<1x1x16xf32>
      tpu.vector_store %arg9[%parallel_loop3A_1709, %parallel_loop3A_1710, %parallel_loop3A_1711], %parallel_loop3A_1714 {strides = array<i32>} : memref<3x8x1024xf32, #tpu.memory_space<vmem>>, vector<1x1x16xf32>,
    } {sc.loop_unroll_factor = 8 : i64, sc.parallel_access}
    %add3A_788 = arith.constant 0 : i32
    %add3A_789 = arith.addi %mul3A_2, %add3A_788 : i32
    %dma_start3A_790 = arith.constant 4 : i32
    %dma_start3A_791 = arith.constant 0 : i32
    %dma_start3A_792 = arith.constant 0 : i32
    %dma_start3A_793 = tpu.memref_slice %arg5[%dma_start3A_790, %dma_start3A_791, %add3A_789, %dma_start3A_792] : memref<9x3x1024x1024xf32, #tpu.memory_space<hbm>> -> memref<1x3x8x1024xf32, #tpu.memory_space<hbm>>
    %dma_start3A_794 = tpu.memref_squeeze %dma_start3A_793 : memref<1x3x8x1024xf32, #tpu.memory_space<hbm>> -> memref<3x8x1024xf32, #tpu.memory_space<hbm>>
    %dma_start3A_795 = arith.constant 0 : i32
    %dma_start3A_796 = arith.constant 0 : i32
    %dma_start3A_797 = tpu.memref_slice %arg5[%dma_start3A_790, %dma_start3A_795, %add3A_789, %dma_start3A_796] : memref<9x3x1024x1024xf32, #tpu.memory_space<hbm>> -> memref<1x3x8x1024xf32, #tpu.memory_space<hbm>>
    %dma_start3A_798 = tpu.memref_squeeze %dma_start3A_797 : memref<1x3x8x1024xf32, #tpu.memory_space<hbm>> -> memref<3x8x1024xf32, #tpu.memory_space<hbm>>
    tpu.enqueue_dma source(%arg9 : memref<3x8x1024xf32, #tpu.memory_space<vmem>>) target(%dma_start3A_798 : memref<3x8x1024xf32, #tpu.memory_space<hbm>>) target_semaphore(%arg14 : memref<!tpu.dma_semaphore, #tpu.memory_space<semaphore_mem>>)
    %add3A_799 = arith.constant 24 : i32
    %add3A_800 = arith.addi %mul3A_2, %add3A_799 : i32
    %dma_start3A_801 = arith.constant 2 : i32
    %dma_start3A_802 = arith.constant 0 : i32
    %dma_start3A_803 = arith.constant 0 : i32
    %dma_start3A_804 = tpu.memref_slice %arg3[%dma_start3A_801, %dma_start3A_802, %add3A_800, %dma_start3A_803] : memref<4x3x1024x1024xf32, #tpu.memory_space<hbm>> -> memref<1x3x8x1024xf32, #tpu.memory_space<hbm>>
    %dma_start3A_805 = tpu.memref_squeeze %dma_start3A_804 : memref<1x3x8x1024xf32, #tpu.memory_space<hbm>> -> memref<3x8x1024xf32, #tpu.memory_space<hbm>>
    %dma_start3A_806 = arith.constant 0 : i32
    %dma_start3A_807 = arith.constant 0 : i32
    %dma_start3A_808 = tpu.memref_slice %arg3[%dma_start3A_801, %dma_start3A_806, %add3A_800, %dma_start3A_807] : memref<4x3x1024x1024xf32, #tpu.memory_space<hbm>> -> memref<1x3x8x1024xf32, #tpu.memory_space<hbm>>
    %dma_start3A_809 = tpu.memref_squeeze %dma_start3A_808 : memref<1x3x8x1024xf32, #tpu.memory_space<hbm>> -> memref<3x8x1024xf32, #tpu.memory_space<hbm>>
    tpu.enqueue_dma source(%dma_start3A_809 : memref<3x8x1024xf32, #tpu.memory_space<hbm>>) target(%arg7 : memref<3x8x1024xf32, #tpu.memory_space<vmem>>) target_semaphore(%arg12 : memref<!tpu.dma_semaphore, #tpu.memory_space<semaphore_mem>>)
    %add3A_810 = arith.constant 8 : i32
    %add3A_811 = arith.addi %mul3A_2, %add3A_810 : i32
    %dma_wait3A_812 = arith.constant 2 : i32
    %dma_wait3A_813 = arith.constant 0 : i32
    %dma_wait3A_814 = arith.constant 0 : i32
    %dma_wait3A_815 = tpu.memref_slice %arg3[%dma_wait3A_812, %dma_wait3A_813, %add3A_811, %dma_wait3A_814] : memref<4x3x1024x1024xf32, #tpu.memory_space<hbm>> -> memref<1x3x8x1024xf32, #tpu.memory_space<hbm>>
    %dma_wait3A_816 = tpu.memref_squeeze %dma_wait3A_815 : memref<1x3x8x1024xf32, #tpu.memory_space<hbm>> -> memref<3x8x1024xf32, #tpu.memory_space<hbm>>
    %dma_wait3A_817 = arith.constant 0 : i32
    %dma_wait3A_818 = arith.constant 0 : i32
    %dma_wait3A_819 = tpu.memref_slice %arg3[%dma_wait3A_812, %dma_wait3A_817, %add3A_811, %dma_wait3A_818] : memref<4x3x1024x1024xf32, #tpu.memory_space<hbm>> -> memref<1x3x8x1024xf32, #tpu.memory_space<hbm>>
    %dma_wait3A_820 = tpu.memref_squeeze %dma_wait3A_819 : memref<1x3x8x1024xf32, #tpu.memory_space<hbm>> -> memref<3x8x1024xf32, #tpu.memory_space<hbm>>
    tpu.wait_dma2 semaphore(%arg13 : memref<!tpu.dma_semaphore, #tpu.memory_space<semaphore_mem>>) src(%dma_wait3A_820 : memref<3x8x1024xf32, #tpu.memory_space<hbm>>) dst(%arg8 : memref<3x8x1024xf32, #tpu.memory_space<vmem>>)
    %add3A_821 = arith.constant 24 : i32
    %add3A_822 = arith.addi %mul3A_2, %add3A_821 : i32
    %dma_wait3A_823 = arith.constant 3 : i32
    %dma_wait3A_824 = arith.constant 0 : i32
    %dma_wait3A_825 = arith.constant 0 : i32
    %dma_wait3A_826 = tpu.memref_slice %arg5[%dma_wait3A_823, %dma_wait3A_824, %add3A_822, %dma_wait3A_825] : memref<9x3x1024x1024xf32, #tpu.memory_space<hbm>> -> memref<1x3x8x1024xf32, #tpu.memory_space<hbm>>
    %dma_wait3A_827 = tpu.memref_squeeze %dma_wait3A_826 : memref<1x3x8x1024xf32, #tpu.memory_space<hbm>> -> memref<3x8x1024xf32, #tpu.memory_space<hbm>>
    %dma_wait3A_828 = arith.constant 0 : i32
    %dma_wait3A_829 = arith.constant 0 : i32
    %dma_wait3A_830 = tpu.memref_slice %arg5[%dma_wait3A_823, %dma_wait3A_828, %add3A_822, %dma_wait3A_829] : memref<9x3x1024x1024xf32, #tpu.memory_space<hbm>> -> memref<1x3x8x1024xf32, #tpu.memory_space<hbm>>
    %dma_wait3A_831 = tpu.memref_squeeze %dma_wait3A_830 : memref<1x3x8x1024xf32, #tpu.memory_space<hbm>> -> memref<3x8x1024xf32, #tpu.memory_space<hbm>>
    tpu.wait_dma2 semaphore(%arg15 : memref<!tpu.dma_semaphore, #tpu.memory_space<semaphore_mem>>) src(%arg10 : memref<3x8x1024xf32, #tpu.memory_space<vmem>>) dst(%dma_wait3A_831 : memref<3x8x1024xf32, #tpu.memory_space<hbm>>)
    %parallel_loop3A_832 = arith.constant 0 : i32
    %parallel_loop3A_833 = arith.constant 1536 : i32
    %parallel_loop3A_834 = arith.constant 1 : i32
    scf.for %parallel_loop3A_1692 = %parallel_loop3A_832 to %parallel_loop3A_833 step %parallel_loop3A_834  : i32 {
      %parallel_loop3A_1693 = arith.constant 9 : i32
      %parallel_loop3A_1694 = arith.shrsi %parallel_loop3A_1692, %parallel_loop3A_1693 : i32
      %parallel_loop3A_1695 = arith.constant 6 : i32
      %parallel_loop3A_1696 = arith.shrsi %parallel_loop3A_1692, %parallel_loop3A_1695 : i32
      %parallel_loop3A_1697 = arith.constant 7 : i32
      %parallel_loop3A_1698 = arith.andi %parallel_loop3A_1696, %parallel_loop3A_1697 : i32
      %parallel_loop3A_1699 = arith.constant 63 : i32
      %parallel_loop3A_1700 = arith.andi %parallel_loop3A_1692, %parallel_loop3A_1699 : i32
      %parallel_loop3A_1701 = arith.constant 16 : i32
      %parallel_loop3A_1702 = arith.muli %parallel_loop3A_1700, %parallel_loop3A_1701 : i32
      %parallel_loop3A_1703 = arith.index_cast %parallel_loop3A_1694 : i32 to index
      %parallel_loop3A_1704 = arith.index_cast %parallel_loop3A_1698 : i32 to index
      %parallel_loop3A_1705 = arith.index_cast %parallel_loop3A_1702 : i32 to index
      %parallel_loop3A_1706 = tpu.vector_load %arg8[%parallel_loop3A_1703, %parallel_loop3A_1704, %parallel_loop3A_1705] {strides = array<i32>} : memref<3x8x1024xf32, #tpu.memory_space<vmem>>, vector<1x1x16xf32>,
      %parallel_loop3A_1707 = vector.shape_cast %parallel_loop3A_1706 : vector<1x1x16xf32> to vector<16xf32>
      %parallel_loop3A_1708 = arith.mulf %parallel_loop3A_1707, %parallel_loop3A_1707 : vector<16xf32>
      %parallel_loop3A_1709 = arith.index_cast %parallel_loop3A_1694 : i32 to index
      %parallel_loop3A_1710 = arith.index_cast %parallel_loop3A_1698 : i32 to index
      %parallel_loop3A_1711 = arith.index_cast %parallel_loop3A_1702 : i32 to index
      %parallel_loop3A_1712 = tpu.vector_load %arg10[%parallel_loop3A_1709, %parallel_loop3A_1710, %parallel_loop3A_1711] {strides = array<i32>} : memref<3x8x1024xf32, #tpu.memory_space<vmem>>, vector<1x1x16xf32>,
      %parallel_loop3A_1713 = vector.shape_cast %parallel_loop3A_1712 : vector<1x1x16xf32> to vector<16xf32>
      %parallel_loop3A_1714 = vector.shape_cast %parallel_loop3A_1708 : vector<16xf32> to vector<1x1x16xf32>
      tpu.vector_store %arg10[%parallel_loop3A_1709, %parallel_loop3A_1710, %parallel_loop3A_1711], %parallel_loop3A_1714 {strides = array<i32>} : memref<3x8x1024xf32, #tpu.memory_space<vmem>>, vector<1x1x16xf32>,
    } {sc.loop_unroll_factor = 8 : i64, sc.parallel_access}
    %add3A_835 = arith.constant 8 : i32
    %add3A_836 = arith.addi %mul3A_2, %add3A_835 : i32
    %dma_start3A_837 = arith.constant 4 : i32
    %dma_start3A_838 = arith.constant 0 : i32
    %dma_start3A_839 = arith.constant 0 : i32
    %dma_start3A_840 = tpu.memref_slice %arg5[%dma_start3A_837, %dma_start3A_838, %add3A_836, %dma_start3A_839] : memref<9x3x1024x1024xf32, #tpu.memory_space<hbm>> -> memref<1x3x8x1024xf32, #tpu.memory_space<hbm>>
    %dma_start3A_841 = tpu.memref_squeeze %dma_start3A_840 : memref<1x3x8x1024xf32, #tpu.memory_space<hbm>> -> memref<3x8x1024xf32, #tpu.memory_space<hbm>>
    %dma_start3A_842 = arith.constant 0 : i32
    %dma_start3A_843 = arith.constant 0 : i32
    %dma_start3A_844 = tpu.memref_slice %arg5[%dma_start3A_837, %dma_start3A_842, %add3A_836, %dma_start3A_843] : memref<9x3x1024x1024xf32, #tpu.memory_space<hbm>> -> memref<1x3x8x1024xf32, #tpu.memory_space<hbm>>
    %dma_start3A_845 = tpu.memref_squeeze %dma_start3A_844 : memref<1x3x8x1024xf32, #tpu.memory_space<hbm>> -> memref<3x8x1024xf32, #tpu.memory_space<hbm>>
    tpu.enqueue_dma source(%arg10 : memref<3x8x1024xf32, #tpu.memory_space<vmem>>) target(%dma_start3A_845 : memref<3x8x1024xf32, #tpu.memory_space<hbm>>) target_semaphore(%arg15 : memref<!tpu.dma_semaphore, #tpu.memory_space<semaphore_mem>>)
    %add3A_846 = arith.constant 0 : i32
    %add3A_847 = arith.addi %mul3A_2, %add3A_846 : i32
    %dma_start3A_848 = arith.constant 1 : i32
    %dma_start3A_849 = arith.constant 0 : i32
    %dma_start3A_850 = arith.constant 0 : i32
    %dma_start3A_851 = tpu.memref_slice %arg2[%dma_start3A_848, %dma_start3A_849, %add3A_847, %dma_start3A_850] : memref<2x3x1024x1024xf32, #tpu.memory_space<hbm>> -> memref<1x3x8x1024xf32, #tpu.memory_space<hbm>>
    %dma_start3A_852 = tpu.memref_squeeze %dma_start3A_851 : memref<1x3x8x1024xf32, #tpu.memory_space<hbm>> -> memref<3x8x1024xf32, #tpu.memory_space<hbm>>
    %dma_start3A_853 = arith.constant 0 : i32
    %dma_start3A_854 = arith.constant 0 : i32
    %dma_start3A_855 = tpu.memref_slice %arg2[%dma_start3A_848, %dma_start3A_853, %add3A_847, %dma_start3A_854] : memref<2x3x1024x1024xf32, #tpu.memory_space<hbm>> -> memref<1x3x8x1024xf32, #tpu.memory_space<hbm>>
    %dma_start3A_856 = tpu.memref_squeeze %dma_start3A_855 : memref<1x3x8x1024xf32, #tpu.memory_space<hbm>> -> memref<3x8x1024xf32, #tpu.memory_space<hbm>>
    tpu.enqueue_dma source(%dma_start3A_856 : memref<3x8x1024xf32, #tpu.memory_space<hbm>>) target(%arg8 : memref<3x8x1024xf32, #tpu.memory_space<vmem>>) target_semaphore(%arg13 : memref<!tpu.dma_semaphore, #tpu.memory_space<semaphore_mem>>)
    %add3A_857 = arith.constant 16 : i32
    %add3A_858 = arith.addi %mul3A_2, %add3A_857 : i32
    %dma_wait3A_859 = arith.constant 2 : i32
    %dma_wait3A_860 = arith.constant 0 : i32
    %dma_wait3A_861 = arith.constant 0 : i32
    %dma_wait3A_862 = tpu.memref_slice %arg3[%dma_wait3A_859, %dma_wait3A_860, %add3A_858, %dma_wait3A_861] : memref<4x3x1024x1024xf32, #tpu.memory_space<hbm>> -> memref<1x3x8x1024xf32, #tpu.memory_space<hbm>>
    %dma_wait3A_863 = tpu.memref_squeeze %dma_wait3A_862 : memref<1x3x8x1024xf32, #tpu.memory_space<hbm>> -> memref<3x8x1024xf32, #tpu.memory_space<hbm>>
    %dma_wait3A_864 = arith.constant 0 : i32
    %dma_wait3A_865 = arith.constant 0 : i32
    %dma_wait3A_866 = tpu.memref_slice %arg3[%dma_wait3A_859, %dma_wait3A_864, %add3A_858, %dma_wait3A_865] : memref<4x3x1024x1024xf32, #tpu.memory_space<hbm>> -> memref<1x3x8x1024xf32, #tpu.memory_space<hbm>>
    %dma_wait3A_867 = tpu.memref_squeeze %dma_wait3A_866 : memref<1x3x8x1024xf32, #tpu.memory_space<hbm>> -> memref<3x8x1024xf32, #tpu.memory_space<hbm>>
    tpu.wait_dma2 semaphore(%arg11 : memref<!tpu.dma_semaphore, #tpu.memory_space<semaphore_mem>>) src(%dma_wait3A_867 : memref<3x8x1024xf32, #tpu.memory_space<hbm>>) dst(%arg6 : memref<3x8x1024xf32, #tpu.memory_space<vmem>>)
    %add3A_868 = arith.constant 0 : i32
    %add3A_869 = arith.addi %mul3A_2, %add3A_868 : i32
    %dma_wait3A_870 = arith.constant 4 : i32
    %dma_wait3A_871 = arith.constant 0 : i32
    %dma_wait3A_872 = arith.constant 0 : i32
    %dma_wait3A_873 = tpu.memref_slice %arg5[%dma_wait3A_870, %dma_wait3A_871, %add3A_869, %dma_wait3A_872] : memref<9x3x1024x1024xf32, #tpu.memory_space<hbm>> -> memref<1x3x8x1024xf32, #tpu.memory_space<hbm>>
    %dma_wait3A_874 = tpu.memref_squeeze %dma_wait3A_873 : memref<1x3x8x1024xf32, #tpu.memory_space<hbm>> -> memref<3x8x1024xf32, #tpu.memory_space<hbm>>
    %dma_wait3A_875 = arith.constant 0 : i32
    %dma_wait3A_876 = arith.constant 0 : i32
    %dma_wait3A_877 = tpu.memref_slice %arg5[%dma_wait3A_870, %dma_wait3A_875, %add3A_869, %dma_wait3A_876] : memref<9x3x1024x1024xf32, #tpu.memory_space<hbm>> -> memref<1x3x8x1024xf32, #tpu.memory_space<hbm>>
    %dma_wait3A_878 = tpu.memref_squeeze %dma_wait3A_877 : memref<1x3x8x1024xf32, #tpu.memory_space<hbm>> -> memref<3x8x1024xf32, #tpu.memory_space<hbm>>
    tpu.wait_dma2 semaphore(%arg14 : memref<!tpu.dma_semaphore, #tpu.memory_space<semaphore_mem>>) src(%arg9 : memref<3x8x1024xf32, #tpu.memory_space<vmem>>) dst(%dma_wait3A_878 : memref<3x8x1024xf32, #tpu.memory_space<hbm>>)
    %parallel_loop3A_879 = arith.constant 0 : i32
    %parallel_loop3A_880 = arith.constant 1536 : i32
    %parallel_loop3A_881 = arith.constant 1 : i32
    scf.for %parallel_loop3A_1692 = %parallel_loop3A_879 to %parallel_loop3A_880 step %parallel_loop3A_881  : i32 {
      %parallel_loop3A_1693 = arith.constant 9 : i32
      %parallel_loop3A_1694 = arith.shrsi %parallel_loop3A_1692, %parallel_loop3A_1693 : i32
      %parallel_loop3A_1695 = arith.constant 6 : i32
      %parallel_loop3A_1696 = arith.shrsi %parallel_loop3A_1692, %parallel_loop3A_1695 : i32
      %parallel_loop3A_1697 = arith.constant 7 : i32
      %parallel_loop3A_1698 = arith.andi %parallel_loop3A_1696, %parallel_loop3A_1697 : i32
      %parallel_loop3A_1699 = arith.constant 63 : i32
      %parallel_loop3A_1700 = arith.andi %parallel_loop3A_1692, %parallel_loop3A_1699 : i32
      %parallel_loop3A_1701 = arith.constant 16 : i32
      %parallel_loop3A_1702 = arith.muli %parallel_loop3A_1700, %parallel_loop3A_1701 : i32
      %parallel_loop3A_1703 = arith.index_cast %parallel_loop3A_1694 : i32 to index
      %parallel_loop3A_1704 = arith.index_cast %parallel_loop3A_1698 : i32 to index
      %parallel_loop3A_1705 = arith.index_cast %parallel_loop3A_1702 : i32 to index
      %parallel_loop3A_1706 = tpu.vector_load %arg6[%parallel_loop3A_1703, %parallel_loop3A_1704, %parallel_loop3A_1705] {strides = array<i32>} : memref<3x8x1024xf32, #tpu.memory_space<vmem>>, vector<1x1x16xf32>,
      %parallel_loop3A_1707 = vector.shape_cast %parallel_loop3A_1706 : vector<1x1x16xf32> to vector<16xf32>
      %parallel_loop3A_1708 = arith.mulf %parallel_loop3A_1707, %parallel_loop3A_1707 : vector<16xf32>
      %parallel_loop3A_1709 = arith.index_cast %parallel_loop3A_1694 : i32 to index
      %parallel_loop3A_1710 = arith.index_cast %parallel_loop3A_1698 : i32 to index
      %parallel_loop3A_1711 = arith.index_cast %parallel_loop3A_1702 : i32 to index
      %parallel_loop3A_1712 = tpu.vector_load %arg9[%parallel_loop3A_1709, %parallel_loop3A_1710, %parallel_loop3A_1711] {strides = array<i32>} : memref<3x8x1024xf32, #tpu.memory_space<vmem>>, vector<1x1x16xf32>,
      %parallel_loop3A_1713 = vector.shape_cast %parallel_loop3A_1712 : vector<1x1x16xf32> to vector<16xf32>
      %parallel_loop3A_1714 = vector.shape_cast %parallel_loop3A_1708 : vector<16xf32> to vector<1x1x16xf32>
      tpu.vector_store %arg9[%parallel_loop3A_1709, %parallel_loop3A_1710, %parallel_loop3A_1711], %parallel_loop3A_1714 {strides = array<i32>} : memref<3x8x1024xf32, #tpu.memory_space<vmem>>, vector<1x1x16xf32>,
    } {sc.loop_unroll_factor = 8 : i64, sc.parallel_access}
    %add3A_882 = arith.constant 16 : i32
    %add3A_883 = arith.addi %mul3A_2, %add3A_882 : i32
    %dma_start3A_884 = arith.constant 4 : i32
    %dma_start3A_885 = arith.constant 0 : i32
    %dma_start3A_886 = arith.constant 0 : i32
    %dma_start3A_887 = tpu.memref_slice %arg5[%dma_start3A_884, %dma_start3A_885, %add3A_883, %dma_start3A_886] : memref<9x3x1024x1024xf32, #tpu.memory_space<hbm>> -> memref<1x3x8x1024xf32, #tpu.memory_space<hbm>>
    %dma_start3A_888 = tpu.memref_squeeze %dma_start3A_887 : memref<1x3x8x1024xf32, #tpu.memory_space<hbm>> -> memref<3x8x1024xf32, #tpu.memory_space<hbm>>
    %dma_start3A_889 = arith.constant 0 : i32
    %dma_start3A_890 = arith.constant 0 : i32
    %dma_start3A_891 = tpu.memref_slice %arg5[%dma_start3A_884, %dma_start3A_889, %add3A_883, %dma_start3A_890] : memref<9x3x1024x1024xf32, #tpu.memory_space<hbm>> -> memref<1x3x8x1024xf32, #tpu.memory_space<hbm>>
    %dma_start3A_892 = tpu.memref_squeeze %dma_start3A_891 : memref<1x3x8x1024xf32, #tpu.memory_space<hbm>> -> memref<3x8x1024xf32, #tpu.memory_space<hbm>>
    tpu.enqueue_dma source(%arg9 : memref<3x8x1024xf32, #tpu.memory_space<vmem>>) target(%dma_start3A_892 : memref<3x8x1024xf32, #tpu.memory_space<hbm>>) target_semaphore(%arg14 : memref<!tpu.dma_semaphore, #tpu.memory_space<semaphore_mem>>)
    %add3A_893 = arith.constant 8 : i32
    %add3A_894 = arith.addi %mul3A_2, %add3A_893 : i32
    %dma_start3A_895 = arith.constant 1 : i32
    %dma_start3A_896 = arith.constant 0 : i32
    %dma_start3A_897 = arith.constant 0 : i32
    %dma_start3A_898 = tpu.memref_slice %arg2[%dma_start3A_895, %dma_start3A_896, %add3A_894, %dma_start3A_897] : memref<2x3x1024x1024xf32, #tpu.memory_space<hbm>> -> memref<1x3x8x1024xf32, #tpu.memory_space<hbm>>
    %dma_start3A_899 = tpu.memref_squeeze %dma_start3A_898 : memref<1x3x8x1024xf32, #tpu.memory_space<hbm>> -> memref<3x8x1024xf32, #tpu.memory_space<hbm>>
    %dma_start3A_900 = arith.constant 0 : i32
    %dma_start3A_901 = arith.constant 0 : i32
    %dma_start3A_902 = tpu.memref_slice %arg2[%dma_start3A_895, %dma_start3A_900, %add3A_894, %dma_start3A_901] : memref<2x3x1024x1024xf32, #tpu.memory_space<hbm>> -> memref<1x3x8x1024xf32, #tpu.memory_space<hbm>>
    %dma_start3A_903 = tpu.memref_squeeze %dma_start3A_902 : memref<1x3x8x1024xf32, #tpu.memory_space<hbm>> -> memref<3x8x1024xf32, #tpu.memory_space<hbm>>
    tpu.enqueue_dma source(%dma_start3A_903 : memref<3x8x1024xf32, #tpu.memory_space<hbm>>) target(%arg6 : memref<3x8x1024xf32, #tpu.memory_space<vmem>>) target_semaphore(%arg11 : memref<!tpu.dma_semaphore, #tpu.memory_space<semaphore_mem>>)
    %add3A_904 = arith.constant 24 : i32
    %add3A_905 = arith.addi %mul3A_2, %add3A_904 : i32
    %dma_wait3A_906 = arith.constant 2 : i32
    %dma_wait3A_907 = arith.constant 0 : i32
    %dma_wait3A_908 = arith.constant 0 : i32
    %dma_wait3A_909 = tpu.memref_slice %arg3[%dma_wait3A_906, %dma_wait3A_907, %add3A_905, %dma_wait3A_908] : memref<4x3x1024x1024xf32, #tpu.memory_space<hbm>> -> memref<1x3x8x1024xf32, #tpu.memory_space<hbm>>
    %dma_wait3A_910 = tpu.memref_squeeze %dma_wait3A_909 : memref<1x3x8x1024xf32, #tpu.memory_space<hbm>> -> memref<3x8x1024xf32, #tpu.memory_space<hbm>>
    %dma_wait3A_911 = arith.constant 0 : i32
    %dma_wait3A_912 = arith.constant 0 : i32
    %dma_wait3A_913 = tpu.memref_slice %arg3[%dma_wait3A_906, %dma_wait3A_911, %add3A_905, %dma_wait3A_912] : memref<4x3x1024x1024xf32, #tpu.memory_space<hbm>> -> memref<1x3x8x1024xf32, #tpu.memory_space<hbm>>
    %dma_wait3A_914 = tpu.memref_squeeze %dma_wait3A_913 : memref<1x3x8x1024xf32, #tpu.memory_space<hbm>> -> memref<3x8x1024xf32, #tpu.memory_space<hbm>>
    tpu.wait_dma2 semaphore(%arg12 : memref<!tpu.dma_semaphore, #tpu.memory_space<semaphore_mem>>) src(%dma_wait3A_914 : memref<3x8x1024xf32, #tpu.memory_space<hbm>>) dst(%arg7 : memref<3x8x1024xf32, #tpu.memory_space<vmem>>)
    %add3A_915 = arith.constant 8 : i32
    %add3A_916 = arith.addi %mul3A_2, %add3A_915 : i32
    %dma_wait3A_917 = arith.constant 4 : i32
    %dma_wait3A_918 = arith.constant 0 : i32
    %dma_wait3A_919 = arith.constant 0 : i32
    %dma_wait3A_920 = tpu.memref_slice %arg5[%dma_wait3A_917, %dma_wait3A_918, %add3A_916, %dma_wait3A_919] : memref<9x3x1024x1024xf32, #tpu.memory_space<hbm>> -> memref<1x3x8x1024xf32, #tpu.memory_space<hbm>>
    %dma_wait3A_921 = tpu.memref_squeeze %dma_wait3A_920 : memref<1x3x8x1024xf32, #tpu.memory_space<hbm>> -> memref<3x8x1024xf32, #tpu.memory_space<hbm>>
    %dma_wait3A_922 = arith.constant 0 : i32
    %dma_wait3A_923 = arith.constant 0 : i32
    %dma_wait3A_924 = tpu.memref_slice %arg5[%dma_wait3A_917, %dma_wait3A_922, %add3A_916, %dma_wait3A_923] : memref<9x3x1024x1024xf32, #tpu.memory_space<hbm>> -> memref<1x3x8x1024xf32, #tpu.memory_space<hbm>>
    %dma_wait3A_925 = tpu.memref_squeeze %dma_wait3A_924 : memref<1x3x8x1024xf32, #tpu.memory_space<hbm>> -> memref<3x8x1024xf32, #tpu.memory_space<hbm>>
    tpu.wait_dma2 semaphore(%arg15 : memref<!tpu.dma_semaphore, #tpu.memory_space<semaphore_mem>>) src(%arg10 : memref<3x8x1024xf32, #tpu.memory_space<vmem>>) dst(%dma_wait3A_925 : memref<3x8x1024xf32, #tpu.memory_space<hbm>>)
    %parallel_loop3A_926 = arith.constant 0 : i32
    %parallel_loop3A_927 = arith.constant 1536 : i32
    %parallel_loop3A_928 = arith.constant 1 : i32
    scf.for %parallel_loop3A_1692 = %parallel_loop3A_926 to %parallel_loop3A_927 step %parallel_loop3A_928  : i32 {
      %parallel_loop3A_1693 = arith.constant 9 : i32
      %parallel_loop3A_1694 = arith.shrsi %parallel_loop3A_1692, %parallel_loop3A_1693 : i32
      %parallel_loop3A_1695 = arith.constant 6 : i32
      %parallel_loop3A_1696 = arith.shrsi %parallel_loop3A_1692, %parallel_loop3A_1695 : i32
      %parallel_loop3A_1697 = arith.constant 7 : i32
      %parallel_loop3A_1698 = arith.andi %parallel_loop3A_1696, %parallel_loop3A_1697 : i32
      %parallel_loop3A_1699 = arith.constant 63 : i32
      %parallel_loop3A_1700 = arith.andi %parallel_loop3A_1692, %parallel_loop3A_1699 : i32
      %parallel_loop3A_1701 = arith.constant 16 : i32
      %parallel_loop3A_1702 = arith.muli %parallel_loop3A_1700, %parallel_loop3A_1701 : i32
      %parallel_loop3A_1703 = arith.index_cast %parallel_loop3A_1694 : i32 to index
      %parallel_loop3A_1704 = arith.index_cast %parallel_loop3A_1698 : i32 to index
      %parallel_loop3A_1705 = arith.index_cast %parallel_loop3A_1702 : i32 to index
      %parallel_loop3A_1706 = tpu.vector_load %arg7[%parallel_loop3A_1703, %parallel_loop3A_1704, %parallel_loop3A_1705] {strides = array<i32>} : memref<3x8x1024xf32, #tpu.memory_space<vmem>>, vector<1x1x16xf32>,
      %parallel_loop3A_1707 = vector.shape_cast %parallel_loop3A_1706 : vector<1x1x16xf32> to vector<16xf32>
      %parallel_loop3A_1708 = arith.mulf %parallel_loop3A_1707, %parallel_loop3A_1707 : vector<16xf32>
      %parallel_loop3A_1709 = arith.index_cast %parallel_loop3A_1694 : i32 to index
      %parallel_loop3A_1710 = arith.index_cast %parallel_loop3A_1698 : i32 to index
      %parallel_loop3A_1711 = arith.index_cast %parallel_loop3A_1702 : i32 to index
      %parallel_loop3A_1712 = tpu.vector_load %arg10[%parallel_loop3A_1709, %parallel_loop3A_1710, %parallel_loop3A_1711] {strides = array<i32>} : memref<3x8x1024xf32, #tpu.memory_space<vmem>>, vector<1x1x16xf32>,
      %parallel_loop3A_1713 = vector.shape_cast %parallel_loop3A_1712 : vector<1x1x16xf32> to vector<16xf32>
      %parallel_loop3A_1714 = vector.shape_cast %parallel_loop3A_1708 : vector<16xf32> to vector<1x1x16xf32>
      tpu.vector_store %arg10[%parallel_loop3A_1709, %parallel_loop3A_1710, %parallel_loop3A_1711], %parallel_loop3A_1714 {strides = array<i32>} : memref<3x8x1024xf32, #tpu.memory_space<vmem>>, vector<1x1x16xf32>,
    } {sc.loop_unroll_factor = 8 : i64, sc.parallel_access}
    %add3A_929 = arith.constant 24 : i32
    %add3A_930 = arith.addi %mul3A_2, %add3A_929 : i32
    %dma_start3A_931 = arith.constant 4 : i32
    %dma_start3A_932 = arith.constant 0 : i32
    %dma_start3A_933 = arith.constant 0 : i32
    %dma_start3A_934 = tpu.memref_slice %arg5[%dma_start3A_931, %dma_start3A_932, %add3A_930, %dma_start3A_933] : memref<9x3x1024x1024xf32, #tpu.memory_space<hbm>> -> memref<1x3x8x1024xf32, #tpu.memory_space<hbm>>
    %dma_start3A_935 = tpu.memref_squeeze %dma_start3A_934 : memref<1x3x8x1024xf32, #tpu.memory_space<hbm>> -> memref<3x8x1024xf32, #tpu.memory_space<hbm>>
    %dma_start3A_936 = arith.constant 0 : i32
    %dma_start3A_937 = arith.constant 0 : i32
    %dma_start3A_938 = tpu.memref_slice %arg5[%dma_start3A_931, %dma_start3A_936, %add3A_930, %dma_start3A_937] : memref<9x3x1024x1024xf32, #tpu.memory_space<hbm>> -> memref<1x3x8x1024xf32, #tpu.memory_space<hbm>>
    %dma_start3A_939 = tpu.memref_squeeze %dma_start3A_938 : memref<1x3x8x1024xf32, #tpu.memory_space<hbm>> -> memref<3x8x1024xf32, #tpu.memory_space<hbm>>
    tpu.enqueue_dma source(%arg10 : memref<3x8x1024xf32, #tpu.memory_space<vmem>>) target(%dma_start3A_939 : memref<3x8x1024xf32, #tpu.memory_space<hbm>>) target_semaphore(%arg15 : memref<!tpu.dma_semaphore, #tpu.memory_space<semaphore_mem>>)
    %add3A_940 = arith.constant 16 : i32
    %add3A_941 = arith.addi %mul3A_2, %add3A_940 : i32
    %dma_start3A_942 = arith.constant 1 : i32
    %dma_start3A_943 = arith.constant 0 : i32
    %dma_start3A_944 = arith.constant 0 : i32
    %dma_start3A_945 = tpu.memref_slice %arg2[%dma_start3A_942, %dma_start3A_943, %add3A_941, %dma_start3A_944] : memref<2x3x1024x1024xf32, #tpu.memory_space<hbm>> -> memref<1x3x8x1024xf32, #tpu.memory_space<hbm>>
    %dma_start3A_946 = tpu.memref_squeeze %dma_start3A_945 : memref<1x3x8x1024xf32, #tpu.memory_space<hbm>> -> memref<3x8x1024xf32, #tpu.memory_space<hbm>>
    %dma_start3A_947 = arith.constant 0 : i32
    %dma_start3A_948 = arith.constant 0 : i32
    %dma_start3A_949 = tpu.memref_slice %arg2[%dma_start3A_942, %dma_start3A_947, %add3A_941, %dma_start3A_948] : memref<2x3x1024x1024xf32, #tpu.memory_space<hbm>> -> memref<1x3x8x1024xf32, #tpu.memory_space<hbm>>
    %dma_start3A_950 = tpu.memref_squeeze %dma_start3A_949 : memref<1x3x8x1024xf32, #tpu.memory_space<hbm>> -> memref<3x8x1024xf32, #tpu.memory_space<hbm>>
    tpu.enqueue_dma source(%dma_start3A_950 : memref<3x8x1024xf32, #tpu.memory_space<hbm>>) target(%arg7 : memref<3x8x1024xf32, #tpu.memory_space<vmem>>) target_semaphore(%arg12 : memref<!tpu.dma_semaphore, #tpu.memory_space<semaphore_mem>>)
    %add3A_951 = arith.constant 0 : i32
    %add3A_952 = arith.addi %mul3A_2, %add3A_951 : i32
    %dma_wait3A_953 = arith.constant 1 : i32
    %dma_wait3A_954 = arith.constant 0 : i32
    %dma_wait3A_955 = arith.constant 0 : i32
    %dma_wait3A_956 = tpu.memref_slice %arg2[%dma_wait3A_953, %dma_wait3A_954, %add3A_952, %dma_wait3A_955] : memref<2x3x1024x1024xf32, #tpu.memory_space<hbm>> -> memref<1x3x8x1024xf32, #tpu.memory_space<hbm>>
    %dma_wait3A_957 = tpu.memref_squeeze %dma_wait3A_956 : memref<1x3x8x1024xf32, #tpu.memory_space<hbm>> -> memref<3x8x1024xf32, #tpu.memory_space<hbm>>
    %dma_wait3A_958 = arith.constant 0 : i32
    %dma_wait3A_959 = arith.constant 0 : i32
    %dma_wait3A_960 = tpu.memref_slice %arg2[%dma_wait3A_953, %dma_wait3A_958, %add3A_952, %dma_wait3A_959] : memref<2x3x1024x1024xf32, #tpu.memory_space<hbm>> -> memref<1x3x8x1024xf32, #tpu.memory_space<hbm>>
    %dma_wait3A_961 = tpu.memref_squeeze %dma_wait3A_960 : memref<1x3x8x1024xf32, #tpu.memory_space<hbm>> -> memref<3x8x1024xf32, #tpu.memory_space<hbm>>
    tpu.wait_dma2 semaphore(%arg13 : memref<!tpu.dma_semaphore, #tpu.memory_space<semaphore_mem>>) src(%dma_wait3A_961 : memref<3x8x1024xf32, #tpu.memory_space<hbm>>) dst(%arg8 : memref<3x8x1024xf32, #tpu.memory_space<vmem>>)
    %add3A_962 = arith.constant 16 : i32
    %add3A_963 = arith.addi %mul3A_2, %add3A_962 : i32
    %dma_wait3A_964 = arith.constant 4 : i32
    %dma_wait3A_965 = arith.constant 0 : i32
    %dma_wait3A_966 = arith.constant 0 : i32
    %dma_wait3A_967 = tpu.memref_slice %arg5[%dma_wait3A_964, %dma_wait3A_965, %add3A_963, %dma_wait3A_966] : memref<9x3x1024x1024xf32, #tpu.memory_space<hbm>> -> memref<1x3x8x1024xf32, #tpu.memory_space<hbm>>
    %dma_wait3A_968 = tpu.memref_squeeze %dma_wait3A_967 : memref<1x3x8x1024xf32, #tpu.memory_space<hbm>> -> memref<3x8x1024xf32, #tpu.memory_space<hbm>>
    %dma_wait3A_969 = arith.constant 0 : i32
    %dma_wait3A_970 = arith.constant 0 : i32
    %dma_wait3A_971 = tpu.memref_slice %arg5[%dma_wait3A_964, %dma_wait3A_969, %add3A_963, %dma_wait3A_970] : memref<9x3x1024x1024xf32, #tpu.memory_space<hbm>> -> memref<1x3x8x1024xf32, #tpu.memory_space<hbm>>
    %dma_wait3A_972 = tpu.memref_squeeze %dma_wait3A_971 : memref<1x3x8x1024xf32, #tpu.memory_space<hbm>> -> memref<3x8x1024xf32, #tpu.memory_space<hbm>>
    tpu.wait_dma2 semaphore(%arg14 : memref<!tpu.dma_semaphore, #tpu.memory_space<semaphore_mem>>) src(%arg9 : memref<3x8x1024xf32, #tpu.memory_space<vmem>>) dst(%dma_wait3A_972 : memref<3x8x1024xf32, #tpu.memory_space<hbm>>)
    %parallel_loop3A_973 = arith.constant 0 : i32
    %parallel_loop3A_974 = arith.constant 1536 : i32
    %parallel_loop3A_975 = arith.constant 1 : i32
    scf.for %parallel_loop3A_1692 = %parallel_loop3A_973 to %parallel_loop3A_974 step %parallel_loop3A_975  : i32 {
      %parallel_loop3A_1693 = arith.constant 9 : i32
      %parallel_loop3A_1694 = arith.shrsi %parallel_loop3A_1692, %parallel_loop3A_1693 : i32
      %parallel_loop3A_1695 = arith.constant 6 : i32
      %parallel_loop3A_1696 = arith.shrsi %parallel_loop3A_1692, %parallel_loop3A_1695 : i32
      %parallel_loop3A_1697 = arith.constant 7 : i32
      %parallel_loop3A_1698 = arith.andi %parallel_loop3A_1696, %parallel_loop3A_1697 : i32
      %parallel_loop3A_1699 = arith.constant 63 : i32
      %parallel_loop3A_1700 = arith.andi %parallel_loop3A_1692, %parallel_loop3A_1699 : i32
      %parallel_loop3A_1701 = arith.constant 16 : i32
      %parallel_loop3A_1702 = arith.muli %parallel_loop3A_1700, %parallel_loop3A_1701 : i32
      %parallel_loop3A_1703 = arith.index_cast %parallel_loop3A_1694 : i32 to index
      %parallel_loop3A_1704 = arith.index_cast %parallel_loop3A_1698 : i32 to index
      %parallel_loop3A_1705 = arith.index_cast %parallel_loop3A_1702 : i32 to index
      %parallel_loop3A_1706 = tpu.vector_load %arg8[%parallel_loop3A_1703, %parallel_loop3A_1704, %parallel_loop3A_1705] {strides = array<i32>} : memref<3x8x1024xf32, #tpu.memory_space<vmem>>, vector<1x1x16xf32>,
      %parallel_loop3A_1707 = vector.shape_cast %parallel_loop3A_1706 : vector<1x1x16xf32> to vector<16xf32>
      %parallel_loop3A_1708 = arith.mulf %parallel_loop3A_1707, %parallel_loop3A_1707 : vector<16xf32>
      %parallel_loop3A_1709 = arith.index_cast %parallel_loop3A_1694 : i32 to index
      %parallel_loop3A_1710 = arith.index_cast %parallel_loop3A_1698 : i32 to index
      %parallel_loop3A_1711 = arith.index_cast %parallel_loop3A_1702 : i32 to index
      %parallel_loop3A_1712 = tpu.vector_load %arg9[%parallel_loop3A_1709, %parallel_loop3A_1710, %parallel_loop3A_1711] {strides = array<i32>} : memref<3x8x1024xf32, #tpu.memory_space<vmem>>, vector<1x1x16xf32>,
      %parallel_loop3A_1713 = vector.shape_cast %parallel_loop3A_1712 : vector<1x1x16xf32> to vector<16xf32>
      %parallel_loop3A_1714 = vector.shape_cast %parallel_loop3A_1708 : vector<16xf32> to vector<1x1x16xf32>
      tpu.vector_store %arg9[%parallel_loop3A_1709, %parallel_loop3A_1710, %parallel_loop3A_1711], %parallel_loop3A_1714 {strides = array<i32>} : memref<3x8x1024xf32, #tpu.memory_space<vmem>>, vector<1x1x16xf32>,
    } {sc.loop_unroll_factor = 8 : i64, sc.parallel_access}
    %add3A_976 = arith.constant 0 : i32
    %add3A_977 = arith.addi %mul3A_2, %add3A_976 : i32
    %dma_start3A_978 = arith.constant 5 : i32
    %dma_start3A_979 = arith.constant 0 : i32
    %dma_start3A_980 = arith.constant 0 : i32
    %dma_start3A_981 = tpu.memref_slice %arg5[%dma_start3A_978, %dma_start3A_979, %add3A_977, %dma_start3A_980] : memref<9x3x1024x1024xf32, #tpu.memory_space<hbm>> -> memref<1x3x8x1024xf32, #tpu.memory_space<hbm>>
    %dma_start3A_982 = tpu.memref_squeeze %dma_start3A_981 : memref<1x3x8x1024xf32, #tpu.memory_space<hbm>> -> memref<3x8x1024xf32, #tpu.memory_space<hbm>>
    %dma_start3A_983 = arith.constant 0 : i32
    %dma_start3A_984 = arith.constant 0 : i32
    %dma_start3A_985 = tpu.memref_slice %arg5[%dma_start3A_978, %dma_start3A_983, %add3A_977, %dma_start3A_984] : memref<9x3x1024x1024xf32, #tpu.memory_space<hbm>> -> memref<1x3x8x1024xf32, #tpu.memory_space<hbm>>
    %dma_start3A_986 = tpu.memref_squeeze %dma_start3A_985 : memref<1x3x8x1024xf32, #tpu.memory_space<hbm>> -> memref<3x8x1024xf32, #tpu.memory_space<hbm>>
    tpu.enqueue_dma source(%arg9 : memref<3x8x1024xf32, #tpu.memory_space<vmem>>) target(%dma_start3A_986 : memref<3x8x1024xf32, #tpu.memory_space<hbm>>) target_semaphore(%arg14 : memref<!tpu.dma_semaphore, #tpu.memory_space<semaphore_mem>>)
    %add3A_987 = arith.constant 24 : i32
    %add3A_988 = arith.addi %mul3A_2, %add3A_987 : i32
    %dma_start3A_989 = arith.constant 1 : i32
    %dma_start3A_990 = arith.constant 0 : i32
    %dma_start3A_991 = arith.constant 0 : i32
    %dma_start3A_992 = tpu.memref_slice %arg2[%dma_start3A_989, %dma_start3A_990, %add3A_988, %dma_start3A_991] : memref<2x3x1024x1024xf32, #tpu.memory_space<hbm>> -> memref<1x3x8x1024xf32, #tpu.memory_space<hbm>>
    %dma_start3A_993 = tpu.memref_squeeze %dma_start3A_992 : memref<1x3x8x1024xf32, #tpu.memory_space<hbm>> -> memref<3x8x1024xf32, #tpu.memory_space<hbm>>
    %dma_start3A_994 = arith.constant 0 : i32
    %dma_start3A_995 = arith.constant 0 : i32
    %dma_start3A_996 = tpu.memref_slice %arg2[%dma_start3A_989, %dma_start3A_994, %add3A_988, %dma_start3A_995] : memref<2x3x1024x1024xf32, #tpu.memory_space<hbm>> -> memref<1x3x8x1024xf32, #tpu.memory_space<hbm>>
    %dma_start3A_997 = tpu.memref_squeeze %dma_start3A_996 : memref<1x3x8x1024xf32, #tpu.memory_space<hbm>> -> memref<3x8x1024xf32, #tpu.memory_space<hbm>>
    tpu.enqueue_dma source(%dma_start3A_997 : memref<3x8x1024xf32, #tpu.memory_space<hbm>>) target(%arg8 : memref<3x8x1024xf32, #tpu.memory_space<vmem>>) target_semaphore(%arg13 : memref<!tpu.dma_semaphore, #tpu.memory_space<semaphore_mem>>)
    %add3A_998 = arith.constant 8 : i32
    %add3A_999 = arith.addi %mul3A_2, %add3A_998 : i32
    %dma_wait3A_1000 = arith.constant 1 : i32
    %dma_wait3A_1001 = arith.constant 0 : i32
    %dma_wait3A_1002 = arith.constant 0 : i32
    %dma_wait3A_1003 = tpu.memref_slice %arg2[%dma_wait3A_1000, %dma_wait3A_1001, %add3A_999, %dma_wait3A_1002] : memref<2x3x1024x1024xf32, #tpu.memory_space<hbm>> -> memref<1x3x8x1024xf32, #tpu.memory_space<hbm>>
    %dma_wait3A_1004 = tpu.memref_squeeze %dma_wait3A_1003 : memref<1x3x8x1024xf32, #tpu.memory_space<hbm>> -> memref<3x8x1024xf32, #tpu.memory_space<hbm>>
    %dma_wait3A_1005 = arith.constant 0 : i32
    %dma_wait3A_1006 = arith.constant 0 : i32
    %dma_wait3A_1007 = tpu.memref_slice %arg2[%dma_wait3A_1000, %dma_wait3A_1005, %add3A_999, %dma_wait3A_1006] : memref<2x3x1024x1024xf32, #tpu.memory_space<hbm>> -> memref<1x3x8x1024xf32, #tpu.memory_space<hbm>>
    %dma_wait3A_1008 = tpu.memref_squeeze %dma_wait3A_1007 : memref<1x3x8x1024xf32, #tpu.memory_space<hbm>> -> memref<3x8x1024xf32, #tpu.memory_space<hbm>>
    tpu.wait_dma2 semaphore(%arg11 : memref<!tpu.dma_semaphore, #tpu.memory_space<semaphore_mem>>) src(%dma_wait3A_1008 : memref<3x8x1024xf32, #tpu.memory_space<hbm>>) dst(%arg6 : memref<3x8x1024xf32, #tpu.memory_space<vmem>>)
    %add3A_1009 = arith.constant 24 : i32
    %add3A_1010 = arith.addi %mul3A_2, %add3A_1009 : i32
    %dma_wait3A_1011 = arith.constant 4 : i32
    %dma_wait3A_1012 = arith.constant 0 : i32
    %dma_wait3A_1013 = arith.constant 0 : i32
    %dma_wait3A_1014 = tpu.memref_slice %arg5[%dma_wait3A_1011, %dma_wait3A_1012, %add3A_1010, %dma_wait3A_1013] : memref<9x3x1024x1024xf32, #tpu.memory_space<hbm>> -> memref<1x3x8x1024xf32, #tpu.memory_space<hbm>>
    %dma_wait3A_1015 = tpu.memref_squeeze %dma_wait3A_1014 : memref<1x3x8x1024xf32, #tpu.memory_space<hbm>> -> memref<3x8x1024xf32, #tpu.memory_space<hbm>>
    %dma_wait3A_1016 = arith.constant 0 : i32
    %dma_wait3A_1017 = arith.constant 0 : i32
    %dma_wait3A_1018 = tpu.memref_slice %arg5[%dma_wait3A_1011, %dma_wait3A_1016, %add3A_1010, %dma_wait3A_1017] : memref<9x3x1024x1024xf32, #tpu.memory_space<hbm>> -> memref<1x3x8x1024xf32, #tpu.memory_space<hbm>>
    %dma_wait3A_1019 = tpu.memref_squeeze %dma_wait3A_1018 : memref<1x3x8x1024xf32, #tpu.memory_space<hbm>> -> memref<3x8x1024xf32, #tpu.memory_space<hbm>>
    tpu.wait_dma2 semaphore(%arg15 : memref<!tpu.dma_semaphore, #tpu.memory_space<semaphore_mem>>) src(%arg10 : memref<3x8x1024xf32, #tpu.memory_space<vmem>>) dst(%dma_wait3A_1019 : memref<3x8x1024xf32, #tpu.memory_space<hbm>>)
    %parallel_loop3A_1020 = arith.constant 0 : i32
    %parallel_loop3A_1021 = arith.constant 1536 : i32
    %parallel_loop3A_1022 = arith.constant 1 : i32
    scf.for %parallel_loop3A_1692 = %parallel_loop3A_1020 to %parallel_loop3A_1021 step %parallel_loop3A_1022  : i32 {
      %parallel_loop3A_1693 = arith.constant 9 : i32
      %parallel_loop3A_1694 = arith.shrsi %parallel_loop3A_1692, %parallel_loop3A_1693 : i32
      %parallel_loop3A_1695 = arith.constant 6 : i32
      %parallel_loop3A_1696 = arith.shrsi %parallel_loop3A_1692, %parallel_loop3A_1695 : i32
      %parallel_loop3A_1697 = arith.constant 7 : i32
      %parallel_loop3A_1698 = arith.andi %parallel_loop3A_1696, %parallel_loop3A_1697 : i32
      %parallel_loop3A_1699 = arith.constant 63 : i32
      %parallel_loop3A_1700 = arith.andi %parallel_loop3A_1692, %parallel_loop3A_1699 : i32
      %parallel_loop3A_1701 = arith.constant 16 : i32
      %parallel_loop3A_1702 = arith.muli %parallel_loop3A_1700, %parallel_loop3A_1701 : i32
      %parallel_loop3A_1703 = arith.index_cast %parallel_loop3A_1694 : i32 to index
      %parallel_loop3A_1704 = arith.index_cast %parallel_loop3A_1698 : i32 to index
      %parallel_loop3A_1705 = arith.index_cast %parallel_loop3A_1702 : i32 to index
      %parallel_loop3A_1706 = tpu.vector_load %arg6[%parallel_loop3A_1703, %parallel_loop3A_1704, %parallel_loop3A_1705] {strides = array<i32>} : memref<3x8x1024xf32, #tpu.memory_space<vmem>>, vector<1x1x16xf32>,
      %parallel_loop3A_1707 = vector.shape_cast %parallel_loop3A_1706 : vector<1x1x16xf32> to vector<16xf32>
      %parallel_loop3A_1708 = arith.mulf %parallel_loop3A_1707, %parallel_loop3A_1707 : vector<16xf32>
      %parallel_loop3A_1709 = arith.index_cast %parallel_loop3A_1694 : i32 to index
      %parallel_loop3A_1710 = arith.index_cast %parallel_loop3A_1698 : i32 to index
      %parallel_loop3A_1711 = arith.index_cast %parallel_loop3A_1702 : i32 to index
      %parallel_loop3A_1712 = tpu.vector_load %arg10[%parallel_loop3A_1709, %parallel_loop3A_1710, %parallel_loop3A_1711] {strides = array<i32>} : memref<3x8x1024xf32, #tpu.memory_space<vmem>>, vector<1x1x16xf32>,
      %parallel_loop3A_1713 = vector.shape_cast %parallel_loop3A_1712 : vector<1x1x16xf32> to vector<16xf32>
      %parallel_loop3A_1714 = vector.shape_cast %parallel_loop3A_1708 : vector<16xf32> to vector<1x1x16xf32>
      tpu.vector_store %arg10[%parallel_loop3A_1709, %parallel_loop3A_1710, %parallel_loop3A_1711], %parallel_loop3A_1714 {strides = array<i32>} : memref<3x8x1024xf32, #tpu.memory_space<vmem>>, vector<1x1x16xf32>,
    } {sc.loop_unroll_factor = 8 : i64, sc.parallel_access}
    %add3A_1023 = arith.constant 8 : i32
    %add3A_1024 = arith.addi %mul3A_2, %add3A_1023 : i32
    %dma_start3A_1025 = arith.constant 5 : i32
    %dma_start3A_1026 = arith.constant 0 : i32
    %dma_start3A_1027 = arith.constant 0 : i32
    %dma_start3A_1028 = tpu.memref_slice %arg5[%dma_start3A_1025, %dma_start3A_1026, %add3A_1024, %dma_start3A_1027] : memref<9x3x1024x1024xf32, #tpu.memory_space<hbm>> -> memref<1x3x8x1024xf32, #tpu.memory_space<hbm>>
    %dma_start3A_1029 = tpu.memref_squeeze %dma_start3A_1028 : memref<1x3x8x1024xf32, #tpu.memory_space<hbm>> -> memref<3x8x1024xf32, #tpu.memory_space<hbm>>
    %dma_start3A_1030 = arith.constant 0 : i32
    %dma_start3A_1031 = arith.constant 0 : i32
    %dma_start3A_1032 = tpu.memref_slice %arg5[%dma_start3A_1025, %dma_start3A_1030, %add3A_1024, %dma_start3A_1031] : memref<9x3x1024x1024xf32, #tpu.memory_space<hbm>> -> memref<1x3x8x1024xf32, #tpu.memory_space<hbm>>
    %dma_start3A_1033 = tpu.memref_squeeze %dma_start3A_1032 : memref<1x3x8x1024xf32, #tpu.memory_space<hbm>> -> memref<3x8x1024xf32, #tpu.memory_space<hbm>>
    tpu.enqueue_dma source(%arg10 : memref<3x8x1024xf32, #tpu.memory_space<vmem>>) target(%dma_start3A_1033 : memref<3x8x1024xf32, #tpu.memory_space<hbm>>) target_semaphore(%arg15 : memref<!tpu.dma_semaphore, #tpu.memory_space<semaphore_mem>>)
    %add3A_1034 = arith.constant 0 : i32
    %add3A_1035 = arith.addi %mul3A_2, %add3A_1034 : i32
    %dma_start3A_1036 = arith.constant 0 : i32
    %dma_start3A_1037 = arith.constant 0 : i32
    %dma_start3A_1038 = arith.constant 0 : i32
    %dma_start3A_1039 = tpu.memref_slice %arg3[%dma_start3A_1036, %dma_start3A_1037, %add3A_1035, %dma_start3A_1038] : memref<4x3x1024x1024xf32, #tpu.memory_space<hbm>> -> memref<1x3x8x1024xf32, #tpu.memory_space<hbm>>
    %dma_start3A_1040 = tpu.memref_squeeze %dma_start3A_1039 : memref<1x3x8x1024xf32, #tpu.memory_space<hbm>> -> memref<3x8x1024xf32, #tpu.memory_space<hbm>>
    %dma_start3A_1041 = arith.constant 0 : i32
    %dma_start3A_1042 = arith.constant 0 : i32
    %dma_start3A_1043 = tpu.memref_slice %arg3[%dma_start3A_1036, %dma_start3A_1041, %add3A_1035, %dma_start3A_1042] : memref<4x3x1024x1024xf32, #tpu.memory_space<hbm>> -> memref<1x3x8x1024xf32, #tpu.memory_space<hbm>>
    %dma_start3A_1044 = tpu.memref_squeeze %dma_start3A_1043 : memref<1x3x8x1024xf32, #tpu.memory_space<hbm>> -> memref<3x8x1024xf32, #tpu.memory_space<hbm>>
    tpu.enqueue_dma source(%dma_start3A_1044 : memref<3x8x1024xf32, #tpu.memory_space<hbm>>) target(%arg6 : memref<3x8x1024xf32, #tpu.memory_space<vmem>>) target_semaphore(%arg11 : memref<!tpu.dma_semaphore, #tpu.memory_space<semaphore_mem>>)
    %add3A_1045 = arith.constant 16 : i32
    %add3A_1046 = arith.addi %mul3A_2, %add3A_1045 : i32
    %dma_wait3A_1047 = arith.constant 1 : i32
    %dma_wait3A_1048 = arith.constant 0 : i32
    %dma_wait3A_1049 = arith.constant 0 : i32
    %dma_wait3A_1050 = tpu.memref_slice %arg2[%dma_wait3A_1047, %dma_wait3A_1048, %add3A_1046, %dma_wait3A_1049] : memref<2x3x1024x1024xf32, #tpu.memory_space<hbm>> -> memref<1x3x8x1024xf32, #tpu.memory_space<hbm>>
    %dma_wait3A_1051 = tpu.memref_squeeze %dma_wait3A_1050 : memref<1x3x8x1024xf32, #tpu.memory_space<hbm>> -> memref<3x8x1024xf32, #tpu.memory_space<hbm>>
    %dma_wait3A_1052 = arith.constant 0 : i32
    %dma_wait3A_1053 = arith.constant 0 : i32
    %dma_wait3A_1054 = tpu.memref_slice %arg2[%dma_wait3A_1047, %dma_wait3A_1052, %add3A_1046, %dma_wait3A_1053] : memref<2x3x1024x1024xf32, #tpu.memory_space<hbm>> -> memref<1x3x8x1024xf32, #tpu.memory_space<hbm>>
    %dma_wait3A_1055 = tpu.memref_squeeze %dma_wait3A_1054 : memref<1x3x8x1024xf32, #tpu.memory_space<hbm>> -> memref<3x8x1024xf32, #tpu.memory_space<hbm>>
    tpu.wait_dma2 semaphore(%arg12 : memref<!tpu.dma_semaphore, #tpu.memory_space<semaphore_mem>>) src(%dma_wait3A_1055 : memref<3x8x1024xf32, #tpu.memory_space<hbm>>) dst(%arg7 : memref<3x8x1024xf32, #tpu.memory_space<vmem>>)
    %add3A_1056 = arith.constant 0 : i32
    %add3A_1057 = arith.addi %mul3A_2, %add3A_1056 : i32
    %dma_wait3A_1058 = arith.constant 5 : i32
    %dma_wait3A_1059 = arith.constant 0 : i32
    %dma_wait3A_1060 = arith.constant 0 : i32
    %dma_wait3A_1061 = tpu.memref_slice %arg5[%dma_wait3A_1058, %dma_wait3A_1059, %add3A_1057, %dma_wait3A_1060] : memref<9x3x1024x1024xf32, #tpu.memory_space<hbm>> -> memref<1x3x8x1024xf32, #tpu.memory_space<hbm>>
    %dma_wait3A_1062 = tpu.memref_squeeze %dma_wait3A_1061 : memref<1x3x8x1024xf32, #tpu.memory_space<hbm>> -> memref<3x8x1024xf32, #tpu.memory_space<hbm>>
    %dma_wait3A_1063 = arith.constant 0 : i32
    %dma_wait3A_1064 = arith.constant 0 : i32
    %dma_wait3A_1065 = tpu.memref_slice %arg5[%dma_wait3A_1058, %dma_wait3A_1063, %add3A_1057, %dma_wait3A_1064] : memref<9x3x1024x1024xf32, #tpu.memory_space<hbm>> -> memref<1x3x8x1024xf32, #tpu.memory_space<hbm>>
    %dma_wait3A_1066 = tpu.memref_squeeze %dma_wait3A_1065 : memref<1x3x8x1024xf32, #tpu.memory_space<hbm>> -> memref<3x8x1024xf32, #tpu.memory_space<hbm>>
    tpu.wait_dma2 semaphore(%arg14 : memref<!tpu.dma_semaphore, #tpu.memory_space<semaphore_mem>>) src(%arg9 : memref<3x8x1024xf32, #tpu.memory_space<vmem>>) dst(%dma_wait3A_1066 : memref<3x8x1024xf32, #tpu.memory_space<hbm>>)
    %parallel_loop3A_1067 = arith.constant 0 : i32
    %parallel_loop3A_1068 = arith.constant 1536 : i32
    %parallel_loop3A_1069 = arith.constant 1 : i32
    scf.for %parallel_loop3A_1692 = %parallel_loop3A_1067 to %parallel_loop3A_1068 step %parallel_loop3A_1069  : i32 {
      %parallel_loop3A_1693 = arith.constant 9 : i32
      %parallel_loop3A_1694 = arith.shrsi %parallel_loop3A_1692, %parallel_loop3A_1693 : i32
      %parallel_loop3A_1695 = arith.constant 6 : i32
      %parallel_loop3A_1696 = arith.shrsi %parallel_loop3A_1692, %parallel_loop3A_1695 : i32
      %parallel_loop3A_1697 = arith.constant 7 : i32
      %parallel_loop3A_1698 = arith.andi %parallel_loop3A_1696, %parallel_loop3A_1697 : i32
      %parallel_loop3A_1699 = arith.constant 63 : i32
      %parallel_loop3A_1700 = arith.andi %parallel_loop3A_1692, %parallel_loop3A_1699 : i32
      %parallel_loop3A_1701 = arith.constant 16 : i32
      %parallel_loop3A_1702 = arith.muli %parallel_loop3A_1700, %parallel_loop3A_1701 : i32
      %parallel_loop3A_1703 = arith.index_cast %parallel_loop3A_1694 : i32 to index
      %parallel_loop3A_1704 = arith.index_cast %parallel_loop3A_1698 : i32 to index
      %parallel_loop3A_1705 = arith.index_cast %parallel_loop3A_1702 : i32 to index
      %parallel_loop3A_1706 = tpu.vector_load %arg7[%parallel_loop3A_1703, %parallel_loop3A_1704, %parallel_loop3A_1705] {strides = array<i32>} : memref<3x8x1024xf32, #tpu.memory_space<vmem>>, vector<1x1x16xf32>,
      %parallel_loop3A_1707 = vector.shape_cast %parallel_loop3A_1706 : vector<1x1x16xf32> to vector<16xf32>
      %parallel_loop3A_1708 = arith.mulf %parallel_loop3A_1707, %parallel_loop3A_1707 : vector<16xf32>
      %parallel_loop3A_1709 = arith.index_cast %parallel_loop3A_1694 : i32 to index
      %parallel_loop3A_1710 = arith.index_cast %parallel_loop3A_1698 : i32 to index
      %parallel_loop3A_1711 = arith.index_cast %parallel_loop3A_1702 : i32 to index
      %parallel_loop3A_1712 = tpu.vector_load %arg9[%parallel_loop3A_1709, %parallel_loop3A_1710, %parallel_loop3A_1711] {strides = array<i32>} : memref<3x8x1024xf32, #tpu.memory_space<vmem>>, vector<1x1x16xf32>,
      %parallel_loop3A_1713 = vector.shape_cast %parallel_loop3A_1712 : vector<1x1x16xf32> to vector<16xf32>
      %parallel_loop3A_1714 = vector.shape_cast %parallel_loop3A_1708 : vector<16xf32> to vector<1x1x16xf32>
      tpu.vector_store %arg9[%parallel_loop3A_1709, %parallel_loop3A_1710, %parallel_loop3A_1711], %parallel_loop3A_1714 {strides = array<i32>} : memref<3x8x1024xf32, #tpu.memory_space<vmem>>, vector<1x1x16xf32>,
    } {sc.loop_unroll_factor = 8 : i64, sc.parallel_access}
    %add3A_1070 = arith.constant 16 : i32
    %add3A_1071 = arith.addi %mul3A_2, %add3A_1070 : i32
    %dma_start3A_1072 = arith.constant 5 : i32
    %dma_start3A_1073 = arith.constant 0 : i32
    %dma_start3A_1074 = arith.constant 0 : i32
    %dma_start3A_1075 = tpu.memref_slice %arg5[%dma_start3A_1072, %dma_start3A_1073, %add3A_1071, %dma_start3A_1074] : memref<9x3x1024x1024xf32, #tpu.memory_space<hbm>> -> memref<1x3x8x1024xf32, #tpu.memory_space<hbm>>
    %dma_start3A_1076 = tpu.memref_squeeze %dma_start3A_1075 : memref<1x3x8x1024xf32, #tpu.memory_space<hbm>> -> memref<3x8x1024xf32, #tpu.memory_space<hbm>>
    %dma_start3A_1077 = arith.constant 0 : i32
    %dma_start3A_1078 = arith.constant 0 : i32
    %dma_start3A_1079 = tpu.memref_slice %arg5[%dma_start3A_1072, %dma_start3A_1077, %add3A_1071, %dma_start3A_1078] : memref<9x3x1024x1024xf32, #tpu.memory_space<hbm>> -> memref<1x3x8x1024xf32, #tpu.memory_space<hbm>>
    %dma_start3A_1080 = tpu.memref_squeeze %dma_start3A_1079 : memref<1x3x8x1024xf32, #tpu.memory_space<hbm>> -> memref<3x8x1024xf32, #tpu.memory_space<hbm>>
    tpu.enqueue_dma source(%arg9 : memref<3x8x1024xf32, #tpu.memory_space<vmem>>) target(%dma_start3A_1080 : memref<3x8x1024xf32, #tpu.memory_space<hbm>>) target_semaphore(%arg14 : memref<!tpu.dma_semaphore, #tpu.memory_space<semaphore_mem>>)
    %add3A_1081 = arith.constant 8 : i32
    %add3A_1082 = arith.addi %mul3A_2, %add3A_1081 : i32
    %dma_start3A_1083 = arith.constant 0 : i32
    %dma_start3A_1084 = arith.constant 0 : i32
    %dma_start3A_1085 = arith.constant 0 : i32
    %dma_start3A_1086 = tpu.memref_slice %arg3[%dma_start3A_1083, %dma_start3A_1084, %add3A_1082, %dma_start3A_1085] : memref<4x3x1024x1024xf32, #tpu.memory_space<hbm>> -> memref<1x3x8x1024xf32, #tpu.memory_space<hbm>>
    %dma_start3A_1087 = tpu.memref_squeeze %dma_start3A_1086 : memref<1x3x8x1024xf32, #tpu.memory_space<hbm>> -> memref<3x8x1024xf32, #tpu.memory_space<hbm>>
    %dma_start3A_1088 = arith.constant 0 : i32
    %dma_start3A_1089 = arith.constant 0 : i32
    %dma_start3A_1090 = tpu.memref_slice %arg3[%dma_start3A_1083, %dma_start3A_1088, %add3A_1082, %dma_start3A_1089] : memref<4x3x1024x1024xf32, #tpu.memory_space<hbm>> -> memref<1x3x8x1024xf32, #tpu.memory_space<hbm>>
    %dma_start3A_1091 = tpu.memref_squeeze %dma_start3A_1090 : memref<1x3x8x1024xf32, #tpu.memory_space<hbm>> -> memref<3x8x1024xf32, #tpu.memory_space<hbm>>
    tpu.enqueue_dma source(%dma_start3A_1091 : memref<3x8x1024xf32, #tpu.memory_space<hbm>>) target(%arg7 : memref<3x8x1024xf32, #tpu.memory_space<vmem>>) target_semaphore(%arg12 : memref<!tpu.dma_semaphore, #tpu.memory_space<semaphore_mem>>)
    %add3A_1092 = arith.constant 24 : i32
    %add3A_1093 = arith.addi %mul3A_2, %add3A_1092 : i32
    %dma_wait3A_1094 = arith.constant 1 : i32
    %dma_wait3A_1095 = arith.constant 0 : i32
    %dma_wait3A_1096 = arith.constant 0 : i32
    %dma_wait3A_1097 = tpu.memref_slice %arg2[%dma_wait3A_1094, %dma_wait3A_1095, %add3A_1093, %dma_wait3A_1096] : memref<2x3x1024x1024xf32, #tpu.memory_space<hbm>> -> memref<1x3x8x1024xf32, #tpu.memory_space<hbm>>
    %dma_wait3A_1098 = tpu.memref_squeeze %dma_wait3A_1097 : memref<1x3x8x1024xf32, #tpu.memory_space<hbm>> -> memref<3x8x1024xf32, #tpu.memory_space<hbm>>
    %dma_wait3A_1099 = arith.constant 0 : i32
    %dma_wait3A_1100 = arith.constant 0 : i32
    %dma_wait3A_1101 = tpu.memref_slice %arg2[%dma_wait3A_1094, %dma_wait3A_1099, %add3A_1093, %dma_wait3A_1100] : memref<2x3x1024x1024xf32, #tpu.memory_space<hbm>> -> memref<1x3x8x1024xf32, #tpu.memory_space<hbm>>
    %dma_wait3A_1102 = tpu.memref_squeeze %dma_wait3A_1101 : memref<1x3x8x1024xf32, #tpu.memory_space<hbm>> -> memref<3x8x1024xf32, #tpu.memory_space<hbm>>
    tpu.wait_dma2 semaphore(%arg13 : memref<!tpu.dma_semaphore, #tpu.memory_space<semaphore_mem>>) src(%dma_wait3A_1102 : memref<3x8x1024xf32, #tpu.memory_space<hbm>>) dst(%arg8 : memref<3x8x1024xf32, #tpu.memory_space<vmem>>)
    %add3A_1103 = arith.constant 8 : i32
    %add3A_1104 = arith.addi %mul3A_2, %add3A_1103 : i32
    %dma_wait3A_1105 = arith.constant 5 : i32
    %dma_wait3A_1106 = arith.constant 0 : i32
    %dma_wait3A_1107 = arith.constant 0 : i32
    %dma_wait3A_1108 = tpu.memref_slice %arg5[%dma_wait3A_1105, %dma_wait3A_1106, %add3A_1104, %dma_wait3A_1107] : memref<9x3x1024x1024xf32, #tpu.memory_space<hbm>> -> memref<1x3x8x1024xf32, #tpu.memory_space<hbm>>
    %dma_wait3A_1109 = tpu.memref_squeeze %dma_wait3A_1108 : memref<1x3x8x1024xf32, #tpu.memory_space<hbm>> -> memref<3x8x1024xf32, #tpu.memory_space<hbm>>
    %dma_wait3A_1110 = arith.constant 0 : i32
    %dma_wait3A_1111 = arith.constant 0 : i32
    %dma_wait3A_1112 = tpu.memref_slice %arg5[%dma_wait3A_1105, %dma_wait3A_1110, %add3A_1104, %dma_wait3A_1111] : memref<9x3x1024x1024xf32, #tpu.memory_space<hbm>> -> memref<1x3x8x1024xf32, #tpu.memory_space<hbm>>
    %dma_wait3A_1113 = tpu.memref_squeeze %dma_wait3A_1112 : memref<1x3x8x1024xf32, #tpu.memory_space<hbm>> -> memref<3x8x1024xf32, #tpu.memory_space<hbm>>
    tpu.wait_dma2 semaphore(%arg15 : memref<!tpu.dma_semaphore, #tpu.memory_space<semaphore_mem>>) src(%arg10 : memref<3x8x1024xf32, #tpu.memory_space<vmem>>) dst(%dma_wait3A_1113 : memref<3x8x1024xf32, #tpu.memory_space<hbm>>)
    %parallel_loop3A_1114 = arith.constant 0 : i32
    %parallel_loop3A_1115 = arith.constant 1536 : i32
    %parallel_loop3A_1116 = arith.constant 1 : i32
    scf.for %parallel_loop3A_1692 = %parallel_loop3A_1114 to %parallel_loop3A_1115 step %parallel_loop3A_1116  : i32 {
      %parallel_loop3A_1693 = arith.constant 9 : i32
      %parallel_loop3A_1694 = arith.shrsi %parallel_loop3A_1692, %parallel_loop3A_1693 : i32
      %parallel_loop3A_1695 = arith.constant 6 : i32
      %parallel_loop3A_1696 = arith.shrsi %parallel_loop3A_1692, %parallel_loop3A_1695 : i32
      %parallel_loop3A_1697 = arith.constant 7 : i32
      %parallel_loop3A_1698 = arith.andi %parallel_loop3A_1696, %parallel_loop3A_1697 : i32
      %parallel_loop3A_1699 = arith.constant 63 : i32
      %parallel_loop3A_1700 = arith.andi %parallel_loop3A_1692, %parallel_loop3A_1699 : i32
      %parallel_loop3A_1701 = arith.constant 16 : i32
      %parallel_loop3A_1702 = arith.muli %parallel_loop3A_1700, %parallel_loop3A_1701 : i32
      %parallel_loop3A_1703 = arith.index_cast %parallel_loop3A_1694 : i32 to index
      %parallel_loop3A_1704 = arith.index_cast %parallel_loop3A_1698 : i32 to index
      %parallel_loop3A_1705 = arith.index_cast %parallel_loop3A_1702 : i32 to index
      %parallel_loop3A_1706 = tpu.vector_load %arg8[%parallel_loop3A_1703, %parallel_loop3A_1704, %parallel_loop3A_1705] {strides = array<i32>} : memref<3x8x1024xf32, #tpu.memory_space<vmem>>, vector<1x1x16xf32>,
      %parallel_loop3A_1707 = vector.shape_cast %parallel_loop3A_1706 : vector<1x1x16xf32> to vector<16xf32>
      %parallel_loop3A_1708 = arith.mulf %parallel_loop3A_1707, %parallel_loop3A_1707 : vector<16xf32>
      %parallel_loop3A_1709 = arith.index_cast %parallel_loop3A_1694 : i32 to index
      %parallel_loop3A_1710 = arith.index_cast %parallel_loop3A_1698 : i32 to index
      %parallel_loop3A_1711 = arith.index_cast %parallel_loop3A_1702 : i32 to index
      %parallel_loop3A_1712 = tpu.vector_load %arg10[%parallel_loop3A_1709, %parallel_loop3A_1710, %parallel_loop3A_1711] {strides = array<i32>} : memref<3x8x1024xf32, #tpu.memory_space<vmem>>, vector<1x1x16xf32>,
      %parallel_loop3A_1713 = vector.shape_cast %parallel_loop3A_1712 : vector<1x1x16xf32> to vector<16xf32>
      %parallel_loop3A_1714 = vector.shape_cast %parallel_loop3A_1708 : vector<16xf32> to vector<1x1x16xf32>
      tpu.vector_store %arg10[%parallel_loop3A_1709, %parallel_loop3A_1710, %parallel_loop3A_1711], %parallel_loop3A_1714 {strides = array<i32>} : memref<3x8x1024xf32, #tpu.memory_space<vmem>>, vector<1x1x16xf32>,
    } {sc.loop_unroll_factor = 8 : i64, sc.parallel_access}
    %add3A_1117 = arith.constant 24 : i32
    %add3A_1118 = arith.addi %mul3A_2, %add3A_1117 : i32
    %dma_start3A_1119 = arith.constant 5 : i32
    %dma_start3A_1120 = arith.constant 0 : i32
    %dma_start3A_1121 = arith.constant 0 : i32
    %dma_start3A_1122 = tpu.memref_slice %arg5[%dma_start3A_1119, %dma_start3A_1120, %add3A_1118, %dma_start3A_1121] : memref<9x3x1024x1024xf32, #tpu.memory_space<hbm>> -> memref<1x3x8x1024xf32, #tpu.memory_space<hbm>>
    %dma_start3A_1123 = tpu.memref_squeeze %dma_start3A_1122 : memref<1x3x8x1024xf32, #tpu.memory_space<hbm>> -> memref<3x8x1024xf32, #tpu.memory_space<hbm>>
    %dma_start3A_1124 = arith.constant 0 : i32
    %dma_start3A_1125 = arith.constant 0 : i32
    %dma_start3A_1126 = tpu.memref_slice %arg5[%dma_start3A_1119, %dma_start3A_1124, %add3A_1118, %dma_start3A_1125] : memref<9x3x1024x1024xf32, #tpu.memory_space<hbm>> -> memref<1x3x8x1024xf32, #tpu.memory_space<hbm>>
    %dma_start3A_1127 = tpu.memref_squeeze %dma_start3A_1126 : memref<1x3x8x1024xf32, #tpu.memory_space<hbm>> -> memref<3x8x1024xf32, #tpu.memory_space<hbm>>
    tpu.enqueue_dma source(%arg10 : memref<3x8x1024xf32, #tpu.memory_space<vmem>>) target(%dma_start3A_1127 : memref<3x8x1024xf32, #tpu.memory_space<hbm>>) target_semaphore(%arg15 : memref<!tpu.dma_semaphore, #tpu.memory_space<semaphore_mem>>)
    %add3A_1128 = arith.constant 16 : i32
    %add3A_1129 = arith.addi %mul3A_2, %add3A_1128 : i32
    %dma_start3A_1130 = arith.constant 0 : i32
    %dma_start3A_1131 = arith.constant 0 : i32
    %dma_start3A_1132 = arith.constant 0 : i32
    %dma_start3A_1133 = tpu.memref_slice %arg3[%dma_start3A_1130, %dma_start3A_1131, %add3A_1129, %dma_start3A_1132] : memref<4x3x1024x1024xf32, #tpu.memory_space<hbm>> -> memref<1x3x8x1024xf32, #tpu.memory_space<hbm>>
    %dma_start3A_1134 = tpu.memref_squeeze %dma_start3A_1133 : memref<1x3x8x1024xf32, #tpu.memory_space<hbm>> -> memref<3x8x1024xf32, #tpu.memory_space<hbm>>
    %dma_start3A_1135 = arith.constant 0 : i32
    %dma_start3A_1136 = arith.constant 0 : i32
    %dma_start3A_1137 = tpu.memref_slice %arg3[%dma_start3A_1130, %dma_start3A_1135, %add3A_1129, %dma_start3A_1136] : memref<4x3x1024x1024xf32, #tpu.memory_space<hbm>> -> memref<1x3x8x1024xf32, #tpu.memory_space<hbm>>
    %dma_start3A_1138 = tpu.memref_squeeze %dma_start3A_1137 : memref<1x3x8x1024xf32, #tpu.memory_space<hbm>> -> memref<3x8x1024xf32, #tpu.memory_space<hbm>>
    tpu.enqueue_dma source(%dma_start3A_1138 : memref<3x8x1024xf32, #tpu.memory_space<hbm>>) target(%arg8 : memref<3x8x1024xf32, #tpu.memory_space<vmem>>) target_semaphore(%arg13 : memref<!tpu.dma_semaphore, #tpu.memory_space<semaphore_mem>>)
    %add3A_1139 = arith.constant 0 : i32
    %add3A_1140 = arith.addi %mul3A_2, %add3A_1139 : i32
    %dma_wait3A_1141 = arith.constant 0 : i32
    %dma_wait3A_1142 = arith.constant 0 : i32
    %dma_wait3A_1143 = arith.constant 0 : i32
    %dma_wait3A_1144 = tpu.memref_slice %arg3[%dma_wait3A_1141, %dma_wait3A_1142, %add3A_1140, %dma_wait3A_1143] : memref<4x3x1024x1024xf32, #tpu.memory_space<hbm>> -> memref<1x3x8x1024xf32, #tpu.memory_space<hbm>>
    %dma_wait3A_1145 = tpu.memref_squeeze %dma_wait3A_1144 : memref<1x3x8x1024xf32, #tpu.memory_space<hbm>> -> memref<3x8x1024xf32, #tpu.memory_space<hbm>>
    %dma_wait3A_1146 = arith.constant 0 : i32
    %dma_wait3A_1147 = arith.constant 0 : i32
    %dma_wait3A_1148 = tpu.memref_slice %arg3[%dma_wait3A_1141, %dma_wait3A_1146, %add3A_1140, %dma_wait3A_1147] : memref<4x3x1024x1024xf32, #tpu.memory_space<hbm>> -> memref<1x3x8x1024xf32, #tpu.memory_space<hbm>>
    %dma_wait3A_1149 = tpu.memref_squeeze %dma_wait3A_1148 : memref<1x3x8x1024xf32, #tpu.memory_space<hbm>> -> memref<3x8x1024xf32, #tpu.memory_space<hbm>>
    tpu.wait_dma2 semaphore(%arg11 : memref<!tpu.dma_semaphore, #tpu.memory_space<semaphore_mem>>) src(%dma_wait3A_1149 : memref<3x8x1024xf32, #tpu.memory_space<hbm>>) dst(%arg6 : memref<3x8x1024xf32, #tpu.memory_space<vmem>>)
    %add3A_1150 = arith.constant 16 : i32
    %add3A_1151 = arith.addi %mul3A_2, %add3A_1150 : i32
    %dma_wait3A_1152 = arith.constant 5 : i32
    %dma_wait3A_1153 = arith.constant 0 : i32
    %dma_wait3A_1154 = arith.constant 0 : i32
    %dma_wait3A_1155 = tpu.memref_slice %arg5[%dma_wait3A_1152, %dma_wait3A_1153, %add3A_1151, %dma_wait3A_1154] : memref<9x3x1024x1024xf32, #tpu.memory_space<hbm>> -> memref<1x3x8x1024xf32, #tpu.memory_space<hbm>>
    %dma_wait3A_1156 = tpu.memref_squeeze %dma_wait3A_1155 : memref<1x3x8x1024xf32, #tpu.memory_space<hbm>> -> memref<3x8x1024xf32, #tpu.memory_space<hbm>>
    %dma_wait3A_1157 = arith.constant 0 : i32
    %dma_wait3A_1158 = arith.constant 0 : i32
    %dma_wait3A_1159 = tpu.memref_slice %arg5[%dma_wait3A_1152, %dma_wait3A_1157, %add3A_1151, %dma_wait3A_1158] : memref<9x3x1024x1024xf32, #tpu.memory_space<hbm>> -> memref<1x3x8x1024xf32, #tpu.memory_space<hbm>>
    %dma_wait3A_1160 = tpu.memref_squeeze %dma_wait3A_1159 : memref<1x3x8x1024xf32, #tpu.memory_space<hbm>> -> memref<3x8x1024xf32, #tpu.memory_space<hbm>>
    tpu.wait_dma2 semaphore(%arg14 : memref<!tpu.dma_semaphore, #tpu.memory_space<semaphore_mem>>) src(%arg9 : memref<3x8x1024xf32, #tpu.memory_space<vmem>>) dst(%dma_wait3A_1160 : memref<3x8x1024xf32, #tpu.memory_space<hbm>>)
    %parallel_loop3A_1161 = arith.constant 0 : i32
    %parallel_loop3A_1162 = arith.constant 1536 : i32
    %parallel_loop3A_1163 = arith.constant 1 : i32
    scf.for %parallel_loop3A_1692 = %parallel_loop3A_1161 to %parallel_loop3A_1162 step %parallel_loop3A_1163  : i32 {
      %parallel_loop3A_1693 = arith.constant 9 : i32
      %parallel_loop3A_1694 = arith.shrsi %parallel_loop3A_1692, %parallel_loop3A_1693 : i32
      %parallel_loop3A_1695 = arith.constant 6 : i32
      %parallel_loop3A_1696 = arith.shrsi %parallel_loop3A_1692, %parallel_loop3A_1695 : i32
      %parallel_loop3A_1697 = arith.constant 7 : i32
      %parallel_loop3A_1698 = arith.andi %parallel_loop3A_1696, %parallel_loop3A_1697 : i32
      %parallel_loop3A_1699 = arith.constant 63 : i32
      %parallel_loop3A_1700 = arith.andi %parallel_loop3A_1692, %parallel_loop3A_1699 : i32
      %parallel_loop3A_1701 = arith.constant 16 : i32
      %parallel_loop3A_1702 = arith.muli %parallel_loop3A_1700, %parallel_loop3A_1701 : i32
      %parallel_loop3A_1703 = arith.index_cast %parallel_loop3A_1694 : i32 to index
      %parallel_loop3A_1704 = arith.index_cast %parallel_loop3A_1698 : i32 to index
      %parallel_loop3A_1705 = arith.index_cast %parallel_loop3A_1702 : i32 to index
      %parallel_loop3A_1706 = tpu.vector_load %arg6[%parallel_loop3A_1703, %parallel_loop3A_1704, %parallel_loop3A_1705] {strides = array<i32>} : memref<3x8x1024xf32, #tpu.memory_space<vmem>>, vector<1x1x16xf32>,
      %parallel_loop3A_1707 = vector.shape_cast %parallel_loop3A_1706 : vector<1x1x16xf32> to vector<16xf32>
      %parallel_loop3A_1708 = arith.mulf %parallel_loop3A_1707, %parallel_loop3A_1707 : vector<16xf32>
      %parallel_loop3A_1709 = arith.index_cast %parallel_loop3A_1694 : i32 to index
      %parallel_loop3A_1710 = arith.index_cast %parallel_loop3A_1698 : i32 to index
      %parallel_loop3A_1711 = arith.index_cast %parallel_loop3A_1702 : i32 to index
      %parallel_loop3A_1712 = tpu.vector_load %arg9[%parallel_loop3A_1709, %parallel_loop3A_1710, %parallel_loop3A_1711] {strides = array<i32>} : memref<3x8x1024xf32, #tpu.memory_space<vmem>>, vector<1x1x16xf32>,
      %parallel_loop3A_1713 = vector.shape_cast %parallel_loop3A_1712 : vector<1x1x16xf32> to vector<16xf32>
      %parallel_loop3A_1714 = vector.shape_cast %parallel_loop3A_1708 : vector<16xf32> to vector<1x1x16xf32>
      tpu.vector_store %arg9[%parallel_loop3A_1709, %parallel_loop3A_1710, %parallel_loop3A_1711], %parallel_loop3A_1714 {strides = array<i32>} : memref<3x8x1024xf32, #tpu.memory_space<vmem>>, vector<1x1x16xf32>,
    } {sc.loop_unroll_factor = 8 : i64, sc.parallel_access}
    %add3A_1164 = arith.constant 0 : i32
    %add3A_1165 = arith.addi %mul3A_2, %add3A_1164 : i32
    %dma_start3A_1166 = arith.constant 6 : i32
    %dma_start3A_1167 = arith.constant 0 : i32
    %dma_start3A_1168 = arith.constant 0 : i32
    %dma_start3A_1169 = tpu.memref_slice %arg5[%dma_start3A_1166, %dma_start3A_1167, %add3A_1165, %dma_start3A_1168] : memref<9x3x1024x1024xf32, #tpu.memory_space<hbm>> -> memref<1x3x8x1024xf32, #tpu.memory_space<hbm>>
    %dma_start3A_1170 = tpu.memref_squeeze %dma_start3A_1169 : memref<1x3x8x1024xf32, #tpu.memory_space<hbm>> -> memref<3x8x1024xf32, #tpu.memory_space<hbm>>
    %dma_start3A_1171 = arith.constant 0 : i32
    %dma_start3A_1172 = arith.constant 0 : i32
    %dma_start3A_1173 = tpu.memref_slice %arg5[%dma_start3A_1166, %dma_start3A_1171, %add3A_1165, %dma_start3A_1172] : memref<9x3x1024x1024xf32, #tpu.memory_space<hbm>> -> memref<1x3x8x1024xf32, #tpu.memory_space<hbm>>
    %dma_start3A_1174 = tpu.memref_squeeze %dma_start3A_1173 : memref<1x3x8x1024xf32, #tpu.memory_space<hbm>> -> memref<3x8x1024xf32, #tpu.memory_space<hbm>>
    tpu.enqueue_dma source(%arg9 : memref<3x8x1024xf32, #tpu.memory_space<vmem>>) target(%dma_start3A_1174 : memref<3x8x1024xf32, #tpu.memory_space<hbm>>) target_semaphore(%arg14 : memref<!tpu.dma_semaphore, #tpu.memory_space<semaphore_mem>>)
    %add3A_1175 = arith.constant 24 : i32
    %add3A_1176 = arith.addi %mul3A_2, %add3A_1175 : i32
    %dma_start3A_1177 = arith.constant 0 : i32
    %dma_start3A_1178 = arith.constant 0 : i32
    %dma_start3A_1179 = arith.constant 0 : i32
    %dma_start3A_1180 = tpu.memref_slice %arg3[%dma_start3A_1177, %dma_start3A_1178, %add3A_1176, %dma_start3A_1179] : memref<4x3x1024x1024xf32, #tpu.memory_space<hbm>> -> memref<1x3x8x1024xf32, #tpu.memory_space<hbm>>
    %dma_start3A_1181 = tpu.memref_squeeze %dma_start3A_1180 : memref<1x3x8x1024xf32, #tpu.memory_space<hbm>> -> memref<3x8x1024xf32, #tpu.memory_space<hbm>>
    %dma_start3A_1182 = arith.constant 0 : i32
    %dma_start3A_1183 = arith.constant 0 : i32
    %dma_start3A_1184 = tpu.memref_slice %arg3[%dma_start3A_1177, %dma_start3A_1182, %add3A_1176, %dma_start3A_1183] : memref<4x3x1024x1024xf32, #tpu.memory_space<hbm>> -> memref<1x3x8x1024xf32, #tpu.memory_space<hbm>>
    %dma_start3A_1185 = tpu.memref_squeeze %dma_start3A_1184 : memref<1x3x8x1024xf32, #tpu.memory_space<hbm>> -> memref<3x8x1024xf32, #tpu.memory_space<hbm>>
    tpu.enqueue_dma source(%dma_start3A_1185 : memref<3x8x1024xf32, #tpu.memory_space<hbm>>) target(%arg6 : memref<3x8x1024xf32, #tpu.memory_space<vmem>>) target_semaphore(%arg11 : memref<!tpu.dma_semaphore, #tpu.memory_space<semaphore_mem>>)
    %add3A_1186 = arith.constant 8 : i32
    %add3A_1187 = arith.addi %mul3A_2, %add3A_1186 : i32
    %dma_wait3A_1188 = arith.constant 0 : i32
    %dma_wait3A_1189 = arith.constant 0 : i32
    %dma_wait3A_1190 = arith.constant 0 : i32
    %dma_wait3A_1191 = tpu.memref_slice %arg3[%dma_wait3A_1188, %dma_wait3A_1189, %add3A_1187, %dma_wait3A_1190] : memref<4x3x1024x1024xf32, #tpu.memory_space<hbm>> -> memref<1x3x8x1024xf32, #tpu.memory_space<hbm>>
    %dma_wait3A_1192 = tpu.memref_squeeze %dma_wait3A_1191 : memref<1x3x8x1024xf32, #tpu.memory_space<hbm>> -> memref<3x8x1024xf32, #tpu.memory_space<hbm>>
    %dma_wait3A_1193 = arith.constant 0 : i32
    %dma_wait3A_1194 = arith.constant 0 : i32
    %dma_wait3A_1195 = tpu.memref_slice %arg3[%dma_wait3A_1188, %dma_wait3A_1193, %add3A_1187, %dma_wait3A_1194] : memref<4x3x1024x1024xf32, #tpu.memory_space<hbm>> -> memref<1x3x8x1024xf32, #tpu.memory_space<hbm>>
    %dma_wait3A_1196 = tpu.memref_squeeze %dma_wait3A_1195 : memref<1x3x8x1024xf32, #tpu.memory_space<hbm>> -> memref<3x8x1024xf32, #tpu.memory_space<hbm>>
    tpu.wait_dma2 semaphore(%arg12 : memref<!tpu.dma_semaphore, #tpu.memory_space<semaphore_mem>>) src(%dma_wait3A_1196 : memref<3x8x1024xf32, #tpu.memory_space<hbm>>) dst(%arg7 : memref<3x8x1024xf32, #tpu.memory_space<vmem>>)
    %add3A_1197 = arith.constant 24 : i32
    %add3A_1198 = arith.addi %mul3A_2, %add3A_1197 : i32
    %dma_wait3A_1199 = arith.constant 5 : i32
    %dma_wait3A_1200 = arith.constant 0 : i32
    %dma_wait3A_1201 = arith.constant 0 : i32
    %dma_wait3A_1202 = tpu.memref_slice %arg5[%dma_wait3A_1199, %dma_wait3A_1200, %add3A_1198, %dma_wait3A_1201] : memref<9x3x1024x1024xf32, #tpu.memory_space<hbm>> -> memref<1x3x8x1024xf32, #tpu.memory_space<hbm>>
    %dma_wait3A_1203 = tpu.memref_squeeze %dma_wait3A_1202 : memref<1x3x8x1024xf32, #tpu.memory_space<hbm>> -> memref<3x8x1024xf32, #tpu.memory_space<hbm>>
    %dma_wait3A_1204 = arith.constant 0 : i32
    %dma_wait3A_1205 = arith.constant 0 : i32
    %dma_wait3A_1206 = tpu.memref_slice %arg5[%dma_wait3A_1199, %dma_wait3A_1204, %add3A_1198, %dma_wait3A_1205] : memref<9x3x1024x1024xf32, #tpu.memory_space<hbm>> -> memref<1x3x8x1024xf32, #tpu.memory_space<hbm>>
    %dma_wait3A_1207 = tpu.memref_squeeze %dma_wait3A_1206 : memref<1x3x8x1024xf32, #tpu.memory_space<hbm>> -> memref<3x8x1024xf32, #tpu.memory_space<hbm>>
    tpu.wait_dma2 semaphore(%arg15 : memref<!tpu.dma_semaphore, #tpu.memory_space<semaphore_mem>>) src(%arg10 : memref<3x8x1024xf32, #tpu.memory_space<vmem>>) dst(%dma_wait3A_1207 : memref<3x8x1024xf32, #tpu.memory_space<hbm>>)
    %parallel_loop3A_1208 = arith.constant 0 : i32
    %parallel_loop3A_1209 = arith.constant 1536 : i32
    %parallel_loop3A_1210 = arith.constant 1 : i32
    scf.for %parallel_loop3A_1692 = %parallel_loop3A_1208 to %parallel_loop3A_1209 step %parallel_loop3A_1210  : i32 {
      %parallel_loop3A_1693 = arith.constant 9 : i32
      %parallel_loop3A_1694 = arith.shrsi %parallel_loop3A_1692, %parallel_loop3A_1693 : i32
      %parallel_loop3A_1695 = arith.constant 6 : i32
      %parallel_loop3A_1696 = arith.shrsi %parallel_loop3A_1692, %parallel_loop3A_1695 : i32
      %parallel_loop3A_1697 = arith.constant 7 : i32
      %parallel_loop3A_1698 = arith.andi %parallel_loop3A_1696, %parallel_loop3A_1697 : i32
      %parallel_loop3A_1699 = arith.constant 63 : i32
      %parallel_loop3A_1700 = arith.andi %parallel_loop3A_1692, %parallel_loop3A_1699 : i32
      %parallel_loop3A_1701 = arith.constant 16 : i32
      %parallel_loop3A_1702 = arith.muli %parallel_loop3A_1700, %parallel_loop3A_1701 : i32
      %parallel_loop3A_1703 = arith.index_cast %parallel_loop3A_1694 : i32 to index
      %parallel_loop3A_1704 = arith.index_cast %parallel_loop3A_1698 : i32 to index
      %parallel_loop3A_1705 = arith.index_cast %parallel_loop3A_1702 : i32 to index
      %parallel_loop3A_1706 = tpu.vector_load %arg7[%parallel_loop3A_1703, %parallel_loop3A_1704, %parallel_loop3A_1705] {strides = array<i32>} : memref<3x8x1024xf32, #tpu.memory_space<vmem>>, vector<1x1x16xf32>,
      %parallel_loop3A_1707 = vector.shape_cast %parallel_loop3A_1706 : vector<1x1x16xf32> to vector<16xf32>
      %parallel_loop3A_1708 = arith.mulf %parallel_loop3A_1707, %parallel_loop3A_1707 : vector<16xf32>
      %parallel_loop3A_1709 = arith.index_cast %parallel_loop3A_1694 : i32 to index
      %parallel_loop3A_1710 = arith.index_cast %parallel_loop3A_1698 : i32 to index
      %parallel_loop3A_1711 = arith.index_cast %parallel_loop3A_1702 : i32 to index
      %parallel_loop3A_1712 = tpu.vector_load %arg10[%parallel_loop3A_1709, %parallel_loop3A_1710, %parallel_loop3A_1711] {strides = array<i32>} : memref<3x8x1024xf32, #tpu.memory_space<vmem>>, vector<1x1x16xf32>,
      %parallel_loop3A_1713 = vector.shape_cast %parallel_loop3A_1712 : vector<1x1x16xf32> to vector<16xf32>
      %parallel_loop3A_1714 = vector.shape_cast %parallel_loop3A_1708 : vector<16xf32> to vector<1x1x16xf32>
      tpu.vector_store %arg10[%parallel_loop3A_1709, %parallel_loop3A_1710, %parallel_loop3A_1711], %parallel_loop3A_1714 {strides = array<i32>} : memref<3x8x1024xf32, #tpu.memory_space<vmem>>, vector<1x1x16xf32>,
    } {sc.loop_unroll_factor = 8 : i64, sc.parallel_access}
    %add3A_1211 = arith.constant 8 : i32
    %add3A_1212 = arith.addi %mul3A_2, %add3A_1211 : i32
    %dma_start3A_1213 = arith.constant 6 : i32
    %dma_start3A_1214 = arith.constant 0 : i32
    %dma_start3A_1215 = arith.constant 0 : i32
    %dma_start3A_1216 = tpu.memref_slice %arg5[%dma_start3A_1213, %dma_start3A_1214, %add3A_1212, %dma_start3A_1215] : memref<9x3x1024x1024xf32, #tpu.memory_space<hbm>> -> memref<1x3x8x1024xf32, #tpu.memory_space<hbm>>
    %dma_start3A_1217 = tpu.memref_squeeze %dma_start3A_1216 : memref<1x3x8x1024xf32, #tpu.memory_space<hbm>> -> memref<3x8x1024xf32, #tpu.memory_space<hbm>>
    %dma_start3A_1218 = arith.constant 0 : i32
    %dma_start3A_1219 = arith.constant 0 : i32
    %dma_start3A_1220 = tpu.memref_slice %arg5[%dma_start3A_1213, %dma_start3A_1218, %add3A_1212, %dma_start3A_1219] : memref<9x3x1024x1024xf32, #tpu.memory_space<hbm>> -> memref<1x3x8x1024xf32, #tpu.memory_space<hbm>>
    %dma_start3A_1221 = tpu.memref_squeeze %dma_start3A_1220 : memref<1x3x8x1024xf32, #tpu.memory_space<hbm>> -> memref<3x8x1024xf32, #tpu.memory_space<hbm>>
    tpu.enqueue_dma source(%arg10 : memref<3x8x1024xf32, #tpu.memory_space<vmem>>) target(%dma_start3A_1221 : memref<3x8x1024xf32, #tpu.memory_space<hbm>>) target_semaphore(%arg15 : memref<!tpu.dma_semaphore, #tpu.memory_space<semaphore_mem>>)
    %add3A_1222 = arith.constant 0 : i32
    %add3A_1223 = arith.addi %mul3A_2, %add3A_1222 : i32
    %dma_start3A_1224 = arith.constant 0 : i32
    %dma_start3A_1225 = arith.constant 0 : i32
    %dma_start3A_1226 = arith.constant 0 : i32
    %dma_start3A_1227 = tpu.memref_slice %arg2[%dma_start3A_1224, %dma_start3A_1225, %add3A_1223, %dma_start3A_1226] : memref<2x3x1024x1024xf32, #tpu.memory_space<hbm>> -> memref<1x3x8x1024xf32, #tpu.memory_space<hbm>>
    %dma_start3A_1228 = tpu.memref_squeeze %dma_start3A_1227 : memref<1x3x8x1024xf32, #tpu.memory_space<hbm>> -> memref<3x8x1024xf32, #tpu.memory_space<hbm>>
    %dma_start3A_1229 = arith.constant 0 : i32
    %dma_start3A_1230 = arith.constant 0 : i32
    %dma_start3A_1231 = tpu.memref_slice %arg2[%dma_start3A_1224, %dma_start3A_1229, %add3A_1223, %dma_start3A_1230] : memref<2x3x1024x1024xf32, #tpu.memory_space<hbm>> -> memref<1x3x8x1024xf32, #tpu.memory_space<hbm>>
    %dma_start3A_1232 = tpu.memref_squeeze %dma_start3A_1231 : memref<1x3x8x1024xf32, #tpu.memory_space<hbm>> -> memref<3x8x1024xf32, #tpu.memory_space<hbm>>
    tpu.enqueue_dma source(%dma_start3A_1232 : memref<3x8x1024xf32, #tpu.memory_space<hbm>>) target(%arg7 : memref<3x8x1024xf32, #tpu.memory_space<vmem>>) target_semaphore(%arg12 : memref<!tpu.dma_semaphore, #tpu.memory_space<semaphore_mem>>)
    %add3A_1233 = arith.constant 16 : i32
    %add3A_1234 = arith.addi %mul3A_2, %add3A_1233 : i32
    %dma_wait3A_1235 = arith.constant 0 : i32
    %dma_wait3A_1236 = arith.constant 0 : i32
    %dma_wait3A_1237 = arith.constant 0 : i32
    %dma_wait3A_1238 = tpu.memref_slice %arg3[%dma_wait3A_1235, %dma_wait3A_1236, %add3A_1234, %dma_wait3A_1237] : memref<4x3x1024x1024xf32, #tpu.memory_space<hbm>> -> memref<1x3x8x1024xf32, #tpu.memory_space<hbm>>
    %dma_wait3A_1239 = tpu.memref_squeeze %dma_wait3A_1238 : memref<1x3x8x1024xf32, #tpu.memory_space<hbm>> -> memref<3x8x1024xf32, #tpu.memory_space<hbm>>
    %dma_wait3A_1240 = arith.constant 0 : i32
    %dma_wait3A_1241 = arith.constant 0 : i32
    %dma_wait3A_1242 = tpu.memref_slice %arg3[%dma_wait3A_1235, %dma_wait3A_1240, %add3A_1234, %dma_wait3A_1241] : memref<4x3x1024x1024xf32, #tpu.memory_space<hbm>> -> memref<1x3x8x1024xf32, #tpu.memory_space<hbm>>
    %dma_wait3A_1243 = tpu.memref_squeeze %dma_wait3A_1242 : memref<1x3x8x1024xf32, #tpu.memory_space<hbm>> -> memref<3x8x1024xf32, #tpu.memory_space<hbm>>
    tpu.wait_dma2 semaphore(%arg13 : memref<!tpu.dma_semaphore, #tpu.memory_space<semaphore_mem>>) src(%dma_wait3A_1243 : memref<3x8x1024xf32, #tpu.memory_space<hbm>>) dst(%arg8 : memref<3x8x1024xf32, #tpu.memory_space<vmem>>)
    %add3A_1244 = arith.constant 0 : i32
    %add3A_1245 = arith.addi %mul3A_2, %add3A_1244 : i32
    %dma_wait3A_1246 = arith.constant 6 : i32
    %dma_wait3A_1247 = arith.constant 0 : i32
    %dma_wait3A_1248 = arith.constant 0 : i32
    %dma_wait3A_1249 = tpu.memref_slice %arg5[%dma_wait3A_1246, %dma_wait3A_1247, %add3A_1245, %dma_wait3A_1248] : memref<9x3x1024x1024xf32, #tpu.memory_space<hbm>> -> memref<1x3x8x1024xf32, #tpu.memory_space<hbm>>
    %dma_wait3A_1250 = tpu.memref_squeeze %dma_wait3A_1249 : memref<1x3x8x1024xf32, #tpu.memory_space<hbm>> -> memref<3x8x1024xf32, #tpu.memory_space<hbm>>
    %dma_wait3A_1251 = arith.constant 0 : i32
    %dma_wait3A_1252 = arith.constant 0 : i32
    %dma_wait3A_1253 = tpu.memref_slice %arg5[%dma_wait3A_1246, %dma_wait3A_1251, %add3A_1245, %dma_wait3A_1252] : memref<9x3x1024x1024xf32, #tpu.memory_space<hbm>> -> memref<1x3x8x1024xf32, #tpu.memory_space<hbm>>
    %dma_wait3A_1254 = tpu.memref_squeeze %dma_wait3A_1253 : memref<1x3x8x1024xf32, #tpu.memory_space<hbm>> -> memref<3x8x1024xf32, #tpu.memory_space<hbm>>
    tpu.wait_dma2 semaphore(%arg14 : memref<!tpu.dma_semaphore, #tpu.memory_space<semaphore_mem>>) src(%arg9 : memref<3x8x1024xf32, #tpu.memory_space<vmem>>) dst(%dma_wait3A_1254 : memref<3x8x1024xf32, #tpu.memory_space<hbm>>)
    %parallel_loop3A_1255 = arith.constant 0 : i32
    %parallel_loop3A_1256 = arith.constant 1536 : i32
    %parallel_loop3A_1257 = arith.constant 1 : i32
    scf.for %parallel_loop3A_1692 = %parallel_loop3A_1255 to %parallel_loop3A_1256 step %parallel_loop3A_1257  : i32 {
      %parallel_loop3A_1693 = arith.constant 9 : i32
      %parallel_loop3A_1694 = arith.shrsi %parallel_loop3A_1692, %parallel_loop3A_1693 : i32
      %parallel_loop3A_1695 = arith.constant 6 : i32
      %parallel_loop3A_1696 = arith.shrsi %parallel_loop3A_1692, %parallel_loop3A_1695 : i32
      %parallel_loop3A_1697 = arith.constant 7 : i32
      %parallel_loop3A_1698 = arith.andi %parallel_loop3A_1696, %parallel_loop3A_1697 : i32
      %parallel_loop3A_1699 = arith.constant 63 : i32
      %parallel_loop3A_1700 = arith.andi %parallel_loop3A_1692, %parallel_loop3A_1699 : i32
      %parallel_loop3A_1701 = arith.constant 16 : i32
      %parallel_loop3A_1702 = arith.muli %parallel_loop3A_1700, %parallel_loop3A_1701 : i32
      %parallel_loop3A_1703 = arith.index_cast %parallel_loop3A_1694 : i32 to index
      %parallel_loop3A_1704 = arith.index_cast %parallel_loop3A_1698 : i32 to index
      %parallel_loop3A_1705 = arith.index_cast %parallel_loop3A_1702 : i32 to index
      %parallel_loop3A_1706 = tpu.vector_load %arg8[%parallel_loop3A_1703, %parallel_loop3A_1704, %parallel_loop3A_1705] {strides = array<i32>} : memref<3x8x1024xf32, #tpu.memory_space<vmem>>, vector<1x1x16xf32>,
      %parallel_loop3A_1707 = vector.shape_cast %parallel_loop3A_1706 : vector<1x1x16xf32> to vector<16xf32>
      %parallel_loop3A_1708 = arith.mulf %parallel_loop3A_1707, %parallel_loop3A_1707 : vector<16xf32>
      %parallel_loop3A_1709 = arith.index_cast %parallel_loop3A_1694 : i32 to index
      %parallel_loop3A_1710 = arith.index_cast %parallel_loop3A_1698 : i32 to index
      %parallel_loop3A_1711 = arith.index_cast %parallel_loop3A_1702 : i32 to index
      %parallel_loop3A_1712 = tpu.vector_load %arg9[%parallel_loop3A_1709, %parallel_loop3A_1710, %parallel_loop3A_1711] {strides = array<i32>} : memref<3x8x1024xf32, #tpu.memory_space<vmem>>, vector<1x1x16xf32>,
      %parallel_loop3A_1713 = vector.shape_cast %parallel_loop3A_1712 : vector<1x1x16xf32> to vector<16xf32>
      %parallel_loop3A_1714 = vector.shape_cast %parallel_loop3A_1708 : vector<16xf32> to vector<1x1x16xf32>
      tpu.vector_store %arg9[%parallel_loop3A_1709, %parallel_loop3A_1710, %parallel_loop3A_1711], %parallel_loop3A_1714 {strides = array<i32>} : memref<3x8x1024xf32, #tpu.memory_space<vmem>>, vector<1x1x16xf32>,
    } {sc.loop_unroll_factor = 8 : i64, sc.parallel_access}
    %add3A_1258 = arith.constant 16 : i32
    %add3A_1259 = arith.addi %mul3A_2, %add3A_1258 : i32
    %dma_start3A_1260 = arith.constant 6 : i32
    %dma_start3A_1261 = arith.constant 0 : i32
    %dma_start3A_1262 = arith.constant 0 : i32
    %dma_start3A_1263 = tpu.memref_slice %arg5[%dma_start3A_1260, %dma_start3A_1261, %add3A_1259, %dma_start3A_1262] : memref<9x3x1024x1024xf32, #tpu.memory_space<hbm>> -> memref<1x3x8x1024xf32, #tpu.memory_space<hbm>>
    %dma_start3A_1264 = tpu.memref_squeeze %dma_start3A_1263 : memref<1x3x8x1024xf32, #tpu.memory_space<hbm>> -> memref<3x8x1024xf32, #tpu.memory_space<hbm>>
    %dma_start3A_1265 = arith.constant 0 : i32
    %dma_start3A_1266 = arith.constant 0 : i32
    %dma_start3A_1267 = tpu.memref_slice %arg5[%dma_start3A_1260, %dma_start3A_1265, %add3A_1259, %dma_start3A_1266] : memref<9x3x1024x1024xf32, #tpu.memory_space<hbm>> -> memref<1x3x8x1024xf32, #tpu.memory_space<hbm>>
    %dma_start3A_1268 = tpu.memref_squeeze %dma_start3A_1267 : memref<1x3x8x1024xf32, #tpu.memory_space<hbm>> -> memref<3x8x1024xf32, #tpu.memory_space<hbm>>
    tpu.enqueue_dma source(%arg9 : memref<3x8x1024xf32, #tpu.memory_space<vmem>>) target(%dma_start3A_1268 : memref<3x8x1024xf32, #tpu.memory_space<hbm>>) target_semaphore(%arg14 : memref<!tpu.dma_semaphore, #tpu.memory_space<semaphore_mem>>)
    %add3A_1269 = arith.constant 8 : i32
    %add3A_1270 = arith.addi %mul3A_2, %add3A_1269 : i32
    %dma_start3A_1271 = arith.constant 0 : i32
    %dma_start3A_1272 = arith.constant 0 : i32
    %dma_start3A_1273 = arith.constant 0 : i32
    %dma_start3A_1274 = tpu.memref_slice %arg2[%dma_start3A_1271, %dma_start3A_1272, %add3A_1270, %dma_start3A_1273] : memref<2x3x1024x1024xf32, #tpu.memory_space<hbm>> -> memref<1x3x8x1024xf32, #tpu.memory_space<hbm>>
    %dma_start3A_1275 = tpu.memref_squeeze %dma_start3A_1274 : memref<1x3x8x1024xf32, #tpu.memory_space<hbm>> -> memref<3x8x1024xf32, #tpu.memory_space<hbm>>
    %dma_start3A_1276 = arith.constant 0 : i32
    %dma_start3A_1277 = arith.constant 0 : i32
    %dma_start3A_1278 = tpu.memref_slice %arg2[%dma_start3A_1271, %dma_start3A_1276, %add3A_1270, %dma_start3A_1277] : memref<2x3x1024x1024xf32, #tpu.memory_space<hbm>> -> memref<1x3x8x1024xf32, #tpu.memory_space<hbm>>
    %dma_start3A_1279 = tpu.memref_squeeze %dma_start3A_1278 : memref<1x3x8x1024xf32, #tpu.memory_space<hbm>> -> memref<3x8x1024xf32, #tpu.memory_space<hbm>>
    tpu.enqueue_dma source(%dma_start3A_1279 : memref<3x8x1024xf32, #tpu.memory_space<hbm>>) target(%arg8 : memref<3x8x1024xf32, #tpu.memory_space<vmem>>) target_semaphore(%arg13 : memref<!tpu.dma_semaphore, #tpu.memory_space<semaphore_mem>>)
    %add3A_1280 = arith.constant 24 : i32
    %add3A_1281 = arith.addi %mul3A_2, %add3A_1280 : i32
    %dma_wait3A_1282 = arith.constant 0 : i32
    %dma_wait3A_1283 = arith.constant 0 : i32
    %dma_wait3A_1284 = arith.constant 0 : i32
    %dma_wait3A_1285 = tpu.memref_slice %arg3[%dma_wait3A_1282, %dma_wait3A_1283, %add3A_1281, %dma_wait3A_1284] : memref<4x3x1024x1024xf32, #tpu.memory_space<hbm>> -> memref<1x3x8x1024xf32, #tpu.memory_space<hbm>>
    %dma_wait3A_1286 = tpu.memref_squeeze %dma_wait3A_1285 : memref<1x3x8x1024xf32, #tpu.memory_space<hbm>> -> memref<3x8x1024xf32, #tpu.memory_space<hbm>>
    %dma_wait3A_1287 = arith.constant 0 : i32
    %dma_wait3A_1288 = arith.constant 0 : i32
    %dma_wait3A_1289 = tpu.memref_slice %arg3[%dma_wait3A_1282, %dma_wait3A_1287, %add3A_1281, %dma_wait3A_1288] : memref<4x3x1024x1024xf32, #tpu.memory_space<hbm>> -> memref<1x3x8x1024xf32, #tpu.memory_space<hbm>>
    %dma_wait3A_1290 = tpu.memref_squeeze %dma_wait3A_1289 : memref<1x3x8x1024xf32, #tpu.memory_space<hbm>> -> memref<3x8x1024xf32, #tpu.memory_space<hbm>>
    tpu.wait_dma2 semaphore(%arg11 : memref<!tpu.dma_semaphore, #tpu.memory_space<semaphore_mem>>) src(%dma_wait3A_1290 : memref<3x8x1024xf32, #tpu.memory_space<hbm>>) dst(%arg6 : memref<3x8x1024xf32, #tpu.memory_space<vmem>>)
    %add3A_1291 = arith.constant 8 : i32
    %add3A_1292 = arith.addi %mul3A_2, %add3A_1291 : i32
    %dma_wait3A_1293 = arith.constant 6 : i32
    %dma_wait3A_1294 = arith.constant 0 : i32
    %dma_wait3A_1295 = arith.constant 0 : i32
    %dma_wait3A_1296 = tpu.memref_slice %arg5[%dma_wait3A_1293, %dma_wait3A_1294, %add3A_1292, %dma_wait3A_1295] : memref<9x3x1024x1024xf32, #tpu.memory_space<hbm>> -> memref<1x3x8x1024xf32, #tpu.memory_space<hbm>>
    %dma_wait3A_1297 = tpu.memref_squeeze %dma_wait3A_1296 : memref<1x3x8x1024xf32, #tpu.memory_space<hbm>> -> memref<3x8x1024xf32, #tpu.memory_space<hbm>>
    %dma_wait3A_1298 = arith.constant 0 : i32
    %dma_wait3A_1299 = arith.constant 0 : i32
    %dma_wait3A_1300 = tpu.memref_slice %arg5[%dma_wait3A_1293, %dma_wait3A_1298, %add3A_1292, %dma_wait3A_1299] : memref<9x3x1024x1024xf32, #tpu.memory_space<hbm>> -> memref<1x3x8x1024xf32, #tpu.memory_space<hbm>>
    %dma_wait3A_1301 = tpu.memref_squeeze %dma_wait3A_1300 : memref<1x3x8x1024xf32, #tpu.memory_space<hbm>> -> memref<3x8x1024xf32, #tpu.memory_space<hbm>>
    tpu.wait_dma2 semaphore(%arg15 : memref<!tpu.dma_semaphore, #tpu.memory_space<semaphore_mem>>) src(%arg10 : memref<3x8x1024xf32, #tpu.memory_space<vmem>>) dst(%dma_wait3A_1301 : memref<3x8x1024xf32, #tpu.memory_space<hbm>>)
    %parallel_loop3A_1302 = arith.constant 0 : i32
    %parallel_loop3A_1303 = arith.constant 1536 : i32
    %parallel_loop3A_1304 = arith.constant 1 : i32
    scf.for %parallel_loop3A_1692 = %parallel_loop3A_1302 to %parallel_loop3A_1303 step %parallel_loop3A_1304  : i32 {
      %parallel_loop3A_1693 = arith.constant 9 : i32
      %parallel_loop3A_1694 = arith.shrsi %parallel_loop3A_1692, %parallel_loop3A_1693 : i32
      %parallel_loop3A_1695 = arith.constant 6 : i32
      %parallel_loop3A_1696 = arith.shrsi %parallel_loop3A_1692, %parallel_loop3A_1695 : i32
      %parallel_loop3A_1697 = arith.constant 7 : i32
      %parallel_loop3A_1698 = arith.andi %parallel_loop3A_1696, %parallel_loop3A_1697 : i32
      %parallel_loop3A_1699 = arith.constant 63 : i32
      %parallel_loop3A_1700 = arith.andi %parallel_loop3A_1692, %parallel_loop3A_1699 : i32
      %parallel_loop3A_1701 = arith.constant 16 : i32
      %parallel_loop3A_1702 = arith.muli %parallel_loop3A_1700, %parallel_loop3A_1701 : i32
      %parallel_loop3A_1703 = arith.index_cast %parallel_loop3A_1694 : i32 to index
      %parallel_loop3A_1704 = arith.index_cast %parallel_loop3A_1698 : i32 to index
      %parallel_loop3A_1705 = arith.index_cast %parallel_loop3A_1702 : i32 to index
      %parallel_loop3A_1706 = tpu.vector_load %arg6[%parallel_loop3A_1703, %parallel_loop3A_1704, %parallel_loop3A_1705] {strides = array<i32>} : memref<3x8x1024xf32, #tpu.memory_space<vmem>>, vector<1x1x16xf32>,
      %parallel_loop3A_1707 = vector.shape_cast %parallel_loop3A_1706 : vector<1x1x16xf32> to vector<16xf32>
      %parallel_loop3A_1708 = arith.mulf %parallel_loop3A_1707, %parallel_loop3A_1707 : vector<16xf32>
      %parallel_loop3A_1709 = arith.index_cast %parallel_loop3A_1694 : i32 to index
      %parallel_loop3A_1710 = arith.index_cast %parallel_loop3A_1698 : i32 to index
      %parallel_loop3A_1711 = arith.index_cast %parallel_loop3A_1702 : i32 to index
      %parallel_loop3A_1712 = tpu.vector_load %arg10[%parallel_loop3A_1709, %parallel_loop3A_1710, %parallel_loop3A_1711] {strides = array<i32>} : memref<3x8x1024xf32, #tpu.memory_space<vmem>>, vector<1x1x16xf32>,
      %parallel_loop3A_1713 = vector.shape_cast %parallel_loop3A_1712 : vector<1x1x16xf32> to vector<16xf32>
      %parallel_loop3A_1714 = vector.shape_cast %parallel_loop3A_1708 : vector<16xf32> to vector<1x1x16xf32>
      tpu.vector_store %arg10[%parallel_loop3A_1709, %parallel_loop3A_1710, %parallel_loop3A_1711], %parallel_loop3A_1714 {strides = array<i32>} : memref<3x8x1024xf32, #tpu.memory_space<vmem>>, vector<1x1x16xf32>,
    } {sc.loop_unroll_factor = 8 : i64, sc.parallel_access}
    %add3A_1305 = arith.constant 24 : i32
    %add3A_1306 = arith.addi %mul3A_2, %add3A_1305 : i32
    %dma_start3A_1307 = arith.constant 6 : i32
    %dma_start3A_1308 = arith.constant 0 : i32
    %dma_start3A_1309 = arith.constant 0 : i32
    %dma_start3A_1310 = tpu.memref_slice %arg5[%dma_start3A_1307, %dma_start3A_1308, %add3A_1306, %dma_start3A_1309] : memref<9x3x1024x1024xf32, #tpu.memory_space<hbm>> -> memref<1x3x8x1024xf32, #tpu.memory_space<hbm>>
    %dma_start3A_1311 = tpu.memref_squeeze %dma_start3A_1310 : memref<1x3x8x1024xf32, #tpu.memory_space<hbm>> -> memref<3x8x1024xf32, #tpu.memory_space<hbm>>
    %dma_start3A_1312 = arith.constant 0 : i32
    %dma_start3A_1313 = arith.constant 0 : i32
    %dma_start3A_1314 = tpu.memref_slice %arg5[%dma_start3A_1307, %dma_start3A_1312, %add3A_1306, %dma_start3A_1313] : memref<9x3x1024x1024xf32, #tpu.memory_space<hbm>> -> memref<1x3x8x1024xf32, #tpu.memory_space<hbm>>
    %dma_start3A_1315 = tpu.memref_squeeze %dma_start3A_1314 : memref<1x3x8x1024xf32, #tpu.memory_space<hbm>> -> memref<3x8x1024xf32, #tpu.memory_space<hbm>>
    tpu.enqueue_dma source(%arg10 : memref<3x8x1024xf32, #tpu.memory_space<vmem>>) target(%dma_start3A_1315 : memref<3x8x1024xf32, #tpu.memory_space<hbm>>) target_semaphore(%arg15 : memref<!tpu.dma_semaphore, #tpu.memory_space<semaphore_mem>>)
    %add3A_1316 = arith.constant 16 : i32
    %add3A_1317 = arith.addi %mul3A_2, %add3A_1316 : i32
    %dma_start3A_1318 = arith.constant 0 : i32
    %dma_start3A_1319 = arith.constant 0 : i32
    %dma_start3A_1320 = arith.constant 0 : i32
    %dma_start3A_1321 = tpu.memref_slice %arg2[%dma_start3A_1318, %dma_start3A_1319, %add3A_1317, %dma_start3A_1320] : memref<2x3x1024x1024xf32, #tpu.memory_space<hbm>> -> memref<1x3x8x1024xf32, #tpu.memory_space<hbm>>
    %dma_start3A_1322 = tpu.memref_squeeze %dma_start3A_1321 : memref<1x3x8x1024xf32, #tpu.memory_space<hbm>> -> memref<3x8x1024xf32, #tpu.memory_space<hbm>>
    %dma_start3A_1323 = arith.constant 0 : i32
    %dma_start3A_1324 = arith.constant 0 : i32
    %dma_start3A_1325 = tpu.memref_slice %arg2[%dma_start3A_1318, %dma_start3A_1323, %add3A_1317, %dma_start3A_1324] : memref<2x3x1024x1024xf32, #tpu.memory_space<hbm>> -> memref<1x3x8x1024xf32, #tpu.memory_space<hbm>>
    %dma_start3A_1326 = tpu.memref_squeeze %dma_start3A_1325 : memref<1x3x8x1024xf32, #tpu.memory_space<hbm>> -> memref<3x8x1024xf32, #tpu.memory_space<hbm>>
    tpu.enqueue_dma source(%dma_start3A_1326 : memref<3x8x1024xf32, #tpu.memory_space<hbm>>) target(%arg6 : memref<3x8x1024xf32, #tpu.memory_space<vmem>>) target_semaphore(%arg11 : memref<!tpu.dma_semaphore, #tpu.memory_space<semaphore_mem>>)
    %add3A_1327 = arith.constant 0 : i32
    %add3A_1328 = arith.addi %mul3A_2, %add3A_1327 : i32
    %dma_wait3A_1329 = arith.constant 0 : i32
    %dma_wait3A_1330 = arith.constant 0 : i32
    %dma_wait3A_1331 = arith.constant 0 : i32
    %dma_wait3A_1332 = tpu.memref_slice %arg2[%dma_wait3A_1329, %dma_wait3A_1330, %add3A_1328, %dma_wait3A_1331] : memref<2x3x1024x1024xf32, #tpu.memory_space<hbm>> -> memref<1x3x8x1024xf32, #tpu.memory_space<hbm>>
    %dma_wait3A_1333 = tpu.memref_squeeze %dma_wait3A_1332 : memref<1x3x8x1024xf32, #tpu.memory_space<hbm>> -> memref<3x8x1024xf32, #tpu.memory_space<hbm>>
    %dma_wait3A_1334 = arith.constant 0 : i32
    %dma_wait3A_1335 = arith.constant 0 : i32
    %dma_wait3A_1336 = tpu.memref_slice %arg2[%dma_wait3A_1329, %dma_wait3A_1334, %add3A_1328, %dma_wait3A_1335] : memref<2x3x1024x1024xf32, #tpu.memory_space<hbm>> -> memref<1x3x8x1024xf32, #tpu.memory_space<hbm>>
    %dma_wait3A_1337 = tpu.memref_squeeze %dma_wait3A_1336 : memref<1x3x8x1024xf32, #tpu.memory_space<hbm>> -> memref<3x8x1024xf32, #tpu.memory_space<hbm>>
    tpu.wait_dma2 semaphore(%arg12 : memref<!tpu.dma_semaphore, #tpu.memory_space<semaphore_mem>>) src(%dma_wait3A_1337 : memref<3x8x1024xf32, #tpu.memory_space<hbm>>) dst(%arg7 : memref<3x8x1024xf32, #tpu.memory_space<vmem>>)
    %add3A_1338 = arith.constant 16 : i32
    %add3A_1339 = arith.addi %mul3A_2, %add3A_1338 : i32
    %dma_wait3A_1340 = arith.constant 6 : i32
    %dma_wait3A_1341 = arith.constant 0 : i32
    %dma_wait3A_1342 = arith.constant 0 : i32
    %dma_wait3A_1343 = tpu.memref_slice %arg5[%dma_wait3A_1340, %dma_wait3A_1341, %add3A_1339, %dma_wait3A_1342] : memref<9x3x1024x1024xf32, #tpu.memory_space<hbm>> -> memref<1x3x8x1024xf32, #tpu.memory_space<hbm>>
    %dma_wait3A_1344 = tpu.memref_squeeze %dma_wait3A_1343 : memref<1x3x8x1024xf32, #tpu.memory_space<hbm>> -> memref<3x8x1024xf32, #tpu.memory_space<hbm>>
    %dma_wait3A_1345 = arith.constant 0 : i32
    %dma_wait3A_1346 = arith.constant 0 : i32
    %dma_wait3A_1347 = tpu.memref_slice %arg5[%dma_wait3A_1340, %dma_wait3A_1345, %add3A_1339, %dma_wait3A_1346] : memref<9x3x1024x1024xf32, #tpu.memory_space<hbm>> -> memref<1x3x8x1024xf32, #tpu.memory_space<hbm>>
    %dma_wait3A_1348 = tpu.memref_squeeze %dma_wait3A_1347 : memref<1x3x8x1024xf32, #tpu.memory_space<hbm>> -> memref<3x8x1024xf32, #tpu.memory_space<hbm>>
    tpu.wait_dma2 semaphore(%arg14 : memref<!tpu.dma_semaphore, #tpu.memory_space<semaphore_mem>>) src(%arg9 : memref<3x8x1024xf32, #tpu.memory_space<vmem>>) dst(%dma_wait3A_1348 : memref<3x8x1024xf32, #tpu.memory_space<hbm>>)
    %parallel_loop3A_1349 = arith.constant 0 : i32
    %parallel_loop3A_1350 = arith.constant 1536 : i32
    %parallel_loop3A_1351 = arith.constant 1 : i32
    scf.for %parallel_loop3A_1692 = %parallel_loop3A_1349 to %parallel_loop3A_1350 step %parallel_loop3A_1351  : i32 {
      %parallel_loop3A_1693 = arith.constant 9 : i32
      %parallel_loop3A_1694 = arith.shrsi %parallel_loop3A_1692, %parallel_loop3A_1693 : i32
      %parallel_loop3A_1695 = arith.constant 6 : i32
      %parallel_loop3A_1696 = arith.shrsi %parallel_loop3A_1692, %parallel_loop3A_1695 : i32
      %parallel_loop3A_1697 = arith.constant 7 : i32
      %parallel_loop3A_1698 = arith.andi %parallel_loop3A_1696, %parallel_loop3A_1697 : i32
      %parallel_loop3A_1699 = arith.constant 63 : i32
      %parallel_loop3A_1700 = arith.andi %parallel_loop3A_1692, %parallel_loop3A_1699 : i32
      %parallel_loop3A_1701 = arith.constant 16 : i32
      %parallel_loop3A_1702 = arith.muli %parallel_loop3A_1700, %parallel_loop3A_1701 : i32
      %parallel_loop3A_1703 = arith.index_cast %parallel_loop3A_1694 : i32 to index
      %parallel_loop3A_1704 = arith.index_cast %parallel_loop3A_1698 : i32 to index
      %parallel_loop3A_1705 = arith.index_cast %parallel_loop3A_1702 : i32 to index
      %parallel_loop3A_1706 = tpu.vector_load %arg7[%parallel_loop3A_1703, %parallel_loop3A_1704, %parallel_loop3A_1705] {strides = array<i32>} : memref<3x8x1024xf32, #tpu.memory_space<vmem>>, vector<1x1x16xf32>,
      %parallel_loop3A_1707 = vector.shape_cast %parallel_loop3A_1706 : vector<1x1x16xf32> to vector<16xf32>
      %parallel_loop3A_1708 = arith.mulf %parallel_loop3A_1707, %parallel_loop3A_1707 : vector<16xf32>
      %parallel_loop3A_1709 = arith.index_cast %parallel_loop3A_1694 : i32 to index
      %parallel_loop3A_1710 = arith.index_cast %parallel_loop3A_1698 : i32 to index
      %parallel_loop3A_1711 = arith.index_cast %parallel_loop3A_1702 : i32 to index
      %parallel_loop3A_1712 = tpu.vector_load %arg9[%parallel_loop3A_1709, %parallel_loop3A_1710, %parallel_loop3A_1711] {strides = array<i32>} : memref<3x8x1024xf32, #tpu.memory_space<vmem>>, vector<1x1x16xf32>,
      %parallel_loop3A_1713 = vector.shape_cast %parallel_loop3A_1712 : vector<1x1x16xf32> to vector<16xf32>
      %parallel_loop3A_1714 = vector.shape_cast %parallel_loop3A_1708 : vector<16xf32> to vector<1x1x16xf32>
      tpu.vector_store %arg9[%parallel_loop3A_1709, %parallel_loop3A_1710, %parallel_loop3A_1711], %parallel_loop3A_1714 {strides = array<i32>} : memref<3x8x1024xf32, #tpu.memory_space<vmem>>, vector<1x1x16xf32>,
    } {sc.loop_unroll_factor = 8 : i64, sc.parallel_access}
    %add3A_1352 = arith.constant 0 : i32
    %add3A_1353 = arith.addi %mul3A_2, %add3A_1352 : i32
    %dma_start3A_1354 = arith.constant 7 : i32
    %dma_start3A_1355 = arith.constant 0 : i32
    %dma_start3A_1356 = arith.constant 0 : i32
    %dma_start3A_1357 = tpu.memref_slice %arg5[%dma_start3A_1354, %dma_start3A_1355, %add3A_1353, %dma_start3A_1356] : memref<9x3x1024x1024xf32, #tpu.memory_space<hbm>> -> memref<1x3x8x1024xf32, #tpu.memory_space<hbm>>
    %dma_start3A_1358 = tpu.memref_squeeze %dma_start3A_1357 : memref<1x3x8x1024xf32, #tpu.memory_space<hbm>> -> memref<3x8x1024xf32, #tpu.memory_space<hbm>>
    %dma_start3A_1359 = arith.constant 0 : i32
    %dma_start3A_1360 = arith.constant 0 : i32
    %dma_start3A_1361 = tpu.memref_slice %arg5[%dma_start3A_1354, %dma_start3A_1359, %add3A_1353, %dma_start3A_1360] : memref<9x3x1024x1024xf32, #tpu.memory_space<hbm>> -> memref<1x3x8x1024xf32, #tpu.memory_space<hbm>>
    %dma_start3A_1362 = tpu.memref_squeeze %dma_start3A_1361 : memref<1x3x8x1024xf32, #tpu.memory_space<hbm>> -> memref<3x8x1024xf32, #tpu.memory_space<hbm>>
    tpu.enqueue_dma source(%arg9 : memref<3x8x1024xf32, #tpu.memory_space<vmem>>) target(%dma_start3A_1362 : memref<3x8x1024xf32, #tpu.memory_space<hbm>>) target_semaphore(%arg14 : memref<!tpu.dma_semaphore, #tpu.memory_space<semaphore_mem>>)
    %add3A_1363 = arith.constant 24 : i32
    %add3A_1364 = arith.addi %mul3A_2, %add3A_1363 : i32
    %dma_start3A_1365 = arith.constant 0 : i32
    %dma_start3A_1366 = arith.constant 0 : i32
    %dma_start3A_1367 = arith.constant 0 : i32
    %dma_start3A_1368 = tpu.memref_slice %arg2[%dma_start3A_1365, %dma_start3A_1366, %add3A_1364, %dma_start3A_1367] : memref<2x3x1024x1024xf32, #tpu.memory_space<hbm>> -> memref<1x3x8x1024xf32, #tpu.memory_space<hbm>>
    %dma_start3A_1369 = tpu.memref_squeeze %dma_start3A_1368 : memref<1x3x8x1024xf32, #tpu.memory_space<hbm>> -> memref<3x8x1024xf32, #tpu.memory_space<hbm>>
    %dma_start3A_1370 = arith.constant 0 : i32
    %dma_start3A_1371 = arith.constant 0 : i32
    %dma_start3A_1372 = tpu.memref_slice %arg2[%dma_start3A_1365, %dma_start3A_1370, %add3A_1364, %dma_start3A_1371] : memref<2x3x1024x1024xf32, #tpu.memory_space<hbm>> -> memref<1x3x8x1024xf32, #tpu.memory_space<hbm>>
    %dma_start3A_1373 = tpu.memref_squeeze %dma_start3A_1372 : memref<1x3x8x1024xf32, #tpu.memory_space<hbm>> -> memref<3x8x1024xf32, #tpu.memory_space<hbm>>
    tpu.enqueue_dma source(%dma_start3A_1373 : memref<3x8x1024xf32, #tpu.memory_space<hbm>>) target(%arg7 : memref<3x8x1024xf32, #tpu.memory_space<vmem>>) target_semaphore(%arg12 : memref<!tpu.dma_semaphore, #tpu.memory_space<semaphore_mem>>)
    %add3A_1374 = arith.constant 8 : i32
    %add3A_1375 = arith.addi %mul3A_2, %add3A_1374 : i32
    %dma_wait3A_1376 = arith.constant 0 : i32
    %dma_wait3A_1377 = arith.constant 0 : i32
    %dma_wait3A_1378 = arith.constant 0 : i32
    %dma_wait3A_1379 = tpu.memref_slice %arg2[%dma_wait3A_1376, %dma_wait3A_1377, %add3A_1375, %dma_wait3A_1378] : memref<2x3x1024x1024xf32, #tpu.memory_space<hbm>> -> memref<1x3x8x1024xf32, #tpu.memory_space<hbm>>
    %dma_wait3A_1380 = tpu.memref_squeeze %dma_wait3A_1379 : memref<1x3x8x1024xf32, #tpu.memory_space<hbm>> -> memref<3x8x1024xf32, #tpu.memory_space<hbm>>
    %dma_wait3A_1381 = arith.constant 0 : i32
    %dma_wait3A_1382 = arith.constant 0 : i32
    %dma_wait3A_1383 = tpu.memref_slice %arg2[%dma_wait3A_1376, %dma_wait3A_1381, %add3A_1375, %dma_wait3A_1382] : memref<2x3x1024x1024xf32, #tpu.memory_space<hbm>> -> memref<1x3x8x1024xf32, #tpu.memory_space<hbm>>
    %dma_wait3A_1384 = tpu.memref_squeeze %dma_wait3A_1383 : memref<1x3x8x1024xf32, #tpu.memory_space<hbm>> -> memref<3x8x1024xf32, #tpu.memory_space<hbm>>
    tpu.wait_dma2 semaphore(%arg13 : memref<!tpu.dma_semaphore, #tpu.memory_space<semaphore_mem>>) src(%dma_wait3A_1384 : memref<3x8x1024xf32, #tpu.memory_space<hbm>>) dst(%arg8 : memref<3x8x1024xf32, #tpu.memory_space<vmem>>)
    %add3A_1385 = arith.constant 24 : i32
    %add3A_1386 = arith.addi %mul3A_2, %add3A_1385 : i32
    %dma_wait3A_1387 = arith.constant 6 : i32
    %dma_wait3A_1388 = arith.constant 0 : i32
    %dma_wait3A_1389 = arith.constant 0 : i32
    %dma_wait3A_1390 = tpu.memref_slice %arg5[%dma_wait3A_1387, %dma_wait3A_1388, %add3A_1386, %dma_wait3A_1389] : memref<9x3x1024x1024xf32, #tpu.memory_space<hbm>> -> memref<1x3x8x1024xf32, #tpu.memory_space<hbm>>
    %dma_wait3A_1391 = tpu.memref_squeeze %dma_wait3A_1390 : memref<1x3x8x1024xf32, #tpu.memory_space<hbm>> -> memref<3x8x1024xf32, #tpu.memory_space<hbm>>
    %dma_wait3A_1392 = arith.constant 0 : i32
    %dma_wait3A_1393 = arith.constant 0 : i32
    %dma_wait3A_1394 = tpu.memref_slice %arg5[%dma_wait3A_1387, %dma_wait3A_1392, %add3A_1386, %dma_wait3A_1393] : memref<9x3x1024x1024xf32, #tpu.memory_space<hbm>> -> memref<1x3x8x1024xf32, #tpu.memory_space<hbm>>
    %dma_wait3A_1395 = tpu.memref_squeeze %dma_wait3A_1394 : memref<1x3x8x1024xf32, #tpu.memory_space<hbm>> -> memref<3x8x1024xf32, #tpu.memory_space<hbm>>
    tpu.wait_dma2 semaphore(%arg15 : memref<!tpu.dma_semaphore, #tpu.memory_space<semaphore_mem>>) src(%arg10 : memref<3x8x1024xf32, #tpu.memory_space<vmem>>) dst(%dma_wait3A_1395 : memref<3x8x1024xf32, #tpu.memory_space<hbm>>)
    %parallel_loop3A_1396 = arith.constant 0 : i32
    %parallel_loop3A_1397 = arith.constant 1536 : i32
    %parallel_loop3A_1398 = arith.constant 1 : i32
    scf.for %parallel_loop3A_1692 = %parallel_loop3A_1396 to %parallel_loop3A_1397 step %parallel_loop3A_1398  : i32 {
      %parallel_loop3A_1693 = arith.constant 9 : i32
      %parallel_loop3A_1694 = arith.shrsi %parallel_loop3A_1692, %parallel_loop3A_1693 : i32
      %parallel_loop3A_1695 = arith.constant 6 : i32
      %parallel_loop3A_1696 = arith.shrsi %parallel_loop3A_1692, %parallel_loop3A_1695 : i32
      %parallel_loop3A_1697 = arith.constant 7 : i32
      %parallel_loop3A_1698 = arith.andi %parallel_loop3A_1696, %parallel_loop3A_1697 : i32
      %parallel_loop3A_1699 = arith.constant 63 : i32
      %parallel_loop3A_1700 = arith.andi %parallel_loop3A_1692, %parallel_loop3A_1699 : i32
      %parallel_loop3A_1701 = arith.constant 16 : i32
      %parallel_loop3A_1702 = arith.muli %parallel_loop3A_1700, %parallel_loop3A_1701 : i32
      %parallel_loop3A_1703 = arith.index_cast %parallel_loop3A_1694 : i32 to index
      %parallel_loop3A_1704 = arith.index_cast %parallel_loop3A_1698 : i32 to index
      %parallel_loop3A_1705 = arith.index_cast %parallel_loop3A_1702 : i32 to index
      %parallel_loop3A_1706 = tpu.vector_load %arg8[%parallel_loop3A_1703, %parallel_loop3A_1704, %parallel_loop3A_1705] {strides = array<i32>} : memref<3x8x1024xf32, #tpu.memory_space<vmem>>, vector<1x1x16xf32>,
      %parallel_loop3A_1707 = vector.shape_cast %parallel_loop3A_1706 : vector<1x1x16xf32> to vector<16xf32>
      %parallel_loop3A_1708 = arith.mulf %parallel_loop3A_1707, %parallel_loop3A_1707 : vector<16xf32>
      %parallel_loop3A_1709 = arith.index_cast %parallel_loop3A_1694 : i32 to index
      %parallel_loop3A_1710 = arith.index_cast %parallel_loop3A_1698 : i32 to index
      %parallel_loop3A_1711 = arith.index_cast %parallel_loop3A_1702 : i32 to index
      %parallel_loop3A_1712 = tpu.vector_load %arg10[%parallel_loop3A_1709, %parallel_loop3A_1710, %parallel_loop3A_1711] {strides = array<i32>} : memref<3x8x1024xf32, #tpu.memory_space<vmem>>, vector<1x1x16xf32>,
      %parallel_loop3A_1713 = vector.shape_cast %parallel_loop3A_1712 : vector<1x1x16xf32> to vector<16xf32>
      %parallel_loop3A_1714 = vector.shape_cast %parallel_loop3A_1708 : vector<16xf32> to vector<1x1x16xf32>
      tpu.vector_store %arg10[%parallel_loop3A_1709, %parallel_loop3A_1710, %parallel_loop3A_1711], %parallel_loop3A_1714 {strides = array<i32>} : memref<3x8x1024xf32, #tpu.memory_space<vmem>>, vector<1x1x16xf32>,
    } {sc.loop_unroll_factor = 8 : i64, sc.parallel_access}
    %add3A_1399 = arith.constant 8 : i32
    %add3A_1400 = arith.addi %mul3A_2, %add3A_1399 : i32
    %dma_start3A_1401 = arith.constant 7 : i32
    %dma_start3A_1402 = arith.constant 0 : i32
    %dma_start3A_1403 = arith.constant 0 : i32
    %dma_start3A_1404 = tpu.memref_slice %arg5[%dma_start3A_1401, %dma_start3A_1402, %add3A_1400, %dma_start3A_1403] : memref<9x3x1024x1024xf32, #tpu.memory_space<hbm>> -> memref<1x3x8x1024xf32, #tpu.memory_space<hbm>>
    %dma_start3A_1405 = tpu.memref_squeeze %dma_start3A_1404 : memref<1x3x8x1024xf32, #tpu.memory_space<hbm>> -> memref<3x8x1024xf32, #tpu.memory_space<hbm>>
    %dma_start3A_1406 = arith.constant 0 : i32
    %dma_start3A_1407 = arith.constant 0 : i32
    %dma_start3A_1408 = tpu.memref_slice %arg5[%dma_start3A_1401, %dma_start3A_1406, %add3A_1400, %dma_start3A_1407] : memref<9x3x1024x1024xf32, #tpu.memory_space<hbm>> -> memref<1x3x8x1024xf32, #tpu.memory_space<hbm>>
    %dma_start3A_1409 = tpu.memref_squeeze %dma_start3A_1408 : memref<1x3x8x1024xf32, #tpu.memory_space<hbm>> -> memref<3x8x1024xf32, #tpu.memory_space<hbm>>
    tpu.enqueue_dma source(%arg10 : memref<3x8x1024xf32, #tpu.memory_space<vmem>>) target(%dma_start3A_1409 : memref<3x8x1024xf32, #tpu.memory_space<hbm>>) target_semaphore(%arg15 : memref<!tpu.dma_semaphore, #tpu.memory_space<semaphore_mem>>)
    %add3A_1410 = arith.constant 0 : i32
    %add3A_1411 = arith.addi %mul3A_2, %add3A_1410 : i32
    %dma_start3A_1412 = arith.constant 1 : i32
    %dma_start3A_1413 = arith.constant 0 : i32
    %dma_start3A_1414 = arith.constant 0 : i32
    %dma_start3A_1415 = tpu.memref_slice %arg3[%dma_start3A_1412, %dma_start3A_1413, %add3A_1411, %dma_start3A_1414] : memref<4x3x1024x1024xf32, #tpu.memory_space<hbm>> -> memref<1x3x8x1024xf32, #tpu.memory_space<hbm>>
    %dma_start3A_1416 = tpu.memref_squeeze %dma_start3A_1415 : memref<1x3x8x1024xf32, #tpu.memory_space<hbm>> -> memref<3x8x1024xf32, #tpu.memory_space<hbm>>
    %dma_start3A_1417 = arith.constant 0 : i32
    %dma_start3A_1418 = arith.constant 0 : i32
    %dma_start3A_1419 = tpu.memref_slice %arg3[%dma_start3A_1412, %dma_start3A_1417, %add3A_1411, %dma_start3A_1418] : memref<4x3x1024x1024xf32, #tpu.memory_space<hbm>> -> memref<1x3x8x1024xf32, #tpu.memory_space<hbm>>
    %dma_start3A_1420 = tpu.memref_squeeze %dma_start3A_1419 : memref<1x3x8x1024xf32, #tpu.memory_space<hbm>> -> memref<3x8x1024xf32, #tpu.memory_space<hbm>>
    tpu.enqueue_dma source(%dma_start3A_1420 : memref<3x8x1024xf32, #tpu.memory_space<hbm>>) target(%arg8 : memref<3x8x1024xf32, #tpu.memory_space<vmem>>) target_semaphore(%arg13 : memref<!tpu.dma_semaphore, #tpu.memory_space<semaphore_mem>>)
    %add3A_1421 = arith.constant 16 : i32
    %add3A_1422 = arith.addi %mul3A_2, %add3A_1421 : i32
    %dma_wait3A_1423 = arith.constant 0 : i32
    %dma_wait3A_1424 = arith.constant 0 : i32
    %dma_wait3A_1425 = arith.constant 0 : i32
    %dma_wait3A_1426 = tpu.memref_slice %arg2[%dma_wait3A_1423, %dma_wait3A_1424, %add3A_1422, %dma_wait3A_1425] : memref<2x3x1024x1024xf32, #tpu.memory_space<hbm>> -> memref<1x3x8x1024xf32, #tpu.memory_space<hbm>>
    %dma_wait3A_1427 = tpu.memref_squeeze %dma_wait3A_1426 : memref<1x3x8x1024xf32, #tpu.memory_space<hbm>> -> memref<3x8x1024xf32, #tpu.memory_space<hbm>>
    %dma_wait3A_1428 = arith.constant 0 : i32
    %dma_wait3A_1429 = arith.constant 0 : i32
    %dma_wait3A_1430 = tpu.memref_slice %arg2[%dma_wait3A_1423, %dma_wait3A_1428, %add3A_1422, %dma_wait3A_1429] : memref<2x3x1024x1024xf32, #tpu.memory_space<hbm>> -> memref<1x3x8x1024xf32, #tpu.memory_space<hbm>>
    %dma_wait3A_1431 = tpu.memref_squeeze %dma_wait3A_1430 : memref<1x3x8x1024xf32, #tpu.memory_space<hbm>> -> memref<3x8x1024xf32, #tpu.memory_space<hbm>>
    tpu.wait_dma2 semaphore(%arg11 : memref<!tpu.dma_semaphore, #tpu.memory_space<semaphore_mem>>) src(%dma_wait3A_1431 : memref<3x8x1024xf32, #tpu.memory_space<hbm>>) dst(%arg6 : memref<3x8x1024xf32, #tpu.memory_space<vmem>>)
    %add3A_1432 = arith.constant 0 : i32
    %add3A_1433 = arith.addi %mul3A_2, %add3A_1432 : i32
    %dma_wait3A_1434 = arith.constant 7 : i32
    %dma_wait3A_1435 = arith.constant 0 : i32
    %dma_wait3A_1436 = arith.constant 0 : i32
    %dma_wait3A_1437 = tpu.memref_slice %arg5[%dma_wait3A_1434, %dma_wait3A_1435, %add3A_1433, %dma_wait3A_1436] : memref<9x3x1024x1024xf32, #tpu.memory_space<hbm>> -> memref<1x3x8x1024xf32, #tpu.memory_space<hbm>>
    %dma_wait3A_1438 = tpu.memref_squeeze %dma_wait3A_1437 : memref<1x3x8x1024xf32, #tpu.memory_space<hbm>> -> memref<3x8x1024xf32, #tpu.memory_space<hbm>>
    %dma_wait3A_1439 = arith.constant 0 : i32
    %dma_wait3A_1440 = arith.constant 0 : i32
    %dma_wait3A_1441 = tpu.memref_slice %arg5[%dma_wait3A_1434, %dma_wait3A_1439, %add3A_1433, %dma_wait3A_1440] : memref<9x3x1024x1024xf32, #tpu.memory_space<hbm>> -> memref<1x3x8x1024xf32, #tpu.memory_space<hbm>>
    %dma_wait3A_1442 = tpu.memref_squeeze %dma_wait3A_1441 : memref<1x3x8x1024xf32, #tpu.memory_space<hbm>> -> memref<3x8x1024xf32, #tpu.memory_space<hbm>>
    tpu.wait_dma2 semaphore(%arg14 : memref<!tpu.dma_semaphore, #tpu.memory_space<semaphore_mem>>) src(%arg9 : memref<3x8x1024xf32, #tpu.memory_space<vmem>>) dst(%dma_wait3A_1442 : memref<3x8x1024xf32, #tpu.memory_space<hbm>>)
    %parallel_loop3A_1443 = arith.constant 0 : i32
    %parallel_loop3A_1444 = arith.constant 1536 : i32
    %parallel_loop3A_1445 = arith.constant 1 : i32
    scf.for %parallel_loop3A_1692 = %parallel_loop3A_1443 to %parallel_loop3A_1444 step %parallel_loop3A_1445  : i32 {
      %parallel_loop3A_1693 = arith.constant 9 : i32
      %parallel_loop3A_1694 = arith.shrsi %parallel_loop3A_1692, %parallel_loop3A_1693 : i32
      %parallel_loop3A_1695 = arith.constant 6 : i32
      %parallel_loop3A_1696 = arith.shrsi %parallel_loop3A_1692, %parallel_loop3A_1695 : i32
      %parallel_loop3A_1697 = arith.constant 7 : i32
      %parallel_loop3A_1698 = arith.andi %parallel_loop3A_1696, %parallel_loop3A_1697 : i32
      %parallel_loop3A_1699 = arith.constant 63 : i32
      %parallel_loop3A_1700 = arith.andi %parallel_loop3A_1692, %parallel_loop3A_1699 : i32
      %parallel_loop3A_1701 = arith.constant 16 : i32
      %parallel_loop3A_1702 = arith.muli %parallel_loop3A_1700, %parallel_loop3A_1701 : i32
      %parallel_loop3A_1703 = arith.index_cast %parallel_loop3A_1694 : i32 to index
      %parallel_loop3A_1704 = arith.index_cast %parallel_loop3A_1698 : i32 to index
      %parallel_loop3A_1705 = arith.index_cast %parallel_loop3A_1702 : i32 to index
      %parallel_loop3A_1706 = tpu.vector_load %arg6[%parallel_loop3A_1703, %parallel_loop3A_1704, %parallel_loop3A_1705] {strides = array<i32>} : memref<3x8x1024xf32, #tpu.memory_space<vmem>>, vector<1x1x16xf32>,
      %parallel_loop3A_1707 = vector.shape_cast %parallel_loop3A_1706 : vector<1x1x16xf32> to vector<16xf32>
      %parallel_loop3A_1708 = arith.mulf %parallel_loop3A_1707, %parallel_loop3A_1707 : vector<16xf32>
      %parallel_loop3A_1709 = arith.index_cast %parallel_loop3A_1694 : i32 to index
      %parallel_loop3A_1710 = arith.index_cast %parallel_loop3A_1698 : i32 to index
      %parallel_loop3A_1711 = arith.index_cast %parallel_loop3A_1702 : i32 to index
      %parallel_loop3A_1712 = tpu.vector_load %arg9[%parallel_loop3A_1709, %parallel_loop3A_1710, %parallel_loop3A_1711] {strides = array<i32>} : memref<3x8x1024xf32, #tpu.memory_space<vmem>>, vector<1x1x16xf32>,
      %parallel_loop3A_1713 = vector.shape_cast %parallel_loop3A_1712 : vector<1x1x16xf32> to vector<16xf32>
      %parallel_loop3A_1714 = vector.shape_cast %parallel_loop3A_1708 : vector<16xf32> to vector<1x1x16xf32>
      tpu.vector_store %arg9[%parallel_loop3A_1709, %parallel_loop3A_1710, %parallel_loop3A_1711], %parallel_loop3A_1714 {strides = array<i32>} : memref<3x8x1024xf32, #tpu.memory_space<vmem>>, vector<1x1x16xf32>,
    } {sc.loop_unroll_factor = 8 : i64, sc.parallel_access}
    %add3A_1446 = arith.constant 16 : i32
    %add3A_1447 = arith.addi %mul3A_2, %add3A_1446 : i32
    %dma_start3A_1448 = arith.constant 7 : i32
    %dma_start3A_1449 = arith.constant 0 : i32
    %dma_start3A_1450 = arith.constant 0 : i32
    %dma_start3A_1451 = tpu.memref_slice %arg5[%dma_start3A_1448, %dma_start3A_1449, %add3A_1447, %dma_start3A_1450] : memref<9x3x1024x1024xf32, #tpu.memory_space<hbm>> -> memref<1x3x8x1024xf32, #tpu.memory_space<hbm>>
    %dma_start3A_1452 = tpu.memref_squeeze %dma_start3A_1451 : memref<1x3x8x1024xf32, #tpu.memory_space<hbm>> -> memref<3x8x1024xf32, #tpu.memory_space<hbm>>
    %dma_start3A_1453 = arith.constant 0 : i32
    %dma_start3A_1454 = arith.constant 0 : i32
    %dma_start3A_1455 = tpu.memref_slice %arg5[%dma_start3A_1448, %dma_start3A_1453, %add3A_1447, %dma_start3A_1454] : memref<9x3x1024x1024xf32, #tpu.memory_space<hbm>> -> memref<1x3x8x1024xf32, #tpu.memory_space<hbm>>
    %dma_start3A_1456 = tpu.memref_squeeze %dma_start3A_1455 : memref<1x3x8x1024xf32, #tpu.memory_space<hbm>> -> memref<3x8x1024xf32, #tpu.memory_space<hbm>>
    tpu.enqueue_dma source(%arg9 : memref<3x8x1024xf32, #tpu.memory_space<vmem>>) target(%dma_start3A_1456 : memref<3x8x1024xf32, #tpu.memory_space<hbm>>) target_semaphore(%arg14 : memref<!tpu.dma_semaphore, #tpu.memory_space<semaphore_mem>>)
    %add3A_1457 = arith.constant 8 : i32
    %add3A_1458 = arith.addi %mul3A_2, %add3A_1457 : i32
    %dma_start3A_1459 = arith.constant 1 : i32
    %dma_start3A_1460 = arith.constant 0 : i32
    %dma_start3A_1461 = arith.constant 0 : i32
    %dma_start3A_1462 = tpu.memref_slice %arg3[%dma_start3A_1459, %dma_start3A_1460, %add3A_1458, %dma_start3A_1461] : memref<4x3x1024x1024xf32, #tpu.memory_space<hbm>> -> memref<1x3x8x1024xf32, #tpu.memory_space<hbm>>
    %dma_start3A_1463 = tpu.memref_squeeze %dma_start3A_1462 : memref<1x3x8x1024xf32, #tpu.memory_space<hbm>> -> memref<3x8x1024xf32, #tpu.memory_space<hbm>>
    %dma_start3A_1464 = arith.constant 0 : i32
    %dma_start3A_1465 = arith.constant 0 : i32
    %dma_start3A_1466 = tpu.memref_slice %arg3[%dma_start3A_1459, %dma_start3A_1464, %add3A_1458, %dma_start3A_1465] : memref<4x3x1024x1024xf32, #tpu.memory_space<hbm>> -> memref<1x3x8x1024xf32, #tpu.memory_space<hbm>>
    %dma_start3A_1467 = tpu.memref_squeeze %dma_start3A_1466 : memref<1x3x8x1024xf32, #tpu.memory_space<hbm>> -> memref<3x8x1024xf32, #tpu.memory_space<hbm>>
    tpu.enqueue_dma source(%dma_start3A_1467 : memref<3x8x1024xf32, #tpu.memory_space<hbm>>) target(%arg6 : memref<3x8x1024xf32, #tpu.memory_space<vmem>>) target_semaphore(%arg11 : memref<!tpu.dma_semaphore, #tpu.memory_space<semaphore_mem>>)
    %add3A_1468 = arith.constant 24 : i32
    %add3A_1469 = arith.addi %mul3A_2, %add3A_1468 : i32
    %dma_wait3A_1470 = arith.constant 0 : i32
    %dma_wait3A_1471 = arith.constant 0 : i32
    %dma_wait3A_1472 = arith.constant 0 : i32
    %dma_wait3A_1473 = tpu.memref_slice %arg2[%dma_wait3A_1470, %dma_wait3A_1471, %add3A_1469, %dma_wait3A_1472] : memref<2x3x1024x1024xf32, #tpu.memory_space<hbm>> -> memref<1x3x8x1024xf32, #tpu.memory_space<hbm>>
    %dma_wait3A_1474 = tpu.memref_squeeze %dma_wait3A_1473 : memref<1x3x8x1024xf32, #tpu.memory_space<hbm>> -> memref<3x8x1024xf32, #tpu.memory_space<hbm>>
    %dma_wait3A_1475 = arith.constant 0 : i32
    %dma_wait3A_1476 = arith.constant 0 : i32
    %dma_wait3A_1477 = tpu.memref_slice %arg2[%dma_wait3A_1470, %dma_wait3A_1475, %add3A_1469, %dma_wait3A_1476] : memref<2x3x1024x1024xf32, #tpu.memory_space<hbm>> -> memref<1x3x8x1024xf32, #tpu.memory_space<hbm>>
    %dma_wait3A_1478 = tpu.memref_squeeze %dma_wait3A_1477 : memref<1x3x8x1024xf32, #tpu.memory_space<hbm>> -> memref<3x8x1024xf32, #tpu.memory_space<hbm>>
    tpu.wait_dma2 semaphore(%arg12 : memref<!tpu.dma_semaphore, #tpu.memory_space<semaphore_mem>>) src(%dma_wait3A_1478 : memref<3x8x1024xf32, #tpu.memory_space<hbm>>) dst(%arg7 : memref<3x8x1024xf32, #tpu.memory_space<vmem>>)
    %add3A_1479 = arith.constant 8 : i32
    %add3A_1480 = arith.addi %mul3A_2, %add3A_1479 : i32
    %dma_wait3A_1481 = arith.constant 7 : i32
    %dma_wait3A_1482 = arith.constant 0 : i32
    %dma_wait3A_1483 = arith.constant 0 : i32
    %dma_wait3A_1484 = tpu.memref_slice %arg5[%dma_wait3A_1481, %dma_wait3A_1482, %add3A_1480, %dma_wait3A_1483] : memref<9x3x1024x1024xf32, #tpu.memory_space<hbm>> -> memref<1x3x8x1024xf32, #tpu.memory_space<hbm>>
    %dma_wait3A_1485 = tpu.memref_squeeze %dma_wait3A_1484 : memref<1x3x8x1024xf32, #tpu.memory_space<hbm>> -> memref<3x8x1024xf32, #tpu.memory_space<hbm>>
    %dma_wait3A_1486 = arith.constant 0 : i32
    %dma_wait3A_1487 = arith.constant 0 : i32
    %dma_wait3A_1488 = tpu.memref_slice %arg5[%dma_wait3A_1481, %dma_wait3A_1486, %add3A_1480, %dma_wait3A_1487] : memref<9x3x1024x1024xf32, #tpu.memory_space<hbm>> -> memref<1x3x8x1024xf32, #tpu.memory_space<hbm>>
    %dma_wait3A_1489 = tpu.memref_squeeze %dma_wait3A_1488 : memref<1x3x8x1024xf32, #tpu.memory_space<hbm>> -> memref<3x8x1024xf32, #tpu.memory_space<hbm>>
    tpu.wait_dma2 semaphore(%arg15 : memref<!tpu.dma_semaphore, #tpu.memory_space<semaphore_mem>>) src(%arg10 : memref<3x8x1024xf32, #tpu.memory_space<vmem>>) dst(%dma_wait3A_1489 : memref<3x8x1024xf32, #tpu.memory_space<hbm>>)
    %parallel_loop3A_1490 = arith.constant 0 : i32
    %parallel_loop3A_1491 = arith.constant 1536 : i32
    %parallel_loop3A_1492 = arith.constant 1 : i32
    scf.for %parallel_loop3A_1692 = %parallel_loop3A_1490 to %parallel_loop3A_1491 step %parallel_loop3A_1492  : i32 {
      %parallel_loop3A_1693 = arith.constant 9 : i32
      %parallel_loop3A_1694 = arith.shrsi %parallel_loop3A_1692, %parallel_loop3A_1693 : i32
      %parallel_loop3A_1695 = arith.constant 6 : i32
      %parallel_loop3A_1696 = arith.shrsi %parallel_loop3A_1692, %parallel_loop3A_1695 : i32
      %parallel_loop3A_1697 = arith.constant 7 : i32
      %parallel_loop3A_1698 = arith.andi %parallel_loop3A_1696, %parallel_loop3A_1697 : i32
      %parallel_loop3A_1699 = arith.constant 63 : i32
      %parallel_loop3A_1700 = arith.andi %parallel_loop3A_1692, %parallel_loop3A_1699 : i32
      %parallel_loop3A_1701 = arith.constant 16 : i32
      %parallel_loop3A_1702 = arith.muli %parallel_loop3A_1700, %parallel_loop3A_1701 : i32
      %parallel_loop3A_1703 = arith.index_cast %parallel_loop3A_1694 : i32 to index
      %parallel_loop3A_1704 = arith.index_cast %parallel_loop3A_1698 : i32 to index
      %parallel_loop3A_1705 = arith.index_cast %parallel_loop3A_1702 : i32 to index
      %parallel_loop3A_1706 = tpu.vector_load %arg7[%parallel_loop3A_1703, %parallel_loop3A_1704, %parallel_loop3A_1705] {strides = array<i32>} : memref<3x8x1024xf32, #tpu.memory_space<vmem>>, vector<1x1x16xf32>,
      %parallel_loop3A_1707 = vector.shape_cast %parallel_loop3A_1706 : vector<1x1x16xf32> to vector<16xf32>
      %parallel_loop3A_1708 = arith.mulf %parallel_loop3A_1707, %parallel_loop3A_1707 : vector<16xf32>
      %parallel_loop3A_1709 = arith.index_cast %parallel_loop3A_1694 : i32 to index
      %parallel_loop3A_1710 = arith.index_cast %parallel_loop3A_1698 : i32 to index
      %parallel_loop3A_1711 = arith.index_cast %parallel_loop3A_1702 : i32 to index
      %parallel_loop3A_1712 = tpu.vector_load %arg10[%parallel_loop3A_1709, %parallel_loop3A_1710, %parallel_loop3A_1711] {strides = array<i32>} : memref<3x8x1024xf32, #tpu.memory_space<vmem>>, vector<1x1x16xf32>,
      %parallel_loop3A_1713 = vector.shape_cast %parallel_loop3A_1712 : vector<1x1x16xf32> to vector<16xf32>
      %parallel_loop3A_1714 = vector.shape_cast %parallel_loop3A_1708 : vector<16xf32> to vector<1x1x16xf32>
      tpu.vector_store %arg10[%parallel_loop3A_1709, %parallel_loop3A_1710, %parallel_loop3A_1711], %parallel_loop3A_1714 {strides = array<i32>} : memref<3x8x1024xf32, #tpu.memory_space<vmem>>, vector<1x1x16xf32>,
    } {sc.loop_unroll_factor = 8 : i64, sc.parallel_access}
    %add3A_1493 = arith.constant 24 : i32
    %add3A_1494 = arith.addi %mul3A_2, %add3A_1493 : i32
    %dma_start3A_1495 = arith.constant 7 : i32
    %dma_start3A_1496 = arith.constant 0 : i32
    %dma_start3A_1497 = arith.constant 0 : i32
    %dma_start3A_1498 = tpu.memref_slice %arg5[%dma_start3A_1495, %dma_start3A_1496, %add3A_1494, %dma_start3A_1497] : memref<9x3x1024x1024xf32, #tpu.memory_space<hbm>> -> memref<1x3x8x1024xf32, #tpu.memory_space<hbm>>
    %dma_start3A_1499 = tpu.memref_squeeze %dma_start3A_1498 : memref<1x3x8x1024xf32, #tpu.memory_space<hbm>> -> memref<3x8x1024xf32, #tpu.memory_space<hbm>>
    %dma_start3A_1500 = arith.constant 0 : i32
    %dma_start3A_1501 = arith.constant 0 : i32
    %dma_start3A_1502 = tpu.memref_slice %arg5[%dma_start3A_1495, %dma_start3A_1500, %add3A_1494, %dma_start3A_1501] : memref<9x3x1024x1024xf32, #tpu.memory_space<hbm>> -> memref<1x3x8x1024xf32, #tpu.memory_space<hbm>>
    %dma_start3A_1503 = tpu.memref_squeeze %dma_start3A_1502 : memref<1x3x8x1024xf32, #tpu.memory_space<hbm>> -> memref<3x8x1024xf32, #tpu.memory_space<hbm>>
    tpu.enqueue_dma source(%arg10 : memref<3x8x1024xf32, #tpu.memory_space<vmem>>) target(%dma_start3A_1503 : memref<3x8x1024xf32, #tpu.memory_space<hbm>>) target_semaphore(%arg15 : memref<!tpu.dma_semaphore, #tpu.memory_space<semaphore_mem>>)
    %add3A_1504 = arith.constant 16 : i32
    %add3A_1505 = arith.addi %mul3A_2, %add3A_1504 : i32
    %dma_start3A_1506 = arith.constant 1 : i32
    %dma_start3A_1507 = arith.constant 0 : i32
    %dma_start3A_1508 = arith.constant 0 : i32
    %dma_start3A_1509 = tpu.memref_slice %arg3[%dma_start3A_1506, %dma_start3A_1507, %add3A_1505, %dma_start3A_1508] : memref<4x3x1024x1024xf32, #tpu.memory_space<hbm>> -> memref<1x3x8x1024xf32, #tpu.memory_space<hbm>>
    %dma_start3A_1510 = tpu.memref_squeeze %dma_start3A_1509 : memref<1x3x8x1024xf32, #tpu.memory_space<hbm>> -> memref<3x8x1024xf32, #tpu.memory_space<hbm>>
    %dma_start3A_1511 = arith.constant 0 : i32
    %dma_start3A_1512 = arith.constant 0 : i32
    %dma_start3A_1513 = tpu.memref_slice %arg3[%dma_start3A_1506, %dma_start3A_1511, %add3A_1505, %dma_start3A_1512] : memref<4x3x1024x1024xf32, #tpu.memory_space<hbm>> -> memref<1x3x8x1024xf32, #tpu.memory_space<hbm>>
    %dma_start3A_1514 = tpu.memref_squeeze %dma_start3A_1513 : memref<1x3x8x1024xf32, #tpu.memory_space<hbm>> -> memref<3x8x1024xf32, #tpu.memory_space<hbm>>
    tpu.enqueue_dma source(%dma_start3A_1514 : memref<3x8x1024xf32, #tpu.memory_space<hbm>>) target(%arg7 : memref<3x8x1024xf32, #tpu.memory_space<vmem>>) target_semaphore(%arg12 : memref<!tpu.dma_semaphore, #tpu.memory_space<semaphore_mem>>)
    %add3A_1515 = arith.constant 0 : i32
    %add3A_1516 = arith.addi %mul3A_2, %add3A_1515 : i32
    %dma_wait3A_1517 = arith.constant 1 : i32
    %dma_wait3A_1518 = arith.constant 0 : i32
    %dma_wait3A_1519 = arith.constant 0 : i32
    %dma_wait3A_1520 = tpu.memref_slice %arg3[%dma_wait3A_1517, %dma_wait3A_1518, %add3A_1516, %dma_wait3A_1519] : memref<4x3x1024x1024xf32, #tpu.memory_space<hbm>> -> memref<1x3x8x1024xf32, #tpu.memory_space<hbm>>
    %dma_wait3A_1521 = tpu.memref_squeeze %dma_wait3A_1520 : memref<1x3x8x1024xf32, #tpu.memory_space<hbm>> -> memref<3x8x1024xf32, #tpu.memory_space<hbm>>
    %dma_wait3A_1522 = arith.constant 0 : i32
    %dma_wait3A_1523 = arith.constant 0 : i32
    %dma_wait3A_1524 = tpu.memref_slice %arg3[%dma_wait3A_1517, %dma_wait3A_1522, %add3A_1516, %dma_wait3A_1523] : memref<4x3x1024x1024xf32, #tpu.memory_space<hbm>> -> memref<1x3x8x1024xf32, #tpu.memory_space<hbm>>
    %dma_wait3A_1525 = tpu.memref_squeeze %dma_wait3A_1524 : memref<1x3x8x1024xf32, #tpu.memory_space<hbm>> -> memref<3x8x1024xf32, #tpu.memory_space<hbm>>
    tpu.wait_dma2 semaphore(%arg13 : memref<!tpu.dma_semaphore, #tpu.memory_space<semaphore_mem>>) src(%dma_wait3A_1525 : memref<3x8x1024xf32, #tpu.memory_space<hbm>>) dst(%arg8 : memref<3x8x1024xf32, #tpu.memory_space<vmem>>)
    %add3A_1526 = arith.constant 16 : i32
    %add3A_1527 = arith.addi %mul3A_2, %add3A_1526 : i32
    %dma_wait3A_1528 = arith.constant 7 : i32
    %dma_wait3A_1529 = arith.constant 0 : i32
    %dma_wait3A_1530 = arith.constant 0 : i32
    %dma_wait3A_1531 = tpu.memref_slice %arg5[%dma_wait3A_1528, %dma_wait3A_1529, %add3A_1527, %dma_wait3A_1530] : memref<9x3x1024x1024xf32, #tpu.memory_space<hbm>> -> memref<1x3x8x1024xf32, #tpu.memory_space<hbm>>
    %dma_wait3A_1532 = tpu.memref_squeeze %dma_wait3A_1531 : memref<1x3x8x1024xf32, #tpu.memory_space<hbm>> -> memref<3x8x1024xf32, #tpu.memory_space<hbm>>
    %dma_wait3A_1533 = arith.constant 0 : i32
    %dma_wait3A_1534 = arith.constant 0 : i32
    %dma_wait3A_1535 = tpu.memref_slice %arg5[%dma_wait3A_1528, %dma_wait3A_1533, %add3A_1527, %dma_wait3A_1534] : memref<9x3x1024x1024xf32, #tpu.memory_space<hbm>> -> memref<1x3x8x1024xf32, #tpu.memory_space<hbm>>
    %dma_wait3A_1536 = tpu.memref_squeeze %dma_wait3A_1535 : memref<1x3x8x1024xf32, #tpu.memory_space<hbm>> -> memref<3x8x1024xf32, #tpu.memory_space<hbm>>
    tpu.wait_dma2 semaphore(%arg14 : memref<!tpu.dma_semaphore, #tpu.memory_space<semaphore_mem>>) src(%arg9 : memref<3x8x1024xf32, #tpu.memory_space<vmem>>) dst(%dma_wait3A_1536 : memref<3x8x1024xf32, #tpu.memory_space<hbm>>)
    %parallel_loop3A_1537 = arith.constant 0 : i32
    %parallel_loop3A_1538 = arith.constant 1536 : i32
    %parallel_loop3A_1539 = arith.constant 1 : i32
    scf.for %parallel_loop3A_1692 = %parallel_loop3A_1537 to %parallel_loop3A_1538 step %parallel_loop3A_1539  : i32 {
      %parallel_loop3A_1693 = arith.constant 9 : i32
      %parallel_loop3A_1694 = arith.shrsi %parallel_loop3A_1692, %parallel_loop3A_1693 : i32
      %parallel_loop3A_1695 = arith.constant 6 : i32
      %parallel_loop3A_1696 = arith.shrsi %parallel_loop3A_1692, %parallel_loop3A_1695 : i32
      %parallel_loop3A_1697 = arith.constant 7 : i32
      %parallel_loop3A_1698 = arith.andi %parallel_loop3A_1696, %parallel_loop3A_1697 : i32
      %parallel_loop3A_1699 = arith.constant 63 : i32
      %parallel_loop3A_1700 = arith.andi %parallel_loop3A_1692, %parallel_loop3A_1699 : i32
      %parallel_loop3A_1701 = arith.constant 16 : i32
      %parallel_loop3A_1702 = arith.muli %parallel_loop3A_1700, %parallel_loop3A_1701 : i32
      %parallel_loop3A_1703 = arith.index_cast %parallel_loop3A_1694 : i32 to index
      %parallel_loop3A_1704 = arith.index_cast %parallel_loop3A_1698 : i32 to index
      %parallel_loop3A_1705 = arith.index_cast %parallel_loop3A_1702 : i32 to index
      %parallel_loop3A_1706 = tpu.vector_load %arg8[%parallel_loop3A_1703, %parallel_loop3A_1704, %parallel_loop3A_1705] {strides = array<i32>} : memref<3x8x1024xf32, #tpu.memory_space<vmem>>, vector<1x1x16xf32>,
      %parallel_loop3A_1707 = vector.shape_cast %parallel_loop3A_1706 : vector<1x1x16xf32> to vector<16xf32>
      %parallel_loop3A_1708 = arith.mulf %parallel_loop3A_1707, %parallel_loop3A_1707 : vector<16xf32>
      %parallel_loop3A_1709 = arith.index_cast %parallel_loop3A_1694 : i32 to index
      %parallel_loop3A_1710 = arith.index_cast %parallel_loop3A_1698 : i32 to index
      %parallel_loop3A_1711 = arith.index_cast %parallel_loop3A_1702 : i32 to index
      %parallel_loop3A_1712 = tpu.vector_load %arg9[%parallel_loop3A_1709, %parallel_loop3A_1710, %parallel_loop3A_1711] {strides = array<i32>} : memref<3x8x1024xf32, #tpu.memory_space<vmem>>, vector<1x1x16xf32>,
      %parallel_loop3A_1713 = vector.shape_cast %parallel_loop3A_1712 : vector<1x1x16xf32> to vector<16xf32>
      %parallel_loop3A_1714 = vector.shape_cast %parallel_loop3A_1708 : vector<16xf32> to vector<1x1x16xf32>
      tpu.vector_store %arg9[%parallel_loop3A_1709, %parallel_loop3A_1710, %parallel_loop3A_1711], %parallel_loop3A_1714 {strides = array<i32>} : memref<3x8x1024xf32, #tpu.memory_space<vmem>>, vector<1x1x16xf32>,
    } {sc.loop_unroll_factor = 8 : i64, sc.parallel_access}
    %add3A_1540 = arith.constant 0 : i32
    %add3A_1541 = arith.addi %mul3A_2, %add3A_1540 : i32
    %dma_start3A_1542 = arith.constant 8 : i32
    %dma_start3A_1543 = arith.constant 0 : i32
    %dma_start3A_1544 = arith.constant 0 : i32
    %dma_start3A_1545 = tpu.memref_slice %arg5[%dma_start3A_1542, %dma_start3A_1543, %add3A_1541, %dma_start3A_1544] : memref<9x3x1024x1024xf32, #tpu.memory_space<hbm>> -> memref<1x3x8x1024xf32, #tpu.memory_space<hbm>>
    %dma_start3A_1546 = tpu.memref_squeeze %dma_start3A_1545 : memref<1x3x8x1024xf32, #tpu.memory_space<hbm>> -> memref<3x8x1024xf32, #tpu.memory_space<hbm>>
    %dma_start3A_1547 = arith.constant 0 : i32
    %dma_start3A_1548 = arith.constant 0 : i32
    %dma_start3A_1549 = tpu.memref_slice %arg5[%dma_start3A_1542, %dma_start3A_1547, %add3A_1541, %dma_start3A_1548] : memref<9x3x1024x1024xf32, #tpu.memory_space<hbm>> -> memref<1x3x8x1024xf32, #tpu.memory_space<hbm>>
    %dma_start3A_1550 = tpu.memref_squeeze %dma_start3A_1549 : memref<1x3x8x1024xf32, #tpu.memory_space<hbm>> -> memref<3x8x1024xf32, #tpu.memory_space<hbm>>
    tpu.enqueue_dma source(%arg9 : memref<3x8x1024xf32, #tpu.memory_space<vmem>>) target(%dma_start3A_1550 : memref<3x8x1024xf32, #tpu.memory_space<hbm>>) target_semaphore(%arg14 : memref<!tpu.dma_semaphore, #tpu.memory_space<semaphore_mem>>)
    %add3A_1551 = arith.constant 24 : i32
    %add3A_1552 = arith.addi %mul3A_2, %add3A_1551 : i32
    %dma_start3A_1553 = arith.constant 1 : i32
    %dma_start3A_1554 = arith.constant 0 : i32
    %dma_start3A_1555 = arith.constant 0 : i32
    %dma_start3A_1556 = tpu.memref_slice %arg3[%dma_start3A_1553, %dma_start3A_1554, %add3A_1552, %dma_start3A_1555] : memref<4x3x1024x1024xf32, #tpu.memory_space<hbm>> -> memref<1x3x8x1024xf32, #tpu.memory_space<hbm>>
    %dma_start3A_1557 = tpu.memref_squeeze %dma_start3A_1556 : memref<1x3x8x1024xf32, #tpu.memory_space<hbm>> -> memref<3x8x1024xf32, #tpu.memory_space<hbm>>
    %dma_start3A_1558 = arith.constant 0 : i32
    %dma_start3A_1559 = arith.constant 0 : i32
    %dma_start3A_1560 = tpu.memref_slice %arg3[%dma_start3A_1553, %dma_start3A_1558, %add3A_1552, %dma_start3A_1559] : memref<4x3x1024x1024xf32, #tpu.memory_space<hbm>> -> memref<1x3x8x1024xf32, #tpu.memory_space<hbm>>
    %dma_start3A_1561 = tpu.memref_squeeze %dma_start3A_1560 : memref<1x3x8x1024xf32, #tpu.memory_space<hbm>> -> memref<3x8x1024xf32, #tpu.memory_space<hbm>>
    tpu.enqueue_dma source(%dma_start3A_1561 : memref<3x8x1024xf32, #tpu.memory_space<hbm>>) target(%arg8 : memref<3x8x1024xf32, #tpu.memory_space<vmem>>) target_semaphore(%arg13 : memref<!tpu.dma_semaphore, #tpu.memory_space<semaphore_mem>>)
    %add3A_1562 = arith.constant 8 : i32
    %add3A_1563 = arith.addi %mul3A_2, %add3A_1562 : i32
    %dma_wait3A_1564 = arith.constant 1 : i32
    %dma_wait3A_1565 = arith.constant 0 : i32
    %dma_wait3A_1566 = arith.constant 0 : i32
    %dma_wait3A_1567 = tpu.memref_slice %arg3[%dma_wait3A_1564, %dma_wait3A_1565, %add3A_1563, %dma_wait3A_1566] : memref<4x3x1024x1024xf32, #tpu.memory_space<hbm>> -> memref<1x3x8x1024xf32, #tpu.memory_space<hbm>>
    %dma_wait3A_1568 = tpu.memref_squeeze %dma_wait3A_1567 : memref<1x3x8x1024xf32, #tpu.memory_space<hbm>> -> memref<3x8x1024xf32, #tpu.memory_space<hbm>>
    %dma_wait3A_1569 = arith.constant 0 : i32
    %dma_wait3A_1570 = arith.constant 0 : i32
    %dma_wait3A_1571 = tpu.memref_slice %arg3[%dma_wait3A_1564, %dma_wait3A_1569, %add3A_1563, %dma_wait3A_1570] : memref<4x3x1024x1024xf32, #tpu.memory_space<hbm>> -> memref<1x3x8x1024xf32, #tpu.memory_space<hbm>>
    %dma_wait3A_1572 = tpu.memref_squeeze %dma_wait3A_1571 : memref<1x3x8x1024xf32, #tpu.memory_space<hbm>> -> memref<3x8x1024xf32, #tpu.memory_space<hbm>>
    tpu.wait_dma2 semaphore(%arg11 : memref<!tpu.dma_semaphore, #tpu.memory_space<semaphore_mem>>) src(%dma_wait3A_1572 : memref<3x8x1024xf32, #tpu.memory_space<hbm>>) dst(%arg6 : memref<3x8x1024xf32, #tpu.memory_space<vmem>>)
    %add3A_1573 = arith.constant 24 : i32
    %add3A_1574 = arith.addi %mul3A_2, %add3A_1573 : i32
    %dma_wait3A_1575 = arith.constant 7 : i32
    %dma_wait3A_1576 = arith.constant 0 : i32
    %dma_wait3A_1577 = arith.constant 0 : i32
    %dma_wait3A_1578 = tpu.memref_slice %arg5[%dma_wait3A_1575, %dma_wait3A_1576, %add3A_1574, %dma_wait3A_1577] : memref<9x3x1024x1024xf32, #tpu.memory_space<hbm>> -> memref<1x3x8x1024xf32, #tpu.memory_space<hbm>>
    %dma_wait3A_1579 = tpu.memref_squeeze %dma_wait3A_1578 : memref<1x3x8x1024xf32, #tpu.memory_space<hbm>> -> memref<3x8x1024xf32, #tpu.memory_space<hbm>>
    %dma_wait3A_1580 = arith.constant 0 : i32
    %dma_wait3A_1581 = arith.constant 0 : i32
    %dma_wait3A_1582 = tpu.memref_slice %arg5[%dma_wait3A_1575, %dma_wait3A_1580, %add3A_1574, %dma_wait3A_1581] : memref<9x3x1024x1024xf32, #tpu.memory_space<hbm>> -> memref<1x3x8x1024xf32, #tpu.memory_space<hbm>>
    %dma_wait3A_1583 = tpu.memref_squeeze %dma_wait3A_1582 : memref<1x3x8x1024xf32, #tpu.memory_space<hbm>> -> memref<3x8x1024xf32, #tpu.memory_space<hbm>>
    tpu.wait_dma2 semaphore(%arg15 : memref<!tpu.dma_semaphore, #tpu.memory_space<semaphore_mem>>) src(%arg10 : memref<3x8x1024xf32, #tpu.memory_space<vmem>>) dst(%dma_wait3A_1583 : memref<3x8x1024xf32, #tpu.memory_space<hbm>>)
    %parallel_loop3A_1584 = arith.constant 0 : i32
    %parallel_loop3A_1585 = arith.constant 1536 : i32
    %parallel_loop3A_1586 = arith.constant 1 : i32
    scf.for %parallel_loop3A_1692 = %parallel_loop3A_1584 to %parallel_loop3A_1585 step %parallel_loop3A_1586  : i32 {
      %parallel_loop3A_1693 = arith.constant 9 : i32
      %parallel_loop3A_1694 = arith.shrsi %parallel_loop3A_1692, %parallel_loop3A_1693 : i32
      %parallel_loop3A_1695 = arith.constant 6 : i32
      %parallel_loop3A_1696 = arith.shrsi %parallel_loop3A_1692, %parallel_loop3A_1695 : i32
      %parallel_loop3A_1697 = arith.constant 7 : i32
      %parallel_loop3A_1698 = arith.andi %parallel_loop3A_1696, %parallel_loop3A_1697 : i32
      %parallel_loop3A_1699 = arith.constant 63 : i32
      %parallel_loop3A_1700 = arith.andi %parallel_loop3A_1692, %parallel_loop3A_1699 : i32
      %parallel_loop3A_1701 = arith.constant 16 : i32
      %parallel_loop3A_1702 = arith.muli %parallel_loop3A_1700, %parallel_loop3A_1701 : i32
      %parallel_loop3A_1703 = arith.index_cast %parallel_loop3A_1694 : i32 to index
      %parallel_loop3A_1704 = arith.index_cast %parallel_loop3A_1698 : i32 to index
      %parallel_loop3A_1705 = arith.index_cast %parallel_loop3A_1702 : i32 to index
      %parallel_loop3A_1706 = tpu.vector_load %arg6[%parallel_loop3A_1703, %parallel_loop3A_1704, %parallel_loop3A_1705] {strides = array<i32>} : memref<3x8x1024xf32, #tpu.memory_space<vmem>>, vector<1x1x16xf32>,
      %parallel_loop3A_1707 = vector.shape_cast %parallel_loop3A_1706 : vector<1x1x16xf32> to vector<16xf32>
      %parallel_loop3A_1708 = arith.mulf %parallel_loop3A_1707, %parallel_loop3A_1707 : vector<16xf32>
      %parallel_loop3A_1709 = arith.index_cast %parallel_loop3A_1694 : i32 to index
      %parallel_loop3A_1710 = arith.index_cast %parallel_loop3A_1698 : i32 to index
      %parallel_loop3A_1711 = arith.index_cast %parallel_loop3A_1702 : i32 to index
      %parallel_loop3A_1712 = tpu.vector_load %arg10[%parallel_loop3A_1709, %parallel_loop3A_1710, %parallel_loop3A_1711] {strides = array<i32>} : memref<3x8x1024xf32, #tpu.memory_space<vmem>>, vector<1x1x16xf32>,
      %parallel_loop3A_1713 = vector.shape_cast %parallel_loop3A_1712 : vector<1x1x16xf32> to vector<16xf32>
      %parallel_loop3A_1714 = vector.shape_cast %parallel_loop3A_1708 : vector<16xf32> to vector<1x1x16xf32>
      tpu.vector_store %arg10[%parallel_loop3A_1709, %parallel_loop3A_1710, %parallel_loop3A_1711], %parallel_loop3A_1714 {strides = array<i32>} : memref<3x8x1024xf32, #tpu.memory_space<vmem>>, vector<1x1x16xf32>,
    } {sc.loop_unroll_factor = 8 : i64, sc.parallel_access}
    %add3A_1587 = arith.constant 8 : i32
    %add3A_1588 = arith.addi %mul3A_2, %add3A_1587 : i32
    %dma_start3A_1589 = arith.constant 8 : i32
    %dma_start3A_1590 = arith.constant 0 : i32
    %dma_start3A_1591 = arith.constant 0 : i32
    %dma_start3A_1592 = tpu.memref_slice %arg5[%dma_start3A_1589, %dma_start3A_1590, %add3A_1588, %dma_start3A_1591] : memref<9x3x1024x1024xf32, #tpu.memory_space<hbm>> -> memref<1x3x8x1024xf32, #tpu.memory_space<hbm>>
    %dma_start3A_1593 = tpu.memref_squeeze %dma_start3A_1592 : memref<1x3x8x1024xf32, #tpu.memory_space<hbm>> -> memref<3x8x1024xf32, #tpu.memory_space<hbm>>
    %dma_start3A_1594 = arith.constant 0 : i32
    %dma_start3A_1595 = arith.constant 0 : i32
    %dma_start3A_1596 = tpu.memref_slice %arg5[%dma_start3A_1589, %dma_start3A_1594, %add3A_1588, %dma_start3A_1595] : memref<9x3x1024x1024xf32, #tpu.memory_space<hbm>> -> memref<1x3x8x1024xf32, #tpu.memory_space<hbm>>
    %dma_start3A_1597 = tpu.memref_squeeze %dma_start3A_1596 : memref<1x3x8x1024xf32, #tpu.memory_space<hbm>> -> memref<3x8x1024xf32, #tpu.memory_space<hbm>>
    tpu.enqueue_dma source(%arg10 : memref<3x8x1024xf32, #tpu.memory_space<vmem>>) target(%dma_start3A_1597 : memref<3x8x1024xf32, #tpu.memory_space<hbm>>) target_semaphore(%arg15 : memref<!tpu.dma_semaphore, #tpu.memory_space<semaphore_mem>>)
    %add3A_1598 = arith.constant 16 : i32
    %add3A_1599 = arith.addi %mul3A_2, %add3A_1598 : i32
    %dma_wait3A_1600 = arith.constant 1 : i32
    %dma_wait3A_1601 = arith.constant 0 : i32
    %dma_wait3A_1602 = arith.constant 0 : i32
    %dma_wait3A_1603 = tpu.memref_slice %arg3[%dma_wait3A_1600, %dma_wait3A_1601, %add3A_1599, %dma_wait3A_1602] : memref<4x3x1024x1024xf32, #tpu.memory_space<hbm>> -> memref<1x3x8x1024xf32, #tpu.memory_space<hbm>>
    %dma_wait3A_1604 = tpu.memref_squeeze %dma_wait3A_1603 : memref<1x3x8x1024xf32, #tpu.memory_space<hbm>> -> memref<3x8x1024xf32, #tpu.memory_space<hbm>>
    %dma_wait3A_1605 = arith.constant 0 : i32
    %dma_wait3A_1606 = arith.constant 0 : i32
    %dma_wait3A_1607 = tpu.memref_slice %arg3[%dma_wait3A_1600, %dma_wait3A_1605, %add3A_1599, %dma_wait3A_1606] : memref<4x3x1024x1024xf32, #tpu.memory_space<hbm>> -> memref<1x3x8x1024xf32, #tpu.memory_space<hbm>>
    %dma_wait3A_1608 = tpu.memref_squeeze %dma_wait3A_1607 : memref<1x3x8x1024xf32, #tpu.memory_space<hbm>> -> memref<3x8x1024xf32, #tpu.memory_space<hbm>>
    tpu.wait_dma2 semaphore(%arg12 : memref<!tpu.dma_semaphore, #tpu.memory_space<semaphore_mem>>) src(%dma_wait3A_1608 : memref<3x8x1024xf32, #tpu.memory_space<hbm>>) dst(%arg7 : memref<3x8x1024xf32, #tpu.memory_space<vmem>>)
    %add3A_1609 = arith.constant 0 : i32
    %add3A_1610 = arith.addi %mul3A_2, %add3A_1609 : i32
    %dma_wait3A_1611 = arith.constant 8 : i32
    %dma_wait3A_1612 = arith.constant 0 : i32
    %dma_wait3A_1613 = arith.constant 0 : i32
    %dma_wait3A_1614 = tpu.memref_slice %arg5[%dma_wait3A_1611, %dma_wait3A_1612, %add3A_1610, %dma_wait3A_1613] : memref<9x3x1024x1024xf32, #tpu.memory_space<hbm>> -> memref<1x3x8x1024xf32, #tpu.memory_space<hbm>>
    %dma_wait3A_1615 = tpu.memref_squeeze %dma_wait3A_1614 : memref<1x3x8x1024xf32, #tpu.memory_space<hbm>> -> memref<3x8x1024xf32, #tpu.memory_space<hbm>>
    %dma_wait3A_1616 = arith.constant 0 : i32
    %dma_wait3A_1617 = arith.constant 0 : i32
    %dma_wait3A_1618 = tpu.memref_slice %arg5[%dma_wait3A_1611, %dma_wait3A_1616, %add3A_1610, %dma_wait3A_1617] : memref<9x3x1024x1024xf32, #tpu.memory_space<hbm>> -> memref<1x3x8x1024xf32, #tpu.memory_space<hbm>>
    %dma_wait3A_1619 = tpu.memref_squeeze %dma_wait3A_1618 : memref<1x3x8x1024xf32, #tpu.memory_space<hbm>> -> memref<3x8x1024xf32, #tpu.memory_space<hbm>>
    tpu.wait_dma2 semaphore(%arg14 : memref<!tpu.dma_semaphore, #tpu.memory_space<semaphore_mem>>) src(%arg9 : memref<3x8x1024xf32, #tpu.memory_space<vmem>>) dst(%dma_wait3A_1619 : memref<3x8x1024xf32, #tpu.memory_space<hbm>>)
    %parallel_loop3A_1620 = arith.constant 0 : i32
    %parallel_loop3A_1621 = arith.constant 1536 : i32
    %parallel_loop3A_1622 = arith.constant 1 : i32
    scf.for %parallel_loop3A_1692 = %parallel_loop3A_1620 to %parallel_loop3A_1621 step %parallel_loop3A_1622  : i32 {
      %parallel_loop3A_1693 = arith.constant 9 : i32
      %parallel_loop3A_1694 = arith.shrsi %parallel_loop3A_1692, %parallel_loop3A_1693 : i32
      %parallel_loop3A_1695 = arith.constant 6 : i32
      %parallel_loop3A_1696 = arith.shrsi %parallel_loop3A_1692, %parallel_loop3A_1695 : i32
      %parallel_loop3A_1697 = arith.constant 7 : i32
      %parallel_loop3A_1698 = arith.andi %parallel_loop3A_1696, %parallel_loop3A_1697 : i32
      %parallel_loop3A_1699 = arith.constant 63 : i32
      %parallel_loop3A_1700 = arith.andi %parallel_loop3A_1692, %parallel_loop3A_1699 : i32
      %parallel_loop3A_1701 = arith.constant 16 : i32
      %parallel_loop3A_1702 = arith.muli %parallel_loop3A_1700, %parallel_loop3A_1701 : i32
      %parallel_loop3A_1703 = arith.index_cast %parallel_loop3A_1694 : i32 to index
      %parallel_loop3A_1704 = arith.index_cast %parallel_loop3A_1698 : i32 to index
      %parallel_loop3A_1705 = arith.index_cast %parallel_loop3A_1702 : i32 to index
      %parallel_loop3A_1706 = tpu.vector_load %arg7[%parallel_loop3A_1703, %parallel_loop3A_1704, %parallel_loop3A_1705] {strides = array<i32>} : memref<3x8x1024xf32, #tpu.memory_space<vmem>>, vector<1x1x16xf32>,
      %parallel_loop3A_1707 = vector.shape_cast %parallel_loop3A_1706 : vector<1x1x16xf32> to vector<16xf32>
      %parallel_loop3A_1708 = arith.mulf %parallel_loop3A_1707, %parallel_loop3A_1707 : vector<16xf32>
      %parallel_loop3A_1709 = arith.index_cast %parallel_loop3A_1694 : i32 to index
      %parallel_loop3A_1710 = arith.index_cast %parallel_loop3A_1698 : i32 to index
      %parallel_loop3A_1711 = arith.index_cast %parallel_loop3A_1702 : i32 to index
      %parallel_loop3A_1712 = tpu.vector_load %arg9[%parallel_loop3A_1709, %parallel_loop3A_1710, %parallel_loop3A_1711] {strides = array<i32>} : memref<3x8x1024xf32, #tpu.memory_space<vmem>>, vector<1x1x16xf32>,
      %parallel_loop3A_1713 = vector.shape_cast %parallel_loop3A_1712 : vector<1x1x16xf32> to vector<16xf32>
      %parallel_loop3A_1714 = vector.shape_cast %parallel_loop3A_1708 : vector<16xf32> to vector<1x1x16xf32>
      tpu.vector_store %arg9[%parallel_loop3A_1709, %parallel_loop3A_1710, %parallel_loop3A_1711], %parallel_loop3A_1714 {strides = array<i32>} : memref<3x8x1024xf32, #tpu.memory_space<vmem>>, vector<1x1x16xf32>,
    } {sc.loop_unroll_factor = 8 : i64, sc.parallel_access}
    %add3A_1623 = arith.constant 16 : i32
    %add3A_1624 = arith.addi %mul3A_2, %add3A_1623 : i32
    %dma_start3A_1625 = arith.constant 8 : i32
    %dma_start3A_1626 = arith.constant 0 : i32
    %dma_start3A_1627 = arith.constant 0 : i32
    %dma_start3A_1628 = tpu.memref_slice %arg5[%dma_start3A_1625, %dma_start3A_1626, %add3A_1624, %dma_start3A_1627] : memref<9x3x1024x1024xf32, #tpu.memory_space<hbm>> -> memref<1x3x8x1024xf32, #tpu.memory_space<hbm>>
    %dma_start3A_1629 = tpu.memref_squeeze %dma_start3A_1628 : memref<1x3x8x1024xf32, #tpu.memory_space<hbm>> -> memref<3x8x1024xf32, #tpu.memory_space<hbm>>
    %dma_start3A_1630 = arith.constant 0 : i32
    %dma_start3A_1631 = arith.constant 0 : i32
    %dma_start3A_1632 = tpu.memref_slice %arg5[%dma_start3A_1625, %dma_start3A_1630, %add3A_1624, %dma_start3A_1631] : memref<9x3x1024x1024xf32, #tpu.memory_space<hbm>> -> memref<1x3x8x1024xf32, #tpu.memory_space<hbm>>
    %dma_start3A_1633 = tpu.memref_squeeze %dma_start3A_1632 : memref<1x3x8x1024xf32, #tpu.memory_space<hbm>> -> memref<3x8x1024xf32, #tpu.memory_space<hbm>>
    tpu.enqueue_dma source(%arg9 : memref<3x8x1024xf32, #tpu.memory_space<vmem>>) target(%dma_start3A_1633 : memref<3x8x1024xf32, #tpu.memory_space<hbm>>) target_semaphore(%arg14 : memref<!tpu.dma_semaphore, #tpu.memory_space<semaphore_mem>>)
    %add3A_1634 = arith.constant 24 : i32
    %add3A_1635 = arith.addi %mul3A_2, %add3A_1634 : i32
    %dma_wait3A_1636 = arith.constant 1 : i32
    %dma_wait3A_1637 = arith.constant 0 : i32
    %dma_wait3A_1638 = arith.constant 0 : i32
    %dma_wait3A_1639 = tpu.memref_slice %arg3[%dma_wait3A_1636, %dma_wait3A_1637, %add3A_1635, %dma_wait3A_1638] : memref<4x3x1024x1024xf32, #tpu.memory_space<hbm>> -> memref<1x3x8x1024xf32, #tpu.memory_space<hbm>>
    %dma_wait3A_1640 = tpu.memref_squeeze %dma_wait3A_1639 : memref<1x3x8x1024xf32, #tpu.memory_space<hbm>> -> memref<3x8x1024xf32, #tpu.memory_space<hbm>>
    %dma_wait3A_1641 = arith.constant 0 : i32
    %dma_wait3A_1642 = arith.constant 0 : i32
    %dma_wait3A_1643 = tpu.memref_slice %arg3[%dma_wait3A_1636, %dma_wait3A_1641, %add3A_1635, %dma_wait3A_1642] : memref<4x3x1024x1024xf32, #tpu.memory_space<hbm>> -> memref<1x3x8x1024xf32, #tpu.memory_space<hbm>>
    %dma_wait3A_1644 = tpu.memref_squeeze %dma_wait3A_1643 : memref<1x3x8x1024xf32, #tpu.memory_space<hbm>> -> memref<3x8x1024xf32, #tpu.memory_space<hbm>>
    tpu.wait_dma2 semaphore(%arg13 : memref<!tpu.dma_semaphore, #tpu.memory_space<semaphore_mem>>) src(%dma_wait3A_1644 : memref<3x8x1024xf32, #tpu.memory_space<hbm>>) dst(%arg8 : memref<3x8x1024xf32, #tpu.memory_space<vmem>>)
    %add3A_1645 = arith.constant 8 : i32
    %add3A_1646 = arith.addi %mul3A_2, %add3A_1645 : i32
    %dma_wait3A_1647 = arith.constant 8 : i32
    %dma_wait3A_1648 = arith.constant 0 : i32
    %dma_wait3A_1649 = arith.constant 0 : i32
    %dma_wait3A_1650 = tpu.memref_slice %arg5[%dma_wait3A_1647, %dma_wait3A_1648, %add3A_1646, %dma_wait3A_1649] : memref<9x3x1024x1024xf32, #tpu.memory_space<hbm>> -> memref<1x3x8x1024xf32, #tpu.memory_space<hbm>>
    %dma_wait3A_1651 = tpu.memref_squeeze %dma_wait3A_1650 : memref<1x3x8x1024xf32, #tpu.memory_space<hbm>> -> memref<3x8x1024xf32, #tpu.memory_space<hbm>>
    %dma_wait3A_1652 = arith.constant 0 : i32
    %dma_wait3A_1653 = arith.constant 0 : i32
    %dma_wait3A_1654 = tpu.memref_slice %arg5[%dma_wait3A_1647, %dma_wait3A_1652, %add3A_1646, %dma_wait3A_1653] : memref<9x3x1024x1024xf32, #tpu.memory_space<hbm>> -> memref<1x3x8x1024xf32, #tpu.memory_space<hbm>>
    %dma_wait3A_1655 = tpu.memref_squeeze %dma_wait3A_1654 : memref<1x3x8x1024xf32, #tpu.memory_space<hbm>> -> memref<3x8x1024xf32, #tpu.memory_space<hbm>>
    tpu.wait_dma2 semaphore(%arg15 : memref<!tpu.dma_semaphore, #tpu.memory_space<semaphore_mem>>) src(%arg10 : memref<3x8x1024xf32, #tpu.memory_space<vmem>>) dst(%dma_wait3A_1655 : memref<3x8x1024xf32, #tpu.memory_space<hbm>>)
    %parallel_loop3A_1656 = arith.constant 0 : i32
    %parallel_loop3A_1657 = arith.constant 1536 : i32
    %parallel_loop3A_1658 = arith.constant 1 : i32
    scf.for %parallel_loop3A_1692 = %parallel_loop3A_1656 to %parallel_loop3A_1657 step %parallel_loop3A_1658  : i32 {
      %parallel_loop3A_1693 = arith.constant 9 : i32
      %parallel_loop3A_1694 = arith.shrsi %parallel_loop3A_1692, %parallel_loop3A_1693 : i32
      %parallel_loop3A_1695 = arith.constant 6 : i32
      %parallel_loop3A_1696 = arith.shrsi %parallel_loop3A_1692, %parallel_loop3A_1695 : i32
      %parallel_loop3A_1697 = arith.constant 7 : i32
      %parallel_loop3A_1698 = arith.andi %parallel_loop3A_1696, %parallel_loop3A_1697 : i32
      %parallel_loop3A_1699 = arith.constant 63 : i32
      %parallel_loop3A_1700 = arith.andi %parallel_loop3A_1692, %parallel_loop3A_1699 : i32
      %parallel_loop3A_1701 = arith.constant 16 : i32
      %parallel_loop3A_1702 = arith.muli %parallel_loop3A_1700, %parallel_loop3A_1701 : i32
      %parallel_loop3A_1703 = arith.index_cast %parallel_loop3A_1694 : i32 to index
      %parallel_loop3A_1704 = arith.index_cast %parallel_loop3A_1698 : i32 to index
      %parallel_loop3A_1705 = arith.index_cast %parallel_loop3A_1702 : i32 to index
      %parallel_loop3A_1706 = tpu.vector_load %arg8[%parallel_loop3A_1703, %parallel_loop3A_1704, %parallel_loop3A_1705] {strides = array<i32>} : memref<3x8x1024xf32, #tpu.memory_space<vmem>>, vector<1x1x16xf32>,
      %parallel_loop3A_1707 = vector.shape_cast %parallel_loop3A_1706 : vector<1x1x16xf32> to vector<16xf32>
      %parallel_loop3A_1708 = arith.mulf %parallel_loop3A_1707, %parallel_loop3A_1707 : vector<16xf32>
      %parallel_loop3A_1709 = arith.index_cast %parallel_loop3A_1694 : i32 to index
      %parallel_loop3A_1710 = arith.index_cast %parallel_loop3A_1698 : i32 to index
      %parallel_loop3A_1711 = arith.index_cast %parallel_loop3A_1702 : i32 to index
      %parallel_loop3A_1712 = tpu.vector_load %arg10[%parallel_loop3A_1709, %parallel_loop3A_1710, %parallel_loop3A_1711] {strides = array<i32>} : memref<3x8x1024xf32, #tpu.memory_space<vmem>>, vector<1x1x16xf32>,
      %parallel_loop3A_1713 = vector.shape_cast %parallel_loop3A_1712 : vector<1x1x16xf32> to vector<16xf32>
      %parallel_loop3A_1714 = vector.shape_cast %parallel_loop3A_1708 : vector<16xf32> to vector<1x1x16xf32>
      tpu.vector_store %arg10[%parallel_loop3A_1709, %parallel_loop3A_1710, %parallel_loop3A_1711], %parallel_loop3A_1714 {strides = array<i32>} : memref<3x8x1024xf32, #tpu.memory_space<vmem>>, vector<1x1x16xf32>,
    } {sc.loop_unroll_factor = 8 : i64, sc.parallel_access}
    %add3A_1659 = arith.constant 24 : i32
    %add3A_1660 = arith.addi %mul3A_2, %add3A_1659 : i32
    %dma_start3A_1661 = arith.constant 8 : i32
    %dma_start3A_1662 = arith.constant 0 : i32
    %dma_start3A_1663 = arith.constant 0 : i32
    %dma_start3A_1664 = tpu.memref_slice %arg5[%dma_start3A_1661, %dma_start3A_1662, %add3A_1660, %dma_start3A_1663] : memref<9x3x1024x1024xf32, #tpu.memory_space<hbm>> -> memref<1x3x8x1024xf32, #tpu.memory_space<hbm>>
    %dma_start3A_1665 = tpu.memref_squeeze %dma_start3A_1664 : memref<1x3x8x1024xf32, #tpu.memory_space<hbm>> -> memref<3x8x1024xf32, #tpu.memory_space<hbm>>
    %dma_start3A_1666 = arith.constant 0 : i32
    %dma_start3A_1667 = arith.constant 0 : i32
    %dma_start3A_1668 = tpu.memref_slice %arg5[%dma_start3A_1661, %dma_start3A_1666, %add3A_1660, %dma_start3A_1667] : memref<9x3x1024x1024xf32, #tpu.memory_space<hbm>> -> memref<1x3x8x1024xf32, #tpu.memory_space<hbm>>
    %dma_start3A_1669 = tpu.memref_squeeze %dma_start3A_1668 : memref<1x3x8x1024xf32, #tpu.memory_space<hbm>> -> memref<3x8x1024xf32, #tpu.memory_space<hbm>>
    tpu.enqueue_dma source(%arg10 : memref<3x8x1024xf32, #tpu.memory_space<vmem>>) target(%dma_start3A_1669 : memref<3x8x1024xf32, #tpu.memory_space<hbm>>) target_semaphore(%arg15 : memref<!tpu.dma_semaphore, #tpu.memory_space<semaphore_mem>>)
    %add3A_1670 = arith.constant 16 : i32
    %add3A_1671 = arith.addi %mul3A_2, %add3A_1670 : i32
    %dma_wait3A_1672 = arith.constant 8 : i32
    %dma_wait3A_1673 = arith.constant 0 : i32
    %dma_wait3A_1674 = arith.constant 0 : i32
    %dma_wait3A_1675 = tpu.memref_slice %arg5[%dma_wait3A_1672, %dma_wait3A_1673, %add3A_1671, %dma_wait3A_1674] : memref<9x3x1024x1024xf32, #tpu.memory_space<hbm>> -> memref<1x3x8x1024xf32, #tpu.memory_space<hbm>>
    %dma_wait3A_1676 = tpu.memref_squeeze %dma_wait3A_1675 : memref<1x3x8x1024xf32, #tpu.memory_space<hbm>> -> memref<3x8x1024xf32, #tpu.memory_space<hbm>>
    %dma_wait3A_1677 = arith.constant 0 : i32
    %dma_wait3A_1678 = arith.constant 0 : i32
    %dma_wait3A_1679 = tpu.memref_slice %arg5[%dma_wait3A_1672, %dma_wait3A_1677, %add3A_1671, %dma_wait3A_1678] : memref<9x3x1024x1024xf32, #tpu.memory_space<hbm>> -> memref<1x3x8x1024xf32, #tpu.memory_space<hbm>>
    %dma_wait3A_1680 = tpu.memref_squeeze %dma_wait3A_1679 : memref<1x3x8x1024xf32, #tpu.memory_space<hbm>> -> memref<3x8x1024xf32, #tpu.memory_space<hbm>>
    tpu.wait_dma2 semaphore(%arg14 : memref<!tpu.dma_semaphore, #tpu.memory_space<semaphore_mem>>) src(%arg9 : memref<3x8x1024xf32, #tpu.memory_space<vmem>>) dst(%dma_wait3A_1680 : memref<3x8x1024xf32, #tpu.memory_space<hbm>>)
    %add3A_1681 = arith.constant 24 : i32
    %add3A_1682 = arith.addi %mul3A_2, %add3A_1681 : i32
    %dma_wait3A_1683 = arith.constant 8 : i32
    %dma_wait3A_1684 = arith.constant 0 : i32
    %dma_wait3A_1685 = arith.constant 0 : i32
    %dma_wait3A_1686 = tpu.memref_slice %arg5[%dma_wait3A_1683, %dma_wait3A_1684, %add3A_1682, %dma_wait3A_1685] : memref<9x3x1024x1024xf32, #tpu.memory_space<hbm>> -> memref<1x3x8x1024xf32, #tpu.memory_space<hbm>>
    %dma_wait3A_1687 = tpu.memref_squeeze %dma_wait3A_1686 : memref<1x3x8x1024xf32, #tpu.memory_space<hbm>> -> memref<3x8x1024xf32, #tpu.memory_space<hbm>>
    %dma_wait3A_1688 = arith.constant 0 : i32
    %dma_wait3A_1689 = arith.constant 0 : i32
    %dma_wait3A_1690 = tpu.memref_slice %arg5[%dma_wait3A_1683, %dma_wait3A_1688, %add3A_1682, %dma_wait3A_1689] : memref<9x3x1024x1024xf32, #tpu.memory_space<hbm>> -> memref<1x3x8x1024xf32, #tpu.memory_space<hbm>>
    %dma_wait3A_1691 = tpu.memref_squeeze %dma_wait3A_1690 : memref<1x3x8x1024xf32, #tpu.memory_space<hbm>> -> memref<3x8x1024xf32, #tpu.memory_space<hbm>>
    tpu.wait_dma2 semaphore(%arg15 : memref<!tpu.dma_semaphore, #tpu.memory_space<semaphore_mem>>) src(%arg10 : memref<3x8x1024xf32, #tpu.memory_space<vmem>>) dst(%dma_wait3A_1691 : memref<3x8x1024xf32, #tpu.memory_space<hbm>>)
    return
  }
}

</mosaic_0001>

<sc_bundles>
// kernel: kernel.3.cloned.1.call-start
scs
__scs_entry_jumppad:
0x0: {  	(pc) =	sbr.rel $0x88, $3  }
0x1: {  	(tag) =	ssettag $0x0;
	lr =	simm.s32 $0x1  }
0x2: {  	[smem:$0x3F9E] =	sst lr;
	_ =	strace $0xD0000000  }
0x3: {  	_ = 	snop  }
0x4: {  	_ = 	snop  }
0x5: {  	_ = 	snop  }
0x6: {  	_ = 	snop  }
0x7: {  	_ = 	snop  }
__scs_overlays_trampoline_lowered:
0x8: {  	[smem:$0x3FAD] =	sst s0  }
0x9: {  	[smem:$0x3FAE] =	sst s1  }
0xa: {  	[smem:$0x3FAF] =	sst s2  }
0xb: {  	[smem:$0x3FB0] =	sst s3  }
0xc: {  	[smem:$0x3FB1] =	sst s4  }
0xd: {  	[smem:$0x3FB2] =	sst s5  }
0xe: {  	[smem:$0x3FB3] =	sst s6  }
0xf: {  	[smem:$0x3FB4] =	sst s7  }
0x10: {  	[smem:$0x3FB5] =	sst s8  }
0x11: {  	[smem:$0x3FB6] =	sst s9;
	s0 =	simm.s32 @!p0 $0x0  }
0x12: {  	s1 =	sld [smem:$0x3F9C];
	s0 =	simm.s32 @p0 $0x1  }
0x13: {  	[smem:$0x3FB7] =	sst s0;
	s0 =	simm.s32 @!p1 $0x0  }
0x14: {  	s2 =	sld [smem:$0x3F9B];
	s0 =	simm.s32 @p1 $0x1  }
0x15: {  	[smem:$0x3FB8] =	sst s0;
	s0 =	simm.s32 @!p2 $0x0  }
0x16: {  	s3 =	sld [smem:$0x3FDB];
	s0 =	simm.s32 @p2 $0x1  }
0x17: {  	s4 =	simm.s32 $0x1BF5;
	[smem:$0x3FBA] =	sst s0  }
0x18: {  	s0 =	sld [smem:$0x3F9D];
	_ =	swait.ge [sflag:s4], $0x0  }
0x19: {  	s7 =	sld [smem:$0x3F9E]  }
0x1a: {  	s8 =	sadd.s32 $0xFFFFE003, lr  }
0x1b: {  	s9 =	sadd.s32 $0xFFFFFEF7, lr;
	s5 =	simm.s32 $0xFFFFFFFF;
	p2 =	slt.u32 s8, $0xFFFFF086  }
0x1c: {  	p1 =	slt.u32 s9, $0xF7A;
	s5 =	simm.s32 @!p2 $0x0  }
0x1d: {  	s5 =	simm.s32 @p1 $0x1;
	p0 =	seq.s32 s7, s2  }
0x1e: {  	s7 =	smul.u32 @!p0 $0xF7A, s2;
	p2 =	seq.s32 @!p0 s5, $0x0  }
0x1f: {  	s9 =	smul.u32 $0xF7A, s1;
	s8 =	simm.s32 @!p0 $0x1BF5;
	p2 =	por !p2, p0  }
0x20: {  	[sflag:s8] =	ssyncset.s32 @!p0 $0xFFFFF086;
	s6 =	sadd.s32 @!p0 s3, s7;
	s7 =	simm.s32 @!p0 $0x108  }
0x21: {  	s3 =	sadd.s32 s3, s9;
	s6 =	sadd.s32 @!p0 $0x88, s6;
	s7 =	simm.s32 @p2 $0x1082  }
0x22: {  	[simem:s7], [sflag:s8] =	dma.local @!p0 [hbm:s6], $0xF7A  }
0x23: {  	s9 =	sor.u32 $0xD0000000, s2;
	s6 =	simm.s32 $0x108;
	_ =	swait.ge @!p0 [sflag:s8], $0x0  }
0x24: {  	s3 =	sadd.s32 $0x88, s3;
	s6 =	simm.s32 @!p1 $0x1082;
	[sflag:s4] =	ssyncset.s32 $0xFFFFF086  }
0x25: {  	[simem:s6], [sflag:s4] =	dma.local [hbm:s3], $0xF7A  }
0x26: {  	[smem:$0x3F9E] =	sst s1;
	(tag) =	ssettag s2;
	_ =	strace s9  }
0x27: {  	s1 =	sld [smem:$0x3FAE]  }
0x28: {  	s2 =	sld [smem:$0x3FAF]  }
0x29: {  	s4 =	sld [smem:$0x3FB1]  }
0x2a: {  	p0 =	seq.s32 s5, $0x0;
	s5 =	sld [smem:$0x3FB2]  }
0x2b: {  	s6 =	sld [smem:$0x3FB3]  }
0x2c: {  	s7 =	sld [smem:$0x3FB4]  }
0x2d: {  	s3 =	simm.s32 $0x108;
	s8 =	sld [smem:$0x3FB5]  }
0x2e: {  	s3 =	simm.s32 @!p0 $0x1082;
	s9 =	sld [smem:$0x3FB6]  }
0x2f: {  	lr =	sadd.s32 s0, s3;
	s0 =	sld [smem:$0x3FAD]  }
0x30: {  	s3 =	sld [smem:$0x3FB0]  }
0x31: {  	[smem:$0x3FB9] =	sst s10  }
0x32: {  	s10 =	sld [smem:$0x3FB7];
	_ =	sdelay $0x3  }
0x33: {  	p0 =	seq.s32 s10, $0x1;
	s10 =	sld [smem:$0x3FB9];
	_ =	sdelay $0x3  }
0x34: {  	[smem:$0x3FB9] =	sst s10  }
0x35: {  	s10 =	sld [smem:$0x3FB8];
	_ =	sdelay $0x3  }
0x36: {  	p1 =	seq.s32 s10, $0x1;
	s10 =	sld [smem:$0x3FB9];
	_ =	sdelay $0x3  }
0x37: {  	[smem:$0x3FB9] =	sst s10  }
0x38: {  	s10 =	sld [smem:$0x3FBA]  }
0x39: {  	_ = 	snop;
	(pc) =	sbr.ind lr, $3  }
0x3a: {  	_ = 	snop  }
0x3b: {  	_ = 	snop  }
0x3c: {  	p2 =	seq.s32 s10, $0x1;
	s10 =	sld [smem:$0x3FB9]  }
0x3d: {  	_ =	shalt  }
0x3e: {  	_ =	shalt  }
0x3f: {  	_ =	shalt  }
0x40: {  	_ =	shalt  }
0x41: {  	_ =	shalt  }
0x42: {  	_ =	shalt  }
0x43: {  	_ =	shalt  }
0x44: {  	_ =	shalt  }
0x45: {  	_ =	shalt  }
0x46: {  	_ =	shalt  }
0x47: {  	_ =	shalt  }
0x48: {  	_ =	shalt  }
0x49: {  	_ =	shalt  }
0x4a: {  	_ =	shalt  }
0x4b: {  	_ =	shalt  }
0x4c: {  	_ =	shalt  }
0x4d: {  	_ =	shalt  }
0x4e: {  	_ =	shalt  }
0x4f: {  	_ =	shalt  }
0x50: {  	_ =	shalt  }
0x51: {  	_ =	shalt  }
0x52: {  	_ =	shalt  }
0x53: {  	_ =	shalt  }
0x54: {  	_ =	shalt  }
0x55: {  	_ =	shalt  }
0x56: {  	_ =	shalt  }
0x57: {  	_ =	shalt  }
0x58: {  	_ =	shalt  }
0x59: {  	_ =	shalt  }
0x5a: {  	_ =	shalt  }
0x5b: {  	_ =	shalt  }
0x5c: {  	_ =	shalt  }
0x5d: {  	_ =	shalt  }
0x5e: {  	_ =	shalt  }
0x5f: {  	_ =	shalt  }
0x60: {  	_ =	shalt  }
0x61: {  	_ =	shalt  }
0x62: {  	_ =	shalt  }
0x63: {  	_ =	shalt  }
0x64: {  	_ =	shalt  }
0x65: {  	_ =	shalt  }
0x66: {  	_ =	shalt  }
0x67: {  	_ =	shalt  }
0x68: {  	_ =	shalt  }
0x69: {  	_ =	shalt  }
0x6a: {  	_ =	shalt  }
0x6b: {  	_ =	shalt  }
0x6c: {  	_ =	shalt  }
0x6d: {  	_ =	shalt  }
0x6e: {  	_ =	shalt  }
0x6f: {  	_ =	shalt  }
0x70: {  	_ =	shalt  }
0x71: {  	_ =	shalt  }
0x72: {  	_ =	shalt  }
0x73: {  	_ =	shalt  }
0x74: {  	_ =	shalt  }
0x75: {  	_ =	shalt  }
0x76: {  	_ =	shalt  }
0x77: {  	_ =	shalt  }
0x78: {  	_ =	shalt  }
0x79: {  	_ =	shalt  }
0x7a: {  	_ =	shalt  }
0x7b: {  	_ =	shalt  }
0x7c: {  	_ =	shalt  }
0x7d: {  	_ =	shalt  }
0x7e: {  	_ =	shalt  }
0x7f: {  	_ =	shalt  }
0x80: {  	_ =	shalt  }
0x81: {  	_ =	shalt  }
0x82: {  	_ =	shalt  }
0x83: {  	_ =	shalt  }
0x84: {  	_ =	shalt  }
0x85: {  	_ =	shalt  }
0x86: {  	_ =	shalt  }
0x87: {  	_ =	shalt  }
.Lfunc_end0:
.L_simem_size_0:
called_computation_lowered:
.L_overlay_start_0:
0x88: {  	s2 =	sld [smem:$0x3FD9]  }
0x89: {  	s3 =	sld [smem:$0x3FFE];
	_ =	sdelay $0x1  }
0x8a: {  	s1 =	srdreg.scid  }
0x8b: {  	s0 =	sand.u32 $0x1, s1  }
0x8c: {  	s18 =	sshll.u32 s0, $0xA;
	s2 =	sadd.s32 s3, s2  }
0x8d: {  	s2 =	sadd.s32 s2, s18  }
0x8e: {  	[smem:$0x3FC5] =	sst s2  }
0x8f: {  	_ = 	snop  }
0x90: {  	s2 =	sld [smem:$0x3FC9]  }
0x91: {  	s19 =	sld [smem:$0x3FC8]  }
0x92: {  	s4 =	sld [smem:$0x3FC7]  }
0x93: {  	s5 =	sld [smem:$0x3FD0];
	(tm) =	ssettm $0x1  }
0x94: {  	s6 =	sld [smem:$0x3FFB];
	_ =	sdelay $0x3  }
0x95: {  	_ =	strace s6  }
0x96: {  	s6 =	sld [smem:$0x3FFC];
	_ =	sdelay $0x3  }
0x97: {  	_ =	strace s6  }
0x98: {  	s6 =	sld [smem:$0x3FFD];
	_ =	sdelay $0x3  }
0x99: {  	_ =	strace s6  }
0x9a: {  	_ =	strace $0x8FFFFFFF  }
0x9b: {  	s20 =	sld [smem:$0x3FDB];
	_ =	sdelay $0x1  }
0x9c: {  	s7 =	simm.s32 $_scs_section_size  }
0x9d: {  	s8 =	simm.s32 $_size__tile_overlayer_lowered;
	s9 =	simm.s32 $_tile_overlayer_lowered  }
0x9e: {  	s23 =	simm.s32 $0x1BFF;
	s22 =	sshll.u32 s9, $0x1;
	s6 =	sadd.s32 s7, s20  }
0x9f: {  	s10 =	simm.s32 $0x0;
	s21 =	sshll.u32 s8, $0x1;
	s8 =	sadd.s32 s22, s6  }
0xa0: {  	[timem:s10], [sflag:s23] =	dma.local [hbm:s8], s21  }
0xa1: {  	_ =	swait.ge [sflag:s23], s21  }
0xa2: {  	s7 =	ssub.s32 $0x0, s21;
	[sflag:s23] =	ssyncset.done $0x0  }
0xa3: {  	[sflag:s23] =	ssyncadd.s32 s7;
	_ =	sdelay $0x1  }
0xa4: {  	s24 =	simm.s32 $0x1B8B  }
0xa5: {  	_ =	swait.ge [sflag:s24], $0x1  }
0xa6: {  	[sflag:s24] =	ssyncset.done $0x0  }
0xa7: {  	s25 =	simm.s32 $0x1B8E;
	[sflag:s24] =	ssyncadd.s32 $0xFFFFFFFF  }
0xa8: {  	s26 =	simm.s32 $execute0_lowered;
	[smem:$0x3FD2] =	sst s25  }
0xa9: {  	s7 =	sshll.u32 s26, $0x1;
	_ =	strace $0x80000046;
	[dreg:$0x1] =	wrdreg $0xFFFFFFFF  }
0xaa: {  	s28 =	simm.s32 $_size_execute0_lowered;
	s6 =	sadd.s32 s6, s7;
	[dreg:$0x0] =	wrdreg $0x0  }
0xab: {  	s7 =	sshll.u32 s28, $0x1;
	[dreg:$0x2] =	wrdreg s6  }
0xac: {  	[dreg:$0x3] =	wrdreg s7  }
0xad: {  	[dreg:$0x4] =	wrdreg $0xC0  }
0xae: {  	_ =	task [dreg:s10], $0x5FFFF  }
0xaf: {  	[dreg:$0x1] =	wrdreg $0xFFFFFFFF  }
0xb0: {  	[dreg:$0x0] =	wrdreg $0x60  }
0xb1: {  	[dreg:$0x2] =	wrdreg s2  }
0xb2: {  	[dreg:$0x3] =	wrdreg s19  }
0xb3: {  	[dreg:$0x4] =	wrdreg s4  }
0xb4: {  	[dreg:$0x5] =	wrdreg s5  }
0xb5: {  	[dreg:$0x6] =	wrdreg $0x9  }
0xb6: {  	_ =	task.clear_ibuf [dreg:s10], $0x7FFFF;
	_ =	strace $0x90000046  }
0xb7: {  	s29 =	simm.s32 $0x9;
	_ =	strace $0x80000048  }
0xb8: {  	_ =	swait.ge [sflag:s29], $0x1  }
0xb9: {  	[sflag:s29] =	ssyncadd.s32 $0xFFFFFFFF  }
0xba: {  	_ =	strace $0x90000048  }
0xbb: {  	_ =	sfence  }
0xbc: {  	s30 =	sld [smem:$0x0];
	_ =	sdelay $0x2  }
0xbd: {  	s31 =	sshll.u32 s1, $0xD;
	s1 =	sshrl.u32 s1, $0x2  }
0xbe: {  	s3 =	sand.u32 $0x4000, s31;
	s1 =	sadd.s32 s1, s30  }
0xbf: {  	s0 =	sor.u32 s3, s0;
	s1 =	sshll.u32 s1, $0x11  }
0xc0: {  	s0 =	sor.u32 s1, s0  }
0xc1: {  	s0 =	sadd.s32 $0x8F2B, s0  }
0xc2: {  	[sflag:s0] =	ssyncadd.remote.s32 $0x1  }
0xc3: {  	_ =	sfence.sel $0xFFFF  }
0xc4: {  	[dreg:$0x0] =	wrdreg $0xFFFFFFFF;
	(pc) =	sbr.abs _section_cstart, $3  }
0xc5: {  	[dreg:$0x1] =	wrdreg $0xFFFFFFFF  }
0xc6: {  	_ =	task.clear_ibuf [dreg:s10], $0x2FFFF;
	_ =	strace $0x9FFFFFFF  }
0xc7: {  	(tm) =	ssettm $0x7FFFFFFF  }
tec
execute0_lowered:
.L_overlay_start_1:
0x0: {  	(tag) =	ssettag $0x1  }
0x1: {  	s1 =	rddreg [dreg:$0x0]  }
0x2: {  	s9 =	rddreg [dreg:$0x1]  }
0x3: {  	s4 =	rddreg [dreg:$0x2]  }
0x4: {  	s5 =	rddreg [dreg:$0x3]  }
0x5: {  	s0 =	srdreg.scid;
	s6 =	stileid.u32  }
0x6: {  	s2 =	simm.s32 $0x0;
	s0 =	sand.u32 $0x1, s0;
	s6 =	sshll.u32 s6, $0xD  }
0x7: {  	[smem:$0x7FF] =	sst s2;
	s3 =	ssub.s32 $0x2, s0;
	s0 =	sshll.u32 s0, $0xC  }
0x8: {  	_ =	strace $0x80000047;
	s7 =	sshrl.u32 s3, $0x1;
	s6 =	sor.u32 s0, s6  }
0x9: {  	s0 =	ssub.s32 s3, s7;
	s7 =	sor.u32 $0x400, s6;
	s26 =	sadd.s32 s4, s6  }
0xa: {  	s31 =	sor.u32 $0x120000, s6;
	s11 =	sadd.s32 s5, s7;
	[dreg:$0x18] =	wrdreg s26  }
0xb: {  	s8 =	sor.u32 $0x800, s6;
	s13 =	sadd.s32 s9, s31;
	[dreg:$0x5] =	wrdreg s11  }
0xc: {  	s12 =	sor.u32 $0x120400, s6;
	s14 =	sadd.s32 s5, s8;
	[dreg:$0x6] =	wrdreg s13  }
0xd: {  	s10 =	sor.u32 $0xC00, s6;
	s15 =	sadd.s32 s9, s12;
	[dreg:$0x7] =	wrdreg s14  }
0xe: {  	s16 =	sadd.s32 s5, s10;
	[dreg:$0x8] =	wrdreg s15  }
0xf: {  	s17 =	sor.u32 $0x120800, s6;
	s20 =	sadd.s32 s5, s12;
	[dreg:$0x9] =	wrdreg s16  }
0x10: {  	s19 =	sor.u32 $0x120C00, s6;
	s21 =	sadd.s32 s5, s17;
	[dreg:$0xe] =	wrdreg s20  }
0x11: {  	s22 =	sadd.s32 s5, s19;
	[dreg:$0xf] =	wrdreg s21  }
0x12: {  	s15 =	sadd.s32 s9, s17;
	[dreg:$0x10] =	wrdreg s22  }
0x13: {  	s16 =	sadd.s32 s9, s19;
	[dreg:$0xa] =	wrdreg s15  }
0x14: {  	s11 =	sadd.s32 s5, s31;
	[dreg:$0xc] =	wrdreg s16  }
0x15: {  	s31 =	sadd.s32 s4, s7;
	[dreg:$0xd] =	wrdreg s11  }
0x16: {  	s12 =	sor.u32 $0xC0000, s6;
	s20 =	sadd.s32 s4, s10;
	[dreg:$0x19] =	wrdreg s31  }
0x17: {  	s14 =	sor.u32 $0x60000, s6;
	s21 =	sadd.s32 s4, s12;
	[dreg:$0x1b] =	wrdreg s20  }
0x18: {  	s13 =	sor.u32 $0x60800, s6;
	s18 =	sadd.s32 s5, s14;
	[dreg:$0x1c] =	wrdreg s21  }
0x19: {  	s24 =	sadd.s32 s5, s13;
	[dreg:$0xb] =	wrdreg s18  }
0x1a: {  	s31 =	sadd.s32 s4, s13;
	[dreg:$0x12] =	wrdreg s24  }
0x1b: {  	s20 =	sadd.s32 s1, s6;
	[smem:$0x7DC] =	sst s31  }
0x1c: {  	s11 =	sor.u32 $0x60400, s6;
	s21 =	sadd.s32 s9, s7;
	[smem:$0x7E3] =	sst s20  }
0x1d: {  	s16 =	sor.u32 $0x60C00, s6;
	s23 =	sadd.s32 s5, s11;
	[smem:$0x7E4] =	sst s21  }
0x1e: {  	s17 =	sadd.s32 s5, s16;
	[dreg:$0x11] =	wrdreg s23  }
0x1f: {  	s15 =	sor.u32 $0xC0400, s6;
	s18 =	sadd.s32 s5, s12;
	[dreg:$0x13] =	wrdreg s17  }
0x20: {  	s19 =	sadd.s32 s5, s15;
	[dreg:$0x14] =	wrdreg s18  }
0x21: {  	s22 =	sadd.s32 s4, s15;
	[dreg:$0x15] =	wrdreg s19  }
0x22: {  	s26 =	sadd.s32 s4, s11;
	[dreg:$0x1d] =	wrdreg s22  }
0x23: {  	s12 =	sadd.s32 s9, s12;
	[smem:$0x7DB] =	sst s26  }
0x24: {  	s15 =	sadd.s32 s9, s15;
	[smem:$0x7DE] =	sst s12  }
0x25: {  	s3 =	sadd.s32 s5, s6;
	s31 =	sadd.s32 s1, s13;
	[smem:$0x7DF] =	sst s15  }
0x26: {  	s20 =	sadd.s32 $0x1E0C00, s3;
	[smem:$0x7EA] =	sst s31  }
0x27: {  	s21 =	sadd.s32 $0x240000, s3;
	[smem:$0x7F6] =	sst s20  }
0x28: {  	s19 =	sadd.s32 s4, s8;
	[smem:$0x7F7] =	sst s21  }
0x29: {  	s22 =	sadd.s32 s1, s7;
	[dreg:$0x1a] =	wrdreg s19  }
0x2a: {  	s26 =	sadd.s32 s1, s11;
	[smem:$0x7E5] =	sst s22  }
0x2b: {  	s7 =	sadd.s32 $0x180400, s3;
	[smem:$0x7E9] =	sst s26  }
0x2c: {  	s12 =	sadd.s32 $0x180C00, s3;
	[smem:$0x7EE] =	sst s7  }
0x2d: {  	s15 =	sadd.s32 s9, s14;
	[smem:$0x7F1] =	sst s12  }
0x2e: {  	s17 =	sor.u32 $0xC0800, s6;
	s31 =	sadd.s32 $0x2A0400, s3;
	[smem:$0x7F2] =	sst s15  }
0x2f: {  	s18 =	sor.u32 $0xC0C00, s6;
	s25 =	sadd.s32 s5, s17;
	[smem:$0x7FD] =	sst s31  }
0x30: {  	s5 =	sadd.s32 s5, s18;
	[dreg:$0x16] =	wrdreg s25  }
0x31: {  	s23 =	sadd.s32 s4, s17;
	[dreg:$0x17] =	wrdreg s5  }
0x32: {  	s24 =	sadd.s32 s4, s18;
	[dreg:$0x1e] =	wrdreg s23  }
0x33: {  	s17 =	sadd.s32 s9, s17;
	[dreg:$0x1f] =	wrdreg s24  }
0x34: {  	s18 =	sadd.s32 s9, s18;
	[smem:$0x7E0] =	sst s17  }
0x35: {  	s19 =	sadd.s32 s9, s6;
	[smem:$0x7E1] =	sst s18  }
0x36: {  	s6 =	sadd.s32 $0x180000, s3;
	[smem:$0x7E2] =	sst s19  }
0x37: {  	s22 =	sadd.s32 s9, s11;
	[smem:$0x7ED] =	sst s6  }
0x38: {  	s26 =	sadd.s32 $0x240C00, s3;
	[smem:$0x7F8] =	sst s22  }
0x39: {  	s25 =	sadd.s32 s4, s14;
	[smem:$0x7FC] =	sst s26  }
0x3a: {  	s4 =	sadd.s32 s4, s16;
	[smem:$0x7DA] =	sst s25  }
0x3b: {  	s28 =	simm.s32 $0x4;
	s23 =	sadd.s32 s9, s8;
	[smem:$0x7DD] =	sst s4  }
0x3c: {  	s29 =	simm.s32 $0x5;
	s24 =	sadd.s32 s1, s8;
	[smem:$0x7E6] =	sst s23  }
0x3d: {  	s30 =	simm.s32 $0x0;
	s5 =	sadd.s32 s1, s16;
	[smem:$0x7E7] =	sst s24  }
0x3e: {  	s11 =	sadd.s32 $0x2A0C00, s3;
	s8 =	sadd.s32 s9, s10;
	[smem:$0x7EB] =	sst s5  }
0x3f: {  	s20 =	simm.s32 $0x6000;
	s17 =	sadd.s32 $0x1E0400, s3;
	[smem:$0x7EF] =	sst s8  }
0x40: {  	s21 =	simm.s32 $0xC000;
	s18 =	sadd.s32 $0x1E0800, s3;
	[smem:$0x7F3] =	sst s17  }
0x41: {  	s19 =	sadd.s32 $0x1E0000, s3;
	s25 =	sadd.s32 s1, s14;
	[smem:$0x7F4] =	sst s18  }
0x42: {  	s1 =	sadd.s32 s1, s10;
	s10 =	sadd.s32 $0x180800, s3;
	[smem:$0x7F5] =	sst s19  }
0x43: {  	s12 =	sadd.s32 $0x2A0000, s3;
	s23 =	sadd.s32 $0x240400, s3;
	[smem:$0x7E8] =	sst s25  }
0x44: {  	s15 =	smax.u32 s0, $0x1;
	s24 =	sadd.s32 $0x240800, s3;
	[smem:$0x7EC] =	sst s1  }
0x45: {  	s22 =	simm.s32 $0x1;
	s14 =	sadd.s32 $0x300400, s3;
	[smem:$0x7F0] =	sst s10  }
0x46: {  	s26 =	simm.s32 $0x3;
	s17 =	sadd.s32 $0x300C00, s3;
	[smem:$0x7F9] =	sst s23  }
0x47: {  	s18 =	simm.s32 $0x2000;
	s19 =	simm.s32 $0x100000;
	[smem:$0x7FA] =	sst s24  }
0x48: {  	s25 =	sadd.s32 s9, s13;
	s9 =	sadd.s32 s9, s16;
	s10 =	sadd.s32 $0x2A0800, s3  }
0x49: {  	s13 =	sadd.s32 $0x300000, s3;
	s16 =	sadd.s32 $0x300800, s3;
	s23 =	simm.s32 $0x12000  }
0x4a: {  	s24 =	simm.s32 $0x2;
	[smem:$0x7FB] =	sst s25;
	s25 =	simm.s32 $0x18000  }
.LBB2_1:
0x4b: {  	s0 =	rddreg [dreg:$0x18]  }
0x4c: {  	[tilespmem:s2], [sflag:$0x1] =	stream.strided.gather [hbm4b:s0+s18], $0x6000, s19, s18, $0x38;
	[tilespmem:$0x1E000] =	vst v63  }
0x4d: {  	s1 =	rddreg [dreg:$0x19]  }
0x4e: {  	[tilespmem:s20], [sflag:$0x2] =	stream.strided.gather [hbm4b:s1+s18], $0x6000, s19, s18, $0x38;
	[tilespmem:$0x1E000] =	vst v63  }
0x4f: {  	s4 =	rddreg [dreg:$0x1a]  }
0x50: {  	[tilespmem:s21], [sflag:$0x3] =	stream.strided.gather [hbm4b:s4+s18], $0x6000, s19, s18, $0x38;
	[tilespmem:$0x1E000] =	vst v63  }
0x51: {  	s5 =	sand.u32 $0x6000, s2;
	s1 =	sand.u32 $0x1C00, s2;
	_ =	swait.ge [sflag:s22], $0x6000  }
0x52: {  	s6 =	sand.u32 $0x380, s2;
	s0 =	sor.u32 s1, s5;
	[sflag:s22] =	ssyncset.done $0x0  }
0x53: {  	s0 =	sor.u32 s6, s0;
	[sflag:s22] =	ssyncadd.s32 $0xFFFFA000  }
0x54: {  	v0 =	vld [tilespmem:s0+$0x70]  }
0x55: {  	v1 =	vld [tilespmem:s0+$0x0]  }
0x56: {  	v2 =	vld [tilespmem:s0+$0x10]  }
0x57: {  	v6 =	vld [tilespmem:s0+$0x40]  }
0x58: {  	s7 =	simm.s32 $0x400;
	s4 =	simm.s32 $0x80;
	v3 =	vld [tilespmem:s0+$0x20]  }
0x59: {  	s5 =	simm.s32 $0x10;
	s1 =	sand.u32 $0x1C00, s7;
	s4 =	sand.u32 $0x6000, s4;
	v5 =	vld [tilespmem:s0+$0x30];
	v0 =	vmul.f32 v0, v0  }
0x5a: {  	s8 =	sand.u32 $0x380, s5;
	s1 =	sor.u32 s1, s4;
	v7 =	vld [tilespmem:s0+$0x50];
	v1 =	vmul.f32 v1, v1  }
0x5b: {  	s31 =	sor.u32 s8, s1;
	v9 =	vld [tilespmem:s0+$0x60];
	v8 =	vmul.f32 v2, v2;
	[tilespmem:s0+$0x12070] =	vst v0  }
0x5c: {  	v4 =	vld [tilespmem:s31+$0x70];
	v6 =	vmul.f32 v6, v6;
	[tilespmem:s0+$0x12000] =	vst v1  }
0x5d: {  	v2 =	vld [tilespmem:s31+$0x0];
	v0 =	vmul.f32 v3, v3;
	[tilespmem:s0+$0x12010] =	vst v8  }
0x5e: {  	v1 =	vmul.f32 v5, v5;
	v3 =	vld [tilespmem:s31+$0x10];
	[tilespmem:s0+$0x12040] =	vst v6  }
0x5f: {  	s5 =	simm.s32 $0x800;
	v5 =	vmul.f32 v7, v7;
	[tilespmem:s0+$0x12020] =	vst v0;
	v0 =	vld [tilespmem:s31+$0x20]  }
0x60: {  	s6 =	simm.s32 $0x100;
	s4 =	simm.s32 $0x20;
	s1 =	simm.s32 $0x8;
	v6 =	vmul.f32 v9, v9;
	[tilespmem:s0+$0x12030] =	vst v1;
	v1 =	vld [tilespmem:s31+$0x30]  }
.LBB2_2:
0x61: {  	s7 =	sand.u32 $0x6000, s6;
	s8 =	sand.u32 $0x1C00, s5;
	s1 =	sadd.s32 $0x8, s1;
	v7 =	vld [tilespmem:s31+$0x40];
	v4 =	vmul.f32 v4, v4;
	[tilespmem:s0+$0x12050] =	vst v5  }
0x62: {  	s7 =	sor.u32 s8, s7;
	s8 =	sand.u32 $0x380, s4;
	p0 =	slt.u32 s1, $0x5F8;
	v2 =	vmul.f32 v2, v2;
	v5 =	vld [tilespmem:s31+$0x50];
	[tilespmem:s0+$0x12060] =	vst v6  }
0x63: {  	s0 =	smov.u32 s31;
	v3 =	vmul.f32 v3, v3;
	v6 =	vld [tilespmem:s31+$0x60];
	[tilespmem:s31+$0x12070] =	vst v4;
	s31 =	sor.u32 s8, s7  }
.Ltmp0:
0x64: {  	v4 =	vld [tilespmem:s31+$0x70];
	[tilespmem:s0+$0x12000] =	vst v2;
	v0 =	vmul.f32 v0, v0;
	(pc) =	sbr.rel @p0 .LBB2_2-.Ltmp0, $4  }
0x65: {  	v2 =	vld [tilespmem:s31+$0x0];
	[tilespmem:s0+$0x12010] =	vst v3;
	v1 =	vmul.f32 v1, v1  }
0x66: {  	v3 =	vld [tilespmem:s31+$0x10];
	[tilespmem:s0+$0x12020] =	vst v0;
	v7 =	vmul.f32 v7, v7  }
0x67: {  	v0 =	vld [tilespmem:s31+$0x20];
	[tilespmem:s0+$0x12030] =	vst v1;
	v5 =	vmul.f32 v5, v5  }
0x68: {  	s5 =	sadd.s32 $0x400, s5;
	s6 =	sadd.s32 $0x80, s6;
	s4 =	sadd.s32 $0x10, s4;
	v1 =	vld [tilespmem:s31+$0x30];
	[tilespmem:s0+$0x12040] =	vst v7;
	v6 =	vmul.f32 v6, v6  }
0x69: {  	v7 =	vld [tilespmem:s31+$0x40];
	v4 =	vmul.f32 v4, v4;
	[tilespmem:s0+$0x12050] =	vst v5  }
0x6a: {  	v5 =	vld [tilespmem:s31+$0x50];
	v2 =	vmul.f32 v2, v2;
	[tilespmem:s0+$0x12060] =	vst v6  }
0x6b: {  	v6 =	vld [tilespmem:s31+$0x60];
	v3 =	vmul.f32 v3, v3;
	[tilespmem:s31+$0x12070] =	vst v4  }
0x6c: {  	[tilespmem:s31+$0x12000] =	vst v2;
	v0 =	vmul.f32 v0, v0  }
0x6d: {  	[tilespmem:s31+$0x12010] =	vst v3;
	v1 =	vmul.f32 v1, v1  }
0x6e: {  	[tilespmem:s31+$0x12020] =	vst v0;
	v0 =	vmul.f32 v7, v7  }
0x6f: {  	[tilespmem:s31+$0x12030] =	vst v1;
	v1 =	vmul.f32 v5, v5  }
0x70: {  	[tilespmem:s31+$0x12040] =	vst v0;
	v0 =	vmul.f32 v6, v6  }
0x71: {  	[tilespmem:s31+$0x12050] =	vst v1  }
0x72: {  	[tilespmem:s31+$0x12060] =	vst v0  }
0x73: {  	[hbm4b:s3+s18] =	stream.strided.scatter [tilespmem:s23], [sflag:$0x4], $0x6000, s19, s18, $0x38;
	[tilespmem:$0x1E000] =	vst v63  }
0x74: {  	s8 =	simm.s32 $0x0;
	s1 =	rddreg [dreg:$0x1b]  }
0x75: {  	[tilespmem:s8], [sflag:$0x1] =	stream.strided.gather [hbm4b:s1+s18], $0x6000, s19, s18, $0x38;
	[tilespmem:$0x1E000] =	vst v63  }
0x76: {  	s5 =	sand.u32 $0x6000, s8;
	s4 =	sand.u32 $0x1C00, s8;
	_ =	swait.ge [sflag:s24], $0x6000  }
0x77: {  	s0 =	sand.u32 $0x380, s8;
	s1 =	sor.u32 s4, s5;
	[sflag:s24] =	ssyncset.done $0x0  }
0x78: {  	s0 =	sor.u32 s0, s1;
	[sflag:s24] =	ssyncadd.s32 $0xFFFFA000  }
0x79: {  	v0 =	vld [tilespmem:s0+$0x6070]  }
0x7a: {  	v1 =	vld [tilespmem:s0+$0x6000]  }
0x7b: {  	v2 =	vld [tilespmem:s0+$0x6010]  }
0x7c: {  	v6 =	vld [tilespmem:s0+$0x6040]  }
0x7d: {  	s6 =	simm.s32 $0x400;
	s7 =	simm.s32 $0x80;
	v3 =	vld [tilespmem:s0+$0x6020]  }
0x7e: {  	s5 =	simm.s32 $0x10;
	s4 =	sand.u32 $0x6000, s7;
	s1 =	sand.u32 $0x1C00, s6;
	v5 =	vld [tilespmem:s0+$0x6030];
	v0 =	vmul.f32 v0, v0  }
0x7f: {  	s8 =	sand.u32 $0x380, s5;
	s1 =	sor.u32 s1, s4;
	v7 =	vld [tilespmem:s0+$0x6050];
	v1 =	vmul.f32 v1, v1  }
0x80: {  	s31 =	sor.u32 s8, s1;
	v9 =	vld [tilespmem:s0+$0x6060];
	v8 =	vmul.f32 v2, v2;
	[tilespmem:s0+$0x18070] =	vst v0  }
0x81: {  	v4 =	vld [tilespmem:s31+$0x6070];
	v6 =	vmul.f32 v6, v6;
	[tilespmem:s0+$0x18000] =	vst v1  }
0x82: {  	v2 =	vld [tilespmem:s31+$0x6000];
	v0 =	vmul.f32 v3, v3;
	[tilespmem:s0+$0x18010] =	vst v8  }
0x83: {  	v1 =	vmul.f32 v5, v5;
	v3 =	vld [tilespmem:s31+$0x6010];
	[tilespmem:s0+$0x18040] =	vst v6  }
0x84: {  	s5 =	simm.s32 $0x800;
	v5 =	vmul.f32 v7, v7;
	[tilespmem:s0+$0x18020] =	vst v0;
	v0 =	vld [tilespmem:s31+$0x6020]  }
0x85: {  	s6 =	simm.s32 $0x100;
	s4 =	simm.s32 $0x20;
	s1 =	simm.s32 $0x8;
	v6 =	vmul.f32 v9, v9;
	[tilespmem:s0+$0x18030] =	vst v1;
	v1 =	vld [tilespmem:s31+$0x6030]  }
.LBB2_4:
0x86: {  	s7 =	sand.u32 $0x6000, s6;
	s8 =	sand.u32 $0x1C00, s5;
	s1 =	sadd.s32 $0x8, s1;
	v7 =	vld [tilespmem:s31+$0x6040];
	v4 =	vmul.f32 v4, v4;
	[tilespmem:s0+$0x18050] =	vst v5  }
0x87: {  	s7 =	sor.u32 s8, s7;
	s8 =	sand.u32 $0x380, s4;
	p0 =	slt.u32 s1, $0x5F8;
	v2 =	vmul.f32 v2, v2;
	v5 =	vld [tilespmem:s31+$0x6050];
	[tilespmem:s0+$0x18060] =	vst v6  }
0x88: {  	s0 =	smov.u32 s31;
	v3 =	vmul.f32 v3, v3;
	v6 =	vld [tilespmem:s31+$0x6060];
	[tilespmem:s31+$0x18070] =	vst v4;
	s31 =	sor.u32 s8, s7  }
.Ltmp1:
0x89: {  	v4 =	vld [tilespmem:s31+$0x6070];
	[tilespmem:s0+$0x18000] =	vst v2;
	v0 =	vmul.f32 v0, v0;
	(pc) =	sbr.rel @p0 .LBB2_4-.Ltmp1, $4  }
0x8a: {  	v2 =	vld [tilespmem:s31+$0x6000];
	[tilespmem:s0+$0x18010] =	vst v3;
	v1 =	vmul.f32 v1, v1  }
0x8b: {  	v3 =	vld [tilespmem:s31+$0x6010];
	[tilespmem:s0+$0x18020] =	vst v0;
	v7 =	vmul.f32 v7, v7  }
0x8c: {  	v0 =	vld [tilespmem:s31+$0x6020];
	[tilespmem:s0+$0x18030] =	vst v1;
	v5 =	vmul.f32 v5, v5  }
0x8d: {  	s5 =	sadd.s32 $0x400, s5;
	s6 =	sadd.s32 $0x80, s6;
	s4 =	sadd.s32 $0x10, s4;
	v1 =	vld [tilespmem:s31+$0x6030];
	[tilespmem:s0+$0x18040] =	vst v7;
	v6 =	vmul.f32 v6, v6  }
0x8e: {  	v7 =	vld [tilespmem:s31+$0x6040];
	v4 =	vmul.f32 v4, v4;
	[tilespmem:s0+$0x18050] =	vst v5  }
0x8f: {  	v5 =	vld [tilespmem:s31+$0x6050];
	v2 =	vmul.f32 v2, v2;
	[tilespmem:s0+$0x18060] =	vst v6  }
0x90: {  	v6 =	vld [tilespmem:s31+$0x6060];
	v3 =	vmul.f32 v3, v3;
	[tilespmem:s31+$0x18070] =	vst v4  }
0x91: {  	[tilespmem:s31+$0x18000] =	vst v2;
	v0 =	vmul.f32 v0, v0  }
0x92: {  	[tilespmem:s31+$0x18010] =	vst v3;
	v1 =	vmul.f32 v1, v1  }
0x93: {  	[tilespmem:s31+$0x18020] =	vst v0;
	v0 =	vmul.f32 v7, v7  }
0x94: {  	[tilespmem:s31+$0x18030] =	vst v1;
	v1 =	vmul.f32 v5, v5  }
0x95: {  	[tilespmem:s31+$0x18040] =	vst v0;
	v0 =	vmul.f32 v6, v6  }
0x96: {  	[tilespmem:s31+$0x18050] =	vst v1  }
0x97: {  	[tilespmem:s31+$0x18060] =	vst v0  }
0x98: {  	s0 =	rddreg [dreg:$0x5]  }
0x99: {  	[hbm4b:s0+s18] =	stream.strided.scatter [tilespmem:s25], [sflag:$0x5], $0x6000, s19, s18, $0x38;
	[tilespmem:$0x1E000] =	vst v63  }
0x9a: {  	s4 =	rddreg [dreg:$0x6]  }
0x9b: {  	[tilespmem:s20], [sflag:$0x2] =	stream.strided.gather [hbm4b:s4+s18], $0x6000, s19, s18, $0x38;
	[tilespmem:$0x1E000] =	vst v63  }
0x9c: {  	_ =	swait.ge [sflag:s26], $0x6000  }
0x9d: {  	[sflag:s26] =	ssyncset.done $0x0  }
0x9e: {  	s5 =	simm.s32 $0x0;
	[sflag:s26] =	ssyncadd.s32 $0xFFFFA000  }
0x9f: {  	s1 =	sand.u32 $0x6000, s5;
	s4 =	sand.u32 $0x1C00, s5;
	_ =	swait.ge [sflag:s28], $0x6000  }
0xa0: {  	s0 =	sand.u32 $0x380, s5;
	s1 =	sor.u32 s4, s1;
	[sflag:s28] =	ssyncset.done $0x0  }
0xa1: {  	s0 =	sor.u32 s0, s1;
	[sflag:s28] =	ssyncadd.s32 $0xFFFFA000  }
0xa2: {  	v0 =	vld [tilespmem:s0+$0xC070]  }
0xa3: {  	v1 =	vld [tilespmem:s0+$0xC000]  }
0xa4: {  	v2 =	vld [tilespmem:s0+$0xC010]  }
0xa5: {  	v6 =	vld [tilespmem:s0+$0xC040]  }
0xa6: {  	s6 =	simm.s32 $0x400;
	s7 =	simm.s32 $0x80;
	v3 =	vld [tilespmem:s0+$0xC020]  }
0xa7: {  	s5 =	simm.s32 $0x10;
	s4 =	sand.u32 $0x6000, s7;
	s1 =	sand.u32 $0x1C00, s6;
	v5 =	vld [tilespmem:s0+$0xC030];
	v0 =	vmul.f32 v0, v0  }
0xa8: {  	s8 =	sand.u32 $0x380, s5;
	s1 =	sor.u32 s1, s4;
	v7 =	vld [tilespmem:s0+$0xC050];
	v1 =	vmul.f32 v1, v1  }
0xa9: {  	s31 =	sor.u32 s8, s1;
	v9 =	vld [tilespmem:s0+$0xC060];
	v8 =	vmul.f32 v2, v2;
	[tilespmem:s0+$0x12070] =	vst v0  }
0xaa: {  	v4 =	vld [tilespmem:s31+$0xC070];
	v6 =	vmul.f32 v6, v6;
	[tilespmem:s0+$0x12000] =	vst v1  }
0xab: {  	v2 =	vld [tilespmem:s31+$0xC000];
	v0 =	vmul.f32 v3, v3;
	[tilespmem:s0+$0x12010] =	vst v8  }
0xac: {  	v1 =	vmul.f32 v5, v5;
	v3 =	vld [tilespmem:s31+$0xC010];
	[tilespmem:s0+$0x12040] =	vst v6  }
0xad: {  	s5 =	simm.s32 $0x800;
	v5 =	vmul.f32 v7, v7;
	[tilespmem:s0+$0x12020] =	vst v0;
	v0 =	vld [tilespmem:s31+$0xC020]  }
0xae: {  	s6 =	simm.s32 $0x100;
	s4 =	simm.s32 $0x20;
	s1 =	simm.s32 $0x8;
	v6 =	vmul.f32 v9, v9;
	[tilespmem:s0+$0x12030] =	vst v1;
	v1 =	vld [tilespmem:s31+$0xC030]  }
.LBB2_6:
0xaf: {  	s7 =	sand.u32 $0x6000, s6;
	s8 =	sand.u32 $0x1C00, s5;
	s1 =	sadd.s32 $0x8, s1;
	v7 =	vld [tilespmem:s31+$0xC040];
	v4 =	vmul.f32 v4, v4;
	[tilespmem:s0+$0x12050] =	vst v5  }
0xb0: {  	s7 =	sor.u32 s8, s7;
	s8 =	sand.u32 $0x380, s4;
	p0 =	slt.u32 s1, $0x5F8;
	v2 =	vmul.f32 v2, v2;
	v5 =	vld [tilespmem:s31+$0xC050];
	[tilespmem:s0+$0x12060] =	vst v6  }
0xb1: {  	s0 =	smov.u32 s31;
	v3 =	vmul.f32 v3, v3;
	v6 =	vld [tilespmem:s31+$0xC060];
	[tilespmem:s31+$0x12070] =	vst v4;
	s31 =	sor.u32 s8, s7  }
.Ltmp2:
0xb2: {  	v4 =	vld [tilespmem:s31+$0xC070];
	[tilespmem:s0+$0x12000] =	vst v2;
	v0 =	vmul.f32 v0, v0;
	(pc) =	sbr.rel @p0 .LBB2_6-.Ltmp2, $4  }
0xb3: {  	v2 =	vld [tilespmem:s31+$0xC000];
	[tilespmem:s0+$0x12010] =	vst v3;
	v1 =	vmul.f32 v1, v1  }
0xb4: {  	v3 =	vld [tilespmem:s31+$0xC010];
	[tilespmem:s0+$0x12020] =	vst v0;
	v7 =	vmul.f32 v7, v7  }
0xb5: {  	v0 =	vld [tilespmem:s31+$0xC020];
	[tilespmem:s0+$0x12030] =	vst v1;
	v5 =	vmul.f32 v5, v5  }
0xb6: {  	s5 =	sadd.s32 $0x400, s5;
	s6 =	sadd.s32 $0x80, s6;
	s4 =	sadd.s32 $0x10, s4;
	v1 =	vld [tilespmem:s31+$0xC030];
	[tilespmem:s0+$0x12040] =	vst v7;
	v6 =	vmul.f32 v6, v6  }
0xb7: {  	v7 =	vld [tilespmem:s31+$0xC040];
	v4 =	vmul.f32 v4, v4;
	[tilespmem:s0+$0x12050] =	vst v5  }
0xb8: {  	v5 =	vld [tilespmem:s31+$0xC050];
	v2 =	vmul.f32 v2, v2;
	[tilespmem:s0+$0x12060] =	vst v6  }
0xb9: {  	v6 =	vld [tilespmem:s31+$0xC060];
	v3 =	vmul.f32 v3, v3;
	[tilespmem:s31+$0x12070] =	vst v4  }
0xba: {  	[tilespmem:s31+$0x12000] =	vst v2;
	v0 =	vmul.f32 v0, v0  }
0xbb: {  	[tilespmem:s31+$0x12010] =	vst v3;
	v1 =	vmul.f32 v1, v1  }
0xbc: {  	[tilespmem:s31+$0x12020] =	vst v0;
	v0 =	vmul.f32 v7, v7  }
0xbd: {  	[tilespmem:s31+$0x12030] =	vst v1;
	v1 =	vmul.f32 v5, v5  }
0xbe: {  	[tilespmem:s31+$0x12040] =	vst v0;
	v0 =	vmul.f32 v6, v6  }
0xbf: {  	[tilespmem:s31+$0x12050] =	vst v1  }
0xc0: {  	[tilespmem:s31+$0x12060] =	vst v0  }
0xc1: {  	s0 =	rddreg [dreg:$0x7]  }
0xc2: {  	[hbm4b:s0+s18] =	stream.strided.scatter [tilespmem:s23], [sflag:$0x4], $0x6000, s19, s18, $0x38;
	[tilespmem:$0x1E000] =	vst v63  }
0xc3: {  	s4 =	rddreg [dreg:$0x8]  }
0xc4: {  	[tilespmem:s21], [sflag:$0x3] =	stream.strided.gather [hbm4b:s4+s18], $0x6000, s19, s18, $0x38;
	[tilespmem:$0x1E000] =	vst v63  }
0xc5: {  	_ =	swait.ge [sflag:s22], $0x6000  }
0xc6: {  	[sflag:s22] =	ssyncset.done $0x0  }
0xc7: {  	s5 =	simm.s32 $0x0;
	[sflag:s22] =	ssyncadd.s32 $0xFFFFA000  }
0xc8: {  	s1 =	sand.u32 $0x6000, s5;
	s4 =	sand.u32 $0x1C00, s5;
	_ =	swait.ge [sflag:s29], $0x6000  }
0xc9: {  	s0 =	sand.u32 $0x380, s5;
	s1 =	sor.u32 s4, s1;
	[sflag:s29] =	ssyncset.done $0x0  }
0xca: {  	s0 =	sor.u32 s0, s1;
	[sflag:s29] =	ssyncadd.s32 $0xFFFFA000  }
0xcb: {  	v0 =	vld [tilespmem:s0+$0x70]  }
0xcc: {  	v1 =	vld [tilespmem:s0+$0x0]  }
0xcd: {  	v2 =	vld [tilespmem:s0+$0x10]  }
0xce: {  	v6 =	vld [tilespmem:s0+$0x40]  }
0xcf: {  	s6 =	simm.s32 $0x400;
	s7 =	simm.s32 $0x80;
	v3 =	vld [tilespmem:s0+$0x20]  }
0xd0: {  	s5 =	simm.s32 $0x10;
	s4 =	sand.u32 $0x6000, s7;
	s1 =	sand.u32 $0x1C00, s6;
	v5 =	vld [tilespmem:s0+$0x30];
	v0 =	vmul.f32 v0, v0  }
0xd1: {  	s8 =	sand.u32 $0x380, s5;
	s1 =	sor.u32 s1, s4;
	v7 =	vld [tilespmem:s0+$0x50];
	v1 =	vmul.f32 v1, v1  }
0xd2: {  	s31 =	sor.u32 s8, s1;
	v9 =	vld [tilespmem:s0+$0x60];
	v8 =	vmul.f32 v2, v2;
	[tilespmem:s0+$0x18070] =	vst v0  }
0xd3: {  	v4 =	vld [tilespmem:s31+$0x70];
	v6 =	vmul.f32 v6, v6;
	[tilespmem:s0+$0x18000] =	vst v1  }
0xd4: {  	v2 =	vld [tilespmem:s31+$0x0];
	v0 =	vmul.f32 v3, v3;
	[tilespmem:s0+$0x18010] =	vst v8  }
0xd5: {  	v1 =	vmul.f32 v5, v5;
	v3 =	vld [tilespmem:s31+$0x10];
	[tilespmem:s0+$0x18040] =	vst v6  }
0xd6: {  	s5 =	simm.s32 $0x800;
	v5 =	vmul.f32 v7, v7;
	[tilespmem:s0+$0x18020] =	vst v0;
	v0 =	vld [tilespmem:s31+$0x20]  }
0xd7: {  	s6 =	simm.s32 $0x100;
	s4 =	simm.s32 $0x20;
	s1 =	simm.s32 $0x8;
	v6 =	vmul.f32 v9, v9;
	[tilespmem:s0+$0x18030] =	vst v1;
	v1 =	vld [tilespmem:s31+$0x30]  }
.LBB2_8:
0xd8: {  	s7 =	sand.u32 $0x6000, s6;
	s8 =	sand.u32 $0x1C00, s5;
	s1 =	sadd.s32 $0x8, s1;
	v7 =	vld [tilespmem:s31+$0x40];
	v4 =	vmul.f32 v4, v4;
	[tilespmem:s0+$0x18050] =	vst v5  }
0xd9: {  	s7 =	sor.u32 s8, s7;
	s8 =	sand.u32 $0x380, s4;
	p0 =	slt.u32 s1, $0x5F8;
	v2 =	vmul.f32 v2, v2;
	v5 =	vld [tilespmem:s31+$0x50];
	[tilespmem:s0+$0x18060] =	vst v6  }
0xda: {  	s0 =	smov.u32 s31;
	v3 =	vmul.f32 v3, v3;
	v6 =	vld [tilespmem:s31+$0x60];
	[tilespmem:s31+$0x18070] =	vst v4;
	s31 =	sor.u32 s8, s7  }
.Ltmp3:
0xdb: {  	v4 =	vld [tilespmem:s31+$0x70];
	[tilespmem:s0+$0x18000] =	vst v2;
	v0 =	vmul.f32 v0, v0;
	(pc) =	sbr.rel @p0 .LBB2_8-.Ltmp3, $4  }
0xdc: {  	v2 =	vld [tilespmem:s31+$0x0];
	[tilespmem:s0+$0x18010] =	vst v3;
	v1 =	vmul.f32 v1, v1  }
0xdd: {  	v3 =	vld [tilespmem:s31+$0x10];
	[tilespmem:s0+$0x18020] =	vst v0;
	v7 =	vmul.f32 v7, v7  }
0xde: {  	v0 =	vld [tilespmem:s31+$0x20];
	[tilespmem:s0+$0x18030] =	vst v1;
	v5 =	vmul.f32 v5, v5  }
0xdf: {  	s5 =	sadd.s32 $0x400, s5;
	s6 =	sadd.s32 $0x80, s6;
	s4 =	sadd.s32 $0x10, s4;
	v1 =	vld [tilespmem:s31+$0x30];
	[tilespmem:s0+$0x18040] =	vst v7;
	v6 =	vmul.f32 v6, v6  }
0xe0: {  	v7 =	vld [tilespmem:s31+$0x40];
	v4 =	vmul.f32 v4, v4;
	[tilespmem:s0+$0x18050] =	vst v5  }
0xe1: {  	v5 =	vld [tilespmem:s31+$0x50];
	v2 =	vmul.f32 v2, v2;
	[tilespmem:s0+$0x18060] =	vst v6  }
0xe2: {  	v6 =	vld [tilespmem:s31+$0x60];
	v3 =	vmul.f32 v3, v3;
	[tilespmem:s31+$0x18070] =	vst v4  }
0xe3: {  	[tilespmem:s31+$0x18000] =	vst v2;
	v0 =	vmul.f32 v0, v0  }
0xe4: {  	[tilespmem:s31+$0x18010] =	vst v3;
	v1 =	vmul.f32 v1, v1  }
0xe5: {  	[tilespmem:s31+$0x18020] =	vst v0;
	v0 =	vmul.f32 v7, v7  }
0xe6: {  	[tilespmem:s31+$0x18030] =	vst v1;
	v1 =	vmul.f32 v5, v5  }
0xe7: {  	[tilespmem:s31+$0x18040] =	vst v0;
	v0 =	vmul.f32 v6, v6  }
0xe8: {  	[tilespmem:s31+$0x18050] =	vst v1  }
0xe9: {  	[tilespmem:s31+$0x18060] =	vst v0  }
0xea: {  	s0 =	rddreg [dreg:$0x9]  }
0xeb: {  	[hbm4b:s0+s18] =	stream.strided.scatter [tilespmem:s25], [sflag:$0x5], $0x6000, s19, s18, $0x38;
	[tilespmem:$0x1E000] =	vst v63  }
0xec: {  	s8 =	simm.s32 $0x0;
	s1 =	rddreg [dreg:$0xa]  }
0xed: {  	[tilespmem:s8], [sflag:$0x1] =	stream.strided.gather [hbm4b:s1+s18], $0x6000, s19, s18, $0x38;
	[tilespmem:$0x1E000] =	vst v63  }
0xee: {  	_ =	swait.ge [sflag:s24], $0x6000  }
0xef: {  	[sflag:s24] =	ssyncset.done $0x0  }
0xf0: {  	[sflag:s24] =	ssyncadd.s32 $0xFFFFA000  }
0xf1: {  	s5 =	sand.u32 $0x6000, s8;
	s4 =	sand.u32 $0x1C00, s8;
	_ =	swait.ge [sflag:s28], $0x6000  }
0xf2: {  	s0 =	sand.u32 $0x380, s8;
	s1 =	sor.u32 s4, s5;
	[sflag:s28] =	ssyncset.done $0x0  }
0xf3: {  	s0 =	sor.u32 s0, s1;
	[sflag:s28] =	ssyncadd.s32 $0xFFFFA000  }
0xf4: {  	v0 =	vld [tilespmem:s0+$0x6070]  }
0xf5: {  	v1 =	vld [tilespmem:s0+$0x6000]  }
0xf6: {  	v2 =	vld [tilespmem:s0+$0x6010]  }
0xf7: {  	v6 =	vld [tilespmem:s0+$0x6040]  }
0xf8: {  	s6 =	simm.s32 $0x400;
	s7 =	simm.s32 $0x80;
	v3 =	vld [tilespmem:s0+$0x6020]  }
0xf9: {  	s5 =	simm.s32 $0x10;
	s4 =	sand.u32 $0x6000, s7;
	s1 =	sand.u32 $0x1C00, s6;
	v5 =	vld [tilespmem:s0+$0x6030];
	v0 =	vmul.f32 v0, v0  }
0xfa: {  	s8 =	sand.u32 $0x380, s5;
	s1 =	sor.u32 s1, s4;
	v7 =	vld [tilespmem:s0+$0x6050];
	v1 =	vmul.f32 v1, v1  }
0xfb: {  	s31 =	sor.u32 s8, s1;
	v9 =	vld [tilespmem:s0+$0x6060];
	v8 =	vmul.f32 v2, v2;
	[tilespmem:s0+$0x12070] =	vst v0  }
0xfc: {  	v4 =	vld [tilespmem:s31+$0x6070];
	v6 =	vmul.f32 v6, v6;
	[tilespmem:s0+$0x12000] =	vst v1  }
0xfd: {  	v2 =	vld [tilespmem:s31+$0x6000];
	v0 =	vmul.f32 v3, v3;
	[tilespmem:s0+$0x12010] =	vst v8  }
0xfe: {  	v1 =	vmul.f32 v5, v5;
	v3 =	vld [tilespmem:s31+$0x6010];
	[tilespmem:s0+$0x12040] =	vst v6  }
0xff: {  	s5 =	simm.s32 $0x800;
	v5 =	vmul.f32 v7, v7;
	[tilespmem:s0+$0x12020] =	vst v0;
	v0 =	vld [tilespmem:s31+$0x6020]  }
0x100: {  	s6 =	simm.s32 $0x100;
	s4 =	simm.s32 $0x20;
	s1 =	simm.s32 $0x8;
	v6 =	vmul.f32 v9, v9;
	[tilespmem:s0+$0x12030] =	vst v1;
	v1 =	vld [tilespmem:s31+$0x6030]  }
.LBB2_10:
0x101: {  	s7 =	sand.u32 $0x6000, s6;
	s8 =	sand.u32 $0x1C00, s5;
	s1 =	sadd.s32 $0x8, s1;
	v7 =	vld [tilespmem:s31+$0x6040];
	v4 =	vmul.f32 v4, v4;
	[tilespmem:s0+$0x12050] =	vst v5  }
0x102: {  	s7 =	sor.u32 s8, s7;
	s8 =	sand.u32 $0x380, s4;
	p0 =	slt.u32 s1, $0x5F8;
	v2 =	vmul.f32 v2, v2;
	v5 =	vld [tilespmem:s31+$0x6050];
	[tilespmem:s0+$0x12060] =	vst v6  }
0x103: {  	s0 =	smov.u32 s31;
	v3 =	vmul.f32 v3, v3;
	v6 =	vld [tilespmem:s31+$0x6060];
	[tilespmem:s31+$0x12070] =	vst v4;
	s31 =	sor.u32 s8, s7  }
.Ltmp4:
0x104: {  	v4 =	vld [tilespmem:s31+$0x6070];
	[tilespmem:s0+$0x12000] =	vst v2;
	v0 =	vmul.f32 v0, v0;
	(pc) =	sbr.rel @p0 .LBB2_10-.Ltmp4, $4  }
0x105: {  	v2 =	vld [tilespmem:s31+$0x6000];
	[tilespmem:s0+$0x12010] =	vst v3;
	v1 =	vmul.f32 v1, v1  }
0x106: {  	v3 =	vld [tilespmem:s31+$0x6010];
	[tilespmem:s0+$0x12020] =	vst v0;
	v7 =	vmul.f32 v7, v7  }
0x107: {  	v0 =	vld [tilespmem:s31+$0x6020];
	[tilespmem:s0+$0x12030] =	vst v1;
	v5 =	vmul.f32 v5, v5  }
0x108: {  	s5 =	sadd.s32 $0x400, s5;
	s6 =	sadd.s32 $0x80, s6;
	s4 =	sadd.s32 $0x10, s4;
	v1 =	vld [tilespmem:s31+$0x6030];
	[tilespmem:s0+$0x12040] =	vst v7;
	v6 =	vmul.f32 v6, v6  }
0x109: {  	v7 =	vld [tilespmem:s31+$0x6040];
	v4 =	vmul.f32 v4, v4;
	[tilespmem:s0+$0x12050] =	vst v5  }
0x10a: {  	v5 =	vld [tilespmem:s31+$0x6050];
	v2 =	vmul.f32 v2, v2;
	[tilespmem:s0+$0x12060] =	vst v6  }
0x10b: {  	v6 =	vld [tilespmem:s31+$0x6060];
	v3 =	vmul.f32 v3, v3;
	[tilespmem:s31+$0x12070] =	vst v4  }
0x10c: {  	[tilespmem:s31+$0x12000] =	vst v2;
	v0 =	vmul.f32 v0, v0  }
0x10d: {  	[tilespmem:s31+$0x12010] =	vst v3;
	v1 =	vmul.f32 v1, v1  }
0x10e: {  	[tilespmem:s31+$0x12020] =	vst v0;
	v0 =	vmul.f32 v7, v7  }
0x10f: {  	[tilespmem:s31+$0x12030] =	vst v1;
	v1 =	vmul.f32 v5, v5  }
0x110: {  	[tilespmem:s31+$0x12040] =	vst v0;
	v0 =	vmul.f32 v6, v6  }
0x111: {  	[tilespmem:s31+$0x12050] =	vst v1  }
0x112: {  	[tilespmem:s31+$0x12060] =	vst v0  }
0x113: {  	s0 =	rddreg [dreg:$0xb]  }
0x114: {  	[hbm4b:s0+s18] =	stream.strided.scatter [tilespmem:s23], [sflag:$0x4], $0x6000, s19, s18, $0x38;
	[tilespmem:$0x1E000] =	vst v63  }
0x115: {  	s4 =	rddreg [dreg:$0xc]  }
0x116: {  	[tilespmem:s20], [sflag:$0x2] =	stream.strided.gather [hbm4b:s4+s18], $0x6000, s19, s18, $0x38;
	[tilespmem:$0x1E000] =	vst v63  }
0x117: {  	_ =	swait.ge [sflag:s26], $0x6000  }
0x118: {  	[sflag:s26] =	ssyncset.done $0x0  }
0x119: {  	s5 =	simm.s32 $0x0;
	[sflag:s26] =	ssyncadd.s32 $0xFFFFA000  }
0x11a: {  	s1 =	sand.u32 $0x6000, s5;
	s4 =	sand.u32 $0x1C00, s5;
	_ =	swait.ge [sflag:s29], $0x6000  }
0x11b: {  	s0 =	sand.u32 $0x380, s5;
	s1 =	sor.u32 s4, s1;
	[sflag:s29] =	ssyncset.done $0x0  }
0x11c: {  	s0 =	sor.u32 s0, s1;
	[sflag:s29] =	ssyncadd.s32 $0xFFFFA000  }
0x11d: {  	v0 =	vld [tilespmem:s0+$0xC070]  }
0x11e: {  	v1 =	vld [tilespmem:s0+$0xC000]  }
0x11f: {  	v2 =	vld [tilespmem:s0+$0xC010]  }
0x120: {  	v6 =	vld [tilespmem:s0+$0xC040]  }
0x121: {  	s6 =	simm.s32 $0x400;
	s7 =	simm.s32 $0x80;
	v3 =	vld [tilespmem:s0+$0xC020]  }
0x122: {  	s5 =	simm.s32 $0x10;
	s4 =	sand.u32 $0x6000, s7;
	s1 =	sand.u32 $0x1C00, s6;
	v5 =	vld [tilespmem:s0+$0xC030];
	v0 =	vmul.f32 v0, v0  }
0x123: {  	s8 =	sand.u32 $0x380, s5;
	s1 =	sor.u32 s1, s4;
	v7 =	vld [tilespmem:s0+$0xC050];
	v1 =	vmul.f32 v1, v1  }
0x124: {  	s31 =	sor.u32 s8, s1;
	v9 =	vld [tilespmem:s0+$0xC060];
	v8 =	vmul.f32 v2, v2;
	[tilespmem:s0+$0x18070] =	vst v0  }
0x125: {  	v4 =	vld [tilespmem:s31+$0xC070];
	v6 =	vmul.f32 v6, v6;
	[tilespmem:s0+$0x18000] =	vst v1  }
0x126: {  	v2 =	vld [tilespmem:s31+$0xC000];
	v0 =	vmul.f32 v3, v3;
	[tilespmem:s0+$0x18010] =	vst v8  }
0x127: {  	v1 =	vmul.f32 v5, v5;
	v3 =	vld [tilespmem:s31+$0xC010];
	[tilespmem:s0+$0x18040] =	vst v6  }
0x128: {  	s5 =	simm.s32 $0x800;
	v5 =	vmul.f32 v7, v7;
	[tilespmem:s0+$0x18020] =	vst v0;
	v0 =	vld [tilespmem:s31+$0xC020]  }
0x129: {  	s6 =	simm.s32 $0x100;
	s4 =	simm.s32 $0x20;
	s1 =	simm.s32 $0x8;
	v6 =	vmul.f32 v9, v9;
	[tilespmem:s0+$0x18030] =	vst v1;
	v1 =	vld [tilespmem:s31+$0xC030]  }
.LBB2_12:
0x12a: {  	s7 =	sand.u32 $0x6000, s6;
	s8 =	sand.u32 $0x1C00, s5;
	s1 =	sadd.s32 $0x8, s1;
	v7 =	vld [tilespmem:s31+$0xC040];
	v4 =	vmul.f32 v4, v4;
	[tilespmem:s0+$0x18050] =	vst v5  }
0x12b: {  	s7 =	sor.u32 s8, s7;
	s8 =	sand.u32 $0x380, s4;
	p0 =	slt.u32 s1, $0x5F8;
	v2 =	vmul.f32 v2, v2;
	v5 =	vld [tilespmem:s31+$0xC050];
	[tilespmem:s0+$0x18060] =	vst v6  }
0x12c: {  	s0 =	smov.u32 s31;
	v3 =	vmul.f32 v3, v3;
	v6 =	vld [tilespmem:s31+$0xC060];
	[tilespmem:s31+$0x18070] =	vst v4;
	s31 =	sor.u32 s8, s7  }
.Ltmp5:
0x12d: {  	v4 =	vld [tilespmem:s31+$0xC070];
	[tilespmem:s0+$0x18000] =	vst v2;
	v0 =	vmul.f32 v0, v0;
	(pc) =	sbr.rel @p0 .LBB2_12-.Ltmp5, $4  }
0x12e: {  	v2 =	vld [tilespmem:s31+$0xC000];
	[tilespmem:s0+$0x18010] =	vst v3;
	v1 =	vmul.f32 v1, v1  }
0x12f: {  	v3 =	vld [tilespmem:s31+$0xC010];
	[tilespmem:s0+$0x18020] =	vst v0;
	v7 =	vmul.f32 v7, v7  }
0x130: {  	v0 =	vld [tilespmem:s31+$0xC020];
	[tilespmem:s0+$0x18030] =	vst v1;
	v5 =	vmul.f32 v5, v5  }
0x131: {  	s5 =	sadd.s32 $0x400, s5;
	s6 =	sadd.s32 $0x80, s6;
	s4 =	sadd.s32 $0x10, s4;
	v1 =	vld [tilespmem:s31+$0xC030];
	[tilespmem:s0+$0x18040] =	vst v7;
	v6 =	vmul.f32 v6, v6  }
0x132: {  	v7 =	vld [tilespmem:s31+$0xC040];
	v4 =	vmul.f32 v4, v4;
	[tilespmem:s0+$0x18050] =	vst v5  }
0x133: {  	v5 =	vld [tilespmem:s31+$0xC050];
	v2 =	vmul.f32 v2, v2;
	[tilespmem:s0+$0x18060] =	vst v6  }
0x134: {  	v6 =	vld [tilespmem:s31+$0xC060];
	v3 =	vmul.f32 v3, v3;
	[tilespmem:s31+$0x18070] =	vst v4  }
0x135: {  	[tilespmem:s31+$0x18000] =	vst v2;
	v0 =	vmul.f32 v0, v0  }
0x136: {  	[tilespmem:s31+$0x18010] =	vst v3;
	v1 =	vmul.f32 v1, v1  }
0x137: {  	[tilespmem:s31+$0x18020] =	vst v0;
	v0 =	vmul.f32 v7, v7  }
0x138: {  	[tilespmem:s31+$0x18030] =	vst v1;
	v1 =	vmul.f32 v5, v5  }
0x139: {  	[tilespmem:s31+$0x18040] =	vst v0;
	v0 =	vmul.f32 v6, v6  }
0x13a: {  	[tilespmem:s31+$0x18050] =	vst v1  }
0x13b: {  	[tilespmem:s31+$0x18060] =	vst v0  }
0x13c: {  	s0 =	rddreg [dreg:$0x11]  }
0x13d: {  	[hbm4b:s0+s18] =	stream.strided.scatter [tilespmem:s25], [sflag:$0x5], $0x6000, s19, s18, $0x38;
	[tilespmem:$0x1E000] =	vst v63  }
0x13e: {  	s4 =	rddreg [dreg:$0x1c]  }
0x13f: {  	[tilespmem:s21], [sflag:$0x3] =	stream.strided.gather [hbm4b:s4+s18], $0x6000, s19, s18, $0x38;
	[tilespmem:$0x1E000] =	vst v63  }
0x140: {  	_ =	swait.ge [sflag:s22], $0x6000  }
0x141: {  	[sflag:s22] =	ssyncset.done $0x0  }
0x142: {  	s5 =	simm.s32 $0x0;
	[sflag:s22] =	ssyncadd.s32 $0xFFFFA000  }
0x143: {  	s1 =	sand.u32 $0x6000, s5;
	s4 =	sand.u32 $0x1C00, s5;
	_ =	swait.ge [sflag:s28], $0x6000  }
0x144: {  	s0 =	sand.u32 $0x380, s5;
	s1 =	sor.u32 s4, s1;
	[sflag:s28] =	ssyncset.done $0x0  }
0x145: {  	s0 =	sor.u32 s0, s1;
	[sflag:s28] =	ssyncadd.s32 $0xFFFFA000  }
0x146: {  	v0 =	vld [tilespmem:s0+$0x70]  }
0x147: {  	v1 =	vld [tilespmem:s0+$0x0]  }
0x148: {  	v2 =	vld [tilespmem:s0+$0x10]  }
0x149: {  	v6 =	vld [tilespmem:s0+$0x40]  }
0x14a: {  	s6 =	simm.s32 $0x400;
	s7 =	simm.s32 $0x80;
	v3 =	vld [tilespmem:s0+$0x20]  }
0x14b: {  	s5 =	simm.s32 $0x10;
	s4 =	sand.u32 $0x6000, s7;
	s1 =	sand.u32 $0x1C00, s6;
	v5 =	vld [tilespmem:s0+$0x30];
	v0 =	vmul.f32 v0, v0  }
0x14c: {  	s8 =	sand.u32 $0x380, s5;
	s1 =	sor.u32 s1, s4;
	v7 =	vld [tilespmem:s0+$0x50];
	v1 =	vmul.f32 v1, v1  }
0x14d: {  	s31 =	sor.u32 s8, s1;
	v9 =	vld [tilespmem:s0+$0x60];
	v8 =	vmul.f32 v2, v2;
	[tilespmem:s0+$0x12070] =	vst v0  }
0x14e: {  	v4 =	vld [tilespmem:s31+$0x70];
	v6 =	vmul.f32 v6, v6;
	[tilespmem:s0+$0x12000] =	vst v1  }
0x14f: {  	v2 =	vld [tilespmem:s31+$0x0];
	v0 =	vmul.f32 v3, v3;
	[tilespmem:s0+$0x12010] =	vst v8  }
0x150: {  	v1 =	vmul.f32 v5, v5;
	v3 =	vld [tilespmem:s31+$0x10];
	[tilespmem:s0+$0x12040] =	vst v6  }
0x151: {  	s5 =	simm.s32 $0x800;
	v5 =	vmul.f32 v7, v7;
	[tilespmem:s0+$0x12020] =	vst v0;
	v0 =	vld [tilespmem:s31+$0x20]  }
0x152: {  	s6 =	simm.s32 $0x100;
	s4 =	simm.s32 $0x20;
	s1 =	simm.s32 $0x8;
	v6 =	vmul.f32 v9, v9;
	[tilespmem:s0+$0x12030] =	vst v1;
	v1 =	vld [tilespmem:s31+$0x30]  }
.LBB2_14:
0x153: {  	s7 =	sand.u32 $0x6000, s6;
	s8 =	sand.u32 $0x1C00, s5;
	s1 =	sadd.s32 $0x8, s1;
	v7 =	vld [tilespmem:s31+$0x40];
	v4 =	vmul.f32 v4, v4;
	[tilespmem:s0+$0x12050] =	vst v5  }
0x154: {  	s7 =	sor.u32 s8, s7;
	s8 =	sand.u32 $0x380, s4;
	p0 =	slt.u32 s1, $0x5F8;
	v2 =	vmul.f32 v2, v2;
	v5 =	vld [tilespmem:s31+$0x50];
	[tilespmem:s0+$0x12060] =	vst v6  }
0x155: {  	s0 =	smov.u32 s31;
	v3 =	vmul.f32 v3, v3;
	v6 =	vld [tilespmem:s31+$0x60];
	[tilespmem:s31+$0x12070] =	vst v4;
	s31 =	sor.u32 s8, s7  }
.Ltmp6:
0x156: {  	v4 =	vld [tilespmem:s31+$0x70];
	[tilespmem:s0+$0x12000] =	vst v2;
	v0 =	vmul.f32 v0, v0;
	(pc) =	sbr.rel @p0 .LBB2_14-.Ltmp6, $4  }
0x157: {  	v2 =	vld [tilespmem:s31+$0x0];
	[tilespmem:s0+$0x12010] =	vst v3;
	v1 =	vmul.f32 v1, v1  }
0x158: {  	v3 =	vld [tilespmem:s31+$0x10];
	[tilespmem:s0+$0x12020] =	vst v0;
	v7 =	vmul.f32 v7, v7  }
0x159: {  	v0 =	vld [tilespmem:s31+$0x20];
	[tilespmem:s0+$0x12030] =	vst v1;
	v5 =	vmul.f32 v5, v5  }
0x15a: {  	s5 =	sadd.s32 $0x400, s5;
	s6 =	sadd.s32 $0x80, s6;
	s4 =	sadd.s32 $0x10, s4;
	v1 =	vld [tilespmem:s31+$0x30];
	[tilespmem:s0+$0x12040] =	vst v7;
	v6 =	vmul.f32 v6, v6  }
0x15b: {  	v7 =	vld [tilespmem:s31+$0x40];
	v4 =	vmul.f32 v4, v4;
	[tilespmem:s0+$0x12050] =	vst v5  }
0x15c: {  	v5 =	vld [tilespmem:s31+$0x50];
	v2 =	vmul.f32 v2, v2;
	[tilespmem:s0+$0x12060] =	vst v6  }
0x15d: {  	v6 =	vld [tilespmem:s31+$0x60];
	v3 =	vmul.f32 v3, v3;
	[tilespmem:s31+$0x12070] =	vst v4  }
0x15e: {  	[tilespmem:s31+$0x12000] =	vst v2;
	v0 =	vmul.f32 v0, v0  }
0x15f: {  	[tilespmem:s31+$0x12010] =	vst v3;
	v1 =	vmul.f32 v1, v1  }
0x160: {  	[tilespmem:s31+$0x12020] =	vst v0;
	v0 =	vmul.f32 v7, v7  }
0x161: {  	[tilespmem:s31+$0x12030] =	vst v1;
	v1 =	vmul.f32 v5, v5  }
0x162: {  	[tilespmem:s31+$0x12040] =	vst v0;
	v0 =	vmul.f32 v6, v6  }
0x163: {  	[tilespmem:s31+$0x12050] =	vst v1  }
0x164: {  	[tilespmem:s31+$0x12060] =	vst v0  }
0x165: {  	s0 =	rddreg [dreg:$0x12]  }
0x166: {  	[hbm4b:s0+s18] =	stream.strided.scatter [tilespmem:s23], [sflag:$0x4], $0x6000, s19, s18, $0x38;
	[tilespmem:$0x1E000] =	vst v63  }
0x167: {  	s8 =	simm.s32 $0x0;
	s1 =	rddreg [dreg:$0x1d]  }
0x168: {  	[tilespmem:s8], [sflag:$0x1] =	stream.strided.gather [hbm4b:s1+s18], $0x6000, s19, s18, $0x38;
	[tilespmem:$0x1E000] =	vst v63  }
0x169: {  	_ =	swait.ge [sflag:s24], $0x6000  }
0x16a: {  	[sflag:s24] =	ssyncset.done $0x0  }
0x16b: {  	[sflag:s24] =	ssyncadd.s32 $0xFFFFA000  }
0x16c: {  	s5 =	sand.u32 $0x6000, s8;
	s4 =	sand.u32 $0x1C00, s8;
	_ =	swait.ge [sflag:s29], $0x6000  }
0x16d: {  	s0 =	sand.u32 $0x380, s8;
	s1 =	sor.u32 s4, s5;
	[sflag:s29] =	ssyncset.done $0x0  }
0x16e: {  	s0 =	sor.u32 s0, s1;
	[sflag:s29] =	ssyncadd.s32 $0xFFFFA000  }
0x16f: {  	v0 =	vld [tilespmem:s0+$0x6070]  }
0x170: {  	v1 =	vld [tilespmem:s0+$0x6000]  }
0x171: {  	v2 =	vld [tilespmem:s0+$0x6010]  }
0x172: {  	v6 =	vld [tilespmem:s0+$0x6040]  }
0x173: {  	s6 =	simm.s32 $0x400;
	s7 =	simm.s32 $0x80;
	v3 =	vld [tilespmem:s0+$0x6020]  }
0x174: {  	s5 =	simm.s32 $0x10;
	s4 =	sand.u32 $0x6000, s7;
	s1 =	sand.u32 $0x1C00, s6;
	v5 =	vld [tilespmem:s0+$0x6030];
	v0 =	vmul.f32 v0, v0  }
0x175: {  	s8 =	sand.u32 $0x380, s5;
	s1 =	sor.u32 s1, s4;
	v7 =	vld [tilespmem:s0+$0x6050];
	v1 =	vmul.f32 v1, v1  }
0x176: {  	s31 =	sor.u32 s8, s1;
	v9 =	vld [tilespmem:s0+$0x6060];
	v8 =	vmul.f32 v2, v2;
	[tilespmem:s0+$0x18070] =	vst v0  }
0x177: {  	v4 =	vld [tilespmem:s31+$0x6070];
	v6 =	vmul.f32 v6, v6;
	[tilespmem:s0+$0x18000] =	vst v1  }
0x178: {  	v2 =	vld [tilespmem:s31+$0x6000];
	v0 =	vmul.f32 v3, v3;
	[tilespmem:s0+$0x18010] =	vst v8  }
0x179: {  	v1 =	vmul.f32 v5, v5;
	v3 =	vld [tilespmem:s31+$0x6010];
	[tilespmem:s0+$0x18040] =	vst v6  }
0x17a: {  	s5 =	simm.s32 $0x800;
	v5 =	vmul.f32 v7, v7;
	[tilespmem:s0+$0x18020] =	vst v0;
	v0 =	vld [tilespmem:s31+$0x6020]  }
0x17b: {  	s6 =	simm.s32 $0x100;
	s4 =	simm.s32 $0x20;
	s1 =	simm.s32 $0x8;
	v6 =	vmul.f32 v9, v9;
	[tilespmem:s0+$0x18030] =	vst v1;
	v1 =	vld [tilespmem:s31+$0x6030]  }
.LBB2_16:
0x17c: {  	s7 =	sand.u32 $0x6000, s6;
	s8 =	sand.u32 $0x1C00, s5;
	s1 =	sadd.s32 $0x8, s1;
	v7 =	vld [tilespmem:s31+$0x6040];
	v4 =	vmul.f32 v4, v4;
	[tilespmem:s0+$0x18050] =	vst v5  }
0x17d: {  	s7 =	sor.u32 s8, s7;
	s8 =	sand.u32 $0x380, s4;
	p0 =	slt.u32 s1, $0x5F8;
	v2 =	vmul.f32 v2, v2;
	v5 =	vld [tilespmem:s31+$0x6050];
	[tilespmem:s0+$0x18060] =	vst v6  }
0x17e: {  	s0 =	smov.u32 s31;
	v3 =	vmul.f32 v3, v3;
	v6 =	vld [tilespmem:s31+$0x6060];
	[tilespmem:s31+$0x18070] =	vst v4;
	s31 =	sor.u32 s8, s7  }
.Ltmp7:
0x17f: {  	v4 =	vld [tilespmem:s31+$0x6070];
	[tilespmem:s0+$0x18000] =	vst v2;
	v0 =	vmul.f32 v0, v0;
	(pc) =	sbr.rel @p0 .LBB2_16-.Ltmp7, $4  }
0x180: {  	v2 =	vld [tilespmem:s31+$0x6000];
	[tilespmem:s0+$0x18010] =	vst v3;
	v1 =	vmul.f32 v1, v1  }
0x181: {  	v3 =	vld [tilespmem:s31+$0x6010];
	[tilespmem:s0+$0x18020] =	vst v0;
	v7 =	vmul.f32 v7, v7  }
0x182: {  	v0 =	vld [tilespmem:s31+$0x6020];
	[tilespmem:s0+$0x18030] =	vst v1;
	v5 =	vmul.f32 v5, v5  }
0x183: {  	s5 =	sadd.s32 $0x400, s5;
	s6 =	sadd.s32 $0x80, s6;
	s4 =	sadd.s32 $0x10, s4;
	v1 =	vld [tilespmem:s31+$0x6030];
	[tilespmem:s0+$0x18040] =	vst v7;
	v6 =	vmul.f32 v6, v6  }
0x184: {  	v7 =	vld [tilespmem:s31+$0x6040];
	v4 =	vmul.f32 v4, v4;
	[tilespmem:s0+$0x18050] =	vst v5  }
0x185: {  	v5 =	vld [tilespmem:s31+$0x6050];
	v2 =	vmul.f32 v2, v2;
	[tilespmem:s0+$0x18060] =	vst v6  }
0x186: {  	v6 =	vld [tilespmem:s31+$0x6060];
	v3 =	vmul.f32 v3, v3;
	[tilespmem:s31+$0x18070] =	vst v4  }
0x187: {  	[tilespmem:s31+$0x18000] =	vst v2;
	v0 =	vmul.f32 v0, v0  }
0x188: {  	[tilespmem:s31+$0x18010] =	vst v3;
	v1 =	vmul.f32 v1, v1  }
0x189: {  	[tilespmem:s31+$0x18020] =	vst v0;
	v0 =	vmul.f32 v7, v7  }
0x18a: {  	[tilespmem:s31+$0x18030] =	vst v1;
	v1 =	vmul.f32 v5, v5  }
0x18b: {  	[tilespmem:s31+$0x18040] =	vst v0;
	v0 =	vmul.f32 v6, v6  }
0x18c: {  	[tilespmem:s31+$0x18050] =	vst v1  }
0x18d: {  	[tilespmem:s31+$0x18060] =	vst v0  }
0x18e: {  	s0 =	rddreg [dreg:$0x13]  }
0x18f: {  	[hbm4b:s0+s18] =	stream.strided.scatter [tilespmem:s25], [sflag:$0x5], $0x6000, s19, s18, $0x38;
	[tilespmem:$0x1E000] =	vst v63  }
0x190: {  	s4 =	rddreg [dreg:$0x1e]  }
0x191: {  	[tilespmem:s20], [sflag:$0x2] =	stream.strided.gather [hbm4b:s4+s18], $0x6000, s19, s18, $0x38;
	[tilespmem:$0x1E000] =	vst v63  }
0x192: {  	_ =	swait.ge [sflag:s26], $0x6000  }
0x193: {  	[sflag:s26] =	ssyncset.done $0x0  }
0x194: {  	s5 =	simm.s32 $0x0;
	[sflag:s26] =	ssyncadd.s32 $0xFFFFA000  }
0x195: {  	s1 =	sand.u32 $0x6000, s5;
	s4 =	sand.u32 $0x1C00, s5;
	_ =	swait.ge [sflag:s28], $0x6000  }
0x196: {  	s0 =	sand.u32 $0x380, s5;
	s1 =	sor.u32 s4, s1;
	[sflag:s28] =	ssyncset.done $0x0  }
0x197: {  	s0 =	sor.u32 s0, s1;
	[sflag:s28] =	ssyncadd.s32 $0xFFFFA000  }
0x198: {  	v0 =	vld [tilespmem:s0+$0xC070]  }
0x199: {  	v1 =	vld [tilespmem:s0+$0xC000]  }
0x19a: {  	v2 =	vld [tilespmem:s0+$0xC010]  }
0x19b: {  	v6 =	vld [tilespmem:s0+$0xC040]  }
0x19c: {  	s6 =	simm.s32 $0x400;
	s7 =	simm.s32 $0x80;
	v3 =	vld [tilespmem:s0+$0xC020]  }
0x19d: {  	s5 =	simm.s32 $0x10;
	s4 =	sand.u32 $0x6000, s7;
	s1 =	sand.u32 $0x1C00, s6;
	v5 =	vld [tilespmem:s0+$0xC030];
	v0 =	vmul.f32 v0, v0  }
0x19e: {  	s8 =	sand.u32 $0x380, s5;
	s1 =	sor.u32 s1, s4;
	v7 =	vld [tilespmem:s0+$0xC050];
	v1 =	vmul.f32 v1, v1  }
0x19f: {  	s31 =	sor.u32 s8, s1;
	v9 =	vld [tilespmem:s0+$0xC060];
	v8 =	vmul.f32 v2, v2;
	[tilespmem:s0+$0x12070] =	vst v0  }
0x1a0: {  	v4 =	vld [tilespmem:s31+$0xC070];
	v6 =	vmul.f32 v6, v6;
	[tilespmem:s0+$0x12000] =	vst v1  }
0x1a1: {  	v2 =	vld [tilespmem:s31+$0xC000];
	v0 =	vmul.f32 v3, v3;
	[tilespmem:s0+$0x12010] =	vst v8  }
0x1a2: {  	v1 =	vmul.f32 v5, v5;
	v3 =	vld [tilespmem:s31+$0xC010];
	[tilespmem:s0+$0x12040] =	vst v6  }
0x1a3: {  	s5 =	simm.s32 $0x800;
	v5 =	vmul.f32 v7, v7;
	[tilespmem:s0+$0x12020] =	vst v0;
	v0 =	vld [tilespmem:s31+$0xC020]  }
0x1a4: {  	s6 =	simm.s32 $0x100;
	s4 =	simm.s32 $0x20;
	s1 =	simm.s32 $0x8;
	v6 =	vmul.f32 v9, v9;
	[tilespmem:s0+$0x12030] =	vst v1;
	v1 =	vld [tilespmem:s31+$0xC030]  }
.LBB2_18:
0x1a5: {  	s7 =	sand.u32 $0x6000, s6;
	s8 =	sand.u32 $0x1C00, s5;
	s1 =	sadd.s32 $0x8, s1;
	v7 =	vld [tilespmem:s31+$0xC040];
	v4 =	vmul.f32 v4, v4;
	[tilespmem:s0+$0x12050] =	vst v5  }
0x1a6: {  	s7 =	sor.u32 s8, s7;
	s8 =	sand.u32 $0x380, s4;
	p0 =	slt.u32 s1, $0x5F8;
	v2 =	vmul.f32 v2, v2;
	v5 =	vld [tilespmem:s31+$0xC050];
	[tilespmem:s0+$0x12060] =	vst v6  }
0x1a7: {  	s0 =	smov.u32 s31;
	v3 =	vmul.f32 v3, v3;
	v6 =	vld [tilespmem:s31+$0xC060];
	[tilespmem:s31+$0x12070] =	vst v4;
	s31 =	sor.u32 s8, s7  }
.Ltmp8:
0x1a8: {  	v4 =	vld [tilespmem:s31+$0xC070];
	[tilespmem:s0+$0x12000] =	vst v2;
	v0 =	vmul.f32 v0, v0;
	(pc) =	sbr.rel @p0 .LBB2_18-.Ltmp8, $4  }
0x1a9: {  	v2 =	vld [tilespmem:s31+$0xC000];
	[tilespmem:s0+$0x12010] =	vst v3;
	v1 =	vmul.f32 v1, v1  }
0x1aa: {  	v3 =	vld [tilespmem:s31+$0xC010];
	[tilespmem:s0+$0x12020] =	vst v0;
	v7 =	vmul.f32 v7, v7  }
0x1ab: {  	v0 =	vld [tilespmem:s31+$0xC020];
	[tilespmem:s0+$0x12030] =	vst v1;
	v5 =	vmul.f32 v5, v5  }
0x1ac: {  	s5 =	sadd.s32 $0x400, s5;
	s6 =	sadd.s32 $0x80, s6;
	s4 =	sadd.s32 $0x10, s4;
	v1 =	vld [tilespmem:s31+$0xC030];
	[tilespmem:s0+$0x12040] =	vst v7;
	v6 =	vmul.f32 v6, v6  }
0x1ad: {  	v7 =	vld [tilespmem:s31+$0xC040];
	v4 =	vmul.f32 v4, v4;
	[tilespmem:s0+$0x12050] =	vst v5  }
0x1ae: {  	v5 =	vld [tilespmem:s31+$0xC050];
	v2 =	vmul.f32 v2, v2;
	[tilespmem:s0+$0x12060] =	vst v6  }
0x1af: {  	v6 =	vld [tilespmem:s31+$0xC060];
	v3 =	vmul.f32 v3, v3;
	[tilespmem:s31+$0x12070] =	vst v4  }
0x1b0: {  	[tilespmem:s31+$0x12000] =	vst v2;
	v0 =	vmul.f32 v0, v0  }
0x1b1: {  	[tilespmem:s31+$0x12010] =	vst v3;
	v1 =	vmul.f32 v1, v1  }
0x1b2: {  	[tilespmem:s31+$0x12020] =	vst v0;
	v0 =	vmul.f32 v7, v7  }
0x1b3: {  	[tilespmem:s31+$0x12030] =	vst v1;
	v1 =	vmul.f32 v5, v5  }
0x1b4: {  	[tilespmem:s31+$0x12040] =	vst v0;
	v0 =	vmul.f32 v6, v6  }
0x1b5: {  	[tilespmem:s31+$0x12050] =	vst v1  }
0x1b6: {  	[tilespmem:s31+$0x12060] =	vst v0  }
0x1b7: {  	s0 =	rddreg [dreg:$0x14]  }
0x1b8: {  	[hbm4b:s0+s18] =	stream.strided.scatter [tilespmem:s23], [sflag:$0x4], $0x6000, s19, s18, $0x38;
	[tilespmem:$0x1E000] =	vst v63  }
0x1b9: {  	s4 =	rddreg [dreg:$0x1f]  }
0x1ba: {  	[tilespmem:s21], [sflag:$0x3] =	stream.strided.gather [hbm4b:s4+s18], $0x6000, s19, s18, $0x38;
	[tilespmem:$0x1E000] =	vst v63  }
0x1bb: {  	_ =	swait.ge [sflag:s22], $0x6000  }
0x1bc: {  	[sflag:s22] =	ssyncset.done $0x0  }
0x1bd: {  	s5 =	simm.s32 $0x0;
	[sflag:s22] =	ssyncadd.s32 $0xFFFFA000  }
0x1be: {  	s1 =	sand.u32 $0x6000, s5;
	s4 =	sand.u32 $0x1C00, s5;
	_ =	swait.ge [sflag:s29], $0x6000  }
0x1bf: {  	s0 =	sand.u32 $0x380, s5;
	s1 =	sor.u32 s4, s1;
	[sflag:s29] =	ssyncset.done $0x0  }
0x1c0: {  	s0 =	sor.u32 s0, s1;
	[sflag:s29] =	ssyncadd.s32 $0xFFFFA000  }
0x1c1: {  	v0 =	vld [tilespmem:s0+$0x70]  }
0x1c2: {  	v1 =	vld [tilespmem:s0+$0x0]  }
0x1c3: {  	v2 =	vld [tilespmem:s0+$0x10]  }
0x1c4: {  	v6 =	vld [tilespmem:s0+$0x40]  }
0x1c5: {  	s6 =	simm.s32 $0x400;
	s7 =	simm.s32 $0x80;
	v3 =	vld [tilespmem:s0+$0x20]  }
0x1c6: {  	s5 =	simm.s32 $0x10;
	s4 =	sand.u32 $0x6000, s7;
	s1 =	sand.u32 $0x1C00, s6;
	v5 =	vld [tilespmem:s0+$0x30];
	v0 =	vmul.f32 v0, v0  }
0x1c7: {  	s8 =	sand.u32 $0x380, s5;
	s1 =	sor.u32 s1, s4;
	v7 =	vld [tilespmem:s0+$0x50];
	v1 =	vmul.f32 v1, v1  }
0x1c8: {  	s31 =	sor.u32 s8, s1;
	v9 =	vld [tilespmem:s0+$0x60];
	v8 =	vmul.f32 v2, v2;
	[tilespmem:s0+$0x18070] =	vst v0  }
0x1c9: {  	v4 =	vld [tilespmem:s31+$0x70];
	v6 =	vmul.f32 v6, v6;
	[tilespmem:s0+$0x18000] =	vst v1  }
0x1ca: {  	v2 =	vld [tilespmem:s31+$0x0];
	v0 =	vmul.f32 v3, v3;
	[tilespmem:s0+$0x18010] =	vst v8  }
0x1cb: {  	v1 =	vmul.f32 v5, v5;
	v3 =	vld [tilespmem:s31+$0x10];
	[tilespmem:s0+$0x18040] =	vst v6  }
0x1cc: {  	s5 =	simm.s32 $0x800;
	v5 =	vmul.f32 v7, v7;
	[tilespmem:s0+$0x18020] =	vst v0;
	v0 =	vld [tilespmem:s31+$0x20]  }
0x1cd: {  	s6 =	simm.s32 $0x100;
	s4 =	simm.s32 $0x20;
	s1 =	simm.s32 $0x8;
	v6 =	vmul.f32 v9, v9;
	[tilespmem:s0+$0x18030] =	vst v1;
	v1 =	vld [tilespmem:s31+$0x30]  }
.LBB2_20:
0x1ce: {  	s7 =	sand.u32 $0x6000, s6;
	s8 =	sand.u32 $0x1C00, s5;
	s1 =	sadd.s32 $0x8, s1;
	v7 =	vld [tilespmem:s31+$0x40];
	v4 =	vmul.f32 v4, v4;
	[tilespmem:s0+$0x18050] =	vst v5  }
0x1cf: {  	s7 =	sor.u32 s8, s7;
	s8 =	sand.u32 $0x380, s4;
	p0 =	slt.u32 s1, $0x5F8;
	v2 =	vmul.f32 v2, v2;
	v5 =	vld [tilespmem:s31+$0x50];
	[tilespmem:s0+$0x18060] =	vst v6  }
0x1d0: {  	s0 =	smov.u32 s31;
	v3 =	vmul.f32 v3, v3;
	v6 =	vld [tilespmem:s31+$0x60];
	[tilespmem:s31+$0x18070] =	vst v4;
	s31 =	sor.u32 s8, s7  }
.Ltmp9:
0x1d1: {  	v4 =	vld [tilespmem:s31+$0x70];
	[tilespmem:s0+$0x18000] =	vst v2;
	v0 =	vmul.f32 v0, v0;
	(pc) =	sbr.rel @p0 .LBB2_20-.Ltmp9, $4  }
0x1d2: {  	v2 =	vld [tilespmem:s31+$0x0];
	[tilespmem:s0+$0x18010] =	vst v3;
	v1 =	vmul.f32 v1, v1  }
0x1d3: {  	v3 =	vld [tilespmem:s31+$0x10];
	[tilespmem:s0+$0x18020] =	vst v0;
	v7 =	vmul.f32 v7, v7  }
0x1d4: {  	v0 =	vld [tilespmem:s31+$0x20];
	[tilespmem:s0+$0x18030] =	vst v1;
	v5 =	vmul.f32 v5, v5  }
0x1d5: {  	s5 =	sadd.s32 $0x400, s5;
	s6 =	sadd.s32 $0x80, s6;
	s4 =	sadd.s32 $0x10, s4;
	v1 =	vld [tilespmem:s31+$0x30];
	[tilespmem:s0+$0x18040] =	vst v7;
	v6 =	vmul.f32 v6, v6  }
0x1d6: {  	v7 =	vld [tilespmem:s31+$0x40];
	v4 =	vmul.f32 v4, v4;
	[tilespmem:s0+$0x18050] =	vst v5  }
0x1d7: {  	v5 =	vld [tilespmem:s31+$0x50];
	v2 =	vmul.f32 v2, v2;
	[tilespmem:s0+$0x18060] =	vst v6  }
0x1d8: {  	v6 =	vld [tilespmem:s31+$0x60];
	v3 =	vmul.f32 v3, v3;
	[tilespmem:s31+$0x18070] =	vst v4  }
0x1d9: {  	[tilespmem:s31+$0x18000] =	vst v2;
	v0 =	vmul.f32 v0, v0  }
0x1da: {  	[tilespmem:s31+$0x18010] =	vst v3;
	v1 =	vmul.f32 v1, v1  }
0x1db: {  	[tilespmem:s31+$0x18020] =	vst v0;
	v0 =	vmul.f32 v7, v7  }
0x1dc: {  	[tilespmem:s31+$0x18030] =	vst v1;
	v1 =	vmul.f32 v5, v5  }
0x1dd: {  	[tilespmem:s31+$0x18040] =	vst v0;
	v0 =	vmul.f32 v6, v6  }
0x1de: {  	[tilespmem:s31+$0x18050] =	vst v1  }
0x1df: {  	[tilespmem:s31+$0x18060] =	vst v0  }
0x1e0: {  	s0 =	rddreg [dreg:$0x15]  }
0x1e1: {  	s1 =	sld [smem:$0x7DA]  }
0x1e2: {  	[hbm4b:s0+s18] =	stream.strided.scatter [tilespmem:s25], [sflag:$0x5], $0x6000, s19, s18, $0x38;
	[tilespmem:$0x1E000] =	vst v63  }
0x1e3: {  	s8 =	simm.s32 $0x0  }
0x1e4: {  	[tilespmem:s8], [sflag:$0x1] =	stream.strided.gather [hbm4b:s1+s18], $0x6000, s19, s18, $0x38;
	[tilespmem:$0x1E000] =	vst v63  }
0x1e5: {  	_ =	swait.ge [sflag:s24], $0x6000  }
0x1e6: {  	[sflag:s24] =	ssyncset.done $0x0  }
0x1e7: {  	[sflag:s24] =	ssyncadd.s32 $0xFFFFA000  }
0x1e8: {  	s5 =	sand.u32 $0x6000, s8;
	s4 =	sand.u32 $0x1C00, s8;
	_ =	swait.ge [sflag:s28], $0x6000  }
0x1e9: {  	s0 =	sand.u32 $0x380, s8;
	s1 =	sor.u32 s4, s5;
	[sflag:s28] =	ssyncset.done $0x0  }
0x1ea: {  	s0 =	sor.u32 s0, s1;
	[sflag:s28] =	ssyncadd.s32 $0xFFFFA000  }
0x1eb: {  	v0 =	vld [tilespmem:s0+$0x6070]  }
0x1ec: {  	v1 =	vld [tilespmem:s0+$0x6000]  }
0x1ed: {  	v2 =	vld [tilespmem:s0+$0x6010]  }
0x1ee: {  	v6 =	vld [tilespmem:s0+$0x6040]  }
0x1ef: {  	s6 =	simm.s32 $0x400;
	s7 =	simm.s32 $0x80;
	v3 =	vld [tilespmem:s0+$0x6020]  }
0x1f0: {  	s5 =	simm.s32 $0x10;
	s4 =	sand.u32 $0x6000, s7;
	s1 =	sand.u32 $0x1C00, s6;
	v5 =	vld [tilespmem:s0+$0x6030];
	v0 =	vmul.f32 v0, v0  }
0x1f1: {  	s8 =	sand.u32 $0x380, s5;
	s1 =	sor.u32 s1, s4;
	v7 =	vld [tilespmem:s0+$0x6050];
	v1 =	vmul.f32 v1, v1  }
0x1f2: {  	s31 =	sor.u32 s8, s1;
	v9 =	vld [tilespmem:s0+$0x6060];
	v8 =	vmul.f32 v2, v2;
	[tilespmem:s0+$0x12070] =	vst v0  }
0x1f3: {  	v4 =	vld [tilespmem:s31+$0x6070];
	v6 =	vmul.f32 v6, v6;
	[tilespmem:s0+$0x12000] =	vst v1  }
0x1f4: {  	v2 =	vld [tilespmem:s31+$0x6000];
	v0 =	vmul.f32 v3, v3;
	[tilespmem:s0+$0x12010] =	vst v8  }
0x1f5: {  	v1 =	vmul.f32 v5, v5;
	v3 =	vld [tilespmem:s31+$0x6010];
	[tilespmem:s0+$0x12040] =	vst v6  }
0x1f6: {  	s5 =	simm.s32 $0x800;
	v5 =	vmul.f32 v7, v7;
	[tilespmem:s0+$0x12020] =	vst v0;
	v0 =	vld [tilespmem:s31+$0x6020]  }
0x1f7: {  	s6 =	simm.s32 $0x100;
	s4 =	simm.s32 $0x20;
	s1 =	simm.s32 $0x8;
	v6 =	vmul.f32 v9, v9;
	[tilespmem:s0+$0x12030] =	vst v1;
	v1 =	vld [tilespmem:s31+$0x6030]  }
.LBB2_22:
0x1f8: {  	s7 =	sand.u32 $0x6000, s6;
	s8 =	sand.u32 $0x1C00, s5;
	s1 =	sadd.s32 $0x8, s1;
	v7 =	vld [tilespmem:s31+$0x6040];
	v4 =	vmul.f32 v4, v4;
	[tilespmem:s0+$0x12050] =	vst v5  }
0x1f9: {  	s7 =	sor.u32 s8, s7;
	s8 =	sand.u32 $0x380, s4;
	p0 =	slt.u32 s1, $0x5F8;
	v2 =	vmul.f32 v2, v2;
	v5 =	vld [tilespmem:s31+$0x6050];
	[tilespmem:s0+$0x12060] =	vst v6  }
0x1fa: {  	s0 =	smov.u32 s31;
	v3 =	vmul.f32 v3, v3;
	v6 =	vld [tilespmem:s31+$0x6060];
	[tilespmem:s31+$0x12070] =	vst v4;
	s31 =	sor.u32 s8, s7  }
.Ltmp10:
0x1fb: {  	v4 =	vld [tilespmem:s31+$0x6070];
	[tilespmem:s0+$0x12000] =	vst v2;
	v0 =	vmul.f32 v0, v0;
	(pc) =	sbr.rel @p0 .LBB2_22-.Ltmp10, $4  }
0x1fc: {  	v2 =	vld [tilespmem:s31+$0x6000];
	[tilespmem:s0+$0x12010] =	vst v3;
	v1 =	vmul.f32 v1, v1  }
0x1fd: {  	v3 =	vld [tilespmem:s31+$0x6010];
	[tilespmem:s0+$0x12020] =	vst v0;
	v7 =	vmul.f32 v7, v7  }
0x1fe: {  	v0 =	vld [tilespmem:s31+$0x6020];
	[tilespmem:s0+$0x12030] =	vst v1;
	v5 =	vmul.f32 v5, v5  }
0x1ff: {  	s5 =	sadd.s32 $0x400, s5;
	s6 =	sadd.s32 $0x80, s6;
	s4 =	sadd.s32 $0x10, s4;
	v1 =	vld [tilespmem:s31+$0x6030];
	[tilespmem:s0+$0x12040] =	vst v7;
	v6 =	vmul.f32 v6, v6  }
0x200: {  	v7 =	vld [tilespmem:s31+$0x6040];
	v4 =	vmul.f32 v4, v4;
	[tilespmem:s0+$0x12050] =	vst v5  }
0x201: {  	v5 =	vld [tilespmem:s31+$0x6050];
	v2 =	vmul.f32 v2, v2;
	[tilespmem:s0+$0x12060] =	vst v6  }
0x202: {  	v6 =	vld [tilespmem:s31+$0x6060];
	v3 =	vmul.f32 v3, v3;
	[tilespmem:s31+$0x12070] =	vst v4  }
0x203: {  	[tilespmem:s31+$0x12000] =	vst v2;
	v0 =	vmul.f32 v0, v0  }
0x204: {  	[tilespmem:s31+$0x12010] =	vst v3;
	v1 =	vmul.f32 v1, v1  }
0x205: {  	[tilespmem:s31+$0x12020] =	vst v0;
	v0 =	vmul.f32 v7, v7  }
0x206: {  	[tilespmem:s31+$0x12030] =	vst v1;
	v1 =	vmul.f32 v5, v5  }
0x207: {  	[tilespmem:s31+$0x12040] =	vst v0;
	v0 =	vmul.f32 v6, v6  }
0x208: {  	[tilespmem:s31+$0x12050] =	vst v1  }
0x209: {  	[tilespmem:s31+$0x12060] =	vst v0  }
0x20a: {  	s0 =	rddreg [dreg:$0x16]  }
0x20b: {  	s4 =	sld [smem:$0x7DB]  }
0x20c: {  	[hbm4b:s0+s18] =	stream.strided.scatter [tilespmem:s23], [sflag:$0x4], $0x6000, s19, s18, $0x38;
	[tilespmem:$0x1E000] =	vst v63  }
0x20d: {  	_ = 	snop  }
0x20e: {  	[tilespmem:s20], [sflag:$0x2] =	stream.strided.gather [hbm4b:s4+s18], $0x6000, s19, s18, $0x38;
	[tilespmem:$0x1E000] =	vst v63  }
0x20f: {  	_ =	swait.ge [sflag:s26], $0x6000  }
0x210: {  	[sflag:s26] =	ssyncset.done $0x0  }
0x211: {  	s5 =	simm.s32 $0x0;
	[sflag:s26] =	ssyncadd.s32 $0xFFFFA000  }
0x212: {  	s1 =	sand.u32 $0x6000, s5;
	s4 =	sand.u32 $0x1C00, s5;
	_ =	swait.ge [sflag:s29], $0x6000  }
0x213: {  	s0 =	sand.u32 $0x380, s5;
	s1 =	sor.u32 s4, s1;
	[sflag:s29] =	ssyncset.done $0x0  }
0x214: {  	s0 =	sor.u32 s0, s1;
	[sflag:s29] =	ssyncadd.s32 $0xFFFFA000  }
0x215: {  	v0 =	vld [tilespmem:s0+$0xC070]  }
0x216: {  	v1 =	vld [tilespmem:s0+$0xC000]  }
0x217: {  	v2 =	vld [tilespmem:s0+$0xC010]  }
0x218: {  	v6 =	vld [tilespmem:s0+$0xC040]  }
0x219: {  	s6 =	simm.s32 $0x400;
	s7 =	simm.s32 $0x80;
	v3 =	vld [tilespmem:s0+$0xC020]  }
0x21a: {  	s5 =	simm.s32 $0x10;
	s4 =	sand.u32 $0x6000, s7;
	s1 =	sand.u32 $0x1C00, s6;
	v5 =	vld [tilespmem:s0+$0xC030];
	v0 =	vmul.f32 v0, v0  }
0x21b: {  	s8 =	sand.u32 $0x380, s5;
	s1 =	sor.u32 s1, s4;
	v7 =	vld [tilespmem:s0+$0xC050];
	v1 =	vmul.f32 v1, v1  }
0x21c: {  	s31 =	sor.u32 s8, s1;
	v9 =	vld [tilespmem:s0+$0xC060];
	v8 =	vmul.f32 v2, v2;
	[tilespmem:s0+$0x18070] =	vst v0  }
0x21d: {  	v4 =	vld [tilespmem:s31+$0xC070];
	v6 =	vmul.f32 v6, v6;
	[tilespmem:s0+$0x18000] =	vst v1  }
0x21e: {  	v2 =	vld [tilespmem:s31+$0xC000];
	v0 =	vmul.f32 v3, v3;
	[tilespmem:s0+$0x18010] =	vst v8  }
0x21f: {  	v1 =	vmul.f32 v5, v5;
	v3 =	vld [tilespmem:s31+$0xC010];
	[tilespmem:s0+$0x18040] =	vst v6  }
0x220: {  	s5 =	simm.s32 $0x800;
	v5 =	vmul.f32 v7, v7;
	[tilespmem:s0+$0x18020] =	vst v0;
	v0 =	vld [tilespmem:s31+$0xC020]  }
0x221: {  	s6 =	simm.s32 $0x100;
	s4 =	simm.s32 $0x20;
	s1 =	simm.s32 $0x8;
	v6 =	vmul.f32 v9, v9;
	[tilespmem:s0+$0x18030] =	vst v1;
	v1 =	vld [tilespmem:s31+$0xC030]  }
.LBB2_24:
0x222: {  	s7 =	sand.u32 $0x6000, s6;
	s8 =	sand.u32 $0x1C00, s5;
	s1 =	sadd.s32 $0x8, s1;
	v7 =	vld [tilespmem:s31+$0xC040];
	v4 =	vmul.f32 v4, v4;
	[tilespmem:s0+$0x18050] =	vst v5  }
0x223: {  	s7 =	sor.u32 s8, s7;
	s8 =	sand.u32 $0x380, s4;
	p0 =	slt.u32 s1, $0x5F8;
	v2 =	vmul.f32 v2, v2;
	v5 =	vld [tilespmem:s31+$0xC050];
	[tilespmem:s0+$0x18060] =	vst v6  }
0x224: {  	s0 =	smov.u32 s31;
	v3 =	vmul.f32 v3, v3;
	v6 =	vld [tilespmem:s31+$0xC060];
	[tilespmem:s31+$0x18070] =	vst v4;
	s31 =	sor.u32 s8, s7  }
.Ltmp11:
0x225: {  	v4 =	vld [tilespmem:s31+$0xC070];
	[tilespmem:s0+$0x18000] =	vst v2;
	v0 =	vmul.f32 v0, v0;
	(pc) =	sbr.rel @p0 .LBB2_24-.Ltmp11, $4  }
0x226: {  	v2 =	vld [tilespmem:s31+$0xC000];
	[tilespmem:s0+$0x18010] =	vst v3;
	v1 =	vmul.f32 v1, v1  }
0x227: {  	v3 =	vld [tilespmem:s31+$0xC010];
	[tilespmem:s0+$0x18020] =	vst v0;
	v7 =	vmul.f32 v7, v7  }
0x228: {  	v0 =	vld [tilespmem:s31+$0xC020];
	[tilespmem:s0+$0x18030] =	vst v1;
	v5 =	vmul.f32 v5, v5  }
0x229: {  	s5 =	sadd.s32 $0x400, s5;
	s6 =	sadd.s32 $0x80, s6;
	s4 =	sadd.s32 $0x10, s4;
	v1 =	vld [tilespmem:s31+$0xC030];
	[tilespmem:s0+$0x18040] =	vst v7;
	v6 =	vmul.f32 v6, v6  }
0x22a: {  	v7 =	vld [tilespmem:s31+$0xC040];
	v4 =	vmul.f32 v4, v4;
	[tilespmem:s0+$0x18050] =	vst v5  }
0x22b: {  	v5 =	vld [tilespmem:s31+$0xC050];
	v2 =	vmul.f32 v2, v2;
	[tilespmem:s0+$0x18060] =	vst v6  }
0x22c: {  	v6 =	vld [tilespmem:s31+$0xC060];
	v3 =	vmul.f32 v3, v3;
	[tilespmem:s31+$0x18070] =	vst v4  }
0x22d: {  	[tilespmem:s31+$0x18000] =	vst v2;
	v0 =	vmul.f32 v0, v0  }
0x22e: {  	[tilespmem:s31+$0x18010] =	vst v3;
	v1 =	vmul.f32 v1, v1  }
0x22f: {  	[tilespmem:s31+$0x18020] =	vst v0;
	v0 =	vmul.f32 v7, v7  }
0x230: {  	[tilespmem:s31+$0x18030] =	vst v1;
	v1 =	vmul.f32 v5, v5  }
0x231: {  	[tilespmem:s31+$0x18040] =	vst v0;
	v0 =	vmul.f32 v6, v6  }
0x232: {  	[tilespmem:s31+$0x18050] =	vst v1  }
0x233: {  	[tilespmem:s31+$0x18060] =	vst v0  }
0x234: {  	s0 =	rddreg [dreg:$0x17]  }
0x235: {  	s4 =	sld [smem:$0x7DC]  }
0x236: {  	[hbm4b:s0+s18] =	stream.strided.scatter [tilespmem:s25], [sflag:$0x5], $0x6000, s19, s18, $0x38;
	[tilespmem:$0x1E000] =	vst v63  }
0x237: {  	_ = 	snop  }
0x238: {  	[tilespmem:s21], [sflag:$0x3] =	stream.strided.gather [hbm4b:s4+s18], $0x6000, s19, s18, $0x38;
	[tilespmem:$0x1E000] =	vst v63  }
0x239: {  	_ =	swait.ge [sflag:s22], $0x6000  }
0x23a: {  	[sflag:s22] =	ssyncset.done $0x0  }
0x23b: {  	s5 =	simm.s32 $0x0;
	[sflag:s22] =	ssyncadd.s32 $0xFFFFA000  }
0x23c: {  	s1 =	sand.u32 $0x6000, s5;
	s4 =	sand.u32 $0x1C00, s5;
	_ =	swait.ge [sflag:s28], $0x6000  }
0x23d: {  	s0 =	sand.u32 $0x380, s5;
	s1 =	sor.u32 s4, s1;
	[sflag:s28] =	ssyncset.done $0x0  }
0x23e: {  	s0 =	sor.u32 s0, s1;
	[sflag:s28] =	ssyncadd.s32 $0xFFFFA000  }
0x23f: {  	v0 =	vld [tilespmem:s0+$0x70]  }
0x240: {  	v1 =	vld [tilespmem:s0+$0x0]  }
0x241: {  	v2 =	vld [tilespmem:s0+$0x10]  }
0x242: {  	v6 =	vld [tilespmem:s0+$0x40]  }
0x243: {  	s6 =	simm.s32 $0x400;
	s7 =	simm.s32 $0x80;
	v3 =	vld [tilespmem:s0+$0x20]  }
0x244: {  	s5 =	simm.s32 $0x10;
	s4 =	sand.u32 $0x6000, s7;
	s1 =	sand.u32 $0x1C00, s6;
	v5 =	vld [tilespmem:s0+$0x30];
	v0 =	vmul.f32 v0, v0  }
0x245: {  	s8 =	sand.u32 $0x380, s5;
	s1 =	sor.u32 s1, s4;
	v7 =	vld [tilespmem:s0+$0x50];
	v1 =	vmul.f32 v1, v1  }
0x246: {  	s31 =	sor.u32 s8, s1;
	v9 =	vld [tilespmem:s0+$0x60];
	v8 =	vmul.f32 v2, v2;
	[tilespmem:s0+$0x12070] =	vst v0  }
0x247: {  	v4 =	vld [tilespmem:s31+$0x70];
	v6 =	vmul.f32 v6, v6;
	[tilespmem:s0+$0x12000] =	vst v1  }
0x248: {  	v2 =	vld [tilespmem:s31+$0x0];
	v0 =	vmul.f32 v3, v3;
	[tilespmem:s0+$0x12010] =	vst v8  }
0x249: {  	v1 =	vmul.f32 v5, v5;
	v3 =	vld [tilespmem:s31+$0x10];
	[tilespmem:s0+$0x12040] =	vst v6  }
0x24a: {  	s5 =	simm.s32 $0x800;
	v5 =	vmul.f32 v7, v7;
	[tilespmem:s0+$0x12020] =	vst v0;
	v0 =	vld [tilespmem:s31+$0x20]  }
0x24b: {  	s6 =	simm.s32 $0x100;
	s4 =	simm.s32 $0x20;
	s1 =	simm.s32 $0x8;
	v6 =	vmul.f32 v9, v9;
	[tilespmem:s0+$0x12030] =	vst v1;
	v1 =	vld [tilespmem:s31+$0x30]  }
.LBB2_26:
0x24c: {  	s7 =	sand.u32 $0x6000, s6;
	s8 =	sand.u32 $0x1C00, s5;
	s1 =	sadd.s32 $0x8, s1;
	v7 =	vld [tilespmem:s31+$0x40];
	v4 =	vmul.f32 v4, v4;
	[tilespmem:s0+$0x12050] =	vst v5  }
0x24d: {  	s7 =	sor.u32 s8, s7;
	s8 =	sand.u32 $0x380, s4;
	p0 =	slt.u32 s1, $0x5F8;
	v2 =	vmul.f32 v2, v2;
	v5 =	vld [tilespmem:s31+$0x50];
	[tilespmem:s0+$0x12060] =	vst v6  }
0x24e: {  	s0 =	smov.u32 s31;
	v3 =	vmul.f32 v3, v3;
	v6 =	vld [tilespmem:s31+$0x60];
	[tilespmem:s31+$0x12070] =	vst v4;
	s31 =	sor.u32 s8, s7  }
.Ltmp12:
0x24f: {  	v4 =	vld [tilespmem:s31+$0x70];
	[tilespmem:s0+$0x12000] =	vst v2;
	v0 =	vmul.f32 v0, v0;
	(pc) =	sbr.rel @p0 .LBB2_26-.Ltmp12, $4  }
0x250: {  	v2 =	vld [tilespmem:s31+$0x0];
	[tilespmem:s0+$0x12010] =	vst v3;
	v1 =	vmul.f32 v1, v1  }
0x251: {  	v3 =	vld [tilespmem:s31+$0x10];
	[tilespmem:s0+$0x12020] =	vst v0;
	v7 =	vmul.f32 v7, v7  }
0x252: {  	v0 =	vld [tilespmem:s31+$0x20];
	[tilespmem:s0+$0x12030] =	vst v1;
	v5 =	vmul.f32 v5, v5  }
0x253: {  	s5 =	sadd.s32 $0x400, s5;
	s6 =	sadd.s32 $0x80, s6;
	s4 =	sadd.s32 $0x10, s4;
	v1 =	vld [tilespmem:s31+$0x30];
	[tilespmem:s0+$0x12040] =	vst v7;
	v6 =	vmul.f32 v6, v6  }
0x254: {  	v7 =	vld [tilespmem:s31+$0x40];
	v4 =	vmul.f32 v4, v4;
	[tilespmem:s0+$0x12050] =	vst v5  }
0x255: {  	v5 =	vld [tilespmem:s31+$0x50];
	v2 =	vmul.f32 v2, v2;
	[tilespmem:s0+$0x12060] =	vst v6  }
0x256: {  	v6 =	vld [tilespmem:s31+$0x60];
	v3 =	vmul.f32 v3, v3;
	[tilespmem:s31+$0x12070] =	vst v4  }
0x257: {  	[tilespmem:s31+$0x12000] =	vst v2;
	v0 =	vmul.f32 v0, v0  }
0x258: {  	[tilespmem:s31+$0x12010] =	vst v3;
	v1 =	vmul.f32 v1, v1  }
0x259: {  	[tilespmem:s31+$0x12020] =	vst v0;
	v0 =	vmul.f32 v7, v7  }
0x25a: {  	[tilespmem:s31+$0x12030] =	vst v1;
	v1 =	vmul.f32 v5, v5  }
0x25b: {  	[tilespmem:s31+$0x12040] =	vst v0;
	v0 =	vmul.f32 v6, v6  }
0x25c: {  	[tilespmem:s31+$0x12050] =	vst v1  }
0x25d: {  	[tilespmem:s31+$0x12060] =	vst v0  }
0x25e: {  	s0 =	rddreg [dreg:$0xd]  }
0x25f: {  	s1 =	sld [smem:$0x7DD]  }
0x260: {  	[hbm4b:s0+s18] =	stream.strided.scatter [tilespmem:s23], [sflag:$0x4], $0x6000, s19, s18, $0x38;
	[tilespmem:$0x1E000] =	vst v63  }
0x261: {  	s8 =	simm.s32 $0x0  }
0x262: {  	[tilespmem:s8], [sflag:$0x1] =	stream.strided.gather [hbm4b:s1+s18], $0x6000, s19, s18, $0x38;
	[tilespmem:$0x1E000] =	vst v63  }
0x263: {  	_ =	swait.ge [sflag:s24], $0x6000  }
0x264: {  	[sflag:s24] =	ssyncset.done $0x0  }
0x265: {  	[sflag:s24] =	ssyncadd.s32 $0xFFFFA000  }
0x266: {  	s5 =	sand.u32 $0x6000, s8;
	s4 =	sand.u32 $0x1C00, s8;
	_ =	swait.ge [sflag:s29], $0x6000  }
0x267: {  	s0 =	sand.u32 $0x380, s8;
	s1 =	sor.u32 s4, s5;
	[sflag:s29] =	ssyncset.done $0x0  }
0x268: {  	s0 =	sor.u32 s0, s1;
	[sflag:s29] =	ssyncadd.s32 $0xFFFFA000  }
0x269: {  	v0 =	vld [tilespmem:s0+$0x6070]  }
0x26a: {  	v1 =	vld [tilespmem:s0+$0x6000]  }
0x26b: {  	v2 =	vld [tilespmem:s0+$0x6010]  }
0x26c: {  	v6 =	vld [tilespmem:s0+$0x6040]  }
0x26d: {  	s6 =	simm.s32 $0x400;
	s7 =	simm.s32 $0x80;
	v3 =	vld [tilespmem:s0+$0x6020]  }
0x26e: {  	s5 =	simm.s32 $0x10;
	s4 =	sand.u32 $0x6000, s7;
	s1 =	sand.u32 $0x1C00, s6;
	v5 =	vld [tilespmem:s0+$0x6030];
	v0 =	vmul.f32 v0, v0  }
0x26f: {  	s8 =	sand.u32 $0x380, s5;
	s1 =	sor.u32 s1, s4;
	v7 =	vld [tilespmem:s0+$0x6050];
	v1 =	vmul.f32 v1, v1  }
0x270: {  	s31 =	sor.u32 s8, s1;
	v9 =	vld [tilespmem:s0+$0x6060];
	v8 =	vmul.f32 v2, v2;
	[tilespmem:s0+$0x18070] =	vst v0  }
0x271: {  	v4 =	vld [tilespmem:s31+$0x6070];
	v6 =	vmul.f32 v6, v6;
	[tilespmem:s0+$0x18000] =	vst v1  }
0x272: {  	v2 =	vld [tilespmem:s31+$0x6000];
	v0 =	vmul.f32 v3, v3;
	[tilespmem:s0+$0x18010] =	vst v8  }
0x273: {  	v1 =	vmul.f32 v5, v5;
	v3 =	vld [tilespmem:s31+$0x6010];
	[tilespmem:s0+$0x18040] =	vst v6  }
0x274: {  	s5 =	simm.s32 $0x800;
	v5 =	vmul.f32 v7, v7;
	[tilespmem:s0+$0x18020] =	vst v0;
	v0 =	vld [tilespmem:s31+$0x6020]  }
0x275: {  	s6 =	simm.s32 $0x100;
	s4 =	simm.s32 $0x20;
	s1 =	simm.s32 $0x8;
	v6 =	vmul.f32 v9, v9;
	[tilespmem:s0+$0x18030] =	vst v1;
	v1 =	vld [tilespmem:s31+$0x6030]  }
.LBB2_28:
0x276: {  	s7 =	sand.u32 $0x6000, s6;
	s8 =	sand.u32 $0x1C00, s5;
	s1 =	sadd.s32 $0x8, s1;
	v7 =	vld [tilespmem:s31+$0x6040];
	v4 =	vmul.f32 v4, v4;
	[tilespmem:s0+$0x18050] =	vst v5  }
0x277: {  	s7 =	sor.u32 s8, s7;
	s8 =	sand.u32 $0x380, s4;
	p0 =	slt.u32 s1, $0x5F8;
	v2 =	vmul.f32 v2, v2;
	v5 =	vld [tilespmem:s31+$0x6050];
	[tilespmem:s0+$0x18060] =	vst v6  }
0x278: {  	s0 =	smov.u32 s31;
	v3 =	vmul.f32 v3, v3;
	v6 =	vld [tilespmem:s31+$0x6060];
	[tilespmem:s31+$0x18070] =	vst v4;
	s31 =	sor.u32 s8, s7  }
.Ltmp13:
0x279: {  	v4 =	vld [tilespmem:s31+$0x6070];
	[tilespmem:s0+$0x18000] =	vst v2;
	v0 =	vmul.f32 v0, v0;
	(pc) =	sbr.rel @p0 .LBB2_28-.Ltmp13, $4  }
0x27a: {  	v2 =	vld [tilespmem:s31+$0x6000];
	[tilespmem:s0+$0x18010] =	vst v3;
	v1 =	vmul.f32 v1, v1  }
0x27b: {  	v3 =	vld [tilespmem:s31+$0x6010];
	[tilespmem:s0+$0x18020] =	vst v0;
	v7 =	vmul.f32 v7, v7  }
0x27c: {  	v0 =	vld [tilespmem:s31+$0x6020];
	[tilespmem:s0+$0x18030] =	vst v1;
	v5 =	vmul.f32 v5, v5  }
0x27d: {  	s5 =	sadd.s32 $0x400, s5;
	s6 =	sadd.s32 $0x80, s6;
	s4 =	sadd.s32 $0x10, s4;
	v1 =	vld [tilespmem:s31+$0x6030];
	[tilespmem:s0+$0x18040] =	vst v7;
	v6 =	vmul.f32 v6, v6  }
0x27e: {  	v7 =	vld [tilespmem:s31+$0x6040];
	v4 =	vmul.f32 v4, v4;
	[tilespmem:s0+$0x18050] =	vst v5  }
0x27f: {  	v5 =	vld [tilespmem:s31+$0x6050];
	v2 =	vmul.f32 v2, v2;
	[tilespmem:s0+$0x18060] =	vst v6  }
0x280: {  	v6 =	vld [tilespmem:s31+$0x6060];
	v3 =	vmul.f32 v3, v3;
	[tilespmem:s31+$0x18070] =	vst v4  }
0x281: {  	[tilespmem:s31+$0x18000] =	vst v2;
	v0 =	vmul.f32 v0, v0  }
0x282: {  	[tilespmem:s31+$0x18010] =	vst v3;
	v1 =	vmul.f32 v1, v1  }
0x283: {  	[tilespmem:s31+$0x18020] =	vst v0;
	v0 =	vmul.f32 v7, v7  }
0x284: {  	[tilespmem:s31+$0x18030] =	vst v1;
	v1 =	vmul.f32 v5, v5  }
0x285: {  	[tilespmem:s31+$0x18040] =	vst v0;
	v0 =	vmul.f32 v6, v6  }
0x286: {  	[tilespmem:s31+$0x18050] =	vst v1  }
0x287: {  	[tilespmem:s31+$0x18060] =	vst v0  }
0x288: {  	s0 =	rddreg [dreg:$0xe]  }
0x289: {  	s4 =	sld [smem:$0x7DE]  }
0x28a: {  	[hbm4b:s0+s18] =	stream.strided.scatter [tilespmem:s25], [sflag:$0x5], $0x6000, s19, s18, $0x38;
	[tilespmem:$0x1E000] =	vst v63  }
0x28b: {  	_ = 	snop  }
0x28c: {  	[tilespmem:s20], [sflag:$0x2] =	stream.strided.gather [hbm4b:s4+s18], $0x6000, s19, s18, $0x38;
	[tilespmem:$0x1E000] =	vst v63  }
0x28d: {  	_ =	swait.ge [sflag:s26], $0x6000  }
0x28e: {  	[sflag:s26] =	ssyncset.done $0x0  }
0x28f: {  	s5 =	simm.s32 $0x0;
	[sflag:s26] =	ssyncadd.s32 $0xFFFFA000  }
0x290: {  	s1 =	sand.u32 $0x6000, s5;
	s4 =	sand.u32 $0x1C00, s5;
	_ =	swait.ge [sflag:s28], $0x6000  }
0x291: {  	s0 =	sand.u32 $0x380, s5;
	s1 =	sor.u32 s4, s1;
	[sflag:s28] =	ssyncset.done $0x0  }
0x292: {  	s0 =	sor.u32 s0, s1;
	[sflag:s28] =	ssyncadd.s32 $0xFFFFA000  }
0x293: {  	v0 =	vld [tilespmem:s0+$0xC070]  }
0x294: {  	v1 =	vld [tilespmem:s0+$0xC000]  }
0x295: {  	v2 =	vld [tilespmem:s0+$0xC010]  }
0x296: {  	v6 =	vld [tilespmem:s0+$0xC040]  }
0x297: {  	s6 =	simm.s32 $0x400;
	s7 =	simm.s32 $0x80;
	v3 =	vld [tilespmem:s0+$0xC020]  }
0x298: {  	s5 =	simm.s32 $0x10;
	s4 =	sand.u32 $0x6000, s7;
	s1 =	sand.u32 $0x1C00, s6;
	v5 =	vld [tilespmem:s0+$0xC030];
	v0 =	vmul.f32 v0, v0  }
0x299: {  	s8 =	sand.u32 $0x380, s5;
	s1 =	sor.u32 s1, s4;
	v7 =	vld [tilespmem:s0+$0xC050];
	v1 =	vmul.f32 v1, v1  }
0x29a: {  	s31 =	sor.u32 s8, s1;
	v9 =	vld [tilespmem:s0+$0xC060];
	v8 =	vmul.f32 v2, v2;
	[tilespmem:s0+$0x12070] =	vst v0  }
0x29b: {  	v4 =	vld [tilespmem:s31+$0xC070];
	v6 =	vmul.f32 v6, v6;
	[tilespmem:s0+$0x12000] =	vst v1  }
0x29c: {  	v2 =	vld [tilespmem:s31+$0xC000];
	v0 =	vmul.f32 v3, v3;
	[tilespmem:s0+$0x12010] =	vst v8  }
0x29d: {  	v1 =	vmul.f32 v5, v5;
	v3 =	vld [tilespmem:s31+$0xC010];
	[tilespmem:s0+$0x12040] =	vst v6  }
0x29e: {  	s5 =	simm.s32 $0x800;
	v5 =	vmul.f32 v7, v7;
	[tilespmem:s0+$0x12020] =	vst v0;
	v0 =	vld [tilespmem:s31+$0xC020]  }
0x29f: {  	s6 =	simm.s32 $0x100;
	s4 =	simm.s32 $0x20;
	s1 =	simm.s32 $0x8;
	v6 =	vmul.f32 v9, v9;
	[tilespmem:s0+$0x12030] =	vst v1;
	v1 =	vld [tilespmem:s31+$0xC030]  }
.LBB2_30:
0x2a0: {  	s7 =	sand.u32 $0x6000, s6;
	s8 =	sand.u32 $0x1C00, s5;
	s1 =	sadd.s32 $0x8, s1;
	v7 =	vld [tilespmem:s31+$0xC040];
	v4 =	vmul.f32 v4, v4;
	[tilespmem:s0+$0x12050] =	vst v5  }
0x2a1: {  	s7 =	sor.u32 s8, s7;
	s8 =	sand.u32 $0x380, s4;
	p0 =	slt.u32 s1, $0x5F8;
	v2 =	vmul.f32 v2, v2;
	v5 =	vld [tilespmem:s31+$0xC050];
	[tilespmem:s0+$0x12060] =	vst v6  }
0x2a2: {  	s0 =	smov.u32 s31;
	v3 =	vmul.f32 v3, v3;
	v6 =	vld [tilespmem:s31+$0xC060];
	[tilespmem:s31+$0x12070] =	vst v4;
	s31 =	sor.u32 s8, s7  }
.Ltmp14:
0x2a3: {  	v4 =	vld [tilespmem:s31+$0xC070];
	[tilespmem:s0+$0x12000] =	vst v2;
	v0 =	vmul.f32 v0, v0;
	(pc) =	sbr.rel @p0 .LBB2_30-.Ltmp14, $4  }
0x2a4: {  	v2 =	vld [tilespmem:s31+$0xC000];
	[tilespmem:s0+$0x12010] =	vst v3;
	v1 =	vmul.f32 v1, v1  }
0x2a5: {  	v3 =	vld [tilespmem:s31+$0xC010];
	[tilespmem:s0+$0x12020] =	vst v0;
	v7 =	vmul.f32 v7, v7  }
0x2a6: {  	v0 =	vld [tilespmem:s31+$0xC020];
	[tilespmem:s0+$0x12030] =	vst v1;
	v5 =	vmul.f32 v5, v5  }
0x2a7: {  	s5 =	sadd.s32 $0x400, s5;
	s6 =	sadd.s32 $0x80, s6;
	s4 =	sadd.s32 $0x10, s4;
	v1 =	vld [tilespmem:s31+$0xC030];
	[tilespmem:s0+$0x12040] =	vst v7;
	v6 =	vmul.f32 v6, v6  }
0x2a8: {  	v7 =	vld [tilespmem:s31+$0xC040];
	v4 =	vmul.f32 v4, v4;
	[tilespmem:s0+$0x12050] =	vst v5  }
0x2a9: {  	v5 =	vld [tilespmem:s31+$0xC050];
	v2 =	vmul.f32 v2, v2;
	[tilespmem:s0+$0x12060] =	vst v6  }
0x2aa: {  	v6 =	vld [tilespmem:s31+$0xC060];
	v3 =	vmul.f32 v3, v3;
	[tilespmem:s31+$0x12070] =	vst v4  }
0x2ab: {  	[tilespmem:s31+$0x12000] =	vst v2;
	v0 =	vmul.f32 v0, v0  }
0x2ac: {  	[tilespmem:s31+$0x12010] =	vst v3;
	v1 =	vmul.f32 v1, v1  }
0x2ad: {  	[tilespmem:s31+$0x12020] =	vst v0;
	v0 =	vmul.f32 v7, v7  }
0x2ae: {  	[tilespmem:s31+$0x12030] =	vst v1;
	v1 =	vmul.f32 v5, v5  }
0x2af: {  	[tilespmem:s31+$0x12040] =	vst v0;
	v0 =	vmul.f32 v6, v6  }
0x2b0: {  	[tilespmem:s31+$0x12050] =	vst v1  }
0x2b1: {  	[tilespmem:s31+$0x12060] =	vst v0  }
0x2b2: {  	s0 =	rddreg [dreg:$0xf]  }
0x2b3: {  	s4 =	sld [smem:$0x7DF]  }
0x2b4: {  	[hbm4b:s0+s18] =	stream.strided.scatter [tilespmem:s23], [sflag:$0x4], $0x6000, s19, s18, $0x38;
	[tilespmem:$0x1E000] =	vst v63  }
0x2b5: {  	_ = 	snop  }
0x2b6: {  	[tilespmem:s21], [sflag:$0x3] =	stream.strided.gather [hbm4b:s4+s18], $0x6000, s19, s18, $0x38;
	[tilespmem:$0x1E000] =	vst v63  }
0x2b7: {  	_ =	swait.ge [sflag:s22], $0x6000  }
0x2b8: {  	[sflag:s22] =	ssyncset.done $0x0  }
0x2b9: {  	s5 =	simm.s32 $0x0;
	[sflag:s22] =	ssyncadd.s32 $0xFFFFA000  }
0x2ba: {  	s1 =	sand.u32 $0x6000, s5;
	s4 =	sand.u32 $0x1C00, s5;
	_ =	swait.ge [sflag:s29], $0x6000  }
0x2bb: {  	s0 =	sand.u32 $0x380, s5;
	s1 =	sor.u32 s4, s1;
	[sflag:s29] =	ssyncset.done $0x0  }
0x2bc: {  	s0 =	sor.u32 s0, s1;
	[sflag:s29] =	ssyncadd.s32 $0xFFFFA000  }
0x2bd: {  	v0 =	vld [tilespmem:s0+$0x70]  }
0x2be: {  	v1 =	vld [tilespmem:s0+$0x0]  }
0x2bf: {  	v2 =	vld [tilespmem:s0+$0x10]  }
0x2c0: {  	v6 =	vld [tilespmem:s0+$0x40]  }
0x2c1: {  	s6 =	simm.s32 $0x400;
	s7 =	simm.s32 $0x80;
	v3 =	vld [tilespmem:s0+$0x20]  }
0x2c2: {  	s5 =	simm.s32 $0x10;
	s4 =	sand.u32 $0x6000, s7;
	s1 =	sand.u32 $0x1C00, s6;
	v5 =	vld [tilespmem:s0+$0x30];
	v0 =	vmul.f32 v0, v0  }
0x2c3: {  	s8 =	sand.u32 $0x380, s5;
	s1 =	sor.u32 s1, s4;
	v7 =	vld [tilespmem:s0+$0x50];
	v1 =	vmul.f32 v1, v1  }
0x2c4: {  	s31 =	sor.u32 s8, s1;
	v9 =	vld [tilespmem:s0+$0x60];
	v8 =	vmul.f32 v2, v2;
	[tilespmem:s0+$0x18070] =	vst v0  }
0x2c5: {  	v4 =	vld [tilespmem:s31+$0x70];
	v6 =	vmul.f32 v6, v6;
	[tilespmem:s0+$0x18000] =	vst v1  }
0x2c6: {  	v2 =	vld [tilespmem:s31+$0x0];
	v0 =	vmul.f32 v3, v3;
	[tilespmem:s0+$0x18010] =	vst v8  }
0x2c7: {  	v1 =	vmul.f32 v5, v5;
	v3 =	vld [tilespmem:s31+$0x10];
	[tilespmem:s0+$0x18040] =	vst v6  }
0x2c8: {  	s5 =	simm.s32 $0x800;
	v5 =	vmul.f32 v7, v7;
	[tilespmem:s0+$0x18020] =	vst v0;
	v0 =	vld [tilespmem:s31+$0x20]  }
0x2c9: {  	s6 =	simm.s32 $0x100;
	s4 =	simm.s32 $0x20;
	s1 =	simm.s32 $0x8;
	v6 =	vmul.f32 v9, v9;
	[tilespmem:s0+$0x18030] =	vst v1;
	v1 =	vld [tilespmem:s31+$0x30]  }
.LBB2_32:
0x2ca: {  	s7 =	sand.u32 $0x6000, s6;
	s8 =	sand.u32 $0x1C00, s5;
	s1 =	sadd.s32 $0x8, s1;
	v7 =	vld [tilespmem:s31+$0x40];
	v4 =	vmul.f32 v4, v4;
	[tilespmem:s0+$0x18050] =	vst v5  }
0x2cb: {  	s7 =	sor.u32 s8, s7;
	s8 =	sand.u32 $0x380, s4;
	p0 =	slt.u32 s1, $0x5F8;
	v2 =	vmul.f32 v2, v2;
	v5 =	vld [tilespmem:s31+$0x50];
	[tilespmem:s0+$0x18060] =	vst v6  }
0x2cc: {  	s0 =	smov.u32 s31;
	v3 =	vmul.f32 v3, v3;
	v6 =	vld [tilespmem:s31+$0x60];
	[tilespmem:s31+$0x18070] =	vst v4;
	s31 =	sor.u32 s8, s7  }
.Ltmp15:
0x2cd: {  	v4 =	vld [tilespmem:s31+$0x70];
	[tilespmem:s0+$0x18000] =	vst v2;
	v0 =	vmul.f32 v0, v0;
	(pc) =	sbr.rel @p0 .LBB2_32-.Ltmp15, $4  }
0x2ce: {  	v2 =	vld [tilespmem:s31+$0x0];
	[tilespmem:s0+$0x18010] =	vst v3;
	v1 =	vmul.f32 v1, v1  }
0x2cf: {  	v3 =	vld [tilespmem:s31+$0x10];
	[tilespmem:s0+$0x18020] =	vst v0;
	v7 =	vmul.f32 v7, v7  }
0x2d0: {  	v0 =	vld [tilespmem:s31+$0x20];
	[tilespmem:s0+$0x18030] =	vst v1;
	v5 =	vmul.f32 v5, v5  }
0x2d1: {  	s5 =	sadd.s32 $0x400, s5;
	s6 =	sadd.s32 $0x80, s6;
	s4 =	sadd.s32 $0x10, s4;
	v1 =	vld [tilespmem:s31+$0x30];
	[tilespmem:s0+$0x18040] =	vst v7;
	v6 =	vmul.f32 v6, v6  }
0x2d2: {  	v7 =	vld [tilespmem:s31+$0x40];
	v4 =	vmul.f32 v4, v4;
	[tilespmem:s0+$0x18050] =	vst v5  }
0x2d3: {  	v5 =	vld [tilespmem:s31+$0x50];
	v2 =	vmul.f32 v2, v2;
	[tilespmem:s0+$0x18060] =	vst v6  }
0x2d4: {  	v6 =	vld [tilespmem:s31+$0x60];
	v3 =	vmul.f32 v3, v3;
	[tilespmem:s31+$0x18070] =	vst v4  }
0x2d5: {  	[tilespmem:s31+$0x18000] =	vst v2;
	v0 =	vmul.f32 v0, v0  }
0x2d6: {  	[tilespmem:s31+$0x18010] =	vst v3;
	v1 =	vmul.f32 v1, v1  }
0x2d7: {  	[tilespmem:s31+$0x18020] =	vst v0;
	v0 =	vmul.f32 v7, v7  }
0x2d8: {  	[tilespmem:s31+$0x18030] =	vst v1;
	v1 =	vmul.f32 v5, v5  }
0x2d9: {  	[tilespmem:s31+$0x18040] =	vst v0;
	v0 =	vmul.f32 v6, v6  }
0x2da: {  	[tilespmem:s31+$0x18050] =	vst v1  }
0x2db: {  	[tilespmem:s31+$0x18060] =	vst v0  }
0x2dc: {  	s0 =	rddreg [dreg:$0x10]  }
0x2dd: {  	s1 =	sld [smem:$0x7E0]  }
0x2de: {  	[hbm4b:s0+s18] =	stream.strided.scatter [tilespmem:s25], [sflag:$0x5], $0x6000, s19, s18, $0x38;
	[tilespmem:$0x1E000] =	vst v63  }
0x2df: {  	s8 =	simm.s32 $0x0  }
0x2e0: {  	[tilespmem:s8], [sflag:$0x1] =	stream.strided.gather [hbm4b:s1+s18], $0x6000, s19, s18, $0x38;
	[tilespmem:$0x1E000] =	vst v63  }
0x2e1: {  	_ =	swait.ge [sflag:s24], $0x6000  }
0x2e2: {  	[sflag:s24] =	ssyncset.done $0x0  }
0x2e3: {  	[sflag:s24] =	ssyncadd.s32 $0xFFFFA000  }
0x2e4: {  	s5 =	sand.u32 $0x6000, s8;
	s4 =	sand.u32 $0x1C00, s8;
	_ =	swait.ge [sflag:s28], $0x6000  }
0x2e5: {  	s0 =	sand.u32 $0x380, s8;
	s1 =	sor.u32 s4, s5;
	[sflag:s28] =	ssyncset.done $0x0  }
0x2e6: {  	s0 =	sor.u32 s0, s1;
	[sflag:s28] =	ssyncadd.s32 $0xFFFFA000  }
0x2e7: {  	v0 =	vld [tilespmem:s0+$0x6070]  }
0x2e8: {  	v1 =	vld [tilespmem:s0+$0x6000]  }
0x2e9: {  	v2 =	vld [tilespmem:s0+$0x6010]  }
0x2ea: {  	v6 =	vld [tilespmem:s0+$0x6040]  }
0x2eb: {  	s6 =	simm.s32 $0x400;
	s7 =	simm.s32 $0x80;
	v3 =	vld [tilespmem:s0+$0x6020]  }
0x2ec: {  	s5 =	simm.s32 $0x10;
	s4 =	sand.u32 $0x6000, s7;
	s1 =	sand.u32 $0x1C00, s6;
	v5 =	vld [tilespmem:s0+$0x6030];
	v0 =	vmul.f32 v0, v0  }
0x2ed: {  	s8 =	sand.u32 $0x380, s5;
	s1 =	sor.u32 s1, s4;
	v7 =	vld [tilespmem:s0+$0x6050];
	v1 =	vmul.f32 v1, v1  }
0x2ee: {  	s31 =	sor.u32 s8, s1;
	v9 =	vld [tilespmem:s0+$0x6060];
	v8 =	vmul.f32 v2, v2;
	[tilespmem:s0+$0x12070] =	vst v0  }
0x2ef: {  	v4 =	vld [tilespmem:s31+$0x6070];
	v6 =	vmul.f32 v6, v6;
	[tilespmem:s0+$0x12000] =	vst v1  }
0x2f0: {  	v2 =	vld [tilespmem:s31+$0x6000];
	v0 =	vmul.f32 v3, v3;
	[tilespmem:s0+$0x12010] =	vst v8  }
0x2f1: {  	v1 =	vmul.f32 v5, v5;
	v3 =	vld [tilespmem:s31+$0x6010];
	[tilespmem:s0+$0x12040] =	vst v6  }
0x2f2: {  	s5 =	simm.s32 $0x800;
	v5 =	vmul.f32 v7, v7;
	[tilespmem:s0+$0x12020] =	vst v0;
	v0 =	vld [tilespmem:s31+$0x6020]  }
0x2f3: {  	s6 =	simm.s32 $0x100;
	s4 =	simm.s32 $0x20;
	s1 =	simm.s32 $0x8;
	v6 =	vmul.f32 v9, v9;
	[tilespmem:s0+$0x12030] =	vst v1;
	v1 =	vld [tilespmem:s31+$0x6030]  }
.LBB2_34:
0x2f4: {  	s7 =	sand.u32 $0x6000, s6;
	s8 =	sand.u32 $0x1C00, s5;
	s1 =	sadd.s32 $0x8, s1;
	v7 =	vld [tilespmem:s31+$0x6040];
	v4 =	vmul.f32 v4, v4;
	[tilespmem:s0+$0x12050] =	vst v5  }
0x2f5: {  	s7 =	sor.u32 s8, s7;
	s8 =	sand.u32 $0x380, s4;
	p0 =	slt.u32 s1, $0x5F8;
	v2 =	vmul.f32 v2, v2;
	v5 =	vld [tilespmem:s31+$0x6050];
	[tilespmem:s0+$0x12060] =	vst v6  }
0x2f6: {  	s0 =	smov.u32 s31;
	v3 =	vmul.f32 v3, v3;
	v6 =	vld [tilespmem:s31+$0x6060];
	[tilespmem:s31+$0x12070] =	vst v4;
	s31 =	sor.u32 s8, s7  }
.Ltmp16:
0x2f7: {  	v4 =	vld [tilespmem:s31+$0x6070];
	[tilespmem:s0+$0x12000] =	vst v2;
	v0 =	vmul.f32 v0, v0;
	(pc) =	sbr.rel @p0 .LBB2_34-.Ltmp16, $4  }
0x2f8: {  	v2 =	vld [tilespmem:s31+$0x6000];
	[tilespmem:s0+$0x12010] =	vst v3;
	v1 =	vmul.f32 v1, v1  }
0x2f9: {  	v3 =	vld [tilespmem:s31+$0x6010];
	[tilespmem:s0+$0x12020] =	vst v0;
	v7 =	vmul.f32 v7, v7  }
0x2fa: {  	v0 =	vld [tilespmem:s31+$0x6020];
	[tilespmem:s0+$0x12030] =	vst v1;
	v5 =	vmul.f32 v5, v5  }
0x2fb: {  	s5 =	sadd.s32 $0x400, s5;
	s6 =	sadd.s32 $0x80, s6;
	s4 =	sadd.s32 $0x10, s4;
	v1 =	vld [tilespmem:s31+$0x6030];
	[tilespmem:s0+$0x12040] =	vst v7;
	v6 =	vmul.f32 v6, v6  }
0x2fc: {  	v7 =	vld [tilespmem:s31+$0x6040];
	v4 =	vmul.f32 v4, v4;
	[tilespmem:s0+$0x12050] =	vst v5  }
0x2fd: {  	v5 =	vld [tilespmem:s31+$0x6050];
	v2 =	vmul.f32 v2, v2;
	[tilespmem:s0+$0x12060] =	vst v6  }
0x2fe: {  	v6 =	vld [tilespmem:s31+$0x6060];
	v3 =	vmul.f32 v3, v3;
	[tilespmem:s31+$0x12070] =	vst v4  }
0x2ff: {  	[tilespmem:s31+$0x12000] =	vst v2;
	v0 =	vmul.f32 v0, v0  }
0x300: {  	[tilespmem:s31+$0x12010] =	vst v3;
	v1 =	vmul.f32 v1, v1  }
0x301: {  	[tilespmem:s31+$0x12020] =	vst v0;
	v0 =	vmul.f32 v7, v7  }
0x302: {  	[tilespmem:s31+$0x12030] =	vst v1;
	v1 =	vmul.f32 v5, v5  }
0x303: {  	[tilespmem:s31+$0x12040] =	vst v0;
	v0 =	vmul.f32 v6, v6  }
0x304: {  	[tilespmem:s31+$0x12050] =	vst v1  }
0x305: {  	[tilespmem:s31+$0x12060] =	vst v0  }
0x306: {  	s0 =	sld [smem:$0x7ED];
	_ =	sdelay $0x1  }
0x307: {  	s4 =	sld [smem:$0x7E1]  }
0x308: {  	[hbm4b:s0+s18] =	stream.strided.scatter [tilespmem:s23], [sflag:$0x4], $0x6000, s19, s18, $0x38;
	[tilespmem:$0x1E000] =	vst v63  }
0x309: {  	_ = 	snop  }
0x30a: {  	[tilespmem:s20], [sflag:$0x2] =	stream.strided.gather [hbm4b:s4+s18], $0x6000, s19, s18, $0x38;
	[tilespmem:$0x1E000] =	vst v63  }
0x30b: {  	_ =	swait.ge [sflag:s26], $0x6000  }
0x30c: {  	[sflag:s26] =	ssyncset.done $0x0  }
0x30d: {  	s5 =	simm.s32 $0x0;
	[sflag:s26] =	ssyncadd.s32 $0xFFFFA000  }
0x30e: {  	s1 =	sand.u32 $0x6000, s5;
	s4 =	sand.u32 $0x1C00, s5;
	_ =	swait.ge [sflag:s29], $0x6000  }
0x30f: {  	s0 =	sand.u32 $0x380, s5;
	s1 =	sor.u32 s4, s1;
	[sflag:s29] =	ssyncset.done $0x0  }
0x310: {  	s0 =	sor.u32 s0, s1;
	[sflag:s29] =	ssyncadd.s32 $0xFFFFA000  }
0x311: {  	v0 =	vld [tilespmem:s0+$0xC070]  }
0x312: {  	v1 =	vld [tilespmem:s0+$0xC000]  }
0x313: {  	v2 =	vld [tilespmem:s0+$0xC010]  }
0x314: {  	v6 =	vld [tilespmem:s0+$0xC040]  }
0x315: {  	s6 =	simm.s32 $0x400;
	s7 =	simm.s32 $0x80;
	v3 =	vld [tilespmem:s0+$0xC020]  }
0x316: {  	s5 =	simm.s32 $0x10;
	s4 =	sand.u32 $0x6000, s7;
	s1 =	sand.u32 $0x1C00, s6;
	v5 =	vld [tilespmem:s0+$0xC030];
	v0 =	vmul.f32 v0, v0  }
0x317: {  	s8 =	sand.u32 $0x380, s5;
	s1 =	sor.u32 s1, s4;
	v7 =	vld [tilespmem:s0+$0xC050];
	v1 =	vmul.f32 v1, v1  }
0x318: {  	s31 =	sor.u32 s8, s1;
	v9 =	vld [tilespmem:s0+$0xC060];
	v8 =	vmul.f32 v2, v2;
	[tilespmem:s0+$0x18070] =	vst v0  }
0x319: {  	v4 =	vld [tilespmem:s31+$0xC070];
	v6 =	vmul.f32 v6, v6;
	[tilespmem:s0+$0x18000] =	vst v1  }
0x31a: {  	v2 =	vld [tilespmem:s31+$0xC000];
	v0 =	vmul.f32 v3, v3;
	[tilespmem:s0+$0x18010] =	vst v8  }
0x31b: {  	v1 =	vmul.f32 v5, v5;
	v3 =	vld [tilespmem:s31+$0xC010];
	[tilespmem:s0+$0x18040] =	vst v6  }
0x31c: {  	s5 =	simm.s32 $0x800;
	v5 =	vmul.f32 v7, v7;
	[tilespmem:s0+$0x18020] =	vst v0;
	v0 =	vld [tilespmem:s31+$0xC020]  }
0x31d: {  	s6 =	simm.s32 $0x100;
	s4 =	simm.s32 $0x20;
	s1 =	simm.s32 $0x8;
	v6 =	vmul.f32 v9, v9;
	[tilespmem:s0+$0x18030] =	vst v1;
	v1 =	vld [tilespmem:s31+$0xC030]  }
.LBB2_36:
0x31e: {  	s7 =	sand.u32 $0x6000, s6;
	s8 =	sand.u32 $0x1C00, s5;
	s1 =	sadd.s32 $0x8, s1;
	v7 =	vld [tilespmem:s31+$0xC040];
	v4 =	vmul.f32 v4, v4;
	[tilespmem:s0+$0x18050] =	vst v5  }
0x31f: {  	s7 =	sor.u32 s8, s7;
	s8 =	sand.u32 $0x380, s4;
	p0 =	slt.u32 s1, $0x5F8;
	v2 =	vmul.f32 v2, v2;
	v5 =	vld [tilespmem:s31+$0xC050];
	[tilespmem:s0+$0x18060] =	vst v6  }
0x320: {  	s0 =	smov.u32 s31;
	v3 =	vmul.f32 v3, v3;
	v6 =	vld [tilespmem:s31+$0xC060];
	[tilespmem:s31+$0x18070] =	vst v4;
	s31 =	sor.u32 s8, s7  }
.Ltmp17:
0x321: {  	v4 =	vld [tilespmem:s31+$0xC070];
	[tilespmem:s0+$0x18000] =	vst v2;
	v0 =	vmul.f32 v0, v0;
	(pc) =	sbr.rel @p0 .LBB2_36-.Ltmp17, $4  }
0x322: {  	v2 =	vld [tilespmem:s31+$0xC000];
	[tilespmem:s0+$0x18010] =	vst v3;
	v1 =	vmul.f32 v1, v1  }
0x323: {  	v3 =	vld [tilespmem:s31+$0xC010];
	[tilespmem:s0+$0x18020] =	vst v0;
	v7 =	vmul.f32 v7, v7  }
0x324: {  	v0 =	vld [tilespmem:s31+$0xC020];
	[tilespmem:s0+$0x18030] =	vst v1;
	v5 =	vmul.f32 v5, v5  }
0x325: {  	s5 =	sadd.s32 $0x400, s5;
	s6 =	sadd.s32 $0x80, s6;
	s4 =	sadd.s32 $0x10, s4;
	v1 =	vld [tilespmem:s31+$0xC030];
	[tilespmem:s0+$0x18040] =	vst v7;
	v6 =	vmul.f32 v6, v6  }
0x326: {  	v7 =	vld [tilespmem:s31+$0xC040];
	v4 =	vmul.f32 v4, v4;
	[tilespmem:s0+$0x18050] =	vst v5  }
0x327: {  	v5 =	vld [tilespmem:s31+$0xC050];
	v2 =	vmul.f32 v2, v2;
	[tilespmem:s0+$0x18060] =	vst v6  }
0x328: {  	v6 =	vld [tilespmem:s31+$0xC060];
	v3 =	vmul.f32 v3, v3;
	[tilespmem:s31+$0x18070] =	vst v4  }
0x329: {  	[tilespmem:s31+$0x18000] =	vst v2;
	v0 =	vmul.f32 v0, v0  }
0x32a: {  	[tilespmem:s31+$0x18010] =	vst v3;
	v1 =	vmul.f32 v1, v1  }
0x32b: {  	[tilespmem:s31+$0x18020] =	vst v0;
	v0 =	vmul.f32 v7, v7  }
0x32c: {  	[tilespmem:s31+$0x18030] =	vst v1;
	v1 =	vmul.f32 v5, v5  }
0x32d: {  	[tilespmem:s31+$0x18040] =	vst v0;
	v0 =	vmul.f32 v6, v6  }
0x32e: {  	[tilespmem:s31+$0x18050] =	vst v1  }
0x32f: {  	[tilespmem:s31+$0x18060] =	vst v0  }
0x330: {  	s0 =	sld [smem:$0x7EE];
	_ =	sdelay $0x1  }
0x331: {  	s4 =	sld [smem:$0x7E8]  }
0x332: {  	[hbm4b:s0+s18] =	stream.strided.scatter [tilespmem:s25], [sflag:$0x5], $0x6000, s19, s18, $0x38;
	[tilespmem:$0x1E000] =	vst v63  }
0x333: {  	_ = 	snop  }
0x334: {  	[tilespmem:s21], [sflag:$0x3] =	stream.strided.gather [hbm4b:s4+s18], $0x6000, s19, s18, $0x38;
	[tilespmem:$0x1E000] =	vst v63  }
0x335: {  	_ =	swait.ge [sflag:s22], $0x6000  }
0x336: {  	[sflag:s22] =	ssyncset.done $0x0  }
0x337: {  	s5 =	simm.s32 $0x0;
	[sflag:s22] =	ssyncadd.s32 $0xFFFFA000  }
0x338: {  	s1 =	sand.u32 $0x6000, s5;
	s4 =	sand.u32 $0x1C00, s5;
	_ =	swait.ge [sflag:s28], $0x6000  }
0x339: {  	s0 =	sand.u32 $0x380, s5;
	s1 =	sor.u32 s4, s1;
	[sflag:s28] =	ssyncset.done $0x0  }
0x33a: {  	s0 =	sor.u32 s0, s1;
	[sflag:s28] =	ssyncadd.s32 $0xFFFFA000  }
0x33b: {  	v0 =	vld [tilespmem:s0+$0x70]  }
0x33c: {  	v1 =	vld [tilespmem:s0+$0x0]  }
0x33d: {  	v2 =	vld [tilespmem:s0+$0x10]  }
0x33e: {  	v6 =	vld [tilespmem:s0+$0x40]  }
0x33f: {  	s6 =	simm.s32 $0x400;
	s7 =	simm.s32 $0x80;
	v3 =	vld [tilespmem:s0+$0x20]  }
0x340: {  	s5 =	simm.s32 $0x10;
	s4 =	sand.u32 $0x6000, s7;
	s1 =	sand.u32 $0x1C00, s6;
	v5 =	vld [tilespmem:s0+$0x30];
	v0 =	vmul.f32 v0, v0  }
0x341: {  	s8 =	sand.u32 $0x380, s5;
	s1 =	sor.u32 s1, s4;
	v7 =	vld [tilespmem:s0+$0x50];
	v1 =	vmul.f32 v1, v1  }
0x342: {  	s31 =	sor.u32 s8, s1;
	v9 =	vld [tilespmem:s0+$0x60];
	v8 =	vmul.f32 v2, v2;
	[tilespmem:s0+$0x12070] =	vst v0  }
0x343: {  	v4 =	vld [tilespmem:s31+$0x70];
	v6 =	vmul.f32 v6, v6;
	[tilespmem:s0+$0x12000] =	vst v1  }
0x344: {  	v2 =	vld [tilespmem:s31+$0x0];
	v0 =	vmul.f32 v3, v3;
	[tilespmem:s0+$0x12010] =	vst v8  }
0x345: {  	v1 =	vmul.f32 v5, v5;
	v3 =	vld [tilespmem:s31+$0x10];
	[tilespmem:s0+$0x12040] =	vst v6  }
0x346: {  	s5 =	simm.s32 $0x800;
	v5 =	vmul.f32 v7, v7;
	[tilespmem:s0+$0x12020] =	vst v0;
	v0 =	vld [tilespmem:s31+$0x20]  }
0x347: {  	s6 =	simm.s32 $0x100;
	s4 =	simm.s32 $0x20;
	s1 =	simm.s32 $0x8;
	v6 =	vmul.f32 v9, v9;
	[tilespmem:s0+$0x12030] =	vst v1;
	v1 =	vld [tilespmem:s31+$0x30]  }
.LBB2_38:
0x348: {  	s7 =	sand.u32 $0x6000, s6;
	s8 =	sand.u32 $0x1C00, s5;
	s1 =	sadd.s32 $0x8, s1;
	v7 =	vld [tilespmem:s31+$0x40];
	v4 =	vmul.f32 v4, v4;
	[tilespmem:s0+$0x12050] =	vst v5  }
0x349: {  	s7 =	sor.u32 s8, s7;
	s8 =	sand.u32 $0x380, s4;
	p0 =	slt.u32 s1, $0x5F8;
	v2 =	vmul.f32 v2, v2;
	v5 =	vld [tilespmem:s31+$0x50];
	[tilespmem:s0+$0x12060] =	vst v6  }
0x34a: {  	s0 =	smov.u32 s31;
	v3 =	vmul.f32 v3, v3;
	v6 =	vld [tilespmem:s31+$0x60];
	[tilespmem:s31+$0x12070] =	vst v4;
	s31 =	sor.u32 s8, s7  }
.Ltmp18:
0x34b: {  	v4 =	vld [tilespmem:s31+$0x70];
	[tilespmem:s0+$0x12000] =	vst v2;
	v0 =	vmul.f32 v0, v0;
	(pc) =	sbr.rel @p0 .LBB2_38-.Ltmp18, $4  }
0x34c: {  	v2 =	vld [tilespmem:s31+$0x0];
	[tilespmem:s0+$0x12010] =	vst v3;
	v1 =	vmul.f32 v1, v1  }
0x34d: {  	v3 =	vld [tilespmem:s31+$0x10];
	[tilespmem:s0+$0x12020] =	vst v0;
	v7 =	vmul.f32 v7, v7  }
0x34e: {  	v0 =	vld [tilespmem:s31+$0x20];
	[tilespmem:s0+$0x12030] =	vst v1;
	v5 =	vmul.f32 v5, v5  }
0x34f: {  	s5 =	sadd.s32 $0x400, s5;
	s6 =	sadd.s32 $0x80, s6;
	s4 =	sadd.s32 $0x10, s4;
	v1 =	vld [tilespmem:s31+$0x30];
	[tilespmem:s0+$0x12040] =	vst v7;
	v6 =	vmul.f32 v6, v6  }
0x350: {  	v7 =	vld [tilespmem:s31+$0x40];
	v4 =	vmul.f32 v4, v4;
	[tilespmem:s0+$0x12050] =	vst v5  }
0x351: {  	v5 =	vld [tilespmem:s31+$0x50];
	v2 =	vmul.f32 v2, v2;
	[tilespmem:s0+$0x12060] =	vst v6  }
0x352: {  	v6 =	vld [tilespmem:s31+$0x60];
	v3 =	vmul.f32 v3, v3;
	[tilespmem:s31+$0x12070] =	vst v4  }
0x353: {  	[tilespmem:s31+$0x12000] =	vst v2;
	v0 =	vmul.f32 v0, v0  }
0x354: {  	[tilespmem:s31+$0x12010] =	vst v3;
	v1 =	vmul.f32 v1, v1  }
0x355: {  	[tilespmem:s31+$0x12020] =	vst v0;
	v0 =	vmul.f32 v7, v7  }
0x356: {  	[tilespmem:s31+$0x12030] =	vst v1;
	v1 =	vmul.f32 v5, v5  }
0x357: {  	[tilespmem:s31+$0x12040] =	vst v0;
	v0 =	vmul.f32 v6, v6  }
0x358: {  	[tilespmem:s31+$0x12050] =	vst v1  }
0x359: {  	[tilespmem:s31+$0x12060] =	vst v0  }
0x35a: {  	s0 =	sld [smem:$0x7F0];
	_ =	sdelay $0x1  }
0x35b: {  	s1 =	sld [smem:$0x7E9]  }
0x35c: {  	[hbm4b:s0+s18] =	stream.strided.scatter [tilespmem:s23], [sflag:$0x4], $0x6000, s19, s18, $0x38;
	[tilespmem:$0x1E000] =	vst v63  }
0x35d: {  	s8 =	simm.s32 $0x0  }
0x35e: {  	[tilespmem:s8], [sflag:$0x1] =	stream.strided.gather [hbm4b:s1+s18], $0x6000, s19, s18, $0x38;
	[tilespmem:$0x1E000] =	vst v63  }
0x35f: {  	_ =	swait.ge [sflag:s24], $0x6000  }
0x360: {  	[sflag:s24] =	ssyncset.done $0x0  }
0x361: {  	[sflag:s24] =	ssyncadd.s32 $0xFFFFA000  }
0x362: {  	s5 =	sand.u32 $0x6000, s8;
	s4 =	sand.u32 $0x1C00, s8;
	_ =	swait.ge [sflag:s29], $0x6000  }
0x363: {  	s0 =	sand.u32 $0x380, s8;
	s1 =	sor.u32 s4, s5;
	[sflag:s29] =	ssyncset.done $0x0  }
0x364: {  	s0 =	sor.u32 s0, s1;
	[sflag:s29] =	ssyncadd.s32 $0xFFFFA000  }
0x365: {  	v0 =	vld [tilespmem:s0+$0x6070]  }
0x366: {  	v1 =	vld [tilespmem:s0+$0x6000]  }
0x367: {  	v2 =	vld [tilespmem:s0+$0x6010]  }
0x368: {  	v6 =	vld [tilespmem:s0+$0x6040]  }
0x369: {  	s6 =	simm.s32 $0x400;
	s7 =	simm.s32 $0x80;
	v3 =	vld [tilespmem:s0+$0x6020]  }
0x36a: {  	s5 =	simm.s32 $0x10;
	s4 =	sand.u32 $0x6000, s7;
	s1 =	sand.u32 $0x1C00, s6;
	v5 =	vld [tilespmem:s0+$0x6030];
	v0 =	vmul.f32 v0, v0  }
0x36b: {  	s8 =	sand.u32 $0x380, s5;
	s1 =	sor.u32 s1, s4;
	v7 =	vld [tilespmem:s0+$0x6050];
	v1 =	vmul.f32 v1, v1  }
0x36c: {  	s31 =	sor.u32 s8, s1;
	v9 =	vld [tilespmem:s0+$0x6060];
	v8 =	vmul.f32 v2, v2;
	[tilespmem:s0+$0x18070] =	vst v0  }
0x36d: {  	v4 =	vld [tilespmem:s31+$0x6070];
	v6 =	vmul.f32 v6, v6;
	[tilespmem:s0+$0x18000] =	vst v1  }
0x36e: {  	v2 =	vld [tilespmem:s31+$0x6000];
	v0 =	vmul.f32 v3, v3;
	[tilespmem:s0+$0x18010] =	vst v8  }
0x36f: {  	v1 =	vmul.f32 v5, v5;
	v3 =	vld [tilespmem:s31+$0x6010];
	[tilespmem:s0+$0x18040] =	vst v6  }
0x370: {  	s5 =	simm.s32 $0x800;
	v5 =	vmul.f32 v7, v7;
	[tilespmem:s0+$0x18020] =	vst v0;
	v0 =	vld [tilespmem:s31+$0x6020]  }
0x371: {  	s6 =	simm.s32 $0x100;
	s4 =	simm.s32 $0x20;
	s1 =	simm.s32 $0x8;
	v6 =	vmul.f32 v9, v9;
	[tilespmem:s0+$0x18030] =	vst v1;
	v1 =	vld [tilespmem:s31+$0x6030]  }
.LBB2_40:
0x372: {  	s7 =	sand.u32 $0x6000, s6;
	s8 =	sand.u32 $0x1C00, s5;
	s1 =	sadd.s32 $0x8, s1;
	v7 =	vld [tilespmem:s31+$0x6040];
	v4 =	vmul.f32 v4, v4;
	[tilespmem:s0+$0x18050] =	vst v5  }
0x373: {  	s7 =	sor.u32 s8, s7;
	s8 =	sand.u32 $0x380, s4;
	p0 =	slt.u32 s1, $0x5F8;
	v2 =	vmul.f32 v2, v2;
	v5 =	vld [tilespmem:s31+$0x6050];
	[tilespmem:s0+$0x18060] =	vst v6  }
0x374: {  	s0 =	smov.u32 s31;
	v3 =	vmul.f32 v3, v3;
	v6 =	vld [tilespmem:s31+$0x6060];
	[tilespmem:s31+$0x18070] =	vst v4;
	s31 =	sor.u32 s8, s7  }
.Ltmp19:
0x375: {  	v4 =	vld [tilespmem:s31+$0x6070];
	[tilespmem:s0+$0x18000] =	vst v2;
	v0 =	vmul.f32 v0, v0;
	(pc) =	sbr.rel @p0 .LBB2_40-.Ltmp19, $4  }
0x376: {  	v2 =	vld [tilespmem:s31+$0x6000];
	[tilespmem:s0+$0x18010] =	vst v3;
	v1 =	vmul.f32 v1, v1  }
0x377: {  	v3 =	vld [tilespmem:s31+$0x6010];
	[tilespmem:s0+$0x18020] =	vst v0;
	v7 =	vmul.f32 v7, v7  }
0x378: {  	v0 =	vld [tilespmem:s31+$0x6020];
	[tilespmem:s0+$0x18030] =	vst v1;
	v5 =	vmul.f32 v5, v5  }
0x379: {  	s5 =	sadd.s32 $0x400, s5;
	s6 =	sadd.s32 $0x80, s6;
	s4 =	sadd.s32 $0x10, s4;
	v1 =	vld [tilespmem:s31+$0x6030];
	[tilespmem:s0+$0x18040] =	vst v7;
	v6 =	vmul.f32 v6, v6  }
0x37a: {  	v7 =	vld [tilespmem:s31+$0x6040];
	v4 =	vmul.f32 v4, v4;
	[tilespmem:s0+$0x18050] =	vst v5  }
0x37b: {  	v5 =	vld [tilespmem:s31+$0x6050];
	v2 =	vmul.f32 v2, v2;
	[tilespmem:s0+$0x18060] =	vst v6  }
0x37c: {  	v6 =	vld [tilespmem:s31+$0x6060];
	v3 =	vmul.f32 v3, v3;
	[tilespmem:s31+$0x18070] =	vst v4  }
0x37d: {  	[tilespmem:s31+$0x18000] =	vst v2;
	v0 =	vmul.f32 v0, v0  }
0x37e: {  	[tilespmem:s31+$0x18010] =	vst v3;
	v1 =	vmul.f32 v1, v1  }
0x37f: {  	[tilespmem:s31+$0x18020] =	vst v0;
	v0 =	vmul.f32 v7, v7  }
0x380: {  	[tilespmem:s31+$0x18030] =	vst v1;
	v1 =	vmul.f32 v5, v5  }
0x381: {  	[tilespmem:s31+$0x18040] =	vst v0;
	v0 =	vmul.f32 v6, v6  }
0x382: {  	[tilespmem:s31+$0x18050] =	vst v1  }
0x383: {  	[tilespmem:s31+$0x18060] =	vst v0  }
0x384: {  	s0 =	sld [smem:$0x7F1];
	_ =	sdelay $0x1  }
0x385: {  	s4 =	sld [smem:$0x7EA]  }
0x386: {  	[hbm4b:s0+s18] =	stream.strided.scatter [tilespmem:s25], [sflag:$0x5], $0x6000, s19, s18, $0x38;
	[tilespmem:$0x1E000] =	vst v63  }
0x387: {  	_ = 	snop  }
0x388: {  	[tilespmem:s20], [sflag:$0x2] =	stream.strided.gather [hbm4b:s4+s18], $0x6000, s19, s18, $0x38;
	[tilespmem:$0x1E000] =	vst v63  }
0x389: {  	_ =	swait.ge [sflag:s26], $0x6000  }
0x38a: {  	[sflag:s26] =	ssyncset.done $0x0  }
0x38b: {  	s5 =	simm.s32 $0x0;
	[sflag:s26] =	ssyncadd.s32 $0xFFFFA000  }
0x38c: {  	s1 =	sand.u32 $0x6000, s5;
	s4 =	sand.u32 $0x1C00, s5;
	_ =	swait.ge [sflag:s28], $0x6000  }
0x38d: {  	s0 =	sand.u32 $0x380, s5;
	s1 =	sor.u32 s4, s1;
	[sflag:s28] =	ssyncset.done $0x0  }
0x38e: {  	s0 =	sor.u32 s0, s1;
	[sflag:s28] =	ssyncadd.s32 $0xFFFFA000  }
0x38f: {  	v0 =	vld [tilespmem:s0+$0xC070]  }
0x390: {  	v1 =	vld [tilespmem:s0+$0xC000]  }
0x391: {  	v2 =	vld [tilespmem:s0+$0xC010]  }
0x392: {  	v6 =	vld [tilespmem:s0+$0xC040]  }
0x393: {  	s6 =	simm.s32 $0x400;
	s7 =	simm.s32 $0x80;
	v3 =	vld [tilespmem:s0+$0xC020]  }
0x394: {  	s5 =	simm.s32 $0x10;
	s4 =	sand.u32 $0x6000, s7;
	s1 =	sand.u32 $0x1C00, s6;
	v5 =	vld [tilespmem:s0+$0xC030];
	v0 =	vmul.f32 v0, v0  }
0x395: {  	s8 =	sand.u32 $0x380, s5;
	s1 =	sor.u32 s1, s4;
	v7 =	vld [tilespmem:s0+$0xC050];
	v1 =	vmul.f32 v1, v1  }
0x396: {  	s31 =	sor.u32 s8, s1;
	v9 =	vld [tilespmem:s0+$0xC060];
	v8 =	vmul.f32 v2, v2;
	[tilespmem:s0+$0x12070] =	vst v0  }
0x397: {  	v4 =	vld [tilespmem:s31+$0xC070];
	v6 =	vmul.f32 v6, v6;
	[tilespmem:s0+$0x12000] =	vst v1  }
0x398: {  	v2 =	vld [tilespmem:s31+$0xC000];
	v0 =	vmul.f32 v3, v3;
	[tilespmem:s0+$0x12010] =	vst v8  }
0x399: {  	v1 =	vmul.f32 v5, v5;
	v3 =	vld [tilespmem:s31+$0xC010];
	[tilespmem:s0+$0x12040] =	vst v6  }
0x39a: {  	s5 =	simm.s32 $0x800;
	v5 =	vmul.f32 v7, v7;
	[tilespmem:s0+$0x12020] =	vst v0;
	v0 =	vld [tilespmem:s31+$0xC020]  }
0x39b: {  	s6 =	simm.s32 $0x100;
	s4 =	simm.s32 $0x20;
	s1 =	simm.s32 $0x8;
	v6 =	vmul.f32 v9, v9;
	[tilespmem:s0+$0x12030] =	vst v1;
	v1 =	vld [tilespmem:s31+$0xC030]  }
.LBB2_42:
0x39c: {  	s7 =	sand.u32 $0x6000, s6;
	s8 =	sand.u32 $0x1C00, s5;
	s1 =	sadd.s32 $0x8, s1;
	v7 =	vld [tilespmem:s31+$0xC040];
	v4 =	vmul.f32 v4, v4;
	[tilespmem:s0+$0x12050] =	vst v5  }
0x39d: {  	s7 =	sor.u32 s8, s7;
	s8 =	sand.u32 $0x380, s4;
	p0 =	slt.u32 s1, $0x5F8;
	v2 =	vmul.f32 v2, v2;
	v5 =	vld [tilespmem:s31+$0xC050];
	[tilespmem:s0+$0x12060] =	vst v6  }
0x39e: {  	s0 =	smov.u32 s31;
	v3 =	vmul.f32 v3, v3;
	v6 =	vld [tilespmem:s31+$0xC060];
	[tilespmem:s31+$0x12070] =	vst v4;
	s31 =	sor.u32 s8, s7  }
.Ltmp20:
0x39f: {  	v4 =	vld [tilespmem:s31+$0xC070];
	[tilespmem:s0+$0x12000] =	vst v2;
	v0 =	vmul.f32 v0, v0;
	(pc) =	sbr.rel @p0 .LBB2_42-.Ltmp20, $4  }
0x3a0: {  	v2 =	vld [tilespmem:s31+$0xC000];
	[tilespmem:s0+$0x12010] =	vst v3;
	v1 =	vmul.f32 v1, v1  }
0x3a1: {  	v3 =	vld [tilespmem:s31+$0xC010];
	[tilespmem:s0+$0x12020] =	vst v0;
	v7 =	vmul.f32 v7, v7  }
0x3a2: {  	v0 =	vld [tilespmem:s31+$0xC020];
	[tilespmem:s0+$0x12030] =	vst v1;
	v5 =	vmul.f32 v5, v5  }
0x3a3: {  	s5 =	sadd.s32 $0x400, s5;
	s6 =	sadd.s32 $0x80, s6;
	s4 =	sadd.s32 $0x10, s4;
	v1 =	vld [tilespmem:s31+$0xC030];
	[tilespmem:s0+$0x12040] =	vst v7;
	v6 =	vmul.f32 v6, v6  }
0x3a4: {  	v7 =	vld [tilespmem:s31+$0xC040];
	v4 =	vmul.f32 v4, v4;
	[tilespmem:s0+$0x12050] =	vst v5  }
0x3a5: {  	v5 =	vld [tilespmem:s31+$0xC050];
	v2 =	vmul.f32 v2, v2;
	[tilespmem:s0+$0x12060] =	vst v6  }
0x3a6: {  	v6 =	vld [tilespmem:s31+$0xC060];
	v3 =	vmul.f32 v3, v3;
	[tilespmem:s31+$0x12070] =	vst v4  }
0x3a7: {  	[tilespmem:s31+$0x12000] =	vst v2;
	v0 =	vmul.f32 v0, v0  }
0x3a8: {  	[tilespmem:s31+$0x12010] =	vst v3;
	v1 =	vmul.f32 v1, v1  }
0x3a9: {  	[tilespmem:s31+$0x12020] =	vst v0;
	v0 =	vmul.f32 v7, v7  }
0x3aa: {  	[tilespmem:s31+$0x12030] =	vst v1;
	v1 =	vmul.f32 v5, v5  }
0x3ab: {  	[tilespmem:s31+$0x12040] =	vst v0;
	v0 =	vmul.f32 v6, v6  }
0x3ac: {  	[tilespmem:s31+$0x12050] =	vst v1  }
0x3ad: {  	[tilespmem:s31+$0x12060] =	vst v0  }
0x3ae: {  	s0 =	sld [smem:$0x7F5];
	_ =	sdelay $0x1  }
0x3af: {  	s4 =	sld [smem:$0x7EB]  }
0x3b0: {  	[hbm4b:s0+s18] =	stream.strided.scatter [tilespmem:s23], [sflag:$0x4], $0x6000, s19, s18, $0x38;
	[tilespmem:$0x1E000] =	vst v63  }
0x3b1: {  	_ = 	snop  }
0x3b2: {  	[tilespmem:s21], [sflag:$0x3] =	stream.strided.gather [hbm4b:s4+s18], $0x6000, s19, s18, $0x38;
	[tilespmem:$0x1E000] =	vst v63  }
0x3b3: {  	_ =	swait.ge [sflag:s22], $0x6000  }
0x3b4: {  	[sflag:s22] =	ssyncset.done $0x0  }
0x3b5: {  	s5 =	simm.s32 $0x0;
	[sflag:s22] =	ssyncadd.s32 $0xFFFFA000  }
0x3b6: {  	s1 =	sand.u32 $0x6000, s5;
	s4 =	sand.u32 $0x1C00, s5;
	_ =	swait.ge [sflag:s29], $0x6000  }
0x3b7: {  	s0 =	sand.u32 $0x380, s5;
	s1 =	sor.u32 s4, s1;
	[sflag:s29] =	ssyncset.done $0x0  }
0x3b8: {  	s0 =	sor.u32 s0, s1;
	[sflag:s29] =	ssyncadd.s32 $0xFFFFA000  }
0x3b9: {  	v0 =	vld [tilespmem:s0+$0x70]  }
0x3ba: {  	v1 =	vld [tilespmem:s0+$0x0]  }
0x3bb: {  	v2 =	vld [tilespmem:s0+$0x10]  }
0x3bc: {  	v6 =	vld [tilespmem:s0+$0x40]  }
0x3bd: {  	s6 =	simm.s32 $0x400;
	s7 =	simm.s32 $0x80;
	v3 =	vld [tilespmem:s0+$0x20]  }
0x3be: {  	s5 =	simm.s32 $0x10;
	s4 =	sand.u32 $0x6000, s7;
	s1 =	sand.u32 $0x1C00, s6;
	v5 =	vld [tilespmem:s0+$0x30];
	v0 =	vmul.f32 v0, v0  }
0x3bf: {  	s8 =	sand.u32 $0x380, s5;
	s1 =	sor.u32 s1, s4;
	v7 =	vld [tilespmem:s0+$0x50];
	v1 =	vmul.f32 v1, v1  }
0x3c0: {  	s31 =	sor.u32 s8, s1;
	v9 =	vld [tilespmem:s0+$0x60];
	v8 =	vmul.f32 v2, v2;
	[tilespmem:s0+$0x18070] =	vst v0  }
0x3c1: {  	v4 =	vld [tilespmem:s31+$0x70];
	v6 =	vmul.f32 v6, v6;
	[tilespmem:s0+$0x18000] =	vst v1  }
0x3c2: {  	v2 =	vld [tilespmem:s31+$0x0];
	v0 =	vmul.f32 v3, v3;
	[tilespmem:s0+$0x18010] =	vst v8  }
0x3c3: {  	v1 =	vmul.f32 v5, v5;
	v3 =	vld [tilespmem:s31+$0x10];
	[tilespmem:s0+$0x18040] =	vst v6  }
0x3c4: {  	s5 =	simm.s32 $0x800;
	v5 =	vmul.f32 v7, v7;
	[tilespmem:s0+$0x18020] =	vst v0;
	v0 =	vld [tilespmem:s31+$0x20]  }
0x3c5: {  	s6 =	simm.s32 $0x100;
	s4 =	simm.s32 $0x20;
	s1 =	simm.s32 $0x8;
	v6 =	vmul.f32 v9, v9;
	[tilespmem:s0+$0x18030] =	vst v1;
	v1 =	vld [tilespmem:s31+$0x30]  }
.LBB2_44:
0x3c6: {  	s7 =	sand.u32 $0x6000, s6;
	s8 =	sand.u32 $0x1C00, s5;
	s1 =	sadd.s32 $0x8, s1;
	v7 =	vld [tilespmem:s31+$0x40];
	v4 =	vmul.f32 v4, v4;
	[tilespmem:s0+$0x18050] =	vst v5  }
0x3c7: {  	s7 =	sor.u32 s8, s7;
	s8 =	sand.u32 $0x380, s4;
	p0 =	slt.u32 s1, $0x5F8;
	v2 =	vmul.f32 v2, v2;
	v5 =	vld [tilespmem:s31+$0x50];
	[tilespmem:s0+$0x18060] =	vst v6  }
0x3c8: {  	s0 =	smov.u32 s31;
	v3 =	vmul.f32 v3, v3;
	v6 =	vld [tilespmem:s31+$0x60];
	[tilespmem:s31+$0x18070] =	vst v4;
	s31 =	sor.u32 s8, s7  }
.Ltmp21:
0x3c9: {  	v4 =	vld [tilespmem:s31+$0x70];
	[tilespmem:s0+$0x18000] =	vst v2;
	v0 =	vmul.f32 v0, v0;
	(pc) =	sbr.rel @p0 .LBB2_44-.Ltmp21, $4  }
0x3ca: {  	v2 =	vld [tilespmem:s31+$0x0];
	[tilespmem:s0+$0x18010] =	vst v3;
	v1 =	vmul.f32 v1, v1  }
0x3cb: {  	v3 =	vld [tilespmem:s31+$0x10];
	[tilespmem:s0+$0x18020] =	vst v0;
	v7 =	vmul.f32 v7, v7  }
0x3cc: {  	v0 =	vld [tilespmem:s31+$0x20];
	[tilespmem:s0+$0x18030] =	vst v1;
	v5 =	vmul.f32 v5, v5  }
0x3cd: {  	s5 =	sadd.s32 $0x400, s5;
	s6 =	sadd.s32 $0x80, s6;
	s4 =	sadd.s32 $0x10, s4;
	v1 =	vld [tilespmem:s31+$0x30];
	[tilespmem:s0+$0x18040] =	vst v7;
	v6 =	vmul.f32 v6, v6  }
0x3ce: {  	v7 =	vld [tilespmem:s31+$0x40];
	v4 =	vmul.f32 v4, v4;
	[tilespmem:s0+$0x18050] =	vst v5  }
0x3cf: {  	v5 =	vld [tilespmem:s31+$0x50];
	v2 =	vmul.f32 v2, v2;
	[tilespmem:s0+$0x18060] =	vst v6  }
0x3d0: {  	v6 =	vld [tilespmem:s31+$0x60];
	v3 =	vmul.f32 v3, v3;
	[tilespmem:s31+$0x18070] =	vst v4  }
0x3d1: {  	[tilespmem:s31+$0x18000] =	vst v2;
	v0 =	vmul.f32 v0, v0  }
0x3d2: {  	[tilespmem:s31+$0x18010] =	vst v3;
	v1 =	vmul.f32 v1, v1  }
0x3d3: {  	[tilespmem:s31+$0x18020] =	vst v0;
	v0 =	vmul.f32 v7, v7  }
0x3d4: {  	[tilespmem:s31+$0x18030] =	vst v1;
	v1 =	vmul.f32 v5, v5  }
0x3d5: {  	[tilespmem:s31+$0x18040] =	vst v0;
	v0 =	vmul.f32 v6, v6  }
0x3d6: {  	[tilespmem:s31+$0x18050] =	vst v1  }
0x3d7: {  	[tilespmem:s31+$0x18060] =	vst v0  }
0x3d8: {  	s0 =	sld [smem:$0x7F3];
	_ =	sdelay $0x1  }
0x3d9: {  	s1 =	sld [smem:$0x7E2]  }
0x3da: {  	[hbm4b:s0+s18] =	stream.strided.scatter [tilespmem:s25], [sflag:$0x5], $0x6000, s19, s18, $0x38;
	[tilespmem:$0x1E000] =	vst v63  }
0x3db: {  	s8 =	simm.s32 $0x0  }
0x3dc: {  	[tilespmem:s8], [sflag:$0x1] =	stream.strided.gather [hbm4b:s1+s18], $0x6000, s19, s18, $0x38;
	[tilespmem:$0x1E000] =	vst v63  }
0x3dd: {  	_ =	swait.ge [sflag:s24], $0x6000  }
0x3de: {  	[sflag:s24] =	ssyncset.done $0x0  }
0x3df: {  	[sflag:s24] =	ssyncadd.s32 $0xFFFFA000  }
0x3e0: {  	s5 =	sand.u32 $0x6000, s8;
	s4 =	sand.u32 $0x1C00, s8;
	_ =	swait.ge [sflag:s28], $0x6000  }
0x3e1: {  	s0 =	sand.u32 $0x380, s8;
	s1 =	sor.u32 s4, s5;
	[sflag:s28] =	ssyncset.done $0x0  }
0x3e2: {  	s0 =	sor.u32 s0, s1;
	[sflag:s28] =	ssyncadd.s32 $0xFFFFA000  }
0x3e3: {  	v0 =	vld [tilespmem:s0+$0x6070]  }
0x3e4: {  	v1 =	vld [tilespmem:s0+$0x6000]  }
0x3e5: {  	v2 =	vld [tilespmem:s0+$0x6010]  }
0x3e6: {  	v6 =	vld [tilespmem:s0+$0x6040]  }
0x3e7: {  	s6 =	simm.s32 $0x400;
	s7 =	simm.s32 $0x80;
	v3 =	vld [tilespmem:s0+$0x6020]  }
0x3e8: {  	s5 =	simm.s32 $0x10;
	s4 =	sand.u32 $0x6000, s7;
	s1 =	sand.u32 $0x1C00, s6;
	v5 =	vld [tilespmem:s0+$0x6030];
	v0 =	vmul.f32 v0, v0  }
0x3e9: {  	s8 =	sand.u32 $0x380, s5;
	s1 =	sor.u32 s1, s4;
	v7 =	vld [tilespmem:s0+$0x6050];
	v1 =	vmul.f32 v1, v1  }
0x3ea: {  	s31 =	sor.u32 s8, s1;
	v9 =	vld [tilespmem:s0+$0x6060];
	v8 =	vmul.f32 v2, v2;
	[tilespmem:s0+$0x12070] =	vst v0  }
0x3eb: {  	v4 =	vld [tilespmem:s31+$0x6070];
	v6 =	vmul.f32 v6, v6;
	[tilespmem:s0+$0x12000] =	vst v1  }
0x3ec: {  	v2 =	vld [tilespmem:s31+$0x6000];
	v0 =	vmul.f32 v3, v3;
	[tilespmem:s0+$0x12010] =	vst v8  }
0x3ed: {  	v1 =	vmul.f32 v5, v5;
	v3 =	vld [tilespmem:s31+$0x6010];
	[tilespmem:s0+$0x12040] =	vst v6  }
0x3ee: {  	s5 =	simm.s32 $0x800;
	v5 =	vmul.f32 v7, v7;
	[tilespmem:s0+$0x12020] =	vst v0;
	v0 =	vld [tilespmem:s31+$0x6020]  }
0x3ef: {  	s6 =	simm.s32 $0x100;
	s4 =	simm.s32 $0x20;
	s1 =	simm.s32 $0x8;
	v6 =	vmul.f32 v9, v9;
	[tilespmem:s0+$0x12030] =	vst v1;
	v1 =	vld [tilespmem:s31+$0x6030]  }
.LBB2_46:
0x3f0: {  	s7 =	sand.u32 $0x6000, s6;
	s8 =	sand.u32 $0x1C00, s5;
	s1 =	sadd.s32 $0x8, s1;
	v7 =	vld [tilespmem:s31+$0x6040];
	v4 =	vmul.f32 v4, v4;
	[tilespmem:s0+$0x12050] =	vst v5  }
0x3f1: {  	s7 =	sor.u32 s8, s7;
	s8 =	sand.u32 $0x380, s4;
	p0 =	slt.u32 s1, $0x5F8;
	v2 =	vmul.f32 v2, v2;
	v5 =	vld [tilespmem:s31+$0x6050];
	[tilespmem:s0+$0x12060] =	vst v6  }
0x3f2: {  	s0 =	smov.u32 s31;
	v3 =	vmul.f32 v3, v3;
	v6 =	vld [tilespmem:s31+$0x6060];
	[tilespmem:s31+$0x12070] =	vst v4;
	s31 =	sor.u32 s8, s7  }
.Ltmp22:
0x3f3: {  	v4 =	vld [tilespmem:s31+$0x6070];
	[tilespmem:s0+$0x12000] =	vst v2;
	v0 =	vmul.f32 v0, v0;
	(pc) =	sbr.rel @p0 .LBB2_46-.Ltmp22, $4  }
0x3f4: {  	v2 =	vld [tilespmem:s31+$0x6000];
	[tilespmem:s0+$0x12010] =	vst v3;
	v1 =	vmul.f32 v1, v1  }
0x3f5: {  	v3 =	vld [tilespmem:s31+$0x6010];
	[tilespmem:s0+$0x12020] =	vst v0;
	v7 =	vmul.f32 v7, v7  }
0x3f6: {  	v0 =	vld [tilespmem:s31+$0x6020];
	[tilespmem:s0+$0x12030] =	vst v1;
	v5 =	vmul.f32 v5, v5  }
0x3f7: {  	s5 =	sadd.s32 $0x400, s5;
	s6 =	sadd.s32 $0x80, s6;
	s4 =	sadd.s32 $0x10, s4;
	v1 =	vld [tilespmem:s31+$0x6030];
	[tilespmem:s0+$0x12040] =	vst v7;
	v6 =	vmul.f32 v6, v6  }
0x3f8: {  	v7 =	vld [tilespmem:s31+$0x6040];
	v4 =	vmul.f32 v4, v4;
	[tilespmem:s0+$0x12050] =	vst v5  }
0x3f9: {  	v5 =	vld [tilespmem:s31+$0x6050];
	v2 =	vmul.f32 v2, v2;
	[tilespmem:s0+$0x12060] =	vst v6  }
0x3fa: {  	v6 =	vld [tilespmem:s31+$0x6060];
	v3 =	vmul.f32 v3, v3;
	[tilespmem:s31+$0x12070] =	vst v4  }
0x3fb: {  	[tilespmem:s31+$0x12000] =	vst v2;
	v0 =	vmul.f32 v0, v0  }
0x3fc: {  	[tilespmem:s31+$0x12010] =	vst v3;
	v1 =	vmul.f32 v1, v1  }
0x3fd: {  	[tilespmem:s31+$0x12020] =	vst v0;
	v0 =	vmul.f32 v7, v7  }
0x3fe: {  	[tilespmem:s31+$0x12030] =	vst v1;
	v1 =	vmul.f32 v5, v5  }
0x3ff: {  	[tilespmem:s31+$0x12040] =	vst v0;
	v0 =	vmul.f32 v6, v6  }
0x400: {  	[tilespmem:s31+$0x12050] =	vst v1  }
0x401: {  	[tilespmem:s31+$0x12060] =	vst v0  }
0x402: {  	s0 =	sld [smem:$0x7F4];
	_ =	sdelay $0x1  }
0x403: {  	s4 =	sld [smem:$0x7E4]  }
0x404: {  	[hbm4b:s0+s18] =	stream.strided.scatter [tilespmem:s23], [sflag:$0x4], $0x6000, s19, s18, $0x38;
	[tilespmem:$0x1E000] =	vst v63  }
0x405: {  	_ = 	snop  }
0x406: {  	[tilespmem:s20], [sflag:$0x2] =	stream.strided.gather [hbm4b:s4+s18], $0x6000, s19, s18, $0x38;
	[tilespmem:$0x1E000] =	vst v63  }
0x407: {  	_ =	swait.ge [sflag:s26], $0x6000  }
0x408: {  	[sflag:s26] =	ssyncset.done $0x0  }
0x409: {  	s5 =	simm.s32 $0x0;
	[sflag:s26] =	ssyncadd.s32 $0xFFFFA000  }
0x40a: {  	s1 =	sand.u32 $0x6000, s5;
	s4 =	sand.u32 $0x1C00, s5;
	_ =	swait.ge [sflag:s29], $0x6000  }
0x40b: {  	s0 =	sand.u32 $0x380, s5;
	s1 =	sor.u32 s4, s1;
	[sflag:s29] =	ssyncset.done $0x0  }
0x40c: {  	s0 =	sor.u32 s0, s1;
	[sflag:s29] =	ssyncadd.s32 $0xFFFFA000  }
0x40d: {  	v0 =	vld [tilespmem:s0+$0xC070]  }
0x40e: {  	v1 =	vld [tilespmem:s0+$0xC000]  }
0x40f: {  	v2 =	vld [tilespmem:s0+$0xC010]  }
0x410: {  	v6 =	vld [tilespmem:s0+$0xC040]  }
0x411: {  	s6 =	simm.s32 $0x400;
	s7 =	simm.s32 $0x80;
	v3 =	vld [tilespmem:s0+$0xC020]  }
0x412: {  	s5 =	simm.s32 $0x10;
	s4 =	sand.u32 $0x6000, s7;
	s1 =	sand.u32 $0x1C00, s6;
	v5 =	vld [tilespmem:s0+$0xC030];
	v0 =	vmul.f32 v0, v0  }
0x413: {  	s8 =	sand.u32 $0x380, s5;
	s1 =	sor.u32 s1, s4;
	v7 =	vld [tilespmem:s0+$0xC050];
	v1 =	vmul.f32 v1, v1  }
0x414: {  	s31 =	sor.u32 s8, s1;
	v9 =	vld [tilespmem:s0+$0xC060];
	v8 =	vmul.f32 v2, v2;
	[tilespmem:s0+$0x18070] =	vst v0  }
0x415: {  	v4 =	vld [tilespmem:s31+$0xC070];
	v6 =	vmul.f32 v6, v6;
	[tilespmem:s0+$0x18000] =	vst v1  }
0x416: {  	v2 =	vld [tilespmem:s31+$0xC000];
	v0 =	vmul.f32 v3, v3;
	[tilespmem:s0+$0x18010] =	vst v8  }
0x417: {  	v1 =	vmul.f32 v5, v5;
	v3 =	vld [tilespmem:s31+$0xC010];
	[tilespmem:s0+$0x18040] =	vst v6  }
0x418: {  	s5 =	simm.s32 $0x800;
	v5 =	vmul.f32 v7, v7;
	[tilespmem:s0+$0x18020] =	vst v0;
	v0 =	vld [tilespmem:s31+$0xC020]  }
0x419: {  	s6 =	simm.s32 $0x100;
	s4 =	simm.s32 $0x20;
	s1 =	simm.s32 $0x8;
	v6 =	vmul.f32 v9, v9;
	[tilespmem:s0+$0x18030] =	vst v1;
	v1 =	vld [tilespmem:s31+$0xC030]  }
.LBB2_48:
0x41a: {  	s7 =	sand.u32 $0x6000, s6;
	s8 =	sand.u32 $0x1C00, s5;
	s1 =	sadd.s32 $0x8, s1;
	v7 =	vld [tilespmem:s31+$0xC040];
	v4 =	vmul.f32 v4, v4;
	[tilespmem:s0+$0x18050] =	vst v5  }
0x41b: {  	s7 =	sor.u32 s8, s7;
	s8 =	sand.u32 $0x380, s4;
	p0 =	slt.u32 s1, $0x5F8;
	v2 =	vmul.f32 v2, v2;
	v5 =	vld [tilespmem:s31+$0xC050];
	[tilespmem:s0+$0x18060] =	vst v6  }
0x41c: {  	s0 =	smov.u32 s31;
	v3 =	vmul.f32 v3, v3;
	v6 =	vld [tilespmem:s31+$0xC060];
	[tilespmem:s31+$0x18070] =	vst v4;
	s31 =	sor.u32 s8, s7  }
.Ltmp23:
0x41d: {  	v4 =	vld [tilespmem:s31+$0xC070];
	[tilespmem:s0+$0x18000] =	vst v2;
	v0 =	vmul.f32 v0, v0;
	(pc) =	sbr.rel @p0 .LBB2_48-.Ltmp23, $4  }
0x41e: {  	v2 =	vld [tilespmem:s31+$0xC000];
	[tilespmem:s0+$0x18010] =	vst v3;
	v1 =	vmul.f32 v1, v1  }
0x41f: {  	v3 =	vld [tilespmem:s31+$0xC010];
	[tilespmem:s0+$0x18020] =	vst v0;
	v7 =	vmul.f32 v7, v7  }
0x420: {  	v0 =	vld [tilespmem:s31+$0xC020];
	[tilespmem:s0+$0x18030] =	vst v1;
	v5 =	vmul.f32 v5, v5  }
0x421: {  	s5 =	sadd.s32 $0x400, s5;
	s6 =	sadd.s32 $0x80, s6;
	s4 =	sadd.s32 $0x10, s4;
	v1 =	vld [tilespmem:s31+$0xC030];
	[tilespmem:s0+$0x18040] =	vst v7;
	v6 =	vmul.f32 v6, v6  }
0x422: {  	v7 =	vld [tilespmem:s31+$0xC040];
	v4 =	vmul.f32 v4, v4;
	[tilespmem:s0+$0x18050] =	vst v5  }
0x423: {  	v5 =	vld [tilespmem:s31+$0xC050];
	v2 =	vmul.f32 v2, v2;
	[tilespmem:s0+$0x18060] =	vst v6  }
0x424: {  	v6 =	vld [tilespmem:s31+$0xC060];
	v3 =	vmul.f32 v3, v3;
	[tilespmem:s31+$0x18070] =	vst v4  }
0x425: {  	[tilespmem:s31+$0x18000] =	vst v2;
	v0 =	vmul.f32 v0, v0  }
0x426: {  	[tilespmem:s31+$0x18010] =	vst v3;
	v1 =	vmul.f32 v1, v1  }
0x427: {  	[tilespmem:s31+$0x18020] =	vst v0;
	v0 =	vmul.f32 v7, v7  }
0x428: {  	[tilespmem:s31+$0x18030] =	vst v1;
	v1 =	vmul.f32 v5, v5  }
0x429: {  	[tilespmem:s31+$0x18040] =	vst v0;
	v0 =	vmul.f32 v6, v6  }
0x42a: {  	[tilespmem:s31+$0x18050] =	vst v1  }
0x42b: {  	[tilespmem:s31+$0x18060] =	vst v0  }
0x42c: {  	s0 =	sld [smem:$0x7F6];
	_ =	sdelay $0x1  }
0x42d: {  	s4 =	sld [smem:$0x7E6]  }
0x42e: {  	[hbm4b:s0+s18] =	stream.strided.scatter [tilespmem:s25], [sflag:$0x5], $0x6000, s19, s18, $0x38;
	[tilespmem:$0x1E000] =	vst v63  }
0x42f: {  	_ = 	snop  }
0x430: {  	[tilespmem:s21], [sflag:$0x3] =	stream.strided.gather [hbm4b:s4+s18], $0x6000, s19, s18, $0x38;
	[tilespmem:$0x1E000] =	vst v63  }
0x431: {  	_ =	swait.ge [sflag:s22], $0x6000  }
0x432: {  	[sflag:s22] =	ssyncset.done $0x0  }
0x433: {  	s5 =	simm.s32 $0x0;
	[sflag:s22] =	ssyncadd.s32 $0xFFFFA000  }
0x434: {  	s1 =	sand.u32 $0x6000, s5;
	s4 =	sand.u32 $0x1C00, s5;
	_ =	swait.ge [sflag:s28], $0x6000  }
0x435: {  	s0 =	sand.u32 $0x380, s5;
	s1 =	sor.u32 s4, s1;
	[sflag:s28] =	ssyncset.done $0x0  }
0x436: {  	s0 =	sor.u32 s0, s1;
	[sflag:s28] =	ssyncadd.s32 $0xFFFFA000  }
0x437: {  	v0 =	vld [tilespmem:s0+$0x70]  }
0x438: {  	v1 =	vld [tilespmem:s0+$0x0]  }
0x439: {  	v2 =	vld [tilespmem:s0+$0x10]  }
0x43a: {  	v6 =	vld [tilespmem:s0+$0x40]  }
0x43b: {  	s6 =	simm.s32 $0x400;
	s7 =	simm.s32 $0x80;
	v3 =	vld [tilespmem:s0+$0x20]  }
0x43c: {  	s5 =	simm.s32 $0x10;
	s4 =	sand.u32 $0x6000, s7;
	s1 =	sand.u32 $0x1C00, s6;
	v5 =	vld [tilespmem:s0+$0x30];
	v0 =	vmul.f32 v0, v0  }
0x43d: {  	s8 =	sand.u32 $0x380, s5;
	s1 =	sor.u32 s1, s4;
	v7 =	vld [tilespmem:s0+$0x50];
	v1 =	vmul.f32 v1, v1  }
0x43e: {  	s31 =	sor.u32 s8, s1;
	v9 =	vld [tilespmem:s0+$0x60];
	v8 =	vmul.f32 v2, v2;
	[tilespmem:s0+$0x12070] =	vst v0  }
0x43f: {  	v4 =	vld [tilespmem:s31+$0x70];
	v6 =	vmul.f32 v6, v6;
	[tilespmem:s0+$0x12000] =	vst v1  }
0x440: {  	v2 =	vld [tilespmem:s31+$0x0];
	v0 =	vmul.f32 v3, v3;
	[tilespmem:s0+$0x12010] =	vst v8  }
0x441: {  	v1 =	vmul.f32 v5, v5;
	v3 =	vld [tilespmem:s31+$0x10];
	[tilespmem:s0+$0x12040] =	vst v6  }
0x442: {  	s5 =	simm.s32 $0x800;
	v5 =	vmul.f32 v7, v7;
	[tilespmem:s0+$0x12020] =	vst v0;
	v0 =	vld [tilespmem:s31+$0x20]  }
0x443: {  	s6 =	simm.s32 $0x100;
	s4 =	simm.s32 $0x20;
	s1 =	simm.s32 $0x8;
	v6 =	vmul.f32 v9, v9;
	[tilespmem:s0+$0x12030] =	vst v1;
	v1 =	vld [tilespmem:s31+$0x30]  }
.LBB2_50:
0x444: {  	s7 =	sand.u32 $0x6000, s6;
	s8 =	sand.u32 $0x1C00, s5;
	s1 =	sadd.s32 $0x8, s1;
	v7 =	vld [tilespmem:s31+$0x40];
	v4 =	vmul.f32 v4, v4;
	[tilespmem:s0+$0x12050] =	vst v5  }
0x445: {  	s7 =	sor.u32 s8, s7;
	s8 =	sand.u32 $0x380, s4;
	p0 =	slt.u32 s1, $0x5F8;
	v2 =	vmul.f32 v2, v2;
	v5 =	vld [tilespmem:s31+$0x50];
	[tilespmem:s0+$0x12060] =	vst v6  }
0x446: {  	s0 =	smov.u32 s31;
	v3 =	vmul.f32 v3, v3;
	v6 =	vld [tilespmem:s31+$0x60];
	[tilespmem:s31+$0x12070] =	vst v4;
	s31 =	sor.u32 s8, s7  }
.Ltmp24:
0x447: {  	v4 =	vld [tilespmem:s31+$0x70];
	[tilespmem:s0+$0x12000] =	vst v2;
	v0 =	vmul.f32 v0, v0;
	(pc) =	sbr.rel @p0 .LBB2_50-.Ltmp24, $4  }
0x448: {  	v2 =	vld [tilespmem:s31+$0x0];
	[tilespmem:s0+$0x12010] =	vst v3;
	v1 =	vmul.f32 v1, v1  }
0x449: {  	v3 =	vld [tilespmem:s31+$0x10];
	[tilespmem:s0+$0x12020] =	vst v0;
	v7 =	vmul.f32 v7, v7  }
0x44a: {  	v0 =	vld [tilespmem:s31+$0x20];
	[tilespmem:s0+$0x12030] =	vst v1;
	v5 =	vmul.f32 v5, v5  }
0x44b: {  	s5 =	sadd.s32 $0x400, s5;
	s6 =	sadd.s32 $0x80, s6;
	s4 =	sadd.s32 $0x10, s4;
	v1 =	vld [tilespmem:s31+$0x30];
	[tilespmem:s0+$0x12040] =	vst v7;
	v6 =	vmul.f32 v6, v6  }
0x44c: {  	v7 =	vld [tilespmem:s31+$0x40];
	v4 =	vmul.f32 v4, v4;
	[tilespmem:s0+$0x12050] =	vst v5  }
0x44d: {  	v5 =	vld [tilespmem:s31+$0x50];
	v2 =	vmul.f32 v2, v2;
	[tilespmem:s0+$0x12060] =	vst v6  }
0x44e: {  	v6 =	vld [tilespmem:s31+$0x60];
	v3 =	vmul.f32 v3, v3;
	[tilespmem:s31+$0x12070] =	vst v4  }
0x44f: {  	[tilespmem:s31+$0x12000] =	vst v2;
	v0 =	vmul.f32 v0, v0  }
0x450: {  	[tilespmem:s31+$0x12010] =	vst v3;
	v1 =	vmul.f32 v1, v1  }
0x451: {  	[tilespmem:s31+$0x12020] =	vst v0;
	v0 =	vmul.f32 v7, v7  }
0x452: {  	[tilespmem:s31+$0x12030] =	vst v1;
	v1 =	vmul.f32 v5, v5  }
0x453: {  	[tilespmem:s31+$0x12040] =	vst v0;
	v0 =	vmul.f32 v6, v6  }
0x454: {  	[tilespmem:s31+$0x12050] =	vst v1  }
0x455: {  	[tilespmem:s31+$0x12060] =	vst v0  }
0x456: {  	s0 =	sld [smem:$0x7F7];
	_ =	sdelay $0x1  }
0x457: {  	s1 =	sld [smem:$0x7EF]  }
0x458: {  	[hbm4b:s0+s18] =	stream.strided.scatter [tilespmem:s23], [sflag:$0x4], $0x6000, s19, s18, $0x38;
	[tilespmem:$0x1E000] =	vst v63  }
0x459: {  	s8 =	simm.s32 $0x0  }
0x45a: {  	[tilespmem:s8], [sflag:$0x1] =	stream.strided.gather [hbm4b:s1+s18], $0x6000, s19, s18, $0x38;
	[tilespmem:$0x1E000] =	vst v63  }
0x45b: {  	_ =	swait.ge [sflag:s24], $0x6000  }
0x45c: {  	[sflag:s24] =	ssyncset.done $0x0  }
0x45d: {  	[sflag:s24] =	ssyncadd.s32 $0xFFFFA000  }
0x45e: {  	s5 =	sand.u32 $0x6000, s8;
	s4 =	sand.u32 $0x1C00, s8;
	_ =	swait.ge [sflag:s29], $0x6000  }
0x45f: {  	s0 =	sand.u32 $0x380, s8;
	s1 =	sor.u32 s4, s5;
	[sflag:s29] =	ssyncset.done $0x0  }
0x460: {  	s0 =	sor.u32 s0, s1;
	[sflag:s29] =	ssyncadd.s32 $0xFFFFA000  }
0x461: {  	v0 =	vld [tilespmem:s0+$0x6070]  }
0x462: {  	v1 =	vld [tilespmem:s0+$0x6000]  }
0x463: {  	v2 =	vld [tilespmem:s0+$0x6010]  }
0x464: {  	v6 =	vld [tilespmem:s0+$0x6040]  }
0x465: {  	s6 =	simm.s32 $0x400;
	s7 =	simm.s32 $0x80;
	v3 =	vld [tilespmem:s0+$0x6020]  }
0x466: {  	s5 =	simm.s32 $0x10;
	s4 =	sand.u32 $0x6000, s7;
	s1 =	sand.u32 $0x1C00, s6;
	v5 =	vld [tilespmem:s0+$0x6030];
	v0 =	vmul.f32 v0, v0  }
0x467: {  	s8 =	sand.u32 $0x380, s5;
	s1 =	sor.u32 s1, s4;
	v7 =	vld [tilespmem:s0+$0x6050];
	v1 =	vmul.f32 v1, v1  }
0x468: {  	s31 =	sor.u32 s8, s1;
	v9 =	vld [tilespmem:s0+$0x6060];
	v8 =	vmul.f32 v2, v2;
	[tilespmem:s0+$0x18070] =	vst v0  }
0x469: {  	v4 =	vld [tilespmem:s31+$0x6070];
	v6 =	vmul.f32 v6, v6;
	[tilespmem:s0+$0x18000] =	vst v1  }
0x46a: {  	v2 =	vld [tilespmem:s31+$0x6000];
	v0 =	vmul.f32 v3, v3;
	[tilespmem:s0+$0x18010] =	vst v8  }
0x46b: {  	v1 =	vmul.f32 v5, v5;
	v3 =	vld [tilespmem:s31+$0x6010];
	[tilespmem:s0+$0x18040] =	vst v6  }
0x46c: {  	s5 =	simm.s32 $0x800;
	v5 =	vmul.f32 v7, v7;
	[tilespmem:s0+$0x18020] =	vst v0;
	v0 =	vld [tilespmem:s31+$0x6020]  }
0x46d: {  	s6 =	simm.s32 $0x100;
	s4 =	simm.s32 $0x20;
	s1 =	simm.s32 $0x8;
	v6 =	vmul.f32 v9, v9;
	[tilespmem:s0+$0x18030] =	vst v1;
	v1 =	vld [tilespmem:s31+$0x6030]  }
.LBB2_52:
0x46e: {  	s7 =	sand.u32 $0x6000, s6;
	s8 =	sand.u32 $0x1C00, s5;
	s1 =	sadd.s32 $0x8, s1;
	v7 =	vld [tilespmem:s31+$0x6040];
	v4 =	vmul.f32 v4, v4;
	[tilespmem:s0+$0x18050] =	vst v5  }
0x46f: {  	s7 =	sor.u32 s8, s7;
	s8 =	sand.u32 $0x380, s4;
	p0 =	slt.u32 s1, $0x5F8;
	v2 =	vmul.f32 v2, v2;
	v5 =	vld [tilespmem:s31+$0x6050];
	[tilespmem:s0+$0x18060] =	vst v6  }
0x470: {  	s0 =	smov.u32 s31;
	v3 =	vmul.f32 v3, v3;
	v6 =	vld [tilespmem:s31+$0x6060];
	[tilespmem:s31+$0x18070] =	vst v4;
	s31 =	sor.u32 s8, s7  }
.Ltmp25:
0x471: {  	v4 =	vld [tilespmem:s31+$0x6070];
	[tilespmem:s0+$0x18000] =	vst v2;
	v0 =	vmul.f32 v0, v0;
	(pc) =	sbr.rel @p0 .LBB2_52-.Ltmp25, $4  }
0x472: {  	v2 =	vld [tilespmem:s31+$0x6000];
	[tilespmem:s0+$0x18010] =	vst v3;
	v1 =	vmul.f32 v1, v1  }
0x473: {  	v3 =	vld [tilespmem:s31+$0x6010];
	[tilespmem:s0+$0x18020] =	vst v0;
	v7 =	vmul.f32 v7, v7  }
0x474: {  	v0 =	vld [tilespmem:s31+$0x6020];
	[tilespmem:s0+$0x18030] =	vst v1;
	v5 =	vmul.f32 v5, v5  }
0x475: {  	s5 =	sadd.s32 $0x400, s5;
	s6 =	sadd.s32 $0x80, s6;
	s4 =	sadd.s32 $0x10, s4;
	v1 =	vld [tilespmem:s31+$0x6030];
	[tilespmem:s0+$0x18040] =	vst v7;
	v6 =	vmul.f32 v6, v6  }
0x476: {  	v7 =	vld [tilespmem:s31+$0x6040];
	v4 =	vmul.f32 v4, v4;
	[tilespmem:s0+$0x18050] =	vst v5  }
0x477: {  	v5 =	vld [tilespmem:s31+$0x6050];
	v2 =	vmul.f32 v2, v2;
	[tilespmem:s0+$0x18060] =	vst v6  }
0x478: {  	v6 =	vld [tilespmem:s31+$0x6060];
	v3 =	vmul.f32 v3, v3;
	[tilespmem:s31+$0x18070] =	vst v4  }
0x479: {  	[tilespmem:s31+$0x18000] =	vst v2;
	v0 =	vmul.f32 v0, v0  }
0x47a: {  	[tilespmem:s31+$0x18010] =	vst v3;
	v1 =	vmul.f32 v1, v1  }
0x47b: {  	[tilespmem:s31+$0x18020] =	vst v0;
	v0 =	vmul.f32 v7, v7  }
0x47c: {  	[tilespmem:s31+$0x18030] =	vst v1;
	v1 =	vmul.f32 v5, v5  }
0x47d: {  	[tilespmem:s31+$0x18040] =	vst v0;
	v0 =	vmul.f32 v6, v6  }
0x47e: {  	[tilespmem:s31+$0x18050] =	vst v1  }
0x47f: {  	[tilespmem:s31+$0x18060] =	vst v0  }
0x480: {  	s0 =	sld [smem:$0x7F9];
	_ =	sdelay $0x1  }
0x481: {  	s4 =	sld [smem:$0x7E3]  }
0x482: {  	[hbm4b:s0+s18] =	stream.strided.scatter [tilespmem:s25], [sflag:$0x5], $0x6000, s19, s18, $0x38;
	[tilespmem:$0x1E000] =	vst v63  }
0x483: {  	_ = 	snop  }
0x484: {  	[tilespmem:s20], [sflag:$0x2] =	stream.strided.gather [hbm4b:s4+s18], $0x6000, s19, s18, $0x38;
	[tilespmem:$0x1E000] =	vst v63  }
0x485: {  	_ =	swait.ge [sflag:s26], $0x6000  }
0x486: {  	[sflag:s26] =	ssyncset.done $0x0  }
0x487: {  	s5 =	simm.s32 $0x0;
	[sflag:s26] =	ssyncadd.s32 $0xFFFFA000  }
0x488: {  	s1 =	sand.u32 $0x6000, s5;
	s4 =	sand.u32 $0x1C00, s5;
	_ =	swait.ge [sflag:s28], $0x6000  }
0x489: {  	s0 =	sand.u32 $0x380, s5;
	s1 =	sor.u32 s4, s1;
	[sflag:s28] =	ssyncset.done $0x0  }
0x48a: {  	s0 =	sor.u32 s0, s1;
	[sflag:s28] =	ssyncadd.s32 $0xFFFFA000  }
0x48b: {  	v0 =	vld [tilespmem:s0+$0xC070]  }
0x48c: {  	v1 =	vld [tilespmem:s0+$0xC000]  }
0x48d: {  	v2 =	vld [tilespmem:s0+$0xC010]  }
0x48e: {  	v6 =	vld [tilespmem:s0+$0xC040]  }
0x48f: {  	s6 =	simm.s32 $0x400;
	s7 =	simm.s32 $0x80;
	v3 =	vld [tilespmem:s0+$0xC020]  }
0x490: {  	s5 =	simm.s32 $0x10;
	s4 =	sand.u32 $0x6000, s7;
	s1 =	sand.u32 $0x1C00, s6;
	v5 =	vld [tilespmem:s0+$0xC030];
	v0 =	vmul.f32 v0, v0  }
0x491: {  	s8 =	sand.u32 $0x380, s5;
	s1 =	sor.u32 s1, s4;
	v7 =	vld [tilespmem:s0+$0xC050];
	v1 =	vmul.f32 v1, v1  }
0x492: {  	s31 =	sor.u32 s8, s1;
	v9 =	vld [tilespmem:s0+$0xC060];
	v8 =	vmul.f32 v2, v2;
	[tilespmem:s0+$0x12070] =	vst v0  }
0x493: {  	v4 =	vld [tilespmem:s31+$0xC070];
	v6 =	vmul.f32 v6, v6;
	[tilespmem:s0+$0x12000] =	vst v1  }
0x494: {  	v2 =	vld [tilespmem:s31+$0xC000];
	v0 =	vmul.f32 v3, v3;
	[tilespmem:s0+$0x12010] =	vst v8  }
0x495: {  	v1 =	vmul.f32 v5, v5;
	v3 =	vld [tilespmem:s31+$0xC010];
	[tilespmem:s0+$0x12040] =	vst v6  }
0x496: {  	s5 =	simm.s32 $0x800;
	v5 =	vmul.f32 v7, v7;
	[tilespmem:s0+$0x12020] =	vst v0;
	v0 =	vld [tilespmem:s31+$0xC020]  }
0x497: {  	s6 =	simm.s32 $0x100;
	s4 =	simm.s32 $0x20;
	s1 =	simm.s32 $0x8;
	v6 =	vmul.f32 v9, v9;
	[tilespmem:s0+$0x12030] =	vst v1;
	v1 =	vld [tilespmem:s31+$0xC030]  }
.LBB2_54:
0x498: {  	s7 =	sand.u32 $0x6000, s6;
	s8 =	sand.u32 $0x1C00, s5;
	s1 =	sadd.s32 $0x8, s1;
	v7 =	vld [tilespmem:s31+$0xC040];
	v4 =	vmul.f32 v4, v4;
	[tilespmem:s0+$0x12050] =	vst v5  }
0x499: {  	s7 =	sor.u32 s8, s7;
	s8 =	sand.u32 $0x380, s4;
	p0 =	slt.u32 s1, $0x5F8;
	v2 =	vmul.f32 v2, v2;
	v5 =	vld [tilespmem:s31+$0xC050];
	[tilespmem:s0+$0x12060] =	vst v6  }
0x49a: {  	s0 =	smov.u32 s31;
	v3 =	vmul.f32 v3, v3;
	v6 =	vld [tilespmem:s31+$0xC060];
	[tilespmem:s31+$0x12070] =	vst v4;
	s31 =	sor.u32 s8, s7  }
.Ltmp26:
0x49b: {  	v4 =	vld [tilespmem:s31+$0xC070];
	[tilespmem:s0+$0x12000] =	vst v2;
	v0 =	vmul.f32 v0, v0;
	(pc) =	sbr.rel @p0 .LBB2_54-.Ltmp26, $4  }
0x49c: {  	v2 =	vld [tilespmem:s31+$0xC000];
	[tilespmem:s0+$0x12010] =	vst v3;
	v1 =	vmul.f32 v1, v1  }
0x49d: {  	v3 =	vld [tilespmem:s31+$0xC010];
	[tilespmem:s0+$0x12020] =	vst v0;
	v7 =	vmul.f32 v7, v7  }
0x49e: {  	v0 =	vld [tilespmem:s31+$0xC020];
	[tilespmem:s0+$0x12030] =	vst v1;
	v5 =	vmul.f32 v5, v5  }
0x49f: {  	s5 =	sadd.s32 $0x400, s5;
	s6 =	sadd.s32 $0x80, s6;
	s4 =	sadd.s32 $0x10, s4;
	v1 =	vld [tilespmem:s31+$0xC030];
	[tilespmem:s0+$0x12040] =	vst v7;
	v6 =	vmul.f32 v6, v6  }
0x4a0: {  	v7 =	vld [tilespmem:s31+$0xC040];
	v4 =	vmul.f32 v4, v4;
	[tilespmem:s0+$0x12050] =	vst v5  }
0x4a1: {  	v5 =	vld [tilespmem:s31+$0xC050];
	v2 =	vmul.f32 v2, v2;
	[tilespmem:s0+$0x12060] =	vst v6  }
0x4a2: {  	v6 =	vld [tilespmem:s31+$0xC060];
	v3 =	vmul.f32 v3, v3;
	[tilespmem:s31+$0x12070] =	vst v4  }
0x4a3: {  	[tilespmem:s31+$0x12000] =	vst v2;
	v0 =	vmul.f32 v0, v0  }
0x4a4: {  	[tilespmem:s31+$0x12010] =	vst v3;
	v1 =	vmul.f32 v1, v1  }
0x4a5: {  	[tilespmem:s31+$0x12020] =	vst v0;
	v0 =	vmul.f32 v7, v7  }
0x4a6: {  	[tilespmem:s31+$0x12030] =	vst v1;
	v1 =	vmul.f32 v5, v5  }
0x4a7: {  	[tilespmem:s31+$0x12040] =	vst v0;
	v0 =	vmul.f32 v6, v6  }
0x4a8: {  	[tilespmem:s31+$0x12050] =	vst v1  }
0x4a9: {  	[tilespmem:s31+$0x12060] =	vst v0  }
0x4aa: {  	s0 =	sld [smem:$0x7FA];
	_ =	sdelay $0x1  }
0x4ab: {  	s4 =	sld [smem:$0x7E5]  }
0x4ac: {  	[hbm4b:s0+s18] =	stream.strided.scatter [tilespmem:s23], [sflag:$0x4], $0x6000, s19, s18, $0x38;
	[tilespmem:$0x1E000] =	vst v63  }
0x4ad: {  	_ = 	snop  }
0x4ae: {  	[tilespmem:s21], [sflag:$0x3] =	stream.strided.gather [hbm4b:s4+s18], $0x6000, s19, s18, $0x38;
	[tilespmem:$0x1E000] =	vst v63  }
0x4af: {  	_ =	swait.ge [sflag:s22], $0x6000  }
0x4b0: {  	[sflag:s22] =	ssyncset.done $0x0  }
0x4b1: {  	s5 =	simm.s32 $0x0;
	[sflag:s22] =	ssyncadd.s32 $0xFFFFA000  }
0x4b2: {  	s1 =	sand.u32 $0x6000, s5;
	s4 =	sand.u32 $0x1C00, s5;
	_ =	swait.ge [sflag:s29], $0x6000  }
0x4b3: {  	s0 =	sand.u32 $0x380, s5;
	s1 =	sor.u32 s4, s1;
	[sflag:s29] =	ssyncset.done $0x0  }
0x4b4: {  	s0 =	sor.u32 s0, s1;
	[sflag:s29] =	ssyncadd.s32 $0xFFFFA000  }
0x4b5: {  	v0 =	vld [tilespmem:s0+$0x70]  }
0x4b6: {  	v1 =	vld [tilespmem:s0+$0x0]  }
0x4b7: {  	v2 =	vld [tilespmem:s0+$0x10]  }
0x4b8: {  	v6 =	vld [tilespmem:s0+$0x40]  }
0x4b9: {  	s6 =	simm.s32 $0x400;
	s7 =	simm.s32 $0x80;
	v3 =	vld [tilespmem:s0+$0x20]  }
0x4ba: {  	s5 =	simm.s32 $0x10;
	s4 =	sand.u32 $0x6000, s7;
	s1 =	sand.u32 $0x1C00, s6;
	v5 =	vld [tilespmem:s0+$0x30];
	v0 =	vmul.f32 v0, v0  }
0x4bb: {  	s8 =	sand.u32 $0x380, s5;
	s1 =	sor.u32 s1, s4;
	v7 =	vld [tilespmem:s0+$0x50];
	v1 =	vmul.f32 v1, v1  }
0x4bc: {  	s31 =	sor.u32 s8, s1;
	v9 =	vld [tilespmem:s0+$0x60];
	v8 =	vmul.f32 v2, v2;
	[tilespmem:s0+$0x18070] =	vst v0  }
0x4bd: {  	v4 =	vld [tilespmem:s31+$0x70];
	v6 =	vmul.f32 v6, v6;
	[tilespmem:s0+$0x18000] =	vst v1  }
0x4be: {  	v2 =	vld [tilespmem:s31+$0x0];
	v0 =	vmul.f32 v3, v3;
	[tilespmem:s0+$0x18010] =	vst v8  }
0x4bf: {  	v1 =	vmul.f32 v5, v5;
	v3 =	vld [tilespmem:s31+$0x10];
	[tilespmem:s0+$0x18040] =	vst v6  }
0x4c0: {  	s5 =	simm.s32 $0x800;
	v5 =	vmul.f32 v7, v7;
	[tilespmem:s0+$0x18020] =	vst v0;
	v0 =	vld [tilespmem:s31+$0x20]  }
0x4c1: {  	s6 =	simm.s32 $0x100;
	s4 =	simm.s32 $0x20;
	s1 =	simm.s32 $0x8;
	v6 =	vmul.f32 v9, v9;
	[tilespmem:s0+$0x18030] =	vst v1;
	v1 =	vld [tilespmem:s31+$0x30]  }
.LBB2_56:
0x4c2: {  	s7 =	sand.u32 $0x6000, s6;
	s8 =	sand.u32 $0x1C00, s5;
	s1 =	sadd.s32 $0x8, s1;
	v7 =	vld [tilespmem:s31+$0x40];
	v4 =	vmul.f32 v4, v4;
	[tilespmem:s0+$0x18050] =	vst v5  }
0x4c3: {  	s7 =	sor.u32 s8, s7;
	s8 =	sand.u32 $0x380, s4;
	p0 =	slt.u32 s1, $0x5F8;
	v2 =	vmul.f32 v2, v2;
	v5 =	vld [tilespmem:s31+$0x50];
	[tilespmem:s0+$0x18060] =	vst v6  }
0x4c4: {  	s0 =	smov.u32 s31;
	v3 =	vmul.f32 v3, v3;
	v6 =	vld [tilespmem:s31+$0x60];
	[tilespmem:s31+$0x18070] =	vst v4;
	s31 =	sor.u32 s8, s7  }
.Ltmp27:
0x4c5: {  	v4 =	vld [tilespmem:s31+$0x70];
	[tilespmem:s0+$0x18000] =	vst v2;
	v0 =	vmul.f32 v0, v0;
	(pc) =	sbr.rel @p0 .LBB2_56-.Ltmp27, $4  }
0x4c6: {  	v2 =	vld [tilespmem:s31+$0x0];
	[tilespmem:s0+$0x18010] =	vst v3;
	v1 =	vmul.f32 v1, v1  }
0x4c7: {  	v3 =	vld [tilespmem:s31+$0x10];
	[tilespmem:s0+$0x18020] =	vst v0;
	v7 =	vmul.f32 v7, v7  }
0x4c8: {  	v0 =	vld [tilespmem:s31+$0x20];
	[tilespmem:s0+$0x18030] =	vst v1;
	v5 =	vmul.f32 v5, v5  }
0x4c9: {  	s5 =	sadd.s32 $0x400, s5;
	s6 =	sadd.s32 $0x80, s6;
	s4 =	sadd.s32 $0x10, s4;
	v1 =	vld [tilespmem:s31+$0x30];
	[tilespmem:s0+$0x18040] =	vst v7;
	v6 =	vmul.f32 v6, v6  }
0x4ca: {  	v7 =	vld [tilespmem:s31+$0x40];
	v4 =	vmul.f32 v4, v4;
	[tilespmem:s0+$0x18050] =	vst v5  }
0x4cb: {  	v5 =	vld [tilespmem:s31+$0x50];
	v2 =	vmul.f32 v2, v2;
	[tilespmem:s0+$0x18060] =	vst v6  }
0x4cc: {  	v6 =	vld [tilespmem:s31+$0x60];
	v3 =	vmul.f32 v3, v3;
	[tilespmem:s31+$0x18070] =	vst v4  }
0x4cd: {  	[tilespmem:s31+$0x18000] =	vst v2;
	v0 =	vmul.f32 v0, v0  }
0x4ce: {  	[tilespmem:s31+$0x18010] =	vst v3;
	v1 =	vmul.f32 v1, v1  }
0x4cf: {  	[tilespmem:s31+$0x18020] =	vst v0;
	v0 =	vmul.f32 v7, v7  }
0x4d0: {  	[tilespmem:s31+$0x18030] =	vst v1;
	v1 =	vmul.f32 v5, v5  }
0x4d1: {  	[tilespmem:s31+$0x18040] =	vst v0;
	v0 =	vmul.f32 v6, v6  }
0x4d2: {  	[tilespmem:s31+$0x18050] =	vst v1  }
0x4d3: {  	[tilespmem:s31+$0x18060] =	vst v0  }
0x4d4: {  	s0 =	sld [smem:$0x7FC];
	_ =	sdelay $0x1  }
0x4d5: {  	s1 =	sld [smem:$0x7E7]  }
0x4d6: {  	[hbm4b:s0+s18] =	stream.strided.scatter [tilespmem:s25], [sflag:$0x5], $0x6000, s19, s18, $0x38;
	[tilespmem:$0x1E000] =	vst v63  }
0x4d7: {  	s8 =	simm.s32 $0x0  }
0x4d8: {  	[tilespmem:s8], [sflag:$0x1] =	stream.strided.gather [hbm4b:s1+s18], $0x6000, s19, s18, $0x38;
	[tilespmem:$0x1E000] =	vst v63  }
0x4d9: {  	_ =	swait.ge [sflag:s24], $0x6000  }
0x4da: {  	[sflag:s24] =	ssyncset.done $0x0  }
0x4db: {  	[sflag:s24] =	ssyncadd.s32 $0xFFFFA000  }
0x4dc: {  	s5 =	sand.u32 $0x6000, s8;
	s4 =	sand.u32 $0x1C00, s8;
	_ =	swait.ge [sflag:s28], $0x6000  }
0x4dd: {  	s0 =	sand.u32 $0x380, s8;
	s1 =	sor.u32 s4, s5;
	[sflag:s28] =	ssyncset.done $0x0  }
0x4de: {  	s0 =	sor.u32 s0, s1;
	[sflag:s28] =	ssyncadd.s32 $0xFFFFA000  }
0x4df: {  	v0 =	vld [tilespmem:s0+$0x6070]  }
0x4e0: {  	v1 =	vld [tilespmem:s0+$0x6000]  }
0x4e1: {  	v2 =	vld [tilespmem:s0+$0x6010]  }
0x4e2: {  	v6 =	vld [tilespmem:s0+$0x6040]  }
0x4e3: {  	s6 =	simm.s32 $0x400;
	s7 =	simm.s32 $0x80;
	v3 =	vld [tilespmem:s0+$0x6020]  }
0x4e4: {  	s5 =	simm.s32 $0x10;
	s4 =	sand.u32 $0x6000, s7;
	s1 =	sand.u32 $0x1C00, s6;
	v5 =	vld [tilespmem:s0+$0x6030];
	v0 =	vmul.f32 v0, v0  }
0x4e5: {  	s8 =	sand.u32 $0x380, s5;
	s1 =	sor.u32 s1, s4;
	v7 =	vld [tilespmem:s0+$0x6050];
	v1 =	vmul.f32 v1, v1  }
0x4e6: {  	s31 =	sor.u32 s8, s1;
	v9 =	vld [tilespmem:s0+$0x6060];
	v8 =	vmul.f32 v2, v2;
	[tilespmem:s0+$0x12070] =	vst v0  }
0x4e7: {  	v4 =	vld [tilespmem:s31+$0x6070];
	v6 =	vmul.f32 v6, v6;
	[tilespmem:s0+$0x12000] =	vst v1  }
0x4e8: {  	v2 =	vld [tilespmem:s31+$0x6000];
	v0 =	vmul.f32 v3, v3;
	[tilespmem:s0+$0x12010] =	vst v8  }
0x4e9: {  	v1 =	vmul.f32 v5, v5;
	v3 =	vld [tilespmem:s31+$0x6010];
	[tilespmem:s0+$0x12040] =	vst v6  }
0x4ea: {  	s5 =	simm.s32 $0x800;
	v5 =	vmul.f32 v7, v7;
	[tilespmem:s0+$0x12020] =	vst v0;
	v0 =	vld [tilespmem:s31+$0x6020]  }
0x4eb: {  	s6 =	simm.s32 $0x100;
	s4 =	simm.s32 $0x20;
	s1 =	simm.s32 $0x8;
	v6 =	vmul.f32 v9, v9;
	[tilespmem:s0+$0x12030] =	vst v1;
	v1 =	vld [tilespmem:s31+$0x6030]  }
.LBB2_58:
0x4ec: {  	s7 =	sand.u32 $0x6000, s6;
	s8 =	sand.u32 $0x1C00, s5;
	s1 =	sadd.s32 $0x8, s1;
	v7 =	vld [tilespmem:s31+$0x6040];
	v4 =	vmul.f32 v4, v4;
	[tilespmem:s0+$0x12050] =	vst v5  }
0x4ed: {  	s7 =	sor.u32 s8, s7;
	s8 =	sand.u32 $0x380, s4;
	p0 =	slt.u32 s1, $0x5F8;
	v2 =	vmul.f32 v2, v2;
	v5 =	vld [tilespmem:s31+$0x6050];
	[tilespmem:s0+$0x12060] =	vst v6  }
0x4ee: {  	s0 =	smov.u32 s31;
	v3 =	vmul.f32 v3, v3;
	v6 =	vld [tilespmem:s31+$0x6060];
	[tilespmem:s31+$0x12070] =	vst v4;
	s31 =	sor.u32 s8, s7  }
.Ltmp28:
0x4ef: {  	v4 =	vld [tilespmem:s31+$0x6070];
	[tilespmem:s0+$0x12000] =	vst v2;
	v0 =	vmul.f32 v0, v0;
	(pc) =	sbr.rel @p0 .LBB2_58-.Ltmp28, $4  }
0x4f0: {  	v2 =	vld [tilespmem:s31+$0x6000];
	[tilespmem:s0+$0x12010] =	vst v3;
	v1 =	vmul.f32 v1, v1  }
0x4f1: {  	v3 =	vld [tilespmem:s31+$0x6010];
	[tilespmem:s0+$0x12020] =	vst v0;
	v7 =	vmul.f32 v7, v7  }
0x4f2: {  	v0 =	vld [tilespmem:s31+$0x6020];
	[tilespmem:s0+$0x12030] =	vst v1;
	v5 =	vmul.f32 v5, v5  }
0x4f3: {  	s5 =	sadd.s32 $0x400, s5;
	s6 =	sadd.s32 $0x80, s6;
	s4 =	sadd.s32 $0x10, s4;
	v1 =	vld [tilespmem:s31+$0x6030];
	[tilespmem:s0+$0x12040] =	vst v7;
	v6 =	vmul.f32 v6, v6  }
0x4f4: {  	v7 =	vld [tilespmem:s31+$0x6040];
	v4 =	vmul.f32 v4, v4;
	[tilespmem:s0+$0x12050] =	vst v5  }
0x4f5: {  	v5 =	vld [tilespmem:s31+$0x6050];
	v2 =	vmul.f32 v2, v2;
	[tilespmem:s0+$0x12060] =	vst v6  }
0x4f6: {  	v6 =	vld [tilespmem:s31+$0x6060];
	v3 =	vmul.f32 v3, v3;
	[tilespmem:s31+$0x12070] =	vst v4  }
0x4f7: {  	[tilespmem:s31+$0x12000] =	vst v2;
	v0 =	vmul.f32 v0, v0  }
0x4f8: {  	[tilespmem:s31+$0x12010] =	vst v3;
	v1 =	vmul.f32 v1, v1  }
0x4f9: {  	[tilespmem:s31+$0x12020] =	vst v0;
	v0 =	vmul.f32 v7, v7  }
0x4fa: {  	[tilespmem:s31+$0x12030] =	vst v1;
	v1 =	vmul.f32 v5, v5  }
0x4fb: {  	[tilespmem:s31+$0x12040] =	vst v0;
	v0 =	vmul.f32 v6, v6  }
0x4fc: {  	[tilespmem:s31+$0x12050] =	vst v1  }
0x4fd: {  	[tilespmem:s31+$0x12060] =	vst v0  }
0x4fe: {  	s0 =	sld [smem:$0x7EC]  }
0x4ff: {  	[hbm4b:s12+s18] =	stream.strided.scatter [tilespmem:s23], [sflag:$0x4], $0x6000, s19, s18, $0x38;
	[tilespmem:$0x1E000] =	vst v63  }
0x500: {  	_ = 	snop  }
0x501: {  	[tilespmem:s20], [sflag:$0x2] =	stream.strided.gather [hbm4b:s0+s18], $0x6000, s19, s18, $0x38;
	[tilespmem:$0x1E000] =	vst v63  }
0x502: {  	_ =	swait.ge [sflag:s26], $0x6000  }
0x503: {  	[sflag:s26] =	ssyncset.done $0x0  }
0x504: {  	s5 =	simm.s32 $0x0;
	[sflag:s26] =	ssyncadd.s32 $0xFFFFA000  }
0x505: {  	s1 =	sand.u32 $0x6000, s5;
	s4 =	sand.u32 $0x1C00, s5;
	_ =	swait.ge [sflag:s29], $0x6000  }
0x506: {  	s1 =	sor.u32 s4, s1;
	s0 =	sand.u32 $0x380, s5;
	[sflag:s29] =	ssyncset.done $0x0  }
0x507: {  	s0 =	sor.u32 s0, s1;
	[sflag:s29] =	ssyncadd.s32 $0xFFFFA000  }
0x508: {  	v0 =	vld [tilespmem:s0+$0xC070]  }
0x509: {  	v1 =	vld [tilespmem:s0+$0xC000]  }
0x50a: {  	v2 =	vld [tilespmem:s0+$0xC010]  }
0x50b: {  	v6 =	vld [tilespmem:s0+$0xC040]  }
0x50c: {  	s6 =	simm.s32 $0x400;
	s7 =	simm.s32 $0x80;
	v3 =	vld [tilespmem:s0+$0xC020]  }
0x50d: {  	s4 =	sand.u32 $0x6000, s7;
	s5 =	simm.s32 $0x10;
	s1 =	sand.u32 $0x1C00, s6;
	v5 =	vld [tilespmem:s0+$0xC030];
	v0 =	vmul.f32 v0, v0  }
0x50e: {  	s8 =	sand.u32 $0x380, s5;
	s1 =	sor.u32 s1, s4;
	v7 =	vld [tilespmem:s0+$0xC050];
	v1 =	vmul.f32 v1, v1  }
0x50f: {  	s31 =	sor.u32 s8, s1;
	v9 =	vld [tilespmem:s0+$0xC060];
	v8 =	vmul.f32 v2, v2;
	[tilespmem:s0+$0x18070] =	vst v0  }
0x510: {  	v4 =	vld [tilespmem:s31+$0xC070];
	v6 =	vmul.f32 v6, v6;
	[tilespmem:s0+$0x18000] =	vst v1  }
0x511: {  	v2 =	vld [tilespmem:s31+$0xC000];
	v0 =	vmul.f32 v3, v3;
	[tilespmem:s0+$0x18010] =	vst v8  }
0x512: {  	v1 =	vmul.f32 v5, v5;
	v3 =	vld [tilespmem:s31+$0xC010];
	[tilespmem:s0+$0x18040] =	vst v6  }
0x513: {  	s5 =	simm.s32 $0x800;
	v5 =	vmul.f32 v7, v7;
	[tilespmem:s0+$0x18020] =	vst v0;
	v0 =	vld [tilespmem:s31+$0xC020]  }
0x514: {  	s6 =	simm.s32 $0x100;
	s4 =	simm.s32 $0x20;
	s1 =	simm.s32 $0x8;
	v6 =	vmul.f32 v9, v9;
	[tilespmem:s0+$0x18030] =	vst v1;
	v1 =	vld [tilespmem:s31+$0xC030]  }
.LBB2_60:
0x515: {  	s7 =	sand.u32 $0x6000, s6;
	s8 =	sand.u32 $0x1C00, s5;
	s1 =	sadd.s32 $0x8, s1;
	v7 =	vld [tilespmem:s31+$0xC040];
	v4 =	vmul.f32 v4, v4;
	[tilespmem:s0+$0x18050] =	vst v5  }
0x516: {  	s7 =	sor.u32 s8, s7;
	s8 =	sand.u32 $0x380, s4;
	p0 =	slt.u32 s1, $0x5F8;
	v2 =	vmul.f32 v2, v2;
	v5 =	vld [tilespmem:s31+$0xC050];
	[tilespmem:s0+$0x18060] =	vst v6  }
0x517: {  	s0 =	smov.u32 s31;
	v3 =	vmul.f32 v3, v3;
	v6 =	vld [tilespmem:s31+$0xC060];
	[tilespmem:s31+$0x18070] =	vst v4;
	s31 =	sor.u32 s8, s7  }
.Ltmp29:
0x518: {  	v4 =	vld [tilespmem:s31+$0xC070];
	[tilespmem:s0+$0x18000] =	vst v2;
	v0 =	vmul.f32 v0, v0;
	(pc) =	sbr.rel @p0 .LBB2_60-.Ltmp29, $4  }
0x519: {  	v2 =	vld [tilespmem:s31+$0xC000];
	[tilespmem:s0+$0x18010] =	vst v3;
	v1 =	vmul.f32 v1, v1  }
0x51a: {  	v3 =	vld [tilespmem:s31+$0xC010];
	[tilespmem:s0+$0x18020] =	vst v0;
	v7 =	vmul.f32 v7, v7  }
0x51b: {  	v0 =	vld [tilespmem:s31+$0xC020];
	[tilespmem:s0+$0x18030] =	vst v1;
	v5 =	vmul.f32 v5, v5  }
0x51c: {  	s5 =	sadd.s32 $0x400, s5;
	s6 =	sadd.s32 $0x80, s6;
	s4 =	sadd.s32 $0x10, s4;
	v1 =	vld [tilespmem:s31+$0xC030];
	[tilespmem:s0+$0x18040] =	vst v7;
	v6 =	vmul.f32 v6, v6  }
0x51d: {  	v7 =	vld [tilespmem:s31+$0xC040];
	v4 =	vmul.f32 v4, v4;
	[tilespmem:s0+$0x18050] =	vst v5  }
0x51e: {  	v5 =	vld [tilespmem:s31+$0xC050];
	v2 =	vmul.f32 v2, v2;
	[tilespmem:s0+$0x18060] =	vst v6  }
0x51f: {  	v6 =	vld [tilespmem:s31+$0xC060];
	v3 =	vmul.f32 v3, v3;
	[tilespmem:s31+$0x18070] =	vst v4  }
0x520: {  	[tilespmem:s31+$0x18000] =	vst v2;
	v0 =	vmul.f32 v0, v0  }
0x521: {  	[tilespmem:s31+$0x18010] =	vst v3;
	v1 =	vmul.f32 v1, v1  }
0x522: {  	[tilespmem:s31+$0x18020] =	vst v0;
	v0 =	vmul.f32 v7, v7  }
0x523: {  	[tilespmem:s31+$0x18030] =	vst v1;
	v1 =	vmul.f32 v5, v5  }
0x524: {  	[tilespmem:s31+$0x18040] =	vst v0;
	v0 =	vmul.f32 v6, v6  }
0x525: {  	[tilespmem:s31+$0x18050] =	vst v1  }
0x526: {  	[tilespmem:s31+$0x18060] =	vst v0  }
0x527: {  	s0 =	sld [smem:$0x7FD];
	_ =	sdelay $0x1  }
0x528: {  	s4 =	sld [smem:$0x7F2]  }
0x529: {  	[hbm4b:s0+s18] =	stream.strided.scatter [tilespmem:s25], [sflag:$0x5], $0x6000, s19, s18, $0x38;
	[tilespmem:$0x1E000] =	vst v63  }
0x52a: {  	_ = 	snop  }
0x52b: {  	[tilespmem:s21], [sflag:$0x3] =	stream.strided.gather [hbm4b:s4+s18], $0x6000, s19, s18, $0x38;
	[tilespmem:$0x1E000] =	vst v63  }
0x52c: {  	_ =	swait.ge [sflag:s22], $0x6000  }
0x52d: {  	[sflag:s22] =	ssyncset.done $0x0  }
0x52e: {  	s5 =	simm.s32 $0x0;
	[sflag:s22] =	ssyncadd.s32 $0xFFFFA000  }
0x52f: {  	s1 =	sand.u32 $0x6000, s5;
	s4 =	sand.u32 $0x1C00, s5;
	_ =	swait.ge [sflag:s28], $0x6000  }
0x530: {  	s0 =	sand.u32 $0x380, s5;
	s1 =	sor.u32 s4, s1;
	[sflag:s28] =	ssyncset.done $0x0  }
0x531: {  	s0 =	sor.u32 s0, s1;
	[sflag:s28] =	ssyncadd.s32 $0xFFFFA000  }
0x532: {  	v0 =	vld [tilespmem:s0+$0x70]  }
0x533: {  	v1 =	vld [tilespmem:s0+$0x0]  }
0x534: {  	v2 =	vld [tilespmem:s0+$0x10]  }
0x535: {  	v6 =	vld [tilespmem:s0+$0x40]  }
0x536: {  	s6 =	simm.s32 $0x400;
	s7 =	simm.s32 $0x80;
	v3 =	vld [tilespmem:s0+$0x20]  }
0x537: {  	s5 =	simm.s32 $0x10;
	s4 =	sand.u32 $0x6000, s7;
	s1 =	sand.u32 $0x1C00, s6;
	v5 =	vld [tilespmem:s0+$0x30];
	v0 =	vmul.f32 v0, v0  }
0x538: {  	s8 =	sand.u32 $0x380, s5;
	s1 =	sor.u32 s1, s4;
	v7 =	vld [tilespmem:s0+$0x50];
	v1 =	vmul.f32 v1, v1  }
0x539: {  	s31 =	sor.u32 s8, s1;
	v9 =	vld [tilespmem:s0+$0x60];
	v8 =	vmul.f32 v2, v2;
	[tilespmem:s0+$0x12070] =	vst v0  }
0x53a: {  	v4 =	vld [tilespmem:s31+$0x70];
	v6 =	vmul.f32 v6, v6;
	[tilespmem:s0+$0x12000] =	vst v1  }
0x53b: {  	v2 =	vld [tilespmem:s31+$0x0];
	v0 =	vmul.f32 v3, v3;
	[tilespmem:s0+$0x12010] =	vst v8  }
0x53c: {  	v1 =	vmul.f32 v5, v5;
	v3 =	vld [tilespmem:s31+$0x10];
	[tilespmem:s0+$0x12040] =	vst v6  }
0x53d: {  	s5 =	simm.s32 $0x800;
	v5 =	vmul.f32 v7, v7;
	[tilespmem:s0+$0x12020] =	vst v0;
	v0 =	vld [tilespmem:s31+$0x20]  }
0x53e: {  	s6 =	simm.s32 $0x100;
	s4 =	simm.s32 $0x20;
	s1 =	simm.s32 $0x8;
	v6 =	vmul.f32 v9, v9;
	[tilespmem:s0+$0x12030] =	vst v1;
	v1 =	vld [tilespmem:s31+$0x30]  }
.LBB2_62:
0x53f: {  	s7 =	sand.u32 $0x6000, s6;
	s8 =	sand.u32 $0x1C00, s5;
	s1 =	sadd.s32 $0x8, s1;
	v7 =	vld [tilespmem:s31+$0x40];
	v4 =	vmul.f32 v4, v4;
	[tilespmem:s0+$0x12050] =	vst v5  }
0x540: {  	s7 =	sor.u32 s8, s7;
	s8 =	sand.u32 $0x380, s4;
	p0 =	slt.u32 s1, $0x5F8;
	v2 =	vmul.f32 v2, v2;
	v5 =	vld [tilespmem:s31+$0x50];
	[tilespmem:s0+$0x12060] =	vst v6  }
0x541: {  	s0 =	smov.u32 s31;
	v3 =	vmul.f32 v3, v3;
	v6 =	vld [tilespmem:s31+$0x60];
	[tilespmem:s31+$0x12070] =	vst v4;
	s31 =	sor.u32 s8, s7  }
.Ltmp30:
0x542: {  	v4 =	vld [tilespmem:s31+$0x70];
	[tilespmem:s0+$0x12000] =	vst v2;
	v0 =	vmul.f32 v0, v0;
	(pc) =	sbr.rel @p0 .LBB2_62-.Ltmp30, $4  }
0x543: {  	v2 =	vld [tilespmem:s31+$0x0];
	[tilespmem:s0+$0x12010] =	vst v3;
	v1 =	vmul.f32 v1, v1  }
0x544: {  	v3 =	vld [tilespmem:s31+$0x10];
	[tilespmem:s0+$0x12020] =	vst v0;
	v7 =	vmul.f32 v7, v7  }
0x545: {  	v0 =	vld [tilespmem:s31+$0x20];
	[tilespmem:s0+$0x12030] =	vst v1;
	v5 =	vmul.f32 v5, v5  }
0x546: {  	s5 =	sadd.s32 $0x400, s5;
	s6 =	sadd.s32 $0x80, s6;
	s4 =	sadd.s32 $0x10, s4;
	v1 =	vld [tilespmem:s31+$0x30];
	[tilespmem:s0+$0x12040] =	vst v7;
	v6 =	vmul.f32 v6, v6  }
0x547: {  	v7 =	vld [tilespmem:s31+$0x40];
	v4 =	vmul.f32 v4, v4;
	[tilespmem:s0+$0x12050] =	vst v5  }
0x548: {  	v5 =	vld [tilespmem:s31+$0x50];
	v2 =	vmul.f32 v2, v2;
	[tilespmem:s0+$0x12060] =	vst v6  }
0x549: {  	v6 =	vld [tilespmem:s31+$0x60];
	v3 =	vmul.f32 v3, v3;
	[tilespmem:s31+$0x12070] =	vst v4  }
0x54a: {  	[tilespmem:s31+$0x12000] =	vst v2;
	v0 =	vmul.f32 v0, v0  }
0x54b: {  	[tilespmem:s31+$0x12010] =	vst v3;
	v1 =	vmul.f32 v1, v1  }
0x54c: {  	[tilespmem:s31+$0x12020] =	vst v0;
	v0 =	vmul.f32 v7, v7  }
0x54d: {  	[tilespmem:s31+$0x12030] =	vst v1;
	v1 =	vmul.f32 v5, v5  }
0x54e: {  	[tilespmem:s31+$0x12040] =	vst v0;
	v0 =	vmul.f32 v6, v6  }
0x54f: {  	[tilespmem:s31+$0x12050] =	vst v1  }
0x550: {  	[tilespmem:s31+$0x12060] =	vst v0  }
0x551: {  	s1 =	sld [smem:$0x7F8]  }
0x552: {  	[hbm4b:s10+s18] =	stream.strided.scatter [tilespmem:s23], [sflag:$0x4], $0x6000, s19, s18, $0x38;
	[tilespmem:$0x1E000] =	vst v63  }
0x553: {  	s8 =	simm.s32 $0x0  }
0x554: {  	[tilespmem:s8], [sflag:$0x1] =	stream.strided.gather [hbm4b:s1+s18], $0x6000, s19, s18, $0x38;
	[tilespmem:$0x1E000] =	vst v63  }
0x555: {  	_ =	swait.ge [sflag:s24], $0x6000  }
0x556: {  	[sflag:s24] =	ssyncset.done $0x0  }
0x557: {  	[sflag:s24] =	ssyncadd.s32 $0xFFFFA000  }
0x558: {  	s5 =	sand.u32 $0x6000, s8;
	s4 =	sand.u32 $0x1C00, s8;
	_ =	swait.ge [sflag:s29], $0x6000  }
0x559: {  	s0 =	sand.u32 $0x380, s8;
	s1 =	sor.u32 s4, s5;
	[sflag:s29] =	ssyncset.done $0x0  }
0x55a: {  	s0 =	sor.u32 s0, s1;
	[sflag:s29] =	ssyncadd.s32 $0xFFFFA000  }
0x55b: {  	v0 =	vld [tilespmem:s0+$0x6070]  }
0x55c: {  	v1 =	vld [tilespmem:s0+$0x6000]  }
0x55d: {  	v2 =	vld [tilespmem:s0+$0x6010]  }
0x55e: {  	v6 =	vld [tilespmem:s0+$0x6040]  }
0x55f: {  	s6 =	simm.s32 $0x400;
	s7 =	simm.s32 $0x80;
	v3 =	vld [tilespmem:s0+$0x6020]  }
0x560: {  	s5 =	simm.s32 $0x10;
	s4 =	sand.u32 $0x6000, s7;
	s1 =	sand.u32 $0x1C00, s6;
	v5 =	vld [tilespmem:s0+$0x6030];
	v0 =	vmul.f32 v0, v0  }
0x561: {  	s8 =	sand.u32 $0x380, s5;
	s1 =	sor.u32 s1, s4;
	v7 =	vld [tilespmem:s0+$0x6050];
	v1 =	vmul.f32 v1, v1  }
0x562: {  	s31 =	sor.u32 s8, s1;
	v9 =	vld [tilespmem:s0+$0x6060];
	v8 =	vmul.f32 v2, v2;
	[tilespmem:s0+$0x18070] =	vst v0  }
0x563: {  	v4 =	vld [tilespmem:s31+$0x6070];
	v6 =	vmul.f32 v6, v6;
	[tilespmem:s0+$0x18000] =	vst v1  }
0x564: {  	v2 =	vld [tilespmem:s31+$0x6000];
	v0 =	vmul.f32 v3, v3;
	[tilespmem:s0+$0x18010] =	vst v8  }
0x565: {  	v1 =	vmul.f32 v5, v5;
	v3 =	vld [tilespmem:s31+$0x6010];
	[tilespmem:s0+$0x18040] =	vst v6  }
0x566: {  	s5 =	simm.s32 $0x800;
	v5 =	vmul.f32 v7, v7;
	[tilespmem:s0+$0x18020] =	vst v0;
	v0 =	vld [tilespmem:s31+$0x6020]  }
0x567: {  	s6 =	simm.s32 $0x100;
	s4 =	simm.s32 $0x20;
	s1 =	simm.s32 $0x8;
	v6 =	vmul.f32 v9, v9;
	[tilespmem:s0+$0x18030] =	vst v1;
	v1 =	vld [tilespmem:s31+$0x6030]  }
.LBB2_64:
0x568: {  	s7 =	sand.u32 $0x6000, s6;
	s8 =	sand.u32 $0x1C00, s5;
	s1 =	sadd.s32 $0x8, s1;
	v7 =	vld [tilespmem:s31+$0x6040];
	v4 =	vmul.f32 v4, v4;
	[tilespmem:s0+$0x18050] =	vst v5  }
0x569: {  	s7 =	sor.u32 s8, s7;
	s8 =	sand.u32 $0x380, s4;
	p0 =	slt.u32 s1, $0x5F8;
	v2 =	vmul.f32 v2, v2;
	v5 =	vld [tilespmem:s31+$0x6050];
	[tilespmem:s0+$0x18060] =	vst v6  }
0x56a: {  	s0 =	smov.u32 s31;
	v3 =	vmul.f32 v3, v3;
	v6 =	vld [tilespmem:s31+$0x6060];
	[tilespmem:s31+$0x18070] =	vst v4;
	s31 =	sor.u32 s8, s7  }
.Ltmp31:
0x56b: {  	v4 =	vld [tilespmem:s31+$0x6070];
	[tilespmem:s0+$0x18000] =	vst v2;
	v0 =	vmul.f32 v0, v0;
	(pc) =	sbr.rel @p0 .LBB2_64-.Ltmp31, $4  }
0x56c: {  	v2 =	vld [tilespmem:s31+$0x6000];
	[tilespmem:s0+$0x18010] =	vst v3;
	v1 =	vmul.f32 v1, v1  }
0x56d: {  	v3 =	vld [tilespmem:s31+$0x6010];
	[tilespmem:s0+$0x18020] =	vst v0;
	v7 =	vmul.f32 v7, v7  }
0x56e: {  	v0 =	vld [tilespmem:s31+$0x6020];
	[tilespmem:s0+$0x18030] =	vst v1;
	v5 =	vmul.f32 v5, v5  }
0x56f: {  	s5 =	sadd.s32 $0x400, s5;
	s6 =	sadd.s32 $0x80, s6;
	s4 =	sadd.s32 $0x10, s4;
	v1 =	vld [tilespmem:s31+$0x6030];
	[tilespmem:s0+$0x18040] =	vst v7;
	v6 =	vmul.f32 v6, v6  }
0x570: {  	v7 =	vld [tilespmem:s31+$0x6040];
	v4 =	vmul.f32 v4, v4;
	[tilespmem:s0+$0x18050] =	vst v5  }
0x571: {  	v5 =	vld [tilespmem:s31+$0x6050];
	v2 =	vmul.f32 v2, v2;
	[tilespmem:s0+$0x18060] =	vst v6  }
0x572: {  	v6 =	vld [tilespmem:s31+$0x6060];
	v3 =	vmul.f32 v3, v3;
	[tilespmem:s31+$0x18070] =	vst v4  }
0x573: {  	[tilespmem:s31+$0x18000] =	vst v2;
	v0 =	vmul.f32 v0, v0  }
0x574: {  	[tilespmem:s31+$0x18010] =	vst v3;
	v1 =	vmul.f32 v1, v1  }
0x575: {  	[tilespmem:s31+$0x18020] =	vst v0;
	v0 =	vmul.f32 v7, v7  }
0x576: {  	[tilespmem:s31+$0x18030] =	vst v1;
	v1 =	vmul.f32 v5, v5  }
0x577: {  	[tilespmem:s31+$0x18040] =	vst v0;
	v0 =	vmul.f32 v6, v6  }
0x578: {  	[tilespmem:s31+$0x18050] =	vst v1  }
0x579: {  	[tilespmem:s31+$0x18060] =	vst v0  }
0x57a: {  	s0 =	sld [smem:$0x7FB]  }
0x57b: {  	[hbm4b:s11+s18] =	stream.strided.scatter [tilespmem:s25], [sflag:$0x5], $0x6000, s19, s18, $0x38;
	[tilespmem:$0x1E000] =	vst v63  }
0x57c: {  	_ = 	snop  }
0x57d: {  	[tilespmem:s20], [sflag:$0x2] =	stream.strided.gather [hbm4b:s0+s18], $0x6000, s19, s18, $0x38;
	[tilespmem:$0x1E000] =	vst v63  }
0x57e: {  	_ =	swait.ge [sflag:s26], $0x6000  }
0x57f: {  	[sflag:s26] =	ssyncset.done $0x0  }
0x580: {  	s5 =	simm.s32 $0x0;
	[sflag:s26] =	ssyncadd.s32 $0xFFFFA000  }
0x581: {  	s1 =	sand.u32 $0x6000, s5;
	s4 =	sand.u32 $0x1C00, s5;
	_ =	swait.ge [sflag:s28], $0x6000  }
0x582: {  	s1 =	sor.u32 s4, s1;
	s0 =	sand.u32 $0x380, s5;
	[sflag:s28] =	ssyncset.done $0x0  }
0x583: {  	s0 =	sor.u32 s0, s1;
	[sflag:s28] =	ssyncadd.s32 $0xFFFFA000  }
0x584: {  	v0 =	vld [tilespmem:s0+$0xC070]  }
0x585: {  	v1 =	vld [tilespmem:s0+$0xC000]  }
0x586: {  	v2 =	vld [tilespmem:s0+$0xC010]  }
0x587: {  	v6 =	vld [tilespmem:s0+$0xC040]  }
0x588: {  	s6 =	simm.s32 $0x400;
	s7 =	simm.s32 $0x80;
	v3 =	vld [tilespmem:s0+$0xC020]  }
0x589: {  	s4 =	sand.u32 $0x6000, s7;
	s5 =	simm.s32 $0x10;
	s1 =	sand.u32 $0x1C00, s6;
	v5 =	vld [tilespmem:s0+$0xC030];
	v0 =	vmul.f32 v0, v0  }
0x58a: {  	s8 =	sand.u32 $0x380, s5;
	s1 =	sor.u32 s1, s4;
	v7 =	vld [tilespmem:s0+$0xC050];
	v1 =	vmul.f32 v1, v1  }
0x58b: {  	s31 =	sor.u32 s8, s1;
	v9 =	vld [tilespmem:s0+$0xC060];
	v8 =	vmul.f32 v2, v2;
	[tilespmem:s0+$0x12070] =	vst v0  }
0x58c: {  	v4 =	vld [tilespmem:s31+$0xC070];
	v6 =	vmul.f32 v6, v6;
	[tilespmem:s0+$0x12000] =	vst v1  }
0x58d: {  	v2 =	vld [tilespmem:s31+$0xC000];
	v0 =	vmul.f32 v3, v3;
	[tilespmem:s0+$0x12010] =	vst v8  }
0x58e: {  	v1 =	vmul.f32 v5, v5;
	v3 =	vld [tilespmem:s31+$0xC010];
	[tilespmem:s0+$0x12040] =	vst v6  }
0x58f: {  	s5 =	simm.s32 $0x800;
	v5 =	vmul.f32 v7, v7;
	[tilespmem:s0+$0x12020] =	vst v0;
	v0 =	vld [tilespmem:s31+$0xC020]  }
0x590: {  	s6 =	simm.s32 $0x100;
	s4 =	simm.s32 $0x20;
	s1 =	simm.s32 $0x8;
	v6 =	vmul.f32 v9, v9;
	[tilespmem:s0+$0x12030] =	vst v1;
	v1 =	vld [tilespmem:s31+$0xC030]  }
.LBB2_66:
0x591: {  	s7 =	sand.u32 $0x6000, s6;
	s8 =	sand.u32 $0x1C00, s5;
	s1 =	sadd.s32 $0x8, s1;
	v7 =	vld [tilespmem:s31+$0xC040];
	v4 =	vmul.f32 v4, v4;
	[tilespmem:s0+$0x12050] =	vst v5  }
0x592: {  	s7 =	sor.u32 s8, s7;
	s8 =	sand.u32 $0x380, s4;
	p0 =	slt.u32 s1, $0x5F8;
	v2 =	vmul.f32 v2, v2;
	v5 =	vld [tilespmem:s31+$0xC050];
	[tilespmem:s0+$0x12060] =	vst v6  }
0x593: {  	s0 =	smov.u32 s31;
	v3 =	vmul.f32 v3, v3;
	v6 =	vld [tilespmem:s31+$0xC060];
	[tilespmem:s31+$0x12070] =	vst v4;
	s31 =	sor.u32 s8, s7  }
.Ltmp32:
0x594: {  	v4 =	vld [tilespmem:s31+$0xC070];
	[tilespmem:s0+$0x12000] =	vst v2;
	v0 =	vmul.f32 v0, v0;
	(pc) =	sbr.rel @p0 .LBB2_66-.Ltmp32, $4  }
0x595: {  	v2 =	vld [tilespmem:s31+$0xC000];
	[tilespmem:s0+$0x12010] =	vst v3;
	v1 =	vmul.f32 v1, v1  }
0x596: {  	v3 =	vld [tilespmem:s31+$0xC010];
	[tilespmem:s0+$0x12020] =	vst v0;
	v7 =	vmul.f32 v7, v7  }
0x597: {  	v0 =	vld [tilespmem:s31+$0xC020];
	[tilespmem:s0+$0x12030] =	vst v1;
	v5 =	vmul.f32 v5, v5  }
0x598: {  	s5 =	sadd.s32 $0x400, s5;
	s6 =	sadd.s32 $0x80, s6;
	s4 =	sadd.s32 $0x10, s4;
	v1 =	vld [tilespmem:s31+$0xC030];
	[tilespmem:s0+$0x12040] =	vst v7;
	v6 =	vmul.f32 v6, v6  }
0x599: {  	v7 =	vld [tilespmem:s31+$0xC040];
	v4 =	vmul.f32 v4, v4;
	[tilespmem:s0+$0x12050] =	vst v5  }
0x59a: {  	v5 =	vld [tilespmem:s31+$0xC050];
	v2 =	vmul.f32 v2, v2;
	[tilespmem:s0+$0x12060] =	vst v6  }
0x59b: {  	v6 =	vld [tilespmem:s31+$0xC060];
	v3 =	vmul.f32 v3, v3;
	[tilespmem:s31+$0x12070] =	vst v4  }
0x59c: {  	[tilespmem:s31+$0x12000] =	vst v2;
	v0 =	vmul.f32 v0, v0  }
0x59d: {  	[tilespmem:s31+$0x12010] =	vst v3;
	v1 =	vmul.f32 v1, v1  }
0x59e: {  	[tilespmem:s31+$0x12020] =	vst v0;
	v0 =	vmul.f32 v7, v7  }
0x59f: {  	[tilespmem:s31+$0x12030] =	vst v1;
	v1 =	vmul.f32 v5, v5  }
0x5a0: {  	[tilespmem:s31+$0x12040] =	vst v0;
	v0 =	vmul.f32 v6, v6  }
0x5a1: {  	[tilespmem:s31+$0x12050] =	vst v1  }
0x5a2: {  	[tilespmem:s31+$0x12060] =	vst v0  }
0x5a3: {  	[hbm4b:s13+s18] =	stream.strided.scatter [tilespmem:s23], [sflag:$0x4], $0x6000, s19, s18, $0x38;
	[tilespmem:$0x1E000] =	vst v63  }
0x5a4: {  	_ = 	snop  }
0x5a5: {  	[tilespmem:s21], [sflag:$0x3] =	stream.strided.gather [hbm4b:s9+s18], $0x6000, s19, s18, $0x38;
	[tilespmem:$0x1E000] =	vst v63  }
0x5a6: {  	_ =	swait.ge [sflag:s22], $0x6000  }
0x5a7: {  	[sflag:s22] =	ssyncset.done $0x0  }
0x5a8: {  	s5 =	simm.s32 $0x0;
	[sflag:s22] =	ssyncadd.s32 $0xFFFFA000  }
0x5a9: {  	s1 =	sand.u32 $0x6000, s5;
	s4 =	sand.u32 $0x1C00, s5;
	_ =	swait.ge [sflag:s29], $0x6000  }
0x5aa: {  	s0 =	sand.u32 $0x380, s5;
	s1 =	sor.u32 s4, s1;
	[sflag:s29] =	ssyncset.done $0x0  }
0x5ab: {  	s0 =	sor.u32 s0, s1;
	[sflag:s29] =	ssyncadd.s32 $0xFFFFA000  }
0x5ac: {  	v0 =	vld [tilespmem:s0+$0x70]  }
0x5ad: {  	v1 =	vld [tilespmem:s0+$0x0]  }
0x5ae: {  	v2 =	vld [tilespmem:s0+$0x10]  }
0x5af: {  	v6 =	vld [tilespmem:s0+$0x40]  }
0x5b0: {  	s6 =	simm.s32 $0x400;
	s7 =	simm.s32 $0x80;
	v3 =	vld [tilespmem:s0+$0x20]  }
0x5b1: {  	s5 =	simm.s32 $0x10;
	s4 =	sand.u32 $0x6000, s7;
	s1 =	sand.u32 $0x1C00, s6;
	v5 =	vld [tilespmem:s0+$0x30];
	v0 =	vmul.f32 v0, v0  }
0x5b2: {  	s8 =	sand.u32 $0x380, s5;
	s1 =	sor.u32 s1, s4;
	v7 =	vld [tilespmem:s0+$0x50];
	v1 =	vmul.f32 v1, v1  }
0x5b3: {  	s31 =	sor.u32 s8, s1;
	v9 =	vld [tilespmem:s0+$0x60];
	v8 =	vmul.f32 v2, v2;
	[tilespmem:s0+$0x18070] =	vst v0  }
0x5b4: {  	v4 =	vld [tilespmem:s31+$0x70];
	v6 =	vmul.f32 v6, v6;
	[tilespmem:s0+$0x18000] =	vst v1  }
0x5b5: {  	v2 =	vld [tilespmem:s31+$0x0];
	v0 =	vmul.f32 v3, v3;
	[tilespmem:s0+$0x18010] =	vst v8  }
0x5b6: {  	v1 =	vmul.f32 v5, v5;
	v3 =	vld [tilespmem:s31+$0x10];
	[tilespmem:s0+$0x18040] =	vst v6  }
0x5b7: {  	s5 =	simm.s32 $0x800;
	v5 =	vmul.f32 v7, v7;
	[tilespmem:s0+$0x18020] =	vst v0;
	v0 =	vld [tilespmem:s31+$0x20]  }
0x5b8: {  	s6 =	simm.s32 $0x100;
	s4 =	simm.s32 $0x20;
	s1 =	simm.s32 $0x8;
	v6 =	vmul.f32 v9, v9;
	[tilespmem:s0+$0x18030] =	vst v1;
	v1 =	vld [tilespmem:s31+$0x30]  }
.LBB2_68:
0x5b9: {  	s7 =	sand.u32 $0x6000, s6;
	s8 =	sand.u32 $0x1C00, s5;
	s1 =	sadd.s32 $0x8, s1;
	v7 =	vld [tilespmem:s31+$0x40];
	v4 =	vmul.f32 v4, v4;
	[tilespmem:s0+$0x18050] =	vst v5  }
0x5ba: {  	s7 =	sor.u32 s8, s7;
	s8 =	sand.u32 $0x380, s4;
	p0 =	slt.u32 s1, $0x5F8;
	v2 =	vmul.f32 v2, v2;
	v5 =	vld [tilespmem:s31+$0x50];
	[tilespmem:s0+$0x18060] =	vst v6  }
0x5bb: {  	s0 =	smov.u32 s31;
	v3 =	vmul.f32 v3, v3;
	v6 =	vld [tilespmem:s31+$0x60];
	[tilespmem:s31+$0x18070] =	vst v4;
	s31 =	sor.u32 s8, s7  }
.Ltmp33:
0x5bc: {  	v4 =	vld [tilespmem:s31+$0x70];
	[tilespmem:s0+$0x18000] =	vst v2;
	v0 =	vmul.f32 v0, v0;
	(pc) =	sbr.rel @p0 .LBB2_68-.Ltmp33, $4  }
0x5bd: {  	v2 =	vld [tilespmem:s31+$0x0];
	[tilespmem:s0+$0x18010] =	vst v3;
	v1 =	vmul.f32 v1, v1  }
0x5be: {  	v3 =	vld [tilespmem:s31+$0x10];
	[tilespmem:s0+$0x18020] =	vst v0;
	v7 =	vmul.f32 v7, v7  }
0x5bf: {  	v0 =	vld [tilespmem:s31+$0x20];
	[tilespmem:s0+$0x18030] =	vst v1;
	v5 =	vmul.f32 v5, v5  }
0x5c0: {  	s5 =	sadd.s32 $0x400, s5;
	s6 =	sadd.s32 $0x80, s6;
	s4 =	sadd.s32 $0x10, s4;
	v1 =	vld [tilespmem:s31+$0x30];
	[tilespmem:s0+$0x18040] =	vst v7;
	v6 =	vmul.f32 v6, v6  }
0x5c1: {  	v7 =	vld [tilespmem:s31+$0x40];
	v4 =	vmul.f32 v4, v4;
	[tilespmem:s0+$0x18050] =	vst v5  }
0x5c2: {  	v5 =	vld [tilespmem:s31+$0x50];
	v2 =	vmul.f32 v2, v2;
	[tilespmem:s0+$0x18060] =	vst v6  }
0x5c3: {  	v6 =	vld [tilespmem:s31+$0x60];
	v3 =	vmul.f32 v3, v3;
	[tilespmem:s31+$0x18070] =	vst v4  }
0x5c4: {  	[tilespmem:s31+$0x18000] =	vst v2;
	v0 =	vmul.f32 v0, v0  }
0x5c5: {  	[tilespmem:s31+$0x18010] =	vst v3;
	v1 =	vmul.f32 v1, v1  }
0x5c6: {  	[tilespmem:s31+$0x18020] =	vst v0;
	v0 =	vmul.f32 v7, v7  }
0x5c7: {  	[tilespmem:s31+$0x18030] =	vst v1;
	v1 =	vmul.f32 v5, v5  }
0x5c8: {  	[tilespmem:s31+$0x18040] =	vst v0;
	v0 =	vmul.f32 v6, v6  }
0x5c9: {  	[tilespmem:s31+$0x18050] =	vst v1  }
0x5ca: {  	[tilespmem:s31+$0x18060] =	vst v0  }
0x5cb: {  	[hbm4b:s14+s18] =	stream.strided.scatter [tilespmem:s25], [sflag:$0x5], $0x6000, s19, s18, $0x38;
	[tilespmem:$0x1E000] =	vst v63  }
0x5cc: {  	_ =	swait.ge [sflag:s24], $0x6000  }
0x5cd: {  	[sflag:s24] =	ssyncset.done $0x0  }
0x5ce: {  	s5 =	simm.s32 $0x0;
	[sflag:s24] =	ssyncadd.s32 $0xFFFFA000  }
0x5cf: {  	s1 =	sand.u32 $0x6000, s5;
	s4 =	sand.u32 $0x1C00, s5;
	_ =	swait.ge [sflag:s28], $0x6000  }
0x5d0: {  	s0 =	sand.u32 $0x380, s5;
	s1 =	sor.u32 s4, s1;
	[sflag:s28] =	ssyncset.done $0x0  }
0x5d1: {  	s0 =	sor.u32 s0, s1;
	[sflag:s28] =	ssyncadd.s32 $0xFFFFA000  }
0x5d2: {  	v0 =	vld [tilespmem:s0+$0x6070]  }
0x5d3: {  	v1 =	vld [tilespmem:s0+$0x6000]  }
0x5d4: {  	v2 =	vld [tilespmem:s0+$0x6010]  }
0x5d5: {  	v6 =	vld [tilespmem:s0+$0x6040]  }
0x5d6: {  	s6 =	simm.s32 $0x400;
	s7 =	simm.s32 $0x80;
	v3 =	vld [tilespmem:s0+$0x6020]  }
0x5d7: {  	s5 =	simm.s32 $0x10;
	s4 =	sand.u32 $0x6000, s7;
	s1 =	sand.u32 $0x1C00, s6;
	v5 =	vld [tilespmem:s0+$0x6030];
	v0 =	vmul.f32 v0, v0  }
0x5d8: {  	s8 =	sand.u32 $0x380, s5;
	s1 =	sor.u32 s1, s4;
	v7 =	vld [tilespmem:s0+$0x6050];
	v1 =	vmul.f32 v1, v1  }
0x5d9: {  	s31 =	sor.u32 s8, s1;
	v9 =	vld [tilespmem:s0+$0x6060];
	v8 =	vmul.f32 v2, v2;
	[tilespmem:s0+$0x12070] =	vst v0  }
0x5da: {  	v4 =	vld [tilespmem:s31+$0x6070];
	v6 =	vmul.f32 v6, v6;
	[tilespmem:s0+$0x12000] =	vst v1  }
0x5db: {  	v2 =	vld [tilespmem:s31+$0x6000];
	v0 =	vmul.f32 v3, v3;
	[tilespmem:s0+$0x12010] =	vst v8  }
0x5dc: {  	v1 =	vmul.f32 v5, v5;
	v3 =	vld [tilespmem:s31+$0x6010];
	[tilespmem:s0+$0x12040] =	vst v6  }
0x5dd: {  	s5 =	simm.s32 $0x800;
	v5 =	vmul.f32 v7, v7;
	[tilespmem:s0+$0x12020] =	vst v0;
	v0 =	vld [tilespmem:s31+$0x6020]  }
0x5de: {  	s6 =	simm.s32 $0x100;
	s4 =	simm.s32 $0x20;
	s1 =	simm.s32 $0x8;
	v6 =	vmul.f32 v9, v9;
	[tilespmem:s0+$0x12030] =	vst v1;
	v1 =	vld [tilespmem:s31+$0x6030]  }
.LBB2_70:
0x5df: {  	s7 =	sand.u32 $0x6000, s6;
	s8 =	sand.u32 $0x1C00, s5;
	s1 =	sadd.s32 $0x8, s1;
	v7 =	vld [tilespmem:s31+$0x6040];
	v4 =	vmul.f32 v4, v4;
	[tilespmem:s0+$0x12050] =	vst v5  }
0x5e0: {  	s7 =	sor.u32 s8, s7;
	s8 =	sand.u32 $0x380, s4;
	p0 =	slt.u32 s1, $0x5F8;
	v2 =	vmul.f32 v2, v2;
	v5 =	vld [tilespmem:s31+$0x6050];
	[tilespmem:s0+$0x12060] =	vst v6  }
0x5e1: {  	s0 =	smov.u32 s31;
	v3 =	vmul.f32 v3, v3;
	v6 =	vld [tilespmem:s31+$0x6060];
	[tilespmem:s31+$0x12070] =	vst v4;
	s31 =	sor.u32 s8, s7  }
.Ltmp34:
0x5e2: {  	v4 =	vld [tilespmem:s31+$0x6070];
	[tilespmem:s0+$0x12000] =	vst v2;
	v0 =	vmul.f32 v0, v0;
	(pc) =	sbr.rel @p0 .LBB2_70-.Ltmp34, $4  }
0x5e3: {  	v2 =	vld [tilespmem:s31+$0x6000];
	[tilespmem:s0+$0x12010] =	vst v3;
	v1 =	vmul.f32 v1, v1  }
0x5e4: {  	v3 =	vld [tilespmem:s31+$0x6010];
	[tilespmem:s0+$0x12020] =	vst v0;
	v7 =	vmul.f32 v7, v7  }
0x5e5: {  	v0 =	vld [tilespmem:s31+$0x6020];
	[tilespmem:s0+$0x12030] =	vst v1;
	v5 =	vmul.f32 v5, v5  }
0x5e6: {  	s5 =	sadd.s32 $0x400, s5;
	s6 =	sadd.s32 $0x80, s6;
	s4 =	sadd.s32 $0x10, s4;
	v1 =	vld [tilespmem:s31+$0x6030];
	[tilespmem:s0+$0x12040] =	vst v7;
	v6 =	vmul.f32 v6, v6  }
0x5e7: {  	v7 =	vld [tilespmem:s31+$0x6040];
	v4 =	vmul.f32 v4, v4;
	[tilespmem:s0+$0x12050] =	vst v5  }
0x5e8: {  	v5 =	vld [tilespmem:s31+$0x6050];
	v2 =	vmul.f32 v2, v2;
	[tilespmem:s0+$0x12060] =	vst v6  }
0x5e9: {  	v6 =	vld [tilespmem:s31+$0x6060];
	v3 =	vmul.f32 v3, v3;
	[tilespmem:s31+$0x12070] =	vst v4  }
0x5ea: {  	[tilespmem:s31+$0x12000] =	vst v2;
	v0 =	vmul.f32 v0, v0  }
0x5eb: {  	[tilespmem:s31+$0x12010] =	vst v3;
	v1 =	vmul.f32 v1, v1  }
0x5ec: {  	[tilespmem:s31+$0x12020] =	vst v0;
	v0 =	vmul.f32 v7, v7  }
0x5ed: {  	[tilespmem:s31+$0x12030] =	vst v1;
	v1 =	vmul.f32 v5, v5  }
0x5ee: {  	[tilespmem:s31+$0x12040] =	vst v0;
	v0 =	vmul.f32 v6, v6  }
0x5ef: {  	[tilespmem:s31+$0x12050] =	vst v1  }
0x5f0: {  	[tilespmem:s31+$0x12060] =	vst v0  }
0x5f1: {  	[hbm4b:s16+s18] =	stream.strided.scatter [tilespmem:s23], [sflag:$0x4], $0x6000, s19, s18, $0x38;
	[tilespmem:$0x1E000] =	vst v63  }
0x5f2: {  	_ =	swait.ge [sflag:s26], $0x6000  }
0x5f3: {  	[sflag:s26] =	ssyncset.done $0x0  }
0x5f4: {  	s5 =	simm.s32 $0x0;
	[sflag:s26] =	ssyncadd.s32 $0xFFFFA000  }
0x5f5: {  	s1 =	sand.u32 $0x6000, s5;
	s4 =	sand.u32 $0x1C00, s5;
	_ =	swait.ge [sflag:s29], $0x6000  }
0x5f6: {  	s0 =	sand.u32 $0x380, s5;
	s1 =	sor.u32 s4, s1;
	[sflag:s29] =	ssyncset.done $0x0  }
0x5f7: {  	s0 =	sor.u32 s0, s1;
	[sflag:s29] =	ssyncadd.s32 $0xFFFFA000  }
0x5f8: {  	v0 =	vld [tilespmem:s0+$0xC070]  }
0x5f9: {  	v1 =	vld [tilespmem:s0+$0xC000]  }
0x5fa: {  	v2 =	vld [tilespmem:s0+$0xC010]  }
0x5fb: {  	v6 =	vld [tilespmem:s0+$0xC040]  }
0x5fc: {  	s6 =	simm.s32 $0x400;
	s7 =	simm.s32 $0x80;
	v3 =	vld [tilespmem:s0+$0xC020]  }
0x5fd: {  	s5 =	simm.s32 $0x10;
	s4 =	sand.u32 $0x6000, s7;
	s1 =	sand.u32 $0x1C00, s6;
	v5 =	vld [tilespmem:s0+$0xC030];
	v0 =	vmul.f32 v0, v0  }
0x5fe: {  	s8 =	sand.u32 $0x380, s5;
	s1 =	sor.u32 s1, s4;
	v7 =	vld [tilespmem:s0+$0xC050];
	v1 =	vmul.f32 v1, v1  }
0x5ff: {  	s31 =	sor.u32 s8, s1;
	v9 =	vld [tilespmem:s0+$0xC060];
	v8 =	vmul.f32 v2, v2;
	[tilespmem:s0+$0x18070] =	vst v0  }
0x600: {  	v4 =	vld [tilespmem:s31+$0xC070];
	v6 =	vmul.f32 v6, v6;
	[tilespmem:s0+$0x18000] =	vst v1  }
0x601: {  	v2 =	vld [tilespmem:s31+$0xC000];
	v0 =	vmul.f32 v3, v3;
	[tilespmem:s0+$0x18010] =	vst v8  }
0x602: {  	v1 =	vmul.f32 v5, v5;
	v3 =	vld [tilespmem:s31+$0xC010];
	[tilespmem:s0+$0x18040] =	vst v6  }
0x603: {  	s5 =	simm.s32 $0x800;
	v5 =	vmul.f32 v7, v7;
	[tilespmem:s0+$0x18020] =	vst v0;
	v0 =	vld [tilespmem:s31+$0xC020]  }
0x604: {  	s6 =	simm.s32 $0x100;
	s4 =	simm.s32 $0x20;
	s1 =	simm.s32 $0x8;
	v6 =	vmul.f32 v9, v9;
	[tilespmem:s0+$0x18030] =	vst v1;
	v1 =	vld [tilespmem:s31+$0xC030]  }
.LBB2_72:
0x605: {  	s7 =	sand.u32 $0x6000, s6;
	s8 =	sand.u32 $0x1C00, s5;
	s1 =	sadd.s32 $0x8, s1;
	v7 =	vld [tilespmem:s31+$0xC040];
	v4 =	vmul.f32 v4, v4;
	[tilespmem:s0+$0x18050] =	vst v5  }
0x606: {  	s7 =	sor.u32 s8, s7;
	s8 =	sand.u32 $0x380, s4;
	p0 =	slt.u32 s1, $0x5F8;
	v2 =	vmul.f32 v2, v2;
	v5 =	vld [tilespmem:s31+$0xC050];
	[tilespmem:s0+$0x18060] =	vst v6  }
0x607: {  	s0 =	smov.u32 s31;
	v3 =	vmul.f32 v3, v3;
	v6 =	vld [tilespmem:s31+$0xC060];
	[tilespmem:s31+$0x18070] =	vst v4;
	s31 =	sor.u32 s8, s7  }
.Ltmp35:
0x608: {  	v4 =	vld [tilespmem:s31+$0xC070];
	[tilespmem:s0+$0x18000] =	vst v2;
	v0 =	vmul.f32 v0, v0;
	(pc) =	sbr.rel @p0 .LBB2_72-.Ltmp35, $4  }
0x609: {  	v2 =	vld [tilespmem:s31+$0xC000];
	[tilespmem:s0+$0x18010] =	vst v3;
	v1 =	vmul.f32 v1, v1  }
0x60a: {  	v3 =	vld [tilespmem:s31+$0xC010];
	[tilespmem:s0+$0x18020] =	vst v0;
	v7 =	vmul.f32 v7, v7  }
0x60b: {  	v0 =	vld [tilespmem:s31+$0xC020];
	[tilespmem:s0+$0x18030] =	vst v1;
	v5 =	vmul.f32 v5, v5  }
0x60c: {  	s5 =	sadd.s32 $0x400, s5;
	s6 =	sadd.s32 $0x80, s6;
	s4 =	sadd.s32 $0x10, s4;
	v1 =	vld [tilespmem:s31+$0xC030];
	[tilespmem:s0+$0x18040] =	vst v7;
	v6 =	vmul.f32 v6, v6  }
0x60d: {  	v7 =	vld [tilespmem:s31+$0xC040];
	v4 =	vmul.f32 v4, v4;
	[tilespmem:s0+$0x18050] =	vst v5  }
0x60e: {  	v59 =	vld [tilespmem:s31+$0xC050];
	v2 =	vmul.f32 v2, v2;
	[tilespmem:s0+$0x18060] =	vst v6  }
0x60f: {  	v60 =	vld [tilespmem:s31+$0xC060];
	v3 =	vmul.f32 v3, v3;
	[tilespmem:s31+$0x18070] =	vst v4  }
0x610: {  	[tilespmem:s31+$0x18000] =	vst v2;
	v0 =	vmul.f32 v0, v0  }
0x611: {  	[tilespmem:s31+$0x18010] =	vst v3;
	v1 =	vmul.f32 v1, v1  }
0x612: {  	[tilespmem:s31+$0x18020] =	vst v0;
	v61 =	vmul.f32 v7, v7  }
0x613: {  	v62 =	vmul.f32 v59, v59;
	[tilespmem:s31+$0x18030] =	vst v1  }
0x614: {  	v63 =	vmul.f32 v60, v60;
	[tilespmem:s31+$0x18040] =	vst v61  }
0x615: {  	[tilespmem:s31+$0x18050] =	vst v62  }
0x616: {  	s30 =	sadd.s32 $0x1, s30;
	[tilespmem:s31+$0x18060] =	vst v63  }
0x617: {  	[hbm4b:s17+s18] =	stream.strided.scatter [tilespmem:s25], [sflag:$0x5], $0x6000, s19, s18, $0x38;
	[tilespmem:$0x1E000] =	vst v63  }
0x618: {  	p0 =	sne.s32 s30, s15;
	_ =	swait.ge [sflag:s28], $0x6000  }
.Ltmp36:
0x619: {  	[sflag:s28] =	ssyncset.done $0x0;
	(pc) =	sbr.rel @p0 .LBB2_1-.Ltmp36, $4  }
0x61a: {  	[sflag:s28] =	ssyncadd.s32 $0xFFFFA000  }
0x61b: {  	_ =	swait.ge [sflag:s29], $0x6000  }
0x61c: {  	[sflag:s29] =	ssyncset.done $0x0  }
0x61d: {  	[sflag:s29] =	ssyncadd.s32 $0xFFFFA000  }
0x61e: {  	_ =	sfence.sel $0x180000  }
0x61f: {  	[bflag:$0x0] =	sbarrier.arrive $0xFFFF  }
0x620: {  	_ =	strace $0x90000047  }
0x621: {  	s0 =	stileid.u32;
	[bflag:$0x2] =	sbarrier.arrive $0xFFFF  }
0x622: {  	p0 =	sne.s32 s0, $0x0;
	s0 =	rddreg [dreg:$0x4]  }
0x623: {  	s0 =	sadd.s32 @!p0 $0x100000, s0  }
0x624: {  	[sflag:s0] =	ssyncadd.tile.s32 @!p0 $0x1;
	_ =	shalt  }
.Lfunc_end2:
_tile_overlayer_lowered:
.L_overlay_start_2:
0x625: {  	(tag) =	ssettag $0x2  }
0x626: {  	s0 =	rddreg [dreg:$0x0];
	s2 =	stileid.u32  }
0x627: {  	s1 =	rddreg [dreg:$0x1];
	p0 =	sne.s32 s2, $0x0  }
0x628: {  	s3 =	rddreg [dreg:$0x2];
	[bflag:$0x3] =	sbarrier.arrive $0xFFFF;
	s2 =	simm.s32 @!p0 $0x1C06  }
0x629: {  	[timem:s3], [sflag:s2] =	dma.local @!p0 [hbm:s0], s1  }
0x62a: {  	s0 =	simm.s32 @!p0 $0x6  }
0x62b: {  	_ =	swait.ge @!p0 [sflag:s0], s1  }
0x62c: {  	s1 =	ssub.s32 @!p0 $0x0, s1;
	[sflag:s0] =	ssyncset.done @!p0 $0x0  }
0x62d: {  	[sflag:s0] =	ssyncadd.s32 @!p0 s1  }
0x62e: {  	[bflag:$0x3] =	sbarrier.arrive $0xFFFF  }
0x62f: {  	_ =	shalt  }

</sc_bundles>
